<compile_context>
chip_gen: v7x
topology: tpu7x:2x2x1
jax: 0.10.2.dev20260603
libtpu: 0.0.44.dev20260713+nightly
codegen_flags: <defaults>
</compile_context>

<pallas_src>
import jax
import jax.numpy as jnp
from jax import lax
from jax.experimental import pallas as pl
from jax.experimental.pallas import tpu as pltpu
from jax.experimental.pallas import tpu_sc as plsc

NC, NS = 2, 16
NW = NC * NS
B, S, D = 4096, 50, 128
BPW = B // NW
LANES = 16
DBLK = D // LANES
RPC = 1
NCHUNK = BPW // RPC


NBUF = 8


def _pool_body(x_hbm, table_hbm, out_hbm, idx_v,
               buf0, buf1, buf2, buf3, buf4, buf5, buf6, buf7, out_v,
               sem0, sem1, sem2, sem3, sem4, sem5, sem6, sem7):
    w = lax.axis_index("s") * NC + lax.axis_index("c")
    pltpu.sync_copy(x_hbm.at[pl.ds(w * BPW, BPW)], idx_v)

    bufs = (buf0, buf1, buf2, buf3, buf4, buf5, buf6, buf7)
    sems = (sem0, sem1, sem2, sem3, sem4, sem5, sem6, sem7)

    for p in range(NBUF):
        pltpu.async_copy(table_hbm.at[idx_v.at[p]], bufs[p], sems[p])

    def outer(i, carry):
        for p in range(NBUF):
            c = i * NBUF + p
            buf, sem = bufs[p], sems[p]
            pltpu.make_async_copy(
                table_hbm.at[idx_v.at[c]], buf, sem
            ).wait()

            UNROLL = 5

            def inner(j, accs):
                j0 = j * UNROLL
                out = []
                for r in range(RPC):
                    base = r * S
                    for d in range(DBLK):
                        a = accs[r * DBLK + d]
                        for u in range(UNROLL):
                            a = a + buf[base + j0 + u,
                                        pl.ds(LANES * d, LANES)]
                        out.append(a)
                return tuple(out)

            accs = lax.fori_loop(
                0, S // UNROLL, inner,
                tuple(jnp.zeros((LANES,), jnp.float32)
                      for _ in range(RPC * DBLK)),
            )
            for r in range(RPC):
                for d in range(DBLK):
                    out_v[c * RPC + r, pl.ds(LANES * d, LANES)] = \
                        accs[r * DBLK + d]

            nxt = c + NBUF

            @pl.when(nxt < NCHUNK)
            def _():
                pltpu.async_copy(table_hbm.at[idx_v.at[nxt]], buf, sem)

        return carry

    lax.fori_loop(0, NCHUNK // NBUF, outer, 0)
    pltpu.sync_copy(out_v, out_hbm.at[pl.ds(w * BPW, BPW)])


_pool = pl.kernel(
    _pool_body,
    out_type=jax.ShapeDtypeStruct((B, D), jnp.float32),
    mesh=plsc.VectorSubcoreMesh(core_axis_name="c", subcore_axis_name="s"),
    scratch_types=[
        pltpu.VMEM((BPW, S), jnp.int32),
        pltpu.VMEM((RPC * S, D), jnp.float32),
        pltpu.VMEM((RPC * S, D), jnp.float32),
        pltpu.VMEM((RPC * S, D), jnp.float32),
        pltpu.VMEM((RPC * S, D), jnp.float32),
        pltpu.VMEM((RPC * S, D), jnp.float32),
        pltpu.VMEM((RPC * S, D), jnp.float32),
        pltpu.VMEM((RPC * S, D), jnp.float32),
        pltpu.VMEM((RPC * S, D), jnp.float32),
        pltpu.VMEM((BPW, D), jnp.float32),
        pltpu.SemaphoreType.DMA,
        pltpu.SemaphoreType.DMA,
        pltpu.SemaphoreType.DMA,
        pltpu.SemaphoreType.DMA,
        pltpu.SemaphoreType.DMA,
        pltpu.SemaphoreType.DMA,
        pltpu.SemaphoreType.DMA,
        pltpu.SemaphoreType.DMA,
    ],
)


def _proj_kernel(s_ref, w_ref, b_ref, o_ref):
    acc = lax.dot_general(
        s_ref[...], w_ref[...],
        (((1,), (1,)), ((), ())),
        preferred_element_type=jnp.float32,
    )
    o_ref[...] = acc * (1.0 / S) + b_ref[...]


def _proj(pooled, W, b2d):
    blk = 2048
    return pl.pallas_call(
        _proj_kernel,
        grid=(B // blk,),
        in_specs=[
            pl.BlockSpec((blk, D), lambda i: (i, 0)),
            pl.BlockSpec((D, D), lambda i: (0, 0)),
            pl.BlockSpec((1, D), lambda i: (0, 0)),
        ],
        out_specs=pl.BlockSpec((blk, D), lambda i: (i, 0)),
        out_shape=jax.ShapeDtypeStruct((B, D), jnp.float32),
    )(pooled, W, b2d)


def kernel(x, table, W, b):
    sums = _pool(x.astype(jnp.int32), table)
    return _proj(sums, W, b.reshape(1, D))

# --- scband reference (transcript-rebuilt; emitter-appended) ---
"""Pipeline reference for scband-simple-query-encoder-34136400068663 (READ-ONLY COPY).

The authoritative reference and input builder live on the scoring server;
editing this copy changes nothing except your own understanding.
"""

import jax, jax.numpy as jnp
import numpy as np

VOCAB = 100000
EMBED_DIM = 128

def setup_inputs(seed: int = 0) -> dict:
    key = jax.random.key(seed)
    k1, k2, k3, k4 = jax.random.split(key, 4)
    x = jax.random.randint(k1, (4096, 50), 0, VOCAB, dtype=jnp.int64) if jax.config.jax_enable_x64 else jax.random.randint(k1, (4096, 50), 0, VOCAB)
    table = jax.random.normal(k2, (VOCAB, EMBED_DIM), dtype=jnp.float32)
    # nn.Embedding with padding_idx=0 zeroes that row at init
    table = table.at[0].set(0.0)
    W = jax.random.normal(k3, (EMBED_DIM, EMBED_DIM), dtype=jnp.float32) * 0.05
    b = jax.random.normal(k4, (EMBED_DIM,), dtype=jnp.float32) * 0.05
    return {"x": x, "table": table, "W": W, "b": b}

def reference(x, table, W, b):
    # token ids path: embedding -> mean over seq dim -> linear projection
    emb = jnp.take(table, x, axis=0)          # (B, S, d)
    out = emb.mean(axis=1)                    # (B, d)
    out = out @ W.T + b                       # (B, d)
    # batch > 1, so no squeeze branch applies
    return out

if __name__ == "__main__":
    import jax
    _d = setup_inputs()
    print(jax.jit(kernel)(*tuple(_d.values())))

</pallas_src>

<mosaic_0001>
#map = affine_map<(d0, d1) -> (0, 0)>
module attributes {stable_mosaic.version = 14 : i64} {
  func.func @_pool_body(%arg0: i32, %arg1: i32, %arg2: memref<4096x50xi32, #tpu.memory_space<hbm>>, %arg3: memref<100000x128xf32, #tpu.memory_space<hbm>>, %arg4: memref<4096x128xf32, #tpu.memory_space<hbm>>, %arg5: memref<128x50xi32, #tpu.memory_space<vmem>>, %arg6: memref<50x128xf32, #tpu.memory_space<vmem>>, %arg7: memref<50x128xf32, #tpu.memory_space<vmem>>, %arg8: memref<50x128xf32, #tpu.memory_space<vmem>>, %arg9: memref<50x128xf32, #tpu.memory_space<vmem>>, %arg10: memref<50x128xf32, #tpu.memory_space<vmem>>, %arg11: memref<50x128xf32, #tpu.memory_space<vmem>>, %arg12: memref<50x128xf32, #tpu.memory_space<vmem>>, %arg13: memref<50x128xf32, #tpu.memory_space<vmem>>, %arg14: memref<128x128xf32, #tpu.memory_space<vmem>>, %arg15: memref<!tpu.dma_semaphore, #tpu.memory_space<semaphore_mem>>, %arg16: memref<!tpu.dma_semaphore, #tpu.memory_space<semaphore_mem>>, %arg17: memref<!tpu.dma_semaphore, #tpu.memory_space<semaphore_mem>>, %arg18: memref<!tpu.dma_semaphore, #tpu.memory_space<semaphore_mem>>, %arg19: memref<!tpu.dma_semaphore, #tpu.memory_space<semaphore_mem>>, %arg20: memref<!tpu.dma_semaphore, #tpu.memory_space<semaphore_mem>>, %arg21: memref<!tpu.dma_semaphore, #tpu.memory_space<semaphore_mem>>, %arg22: memref<!tpu.dma_semaphore, #tpu.memory_space<semaphore_mem>>) attributes {dimension_semantics = [#tpu.dimension_semantics<core_parallel>, #tpu.dimension_semantics<subcore_parallel>], iteration_bounds = array<i64: 2, 16>, scalar_prefetch = 0 : i64, scratch_operands = 18 : i64, tpu.core_type = #tpu.core_type<sc_vector_subcore>, window_params = [{transform_indices = #map}, {transform_indices = #map}, {transform_indices = #map}]} {
    %mul3A = arith.constant 2 : i32
    %mul3A_0 = arith.muli %arg1, %mul3A : i32
    %add3A = arith.addi %mul3A_0, %arg0 : i32
    %mul3A_1 = arith.constant 128 : i32
    %mul3A_2 = arith.muli %add3A, %mul3A_1 : i32
    "tpu.region"() ({
      %run_scoped3A = tpu.sem_alloc : memref<!tpu.dma_semaphore, #tpu.memory_space<semaphore_mem>>
      %dma_start3A_65 = arith.constant 0 : i32
      %dma_start3A_66 = tpu.memref_slice %arg2[%mul3A_2, %dma_start3A_65] : memref<4096x50xi32, #tpu.memory_space<hbm>> -> memref<128x50xi32, #tpu.memory_space<hbm>>
      %dma_start3A_67 = arith.constant 0 : i32
      %dma_start3A_68 = tpu.memref_slice %arg2[%mul3A_2, %dma_start3A_67] : memref<4096x50xi32, #tpu.memory_space<hbm>> -> memref<128x50xi32, #tpu.memory_space<hbm>>
      tpu.enqueue_dma source(%dma_start3A_68 : memref<128x50xi32, #tpu.memory_space<hbm>>) target(%arg5 : memref<128x50xi32, #tpu.memory_space<vmem>>) target_semaphore(%run_scoped3A : memref<!tpu.dma_semaphore, #tpu.memory_space<semaphore_mem>>)
      %dma_wait3A = arith.constant 0 : i32
      %dma_wait3A_69 = tpu.memref_slice %arg2[%mul3A_2, %dma_wait3A] : memref<4096x50xi32, #tpu.memory_space<hbm>> -> memref<128x50xi32, #tpu.memory_space<hbm>>
      %dma_wait3A_70 = arith.constant 0 : i32
      %dma_wait3A_71 = tpu.memref_slice %arg2[%mul3A_2, %dma_wait3A_70] : memref<4096x50xi32, #tpu.memory_space<hbm>> -> memref<128x50xi32, #tpu.memory_space<hbm>>
      tpu.wait_dma2 semaphore(%run_scoped3A : memref<!tpu.dma_semaphore, #tpu.memory_space<semaphore_mem>>) src(%dma_wait3A_71 : memref<128x50xi32, #tpu.memory_space<hbm>>) dst(%arg5 : memref<128x50xi32, #tpu.memory_space<vmem>>)
      tpu.yield
    }) : () -> ()
    %dma_start3A = arith.constant 0 : i32
    %dma_start3A_3 = arith.constant 0 : i32
    %dma_start3A_4 = tpu.memref_slice %arg5[%dma_start3A, %dma_start3A_3] : memref<128x50xi32, #tpu.memory_space<vmem>> -> memref<1x50xi32, #tpu.memory_space<vmem>>
    %dma_start3A_5 = tpu.memref_squeeze %dma_start3A_4 : memref<1x50xi32, #tpu.memory_space<vmem>> -> memref<50xi32, #tpu.memory_space<vmem>>
    %dma_start3A_6 = arith.constant 0 : i32
    %dma_start3A_7 = arith.constant 0 : i32
    %dma_start3A_8 = tpu.memref_slice %arg3[%dma_start3A_6, %dma_start3A_7] : memref<100000x128xf32, #tpu.memory_space<hbm>> -> memref<100000x128xf32, #tpu.memory_space<hbm>>
    tpu.enqueue_indirect_dma source(%dma_start3A_8 : memref<100000x128xf32, #tpu.memory_space<hbm>>) target(%arg6 : memref<50x128xf32, #tpu.memory_space<vmem>>) offsets(%dma_start3A_5 : memref<50xi32, #tpu.memory_space<vmem>>) semaphore(%arg15 : memref<!tpu.dma_semaphore, #tpu.memory_space<semaphore_mem>>)
    %dma_start3A_9 = arith.constant 1 : i32
    %dma_start3A_10 = arith.constant 0 : i32
    %dma_start3A_11 = tpu.memref_slice %arg5[%dma_start3A_9, %dma_start3A_10] : memref<128x50xi32, #tpu.memory_space<vmem>> -> memref<1x50xi32, #tpu.memory_space<vmem>>
    %dma_start3A_12 = tpu.memref_squeeze %dma_start3A_11 : memref<1x50xi32, #tpu.memory_space<vmem>> -> memref<50xi32, #tpu.memory_space<vmem>>
    %dma_start3A_13 = arith.constant 0 : i32
    %dma_start3A_14 = arith.constant 0 : i32
    %dma_start3A_15 = tpu.memref_slice %arg3[%dma_start3A_13, %dma_start3A_14] : memref<100000x128xf32, #tpu.memory_space<hbm>> -> memref<100000x128xf32, #tpu.memory_space<hbm>>
    tpu.enqueue_indirect_dma source(%dma_start3A_15 : memref<100000x128xf32, #tpu.memory_space<hbm>>) target(%arg7 : memref<50x128xf32, #tpu.memory_space<vmem>>) offsets(%dma_start3A_12 : memref<50xi32, #tpu.memory_space<vmem>>) semaphore(%arg16 : memref<!tpu.dma_semaphore, #tpu.memory_space<semaphore_mem>>)
    %dma_start3A_16 = arith.constant 2 : i32
    %dma_start3A_17 = arith.constant 0 : i32
    %dma_start3A_18 = tpu.memref_slice %arg5[%dma_start3A_16, %dma_start3A_17] : memref<128x50xi32, #tpu.memory_space<vmem>> -> memref<1x50xi32, #tpu.memory_space<vmem>>
    %dma_start3A_19 = tpu.memref_squeeze %dma_start3A_18 : memref<1x50xi32, #tpu.memory_space<vmem>> -> memref<50xi32, #tpu.memory_space<vmem>>
    %dma_start3A_20 = arith.constant 0 : i32
    %dma_start3A_21 = arith.constant 0 : i32
    %dma_start3A_22 = tpu.memref_slice %arg3[%dma_start3A_20, %dma_start3A_21] : memref<100000x128xf32, #tpu.memory_space<hbm>> -> memref<100000x128xf32, #tpu.memory_space<hbm>>
    tpu.enqueue_indirect_dma source(%dma_start3A_22 : memref<100000x128xf32, #tpu.memory_space<hbm>>) target(%arg8 : memref<50x128xf32, #tpu.memory_space<vmem>>) offsets(%dma_start3A_19 : memref<50xi32, #tpu.memory_space<vmem>>) semaphore(%arg17 : memref<!tpu.dma_semaphore, #tpu.memory_space<semaphore_mem>>)
    %dma_start3A_23 = arith.constant 3 : i32
    %dma_start3A_24 = arith.constant 0 : i32
    %dma_start3A_25 = tpu.memref_slice %arg5[%dma_start3A_23, %dma_start3A_24] : memref<128x50xi32, #tpu.memory_space<vmem>> -> memref<1x50xi32, #tpu.memory_space<vmem>>
    %dma_start3A_26 = tpu.memref_squeeze %dma_start3A_25 : memref<1x50xi32, #tpu.memory_space<vmem>> -> memref<50xi32, #tpu.memory_space<vmem>>
    %dma_start3A_27 = arith.constant 0 : i32
    %dma_start3A_28 = arith.constant 0 : i32
    %dma_start3A_29 = tpu.memref_slice %arg3[%dma_start3A_27, %dma_start3A_28] : memref<100000x128xf32, #tpu.memory_space<hbm>> -> memref<100000x128xf32, #tpu.memory_space<hbm>>
    tpu.enqueue_indirect_dma source(%dma_start3A_29 : memref<100000x128xf32, #tpu.memory_space<hbm>>) target(%arg9 : memref<50x128xf32, #tpu.memory_space<vmem>>) offsets(%dma_start3A_26 : memref<50xi32, #tpu.memory_space<vmem>>) semaphore(%arg18 : memref<!tpu.dma_semaphore, #tpu.memory_space<semaphore_mem>>)
    %dma_start3A_30 = arith.constant 4 : i32
    %dma_start3A_31 = arith.constant 0 : i32
    %dma_start3A_32 = tpu.memref_slice %arg5[%dma_start3A_30, %dma_start3A_31] : memref<128x50xi32, #tpu.memory_space<vmem>> -> memref<1x50xi32, #tpu.memory_space<vmem>>
    %dma_start3A_33 = tpu.memref_squeeze %dma_start3A_32 : memref<1x50xi32, #tpu.memory_space<vmem>> -> memref<50xi32, #tpu.memory_space<vmem>>
    %dma_start3A_34 = arith.constant 0 : i32
    %dma_start3A_35 = arith.constant 0 : i32
    %dma_start3A_36 = tpu.memref_slice %arg3[%dma_start3A_34, %dma_start3A_35] : memref<100000x128xf32, #tpu.memory_space<hbm>> -> memref<100000x128xf32, #tpu.memory_space<hbm>>
    tpu.enqueue_indirect_dma source(%dma_start3A_36 : memref<100000x128xf32, #tpu.memory_space<hbm>>) target(%arg10 : memref<50x128xf32, #tpu.memory_space<vmem>>) offsets(%dma_start3A_33 : memref<50xi32, #tpu.memory_space<vmem>>) semaphore(%arg19 : memref<!tpu.dma_semaphore, #tpu.memory_space<semaphore_mem>>)
    %dma_start3A_37 = arith.constant 5 : i32
    %dma_start3A_38 = arith.constant 0 : i32
    %dma_start3A_39 = tpu.memref_slice %arg5[%dma_start3A_37, %dma_start3A_38] : memref<128x50xi32, #tpu.memory_space<vmem>> -> memref<1x50xi32, #tpu.memory_space<vmem>>
    %dma_start3A_40 = tpu.memref_squeeze %dma_start3A_39 : memref<1x50xi32, #tpu.memory_space<vmem>> -> memref<50xi32, #tpu.memory_space<vmem>>
    %dma_start3A_41 = arith.constant 0 : i32
    %dma_start3A_42 = arith.constant 0 : i32
    %dma_start3A_43 = tpu.memref_slice %arg3[%dma_start3A_41, %dma_start3A_42] : memref<100000x128xf32, #tpu.memory_space<hbm>> -> memref<100000x128xf32, #tpu.memory_space<hbm>>
    tpu.enqueue_indirect_dma source(%dma_start3A_43 : memref<100000x128xf32, #tpu.memory_space<hbm>>) target(%arg11 : memref<50x128xf32, #tpu.memory_space<vmem>>) offsets(%dma_start3A_40 : memref<50xi32, #tpu.memory_space<vmem>>) semaphore(%arg20 : memref<!tpu.dma_semaphore, #tpu.memory_space<semaphore_mem>>)
    %dma_start3A_44 = arith.constant 6 : i32
    %dma_start3A_45 = arith.constant 0 : i32
    %dma_start3A_46 = tpu.memref_slice %arg5[%dma_start3A_44, %dma_start3A_45] : memref<128x50xi32, #tpu.memory_space<vmem>> -> memref<1x50xi32, #tpu.memory_space<vmem>>
    %dma_start3A_47 = tpu.memref_squeeze %dma_start3A_46 : memref<1x50xi32, #tpu.memory_space<vmem>> -> memref<50xi32, #tpu.memory_space<vmem>>
    %dma_start3A_48 = arith.constant 0 : i32
    %dma_start3A_49 = arith.constant 0 : i32
    %dma_start3A_50 = tpu.memref_slice %arg3[%dma_start3A_48, %dma_start3A_49] : memref<100000x128xf32, #tpu.memory_space<hbm>> -> memref<100000x128xf32, #tpu.memory_space<hbm>>
    tpu.enqueue_indirect_dma source(%dma_start3A_50 : memref<100000x128xf32, #tpu.memory_space<hbm>>) target(%arg12 : memref<50x128xf32, #tpu.memory_space<vmem>>) offsets(%dma_start3A_47 : memref<50xi32, #tpu.memory_space<vmem>>) semaphore(%arg21 : memref<!tpu.dma_semaphore, #tpu.memory_space<semaphore_mem>>)
    %dma_start3A_51 = arith.constant 7 : i32
    %dma_start3A_52 = arith.constant 0 : i32
    %dma_start3A_53 = tpu.memref_slice %arg5[%dma_start3A_51, %dma_start3A_52] : memref<128x50xi32, #tpu.memory_space<vmem>> -> memref<1x50xi32, #tpu.memory_space<vmem>>
    %dma_start3A_54 = tpu.memref_squeeze %dma_start3A_53 : memref<1x50xi32, #tpu.memory_space<vmem>> -> memref<50xi32, #tpu.memory_space<vmem>>
    %dma_start3A_55 = arith.constant 0 : i32
    %dma_start3A_56 = arith.constant 0 : i32
    %dma_start3A_57 = tpu.memref_slice %arg3[%dma_start3A_55, %dma_start3A_56] : memref<100000x128xf32, #tpu.memory_space<hbm>> -> memref<100000x128xf32, #tpu.memory_space<hbm>>
    tpu.enqueue_indirect_dma source(%dma_start3A_57 : memref<100000x128xf32, #tpu.memory_space<hbm>>) target(%arg13 : memref<50x128xf32, #tpu.memory_space<vmem>>) offsets(%dma_start3A_54 : memref<50xi32, #tpu.memory_space<vmem>>) semaphore(%arg22 : memref<!tpu.dma_semaphore, #tpu.memory_space<semaphore_mem>>)
    %scan3A = arith.constant 0 : i32
    %scan3A_58 = arith.constant 0 : i32
    %scan3A_59 = arith.constant 16 : i32
    %scan3A_60 = arith.addi %scan3A_58, %scan3A_59 : i32
    %scan3A_61 = arith.constant 1 : i32
    scf.for %scan3A_65 = %scan3A_58 to %scan3A_60 step %scan3A_61  : i32 {
      %mul3A_66 = arith.constant 8 : i32
      %mul3A_67 = arith.muli %scan3A_65, %mul3A_66 : i32
      %add3A_68 = arith.constant 0 : i32
      %add3A_69 = arith.addi %mul3A_67, %add3A_68 : i32
      %dma_wait3A = arith.constant 0 : i32
      %dma_wait3A_70 = tpu.memref_slice %arg5[%add3A_69, %dma_wait3A] : memref<128x50xi32, #tpu.memory_space<vmem>> -> memref<1x50xi32, #tpu.memory_space<vmem>>
      %dma_wait3A_71 = tpu.memref_squeeze %dma_wait3A_70 : memref<1x50xi32, #tpu.memory_space<vmem>> -> memref<50xi32, #tpu.memory_space<vmem>>
      %dma_wait3A_72 = arith.constant 0 : i32
      %dma_wait3A_73 = arith.constant 0 : i32
      %dma_wait3A_74 = tpu.memref_slice %arg3[%dma_wait3A_72, %dma_wait3A_73] : memref<100000x128xf32, #tpu.memory_space<hbm>> -> memref<100000x128xf32, #tpu.memory_space<hbm>>
      tpu.wait_indirect_dma semaphore(%arg15 : memref<!tpu.dma_semaphore, #tpu.memory_space<semaphore_mem>>) src(%dma_wait3A_74 : memref<100000x128xf32, #tpu.memory_space<hbm>>) dst(%arg6 : memref<50x128xf32, #tpu.memory_space<vmem>>)
      %broadcast_in_dim3A = arith.constant 0.000000e+00 : f32
      %broadcast_in_dim3A_75 = vector.broadcast %broadcast_in_dim3A : f32 to vector<16xf32>
      %broadcast_in_dim3A_76 = arith.constant 0.000000e+00 : f32
      %broadcast_in_dim3A_77 = vector.broadcast %broadcast_in_dim3A_76 : f32 to vector<16xf32>
      %broadcast_in_dim3A_78 = arith.constant 0.000000e+00 : f32
      %broadcast_in_dim3A_79 = vector.broadcast %broadcast_in_dim3A_78 : f32 to vector<16xf32>
      %broadcast_in_dim3A_80 = arith.constant 0.000000e+00 : f32
      %broadcast_in_dim3A_81 = vector.broadcast %broadcast_in_dim3A_80 : f32 to vector<16xf32>
      %broadcast_in_dim3A_82 = arith.constant 0.000000e+00 : f32
      %broadcast_in_dim3A_83 = vector.broadcast %broadcast_in_dim3A_82 : f32 to vector<16xf32>
      %broadcast_in_dim3A_84 = arith.constant 0.000000e+00 : f32
      %broadcast_in_dim3A_85 = vector.broadcast %broadcast_in_dim3A_84 : f32 to vector<16xf32>
      %broadcast_in_dim3A_86 = arith.constant 0.000000e+00 : f32
      %broadcast_in_dim3A_87 = vector.broadcast %broadcast_in_dim3A_86 : f32 to vector<16xf32>
      %broadcast_in_dim3A_88 = arith.constant 0.000000e+00 : f32
      %broadcast_in_dim3A_89 = vector.broadcast %broadcast_in_dim3A_88 : f32 to vector<16xf32>
      %scan3A_90 = arith.constant 0 : i32
      %scan3A_91 = arith.constant 10 : i32
      %scan3A_92 = arith.addi %scan3A_90, %scan3A_91 : i32
      %scan3A_93 = arith.constant 1 : i32
      %scan3A_94:8 = scf.for %scan3A_948 = %scan3A_90 to %scan3A_92 step %scan3A_93 iter_args(%scan3A_949 = %broadcast_in_dim3A_75, %scan3A_950 = %broadcast_in_dim3A_77, %scan3A_951 = %broadcast_in_dim3A_79, %scan3A_952 = %broadcast_in_dim3A_81, %scan3A_953 = %broadcast_in_dim3A_83, %scan3A_954 = %broadcast_in_dim3A_85, %scan3A_955 = %broadcast_in_dim3A_87, %scan3A_956 = %broadcast_in_dim3A_89) -> (vector<16xf32>, vector<16xf32>, vector<16xf32>, vector<16xf32>, vector<16xf32>, vector<16xf32>, vector<16xf32>, vector<16xf32>)  : i32 {
        %mul3A_957 = arith.constant 5 : i32
        %mul3A_958 = arith.muli %scan3A_948, %mul3A_957 : i32
        %add3A_959 = arith.constant 0 : i32
        %add3A_960 = arith.addi %add3A_959, %mul3A_958 : i32
        %add3A_961 = arith.constant 0 : i32
        %add3A_962 = arith.addi %add3A_960, %add3A_961 : i32
        %get3A = arith.index_cast %add3A_962 : i32 to index
        %get3A_963 = arith.constant 0 : index
        %get3A_964 = tpu.vector_load %arg6[%get3A, %get3A_963] {strides = array<i32>} : memref<50x128xf32, #tpu.memory_space<vmem>>, vector<1x16xf32>,
        %get3A_965 = vector.shape_cast %get3A_964 : vector<1x16xf32> to vector<16xf32>
        %add3A_966 = arith.addf %scan3A_949, %get3A_965 : vector<16xf32>
        %add3A_967 = arith.constant 0 : i32
        %add3A_968 = arith.addi %add3A_967, %mul3A_958 : i32
        %add3A_969 = arith.constant 1 : i32
        %add3A_970 = arith.addi %add3A_968, %add3A_969 : i32
        %get3A_971 = arith.index_cast %add3A_970 : i32 to index
        %get3A_972 = arith.constant 0 : index
        %get3A_973 = tpu.vector_load %arg6[%get3A_971, %get3A_972] {strides = array<i32>} : memref<50x128xf32, #tpu.memory_space<vmem>>, vector<1x16xf32>,
        %get3A_974 = vector.shape_cast %get3A_973 : vector<1x16xf32> to vector<16xf32>
        %add3A_975 = arith.addf %add3A_966, %get3A_974 : vector<16xf32>
        %add3A_976 = arith.constant 0 : i32
        %add3A_977 = arith.addi %add3A_976, %mul3A_958 : i32
        %add3A_978 = arith.constant 2 : i32
        %add3A_979 = arith.addi %add3A_977, %add3A_978 : i32
        %get3A_980 = arith.index_cast %add3A_979 : i32 to index
        %get3A_981 = arith.constant 0 : index
        %get3A_982 = tpu.vector_load %arg6[%get3A_980, %get3A_981] {strides = array<i32>} : memref<50x128xf32, #tpu.memory_space<vmem>>, vector<1x16xf32>,
        %get3A_983 = vector.shape_cast %get3A_982 : vector<1x16xf32> to vector<16xf32>
        %add3A_984 = arith.addf %add3A_975, %get3A_983 : vector<16xf32>
        %add3A_985 = arith.constant 0 : i32
        %add3A_986 = arith.addi %add3A_985, %mul3A_958 : i32
        %add3A_987 = arith.constant 3 : i32
        %add3A_988 = arith.addi %add3A_986, %add3A_987 : i32
        %get3A_989 = arith.index_cast %add3A_988 : i32 to index
        %get3A_990 = arith.constant 0 : index
        %get3A_991 = tpu.vector_load %arg6[%get3A_989, %get3A_990] {strides = array<i32>} : memref<50x128xf32, #tpu.memory_space<vmem>>, vector<1x16xf32>,
        %get3A_992 = vector.shape_cast %get3A_991 : vector<1x16xf32> to vector<16xf32>
        %add3A_993 = arith.addf %add3A_984, %get3A_992 : vector<16xf32>
        %add3A_994 = arith.constant 0 : i32
        %add3A_995 = arith.addi %add3A_994, %mul3A_958 : i32
        %add3A_996 = arith.constant 4 : i32
        %add3A_997 = arith.addi %add3A_995, %add3A_996 : i32
        %get3A_998 = arith.index_cast %add3A_997 : i32 to index
        %get3A_999 = arith.constant 0 : index
        %get3A_1000 = tpu.vector_load %arg6[%get3A_998, %get3A_999] {strides = array<i32>} : memref<50x128xf32, #tpu.memory_space<vmem>>, vector<1x16xf32>,
        %get3A_1001 = vector.shape_cast %get3A_1000 : vector<1x16xf32> to vector<16xf32>
        %add3A_1002 = arith.addf %add3A_993, %get3A_1001 : vector<16xf32>
        %add3A_1003 = arith.constant 0 : i32
        %add3A_1004 = arith.addi %add3A_1003, %mul3A_958 : i32
        %add3A_1005 = arith.constant 0 : i32
        %add3A_1006 = arith.addi %add3A_1004, %add3A_1005 : i32
        %get3A_1007 = arith.index_cast %add3A_1006 : i32 to index
        %get3A_1008 = arith.constant 16 : index
        %get3A_1009 = tpu.vector_load %arg6[%get3A_1007, %get3A_1008] {strides = array<i32>} : memref<50x128xf32, #tpu.memory_space<vmem>>, vector<1x16xf32>,
        %get3A_1010 = vector.shape_cast %get3A_1009 : vector<1x16xf32> to vector<16xf32>
        %add3A_1011 = arith.addf %scan3A_950, %get3A_1010 : vector<16xf32>
        %add3A_1012 = arith.constant 0 : i32
        %add3A_1013 = arith.addi %add3A_1012, %mul3A_958 : i32
        %add3A_1014 = arith.constant 1 : i32
        %add3A_1015 = arith.addi %add3A_1013, %add3A_1014 : i32
        %get3A_1016 = arith.index_cast %add3A_1015 : i32 to index
        %get3A_1017 = arith.constant 16 : index
        %get3A_1018 = tpu.vector_load %arg6[%get3A_1016, %get3A_1017] {strides = array<i32>} : memref<50x128xf32, #tpu.memory_space<vmem>>, vector<1x16xf32>,
        %get3A_1019 = vector.shape_cast %get3A_1018 : vector<1x16xf32> to vector<16xf32>
        %add3A_1020 = arith.addf %add3A_1011, %get3A_1019 : vector<16xf32>
        %add3A_1021 = arith.constant 0 : i32
        %add3A_1022 = arith.addi %add3A_1021, %mul3A_958 : i32
        %add3A_1023 = arith.constant 2 : i32
        %add3A_1024 = arith.addi %add3A_1022, %add3A_1023 : i32
        %get3A_1025 = arith.index_cast %add3A_1024 : i32 to index
        %get3A_1026 = arith.constant 16 : index
        %get3A_1027 = tpu.vector_load %arg6[%get3A_1025, %get3A_1026] {strides = array<i32>} : memref<50x128xf32, #tpu.memory_space<vmem>>, vector<1x16xf32>,
        %get3A_1028 = vector.shape_cast %get3A_1027 : vector<1x16xf32> to vector<16xf32>
        %add3A_1029 = arith.addf %add3A_1020, %get3A_1028 : vector<16xf32>
        %add3A_1030 = arith.constant 0 : i32
        %add3A_1031 = arith.addi %add3A_1030, %mul3A_958 : i32
        %add3A_1032 = arith.constant 3 : i32
        %add3A_1033 = arith.addi %add3A_1031, %add3A_1032 : i32
        %get3A_1034 = arith.index_cast %add3A_1033 : i32 to index
        %get3A_1035 = arith.constant 16 : index
        %get3A_1036 = tpu.vector_load %arg6[%get3A_1034, %get3A_1035] {strides = array<i32>} : memref<50x128xf32, #tpu.memory_space<vmem>>, vector<1x16xf32>,
        %get3A_1037 = vector.shape_cast %get3A_1036 : vector<1x16xf32> to vector<16xf32>
        %add3A_1038 = arith.addf %add3A_1029, %get3A_1037 : vector<16xf32>
        %add3A_1039 = arith.constant 0 : i32
        %add3A_1040 = arith.addi %add3A_1039, %mul3A_958 : i32
        %add3A_1041 = arith.constant 4 : i32
        %add3A_1042 = arith.addi %add3A_1040, %add3A_1041 : i32
        %get3A_1043 = arith.index_cast %add3A_1042 : i32 to index
        %get3A_1044 = arith.constant 16 : index
        %get3A_1045 = tpu.vector_load %arg6[%get3A_1043, %get3A_1044] {strides = array<i32>} : memref<50x128xf32, #tpu.memory_space<vmem>>, vector<1x16xf32>,
        %get3A_1046 = vector.shape_cast %get3A_1045 : vector<1x16xf32> to vector<16xf32>
        %add3A_1047 = arith.addf %add3A_1038, %get3A_1046 : vector<16xf32>
        %add3A_1048 = arith.constant 0 : i32
        %add3A_1049 = arith.addi %add3A_1048, %mul3A_958 : i32
        %add3A_1050 = arith.constant 0 : i32
        %add3A_1051 = arith.addi %add3A_1049, %add3A_1050 : i32
        %get3A_1052 = arith.index_cast %add3A_1051 : i32 to index
        %get3A_1053 = arith.constant 32 : index
        %get3A_1054 = tpu.vector_load %arg6[%get3A_1052, %get3A_1053] {strides = array<i32>} : memref<50x128xf32, #tpu.memory_space<vmem>>, vector<1x16xf32>,
        %get3A_1055 = vector.shape_cast %get3A_1054 : vector<1x16xf32> to vector<16xf32>
        %add3A_1056 = arith.addf %scan3A_951, %get3A_1055 : vector<16xf32>
        %add3A_1057 = arith.constant 0 : i32
        %add3A_1058 = arith.addi %add3A_1057, %mul3A_958 : i32
        %add3A_1059 = arith.constant 1 : i32
        %add3A_1060 = arith.addi %add3A_1058, %add3A_1059 : i32
        %get3A_1061 = arith.index_cast %add3A_1060 : i32 to index
        %get3A_1062 = arith.constant 32 : index
        %get3A_1063 = tpu.vector_load %arg6[%get3A_1061, %get3A_1062] {strides = array<i32>} : memref<50x128xf32, #tpu.memory_space<vmem>>, vector<1x16xf32>,
        %get3A_1064 = vector.shape_cast %get3A_1063 : vector<1x16xf32> to vector<16xf32>
        %add3A_1065 = arith.addf %add3A_1056, %get3A_1064 : vector<16xf32>
        %add3A_1066 = arith.constant 0 : i32
        %add3A_1067 = arith.addi %add3A_1066, %mul3A_958 : i32
        %add3A_1068 = arith.constant 2 : i32
        %add3A_1069 = arith.addi %add3A_1067, %add3A_1068 : i32
        %get3A_1070 = arith.index_cast %add3A_1069 : i32 to index
        %get3A_1071 = arith.constant 32 : index
        %get3A_1072 = tpu.vector_load %arg6[%get3A_1070, %get3A_1071] {strides = array<i32>} : memref<50x128xf32, #tpu.memory_space<vmem>>, vector<1x16xf32>,
        %get3A_1073 = vector.shape_cast %get3A_1072 : vector<1x16xf32> to vector<16xf32>
        %add3A_1074 = arith.addf %add3A_1065, %get3A_1073 : vector<16xf32>
        %add3A_1075 = arith.constant 0 : i32
        %add3A_1076 = arith.addi %add3A_1075, %mul3A_958 : i32
        %add3A_1077 = arith.constant 3 : i32
        %add3A_1078 = arith.addi %add3A_1076, %add3A_1077 : i32
        %get3A_1079 = arith.index_cast %add3A_1078 : i32 to index
        %get3A_1080 = arith.constant 32 : index
        %get3A_1081 = tpu.vector_load %arg6[%get3A_1079, %get3A_1080] {strides = array<i32>} : memref<50x128xf32, #tpu.memory_space<vmem>>, vector<1x16xf32>,
        %get3A_1082 = vector.shape_cast %get3A_1081 : vector<1x16xf32> to vector<16xf32>
        %add3A_1083 = arith.addf %add3A_1074, %get3A_1082 : vector<16xf32>
        %add3A_1084 = arith.constant 0 : i32
        %add3A_1085 = arith.addi %add3A_1084, %mul3A_958 : i32
        %add3A_1086 = arith.constant 4 : i32
        %add3A_1087 = arith.addi %add3A_1085, %add3A_1086 : i32
        %get3A_1088 = arith.index_cast %add3A_1087 : i32 to index
        %get3A_1089 = arith.constant 32 : index
        %get3A_1090 = tpu.vector_load %arg6[%get3A_1088, %get3A_1089] {strides = array<i32>} : memref<50x128xf32, #tpu.memory_space<vmem>>, vector<1x16xf32>,
        %get3A_1091 = vector.shape_cast %get3A_1090 : vector<1x16xf32> to vector<16xf32>
        %add3A_1092 = arith.addf %add3A_1083, %get3A_1091 : vector<16xf32>
        %add3A_1093 = arith.constant 0 : i32
        %add3A_1094 = arith.addi %add3A_1093, %mul3A_958 : i32
        %add3A_1095 = arith.constant 0 : i32
        %add3A_1096 = arith.addi %add3A_1094, %add3A_1095 : i32
        %get3A_1097 = arith.index_cast %add3A_1096 : i32 to index
        %get3A_1098 = arith.constant 48 : index
        %get3A_1099 = tpu.vector_load %arg6[%get3A_1097, %get3A_1098] {strides = array<i32>} : memref<50x128xf32, #tpu.memory_space<vmem>>, vector<1x16xf32>,
        %get3A_1100 = vector.shape_cast %get3A_1099 : vector<1x16xf32> to vector<16xf32>
        %add3A_1101 = arith.addf %scan3A_952, %get3A_1100 : vector<16xf32>
        %add3A_1102 = arith.constant 0 : i32
        %add3A_1103 = arith.addi %add3A_1102, %mul3A_958 : i32
        %add3A_1104 = arith.constant 1 : i32
        %add3A_1105 = arith.addi %add3A_1103, %add3A_1104 : i32
        %get3A_1106 = arith.index_cast %add3A_1105 : i32 to index
        %get3A_1107 = arith.constant 48 : index
        %get3A_1108 = tpu.vector_load %arg6[%get3A_1106, %get3A_1107] {strides = array<i32>} : memref<50x128xf32, #tpu.memory_space<vmem>>, vector<1x16xf32>,
        %get3A_1109 = vector.shape_cast %get3A_1108 : vector<1x16xf32> to vector<16xf32>
        %add3A_1110 = arith.addf %add3A_1101, %get3A_1109 : vector<16xf32>
        %add3A_1111 = arith.constant 0 : i32
        %add3A_1112 = arith.addi %add3A_1111, %mul3A_958 : i32
        %add3A_1113 = arith.constant 2 : i32
        %add3A_1114 = arith.addi %add3A_1112, %add3A_1113 : i32
        %get3A_1115 = arith.index_cast %add3A_1114 : i32 to index
        %get3A_1116 = arith.constant 48 : index
        %get3A_1117 = tpu.vector_load %arg6[%get3A_1115, %get3A_1116] {strides = array<i32>} : memref<50x128xf32, #tpu.memory_space<vmem>>, vector<1x16xf32>,
        %get3A_1118 = vector.shape_cast %get3A_1117 : vector<1x16xf32> to vector<16xf32>
        %add3A_1119 = arith.addf %add3A_1110, %get3A_1118 : vector<16xf32>
        %add3A_1120 = arith.constant 0 : i32
        %add3A_1121 = arith.addi %add3A_1120, %mul3A_958 : i32
        %add3A_1122 = arith.constant 3 : i32
        %add3A_1123 = arith.addi %add3A_1121, %add3A_1122 : i32
        %get3A_1124 = arith.index_cast %add3A_1123 : i32 to index
        %get3A_1125 = arith.constant 48 : index
        %get3A_1126 = tpu.vector_load %arg6[%get3A_1124, %get3A_1125] {strides = array<i32>} : memref<50x128xf32, #tpu.memory_space<vmem>>, vector<1x16xf32>,
        %get3A_1127 = vector.shape_cast %get3A_1126 : vector<1x16xf32> to vector<16xf32>
        %add3A_1128 = arith.addf %add3A_1119, %get3A_1127 : vector<16xf32>
        %add3A_1129 = arith.constant 0 : i32
        %add3A_1130 = arith.addi %add3A_1129, %mul3A_958 : i32
        %add3A_1131 = arith.constant 4 : i32
        %add3A_1132 = arith.addi %add3A_1130, %add3A_1131 : i32
        %get3A_1133 = arith.index_cast %add3A_1132 : i32 to index
        %get3A_1134 = arith.constant 48 : index
        %get3A_1135 = tpu.vector_load %arg6[%get3A_1133, %get3A_1134] {strides = array<i32>} : memref<50x128xf32, #tpu.memory_space<vmem>>, vector<1x16xf32>,
        %get3A_1136 = vector.shape_cast %get3A_1135 : vector<1x16xf32> to vector<16xf32>
        %add3A_1137 = arith.addf %add3A_1128, %get3A_1136 : vector<16xf32>
        %add3A_1138 = arith.constant 0 : i32
        %add3A_1139 = arith.addi %add3A_1138, %mul3A_958 : i32
        %add3A_1140 = arith.constant 0 : i32
        %add3A_1141 = arith.addi %add3A_1139, %add3A_1140 : i32
        %get3A_1142 = arith.index_cast %add3A_1141 : i32 to index
        %get3A_1143 = arith.constant 64 : index
        %get3A_1144 = tpu.vector_load %arg6[%get3A_1142, %get3A_1143] {strides = array<i32>} : memref<50x128xf32, #tpu.memory_space<vmem>>, vector<1x16xf32>,
        %get3A_1145 = vector.shape_cast %get3A_1144 : vector<1x16xf32> to vector<16xf32>
        %add3A_1146 = arith.addf %scan3A_953, %get3A_1145 : vector<16xf32>
        %add3A_1147 = arith.constant 0 : i32
        %add3A_1148 = arith.addi %add3A_1147, %mul3A_958 : i32
        %add3A_1149 = arith.constant 1 : i32
        %add3A_1150 = arith.addi %add3A_1148, %add3A_1149 : i32
        %get3A_1151 = arith.index_cast %add3A_1150 : i32 to index
        %get3A_1152 = arith.constant 64 : index
        %get3A_1153 = tpu.vector_load %arg6[%get3A_1151, %get3A_1152] {strides = array<i32>} : memref<50x128xf32, #tpu.memory_space<vmem>>, vector<1x16xf32>,
        %get3A_1154 = vector.shape_cast %get3A_1153 : vector<1x16xf32> to vector<16xf32>
        %add3A_1155 = arith.addf %add3A_1146, %get3A_1154 : vector<16xf32>
        %add3A_1156 = arith.constant 0 : i32
        %add3A_1157 = arith.addi %add3A_1156, %mul3A_958 : i32
        %add3A_1158 = arith.constant 2 : i32
        %add3A_1159 = arith.addi %add3A_1157, %add3A_1158 : i32
        %get3A_1160 = arith.index_cast %add3A_1159 : i32 to index
        %get3A_1161 = arith.constant 64 : index
        %get3A_1162 = tpu.vector_load %arg6[%get3A_1160, %get3A_1161] {strides = array<i32>} : memref<50x128xf32, #tpu.memory_space<vmem>>, vector<1x16xf32>,
        %get3A_1163 = vector.shape_cast %get3A_1162 : vector<1x16xf32> to vector<16xf32>
        %add3A_1164 = arith.addf %add3A_1155, %get3A_1163 : vector<16xf32>
        %add3A_1165 = arith.constant 0 : i32
        %add3A_1166 = arith.addi %add3A_1165, %mul3A_958 : i32
        %add3A_1167 = arith.constant 3 : i32
        %add3A_1168 = arith.addi %add3A_1166, %add3A_1167 : i32
        %get3A_1169 = arith.index_cast %add3A_1168 : i32 to index
        %get3A_1170 = arith.constant 64 : index
        %get3A_1171 = tpu.vector_load %arg6[%get3A_1169, %get3A_1170] {strides = array<i32>} : memref<50x128xf32, #tpu.memory_space<vmem>>, vector<1x16xf32>,
        %get3A_1172 = vector.shape_cast %get3A_1171 : vector<1x16xf32> to vector<16xf32>
        %add3A_1173 = arith.addf %add3A_1164, %get3A_1172 : vector<16xf32>
        %add3A_1174 = arith.constant 0 : i32
        %add3A_1175 = arith.addi %add3A_1174, %mul3A_958 : i32
        %add3A_1176 = arith.constant 4 : i32
        %add3A_1177 = arith.addi %add3A_1175, %add3A_1176 : i32
        %get3A_1178 = arith.index_cast %add3A_1177 : i32 to index
        %get3A_1179 = arith.constant 64 : index
        %get3A_1180 = tpu.vector_load %arg6[%get3A_1178, %get3A_1179] {strides = array<i32>} : memref<50x128xf32, #tpu.memory_space<vmem>>, vector<1x16xf32>,
        %get3A_1181 = vector.shape_cast %get3A_1180 : vector<1x16xf32> to vector<16xf32>
        %add3A_1182 = arith.addf %add3A_1173, %get3A_1181 : vector<16xf32>
        %add3A_1183 = arith.constant 0 : i32
        %add3A_1184 = arith.addi %add3A_1183, %mul3A_958 : i32
        %add3A_1185 = arith.constant 0 : i32
        %add3A_1186 = arith.addi %add3A_1184, %add3A_1185 : i32
        %get3A_1187 = arith.index_cast %add3A_1186 : i32 to index
        %get3A_1188 = arith.constant 80 : index
        %get3A_1189 = tpu.vector_load %arg6[%get3A_1187, %get3A_1188] {strides = array<i32>} : memref<50x128xf32, #tpu.memory_space<vmem>>, vector<1x16xf32>,
        %get3A_1190 = vector.shape_cast %get3A_1189 : vector<1x16xf32> to vector<16xf32>
        %add3A_1191 = arith.addf %scan3A_954, %get3A_1190 : vector<16xf32>
        %add3A_1192 = arith.constant 0 : i32
        %add3A_1193 = arith.addi %add3A_1192, %mul3A_958 : i32
        %add3A_1194 = arith.constant 1 : i32
        %add3A_1195 = arith.addi %add3A_1193, %add3A_1194 : i32
        %get3A_1196 = arith.index_cast %add3A_1195 : i32 to index
        %get3A_1197 = arith.constant 80 : index
        %get3A_1198 = tpu.vector_load %arg6[%get3A_1196, %get3A_1197] {strides = array<i32>} : memref<50x128xf32, #tpu.memory_space<vmem>>, vector<1x16xf32>,
        %get3A_1199 = vector.shape_cast %get3A_1198 : vector<1x16xf32> to vector<16xf32>
        %add3A_1200 = arith.addf %add3A_1191, %get3A_1199 : vector<16xf32>
        %add3A_1201 = arith.constant 0 : i32
        %add3A_1202 = arith.addi %add3A_1201, %mul3A_958 : i32
        %add3A_1203 = arith.constant 2 : i32
        %add3A_1204 = arith.addi %add3A_1202, %add3A_1203 : i32
        %get3A_1205 = arith.index_cast %add3A_1204 : i32 to index
        %get3A_1206 = arith.constant 80 : index
        %get3A_1207 = tpu.vector_load %arg6[%get3A_1205, %get3A_1206] {strides = array<i32>} : memref<50x128xf32, #tpu.memory_space<vmem>>, vector<1x16xf32>,
        %get3A_1208 = vector.shape_cast %get3A_1207 : vector<1x16xf32> to vector<16xf32>
        %add3A_1209 = arith.addf %add3A_1200, %get3A_1208 : vector<16xf32>
        %add3A_1210 = arith.constant 0 : i32
        %add3A_1211 = arith.addi %add3A_1210, %mul3A_958 : i32
        %add3A_1212 = arith.constant 3 : i32
        %add3A_1213 = arith.addi %add3A_1211, %add3A_1212 : i32
        %get3A_1214 = arith.index_cast %add3A_1213 : i32 to index
        %get3A_1215 = arith.constant 80 : index
        %get3A_1216 = tpu.vector_load %arg6[%get3A_1214, %get3A_1215] {strides = array<i32>} : memref<50x128xf32, #tpu.memory_space<vmem>>, vector<1x16xf32>,
        %get3A_1217 = vector.shape_cast %get3A_1216 : vector<1x16xf32> to vector<16xf32>
        %add3A_1218 = arith.addf %add3A_1209, %get3A_1217 : vector<16xf32>
        %add3A_1219 = arith.constant 0 : i32
        %add3A_1220 = arith.addi %add3A_1219, %mul3A_958 : i32
        %add3A_1221 = arith.constant 4 : i32
        %add3A_1222 = arith.addi %add3A_1220, %add3A_1221 : i32
        %get3A_1223 = arith.index_cast %add3A_1222 : i32 to index
        %get3A_1224 = arith.constant 80 : index
        %get3A_1225 = tpu.vector_load %arg6[%get3A_1223, %get3A_1224] {strides = array<i32>} : memref<50x128xf32, #tpu.memory_space<vmem>>, vector<1x16xf32>,
        %get3A_1226 = vector.shape_cast %get3A_1225 : vector<1x16xf32> to vector<16xf32>
        %add3A_1227 = arith.addf %add3A_1218, %get3A_1226 : vector<16xf32>
        %add3A_1228 = arith.constant 0 : i32
        %add3A_1229 = arith.addi %add3A_1228, %mul3A_958 : i32
        %add3A_1230 = arith.constant 0 : i32
        %add3A_1231 = arith.addi %add3A_1229, %add3A_1230 : i32
        %get3A_1232 = arith.index_cast %add3A_1231 : i32 to index
        %get3A_1233 = arith.constant 96 : index
        %get3A_1234 = tpu.vector_load %arg6[%get3A_1232, %get3A_1233] {strides = array<i32>} : memref<50x128xf32, #tpu.memory_space<vmem>>, vector<1x16xf32>,
        %get3A_1235 = vector.shape_cast %get3A_1234 : vector<1x16xf32> to vector<16xf32>
        %add3A_1236 = arith.addf %scan3A_955, %get3A_1235 : vector<16xf32>
        %add3A_1237 = arith.constant 0 : i32
        %add3A_1238 = arith.addi %add3A_1237, %mul3A_958 : i32
        %add3A_1239 = arith.constant 1 : i32
        %add3A_1240 = arith.addi %add3A_1238, %add3A_1239 : i32
        %get3A_1241 = arith.index_cast %add3A_1240 : i32 to index
        %get3A_1242 = arith.constant 96 : index
        %get3A_1243 = tpu.vector_load %arg6[%get3A_1241, %get3A_1242] {strides = array<i32>} : memref<50x128xf32, #tpu.memory_space<vmem>>, vector<1x16xf32>,
        %get3A_1244 = vector.shape_cast %get3A_1243 : vector<1x16xf32> to vector<16xf32>
        %add3A_1245 = arith.addf %add3A_1236, %get3A_1244 : vector<16xf32>
        %add3A_1246 = arith.constant 0 : i32
        %add3A_1247 = arith.addi %add3A_1246, %mul3A_958 : i32
        %add3A_1248 = arith.constant 2 : i32
        %add3A_1249 = arith.addi %add3A_1247, %add3A_1248 : i32
        %get3A_1250 = arith.index_cast %add3A_1249 : i32 to index
        %get3A_1251 = arith.constant 96 : index
        %get3A_1252 = tpu.vector_load %arg6[%get3A_1250, %get3A_1251] {strides = array<i32>} : memref<50x128xf32, #tpu.memory_space<vmem>>, vector<1x16xf32>,
        %get3A_1253 = vector.shape_cast %get3A_1252 : vector<1x16xf32> to vector<16xf32>
        %add3A_1254 = arith.addf %add3A_1245, %get3A_1253 : vector<16xf32>
        %add3A_1255 = arith.constant 0 : i32
        %add3A_1256 = arith.addi %add3A_1255, %mul3A_958 : i32
        %add3A_1257 = arith.constant 3 : i32
        %add3A_1258 = arith.addi %add3A_1256, %add3A_1257 : i32
        %get3A_1259 = arith.index_cast %add3A_1258 : i32 to index
        %get3A_1260 = arith.constant 96 : index
        %get3A_1261 = tpu.vector_load %arg6[%get3A_1259, %get3A_1260] {strides = array<i32>} : memref<50x128xf32, #tpu.memory_space<vmem>>, vector<1x16xf32>,
        %get3A_1262 = vector.shape_cast %get3A_1261 : vector<1x16xf32> to vector<16xf32>
        %add3A_1263 = arith.addf %add3A_1254, %get3A_1262 : vector<16xf32>
        %add3A_1264 = arith.constant 0 : i32
        %add3A_1265 = arith.addi %add3A_1264, %mul3A_958 : i32
        %add3A_1266 = arith.constant 4 : i32
        %add3A_1267 = arith.addi %add3A_1265, %add3A_1266 : i32
        %get3A_1268 = arith.index_cast %add3A_1267 : i32 to index
        %get3A_1269 = arith.constant 96 : index
        %get3A_1270 = tpu.vector_load %arg6[%get3A_1268, %get3A_1269] {strides = array<i32>} : memref<50x128xf32, #tpu.memory_space<vmem>>, vector<1x16xf32>,
        %get3A_1271 = vector.shape_cast %get3A_1270 : vector<1x16xf32> to vector<16xf32>
        %add3A_1272 = arith.addf %add3A_1263, %get3A_1271 : vector<16xf32>
        %add3A_1273 = arith.constant 0 : i32
        %add3A_1274 = arith.addi %add3A_1273, %mul3A_958 : i32
        %add3A_1275 = arith.constant 0 : i32
        %add3A_1276 = arith.addi %add3A_1274, %add3A_1275 : i32
        %get3A_1277 = arith.index_cast %add3A_1276 : i32 to index
        %get3A_1278 = arith.constant 112 : index
        %get3A_1279 = tpu.vector_load %arg6[%get3A_1277, %get3A_1278] {strides = array<i32>} : memref<50x128xf32, #tpu.memory_space<vmem>>, vector<1x16xf32>,
        %get3A_1280 = vector.shape_cast %get3A_1279 : vector<1x16xf32> to vector<16xf32>
        %add3A_1281 = arith.addf %scan3A_956, %get3A_1280 : vector<16xf32>
        %add3A_1282 = arith.constant 0 : i32
        %add3A_1283 = arith.addi %add3A_1282, %mul3A_958 : i32
        %add3A_1284 = arith.constant 1 : i32
        %add3A_1285 = arith.addi %add3A_1283, %add3A_1284 : i32
        %get3A_1286 = arith.index_cast %add3A_1285 : i32 to index
        %get3A_1287 = arith.constant 112 : index
        %get3A_1288 = tpu.vector_load %arg6[%get3A_1286, %get3A_1287] {strides = array<i32>} : memref<50x128xf32, #tpu.memory_space<vmem>>, vector<1x16xf32>,
        %get3A_1289 = vector.shape_cast %get3A_1288 : vector<1x16xf32> to vector<16xf32>
        %add3A_1290 = arith.addf %add3A_1281, %get3A_1289 : vector<16xf32>
        %add3A_1291 = arith.constant 0 : i32
        %add3A_1292 = arith.addi %add3A_1291, %mul3A_958 : i32
        %add3A_1293 = arith.constant 2 : i32
        %add3A_1294 = arith.addi %add3A_1292, %add3A_1293 : i32
        %get3A_1295 = arith.index_cast %add3A_1294 : i32 to index
        %get3A_1296 = arith.constant 112 : index
        %get3A_1297 = tpu.vector_load %arg6[%get3A_1295, %get3A_1296] {strides = array<i32>} : memref<50x128xf32, #tpu.memory_space<vmem>>, vector<1x16xf32>,
        %get3A_1298 = vector.shape_cast %get3A_1297 : vector<1x16xf32> to vector<16xf32>
        %add3A_1299 = arith.addf %add3A_1290, %get3A_1298 : vector<16xf32>
        %add3A_1300 = arith.constant 0 : i32
        %add3A_1301 = arith.addi %add3A_1300, %mul3A_958 : i32
        %add3A_1302 = arith.constant 3 : i32
        %add3A_1303 = arith.addi %add3A_1301, %add3A_1302 : i32
        %get3A_1304 = arith.index_cast %add3A_1303 : i32 to index
        %get3A_1305 = arith.constant 112 : index
        %get3A_1306 = tpu.vector_load %arg6[%get3A_1304, %get3A_1305] {strides = array<i32>} : memref<50x128xf32, #tpu.memory_space<vmem>>, vector<1x16xf32>,
        %get3A_1307 = vector.shape_cast %get3A_1306 : vector<1x16xf32> to vector<16xf32>
        %add3A_1308 = arith.addf %add3A_1299, %get3A_1307 : vector<16xf32>
        %add3A_1309 = arith.constant 0 : i32
        %add3A_1310 = arith.addi %add3A_1309, %mul3A_958 : i32
        %add3A_1311 = arith.constant 4 : i32
        %add3A_1312 = arith.addi %add3A_1310, %add3A_1311 : i32
        %get3A_1313 = arith.index_cast %add3A_1312 : i32 to index
        %get3A_1314 = arith.constant 112 : index
        %get3A_1315 = tpu.vector_load %arg6[%get3A_1313, %get3A_1314] {strides = array<i32>} : memref<50x128xf32, #tpu.memory_space<vmem>>, vector<1x16xf32>,
        %get3A_1316 = vector.shape_cast %get3A_1315 : vector<1x16xf32> to vector<16xf32>
        %add3A_1317 = arith.addf %add3A_1308, %get3A_1316 : vector<16xf32>
        scf.yield %add3A_1002, %add3A_1047, %add3A_1092, %add3A_1137, %add3A_1182, %add3A_1227, %add3A_1272, %add3A_1317 : vector<16xf32>, vector<16xf32>, vector<16xf32>, vector<16xf32>, vector<16xf32>, vector<16xf32>, vector<16xf32>, vector<16xf32>
      }
      %scan3A_95 = arith.constant 10 : i32
      %mul3A_96 = arith.constant 1 : i32
      %mul3A_97 = arith.muli %add3A_69, %mul3A_96 : i32
      %add3A_98 = arith.constant 0 : i32
      %add3A_99 = arith.addi %mul3A_97, %add3A_98 : i32
      %swap3A = arith.index_cast %add3A_99 : i32 to index
      %swap3A_100 = arith.constant 0 : index
      %swap3A_101 = tpu.vector_load %arg14[%swap3A, %swap3A_100] {strides = array<i32>} : memref<128x128xf32, #tpu.memory_space<vmem>>, vector<1x16xf32>,
      %swap3A_102 = vector.shape_cast %swap3A_101 : vector<1x16xf32> to vector<16xf32>
      %swap3A_103 = vector.shape_cast %scan3A_94#0 : vector<16xf32> to vector<1x16xf32>
      tpu.vector_store %arg14[%swap3A, %swap3A_100], %swap3A_103 {strides = array<i32>} : memref<128x128xf32, #tpu.memory_space<vmem>>, vector<1x16xf32>,
      %mul3A_104 = arith.constant 1 : i32
      %mul3A_105 = arith.muli %add3A_69, %mul3A_104 : i32
      %add3A_106 = arith.constant 0 : i32
      %add3A_107 = arith.addi %mul3A_105, %add3A_106 : i32
      %swap3A_108 = arith.index_cast %add3A_107 : i32 to index
      %swap3A_109 = arith.constant 16 : index
      %swap3A_110 = tpu.vector_load %arg14[%swap3A_108, %swap3A_109] {strides = array<i32>} : memref<128x128xf32, #tpu.memory_space<vmem>>, vector<1x16xf32>,
      %swap3A_111 = vector.shape_cast %swap3A_110 : vector<1x16xf32> to vector<16xf32>
      %swap3A_112 = vector.shape_cast %scan3A_94#1 : vector<16xf32> to vector<1x16xf32>
      tpu.vector_store %arg14[%swap3A_108, %swap3A_109], %swap3A_112 {strides = array<i32>} : memref<128x128xf32, #tpu.memory_space<vmem>>, vector<1x16xf32>,
      %mul3A_113 = arith.constant 1 : i32
      %mul3A_114 = arith.muli %add3A_69, %mul3A_113 : i32
      %add3A_115 = arith.constant 0 : i32
      %add3A_116 = arith.addi %mul3A_114, %add3A_115 : i32
      %swap3A_117 = arith.index_cast %add3A_116 : i32 to index
      %swap3A_118 = arith.constant 32 : index
      %swap3A_119 = tpu.vector_load %arg14[%swap3A_117, %swap3A_118] {strides = array<i32>} : memref<128x128xf32, #tpu.memory_space<vmem>>, vector<1x16xf32>,
      %swap3A_120 = vector.shape_cast %swap3A_119 : vector<1x16xf32> to vector<16xf32>
      %swap3A_121 = vector.shape_cast %scan3A_94#2 : vector<16xf32> to vector<1x16xf32>
      tpu.vector_store %arg14[%swap3A_117, %swap3A_118], %swap3A_121 {strides = array<i32>} : memref<128x128xf32, #tpu.memory_space<vmem>>, vector<1x16xf32>,
      %mul3A_122 = arith.constant 1 : i32
      %mul3A_123 = arith.muli %add3A_69, %mul3A_122 : i32
      %add3A_124 = arith.constant 0 : i32
      %add3A_125 = arith.addi %mul3A_123, %add3A_124 : i32
      %swap3A_126 = arith.index_cast %add3A_125 : i32 to index
      %swap3A_127 = arith.constant 48 : index
      %swap3A_128 = tpu.vector_load %arg14[%swap3A_126, %swap3A_127] {strides = array<i32>} : memref<128x128xf32, #tpu.memory_space<vmem>>, vector<1x16xf32>,
      %swap3A_129 = vector.shape_cast %swap3A_128 : vector<1x16xf32> to vector<16xf32>
      %swap3A_130 = vector.shape_cast %scan3A_94#3 : vector<16xf32> to vector<1x16xf32>
      tpu.vector_store %arg14[%swap3A_126, %swap3A_127], %swap3A_130 {strides = array<i32>} : memref<128x128xf32, #tpu.memory_space<vmem>>, vector<1x16xf32>,
      %mul3A_131 = arith.constant 1 : i32
      %mul3A_132 = arith.muli %add3A_69, %mul3A_131 : i32
      %add3A_133 = arith.constant 0 : i32
      %add3A_134 = arith.addi %mul3A_132, %add3A_133 : i32
      %swap3A_135 = arith.index_cast %add3A_134 : i32 to index
      %swap3A_136 = arith.constant 64 : index
      %swap3A_137 = tpu.vector_load %arg14[%swap3A_135, %swap3A_136] {strides = array<i32>} : memref<128x128xf32, #tpu.memory_space<vmem>>, vector<1x16xf32>,
      %swap3A_138 = vector.shape_cast %swap3A_137 : vector<1x16xf32> to vector<16xf32>
      %swap3A_139 = vector.shape_cast %scan3A_94#4 : vector<16xf32> to vector<1x16xf32>
      tpu.vector_store %arg14[%swap3A_135, %swap3A_136], %swap3A_139 {strides = array<i32>} : memref<128x128xf32, #tpu.memory_space<vmem>>, vector<1x16xf32>,
      %mul3A_140 = arith.constant 1 : i32
      %mul3A_141 = arith.muli %add3A_69, %mul3A_140 : i32
      %add3A_142 = arith.constant 0 : i32
      %add3A_143 = arith.addi %mul3A_141, %add3A_142 : i32
      %swap3A_144 = arith.index_cast %add3A_143 : i32 to index
      %swap3A_145 = arith.constant 80 : index
      %swap3A_146 = tpu.vector_load %arg14[%swap3A_144, %swap3A_145] {strides = array<i32>} : memref<128x128xf32, #tpu.memory_space<vmem>>, vector<1x16xf32>,
      %swap3A_147 = vector.shape_cast %swap3A_146 : vector<1x16xf32> to vector<16xf32>
      %swap3A_148 = vector.shape_cast %scan3A_94#5 : vector<16xf32> to vector<1x16xf32>
      tpu.vector_store %arg14[%swap3A_144, %swap3A_145], %swap3A_148 {strides = array<i32>} : memref<128x128xf32, #tpu.memory_space<vmem>>, vector<1x16xf32>,
      %mul3A_149 = arith.constant 1 : i32
      %mul3A_150 = arith.muli %add3A_69, %mul3A_149 : i32
      %add3A_151 = arith.constant 0 : i32
      %add3A_152 = arith.addi %mul3A_150, %add3A_151 : i32
      %swap3A_153 = arith.index_cast %add3A_152 : i32 to index
      %swap3A_154 = arith.constant 96 : index
      %swap3A_155 = tpu.vector_load %arg14[%swap3A_153, %swap3A_154] {strides = array<i32>} : memref<128x128xf32, #tpu.memory_space<vmem>>, vector<1x16xf32>,
      %swap3A_156 = vector.shape_cast %swap3A_155 : vector<1x16xf32> to vector<16xf32>
      %swap3A_157 = vector.shape_cast %scan3A_94#6 : vector<16xf32> to vector<1x16xf32>
      tpu.vector_store %arg14[%swap3A_153, %swap3A_154], %swap3A_157 {strides = array<i32>} : memref<128x128xf32, #tpu.memory_space<vmem>>, vector<1x16xf32>,
      %mul3A_158 = arith.constant 1 : i32
      %mul3A_159 = arith.muli %add3A_69, %mul3A_158 : i32
      %add3A_160 = arith.constant 0 : i32
      %add3A_161 = arith.addi %mul3A_159, %add3A_160 : i32
      %swap3A_162 = arith.index_cast %add3A_161 : i32 to index
      %swap3A_163 = arith.constant 112 : index
      %swap3A_164 = tpu.vector_load %arg14[%swap3A_162, %swap3A_163] {strides = array<i32>} : memref<128x128xf32, #tpu.memory_space<vmem>>, vector<1x16xf32>,
      %swap3A_165 = vector.shape_cast %swap3A_164 : vector<1x16xf32> to vector<16xf32>
      %swap3A_166 = vector.shape_cast %scan3A_94#7 : vector<16xf32> to vector<1x16xf32>
      tpu.vector_store %arg14[%swap3A_162, %swap3A_163], %swap3A_166 {strides = array<i32>} : memref<128x128xf32, #tpu.memory_space<vmem>>, vector<1x16xf32>,
      %add3A_167 = arith.constant 8 : i32
      %add3A_168 = arith.addi %add3A_69, %add3A_167 : i32
      %lt3A = arith.constant 128 : i32
      %lt3A_169 = arith.cmpi slt, %add3A_168, %lt3A : i32
      %convert_element_type3A = arith.extui %lt3A_169 : i1 to i32
      %cond3A = arith.constant 0 : i32
      %cond3A_170 = arith.cmpi ne, %convert_element_type3A, %cond3A : i32
      scf.if %cond3A_170 {
        %dma_start3A_948 = arith.constant 0 : i32
        %dma_start3A_949 = tpu.memref_slice %arg5[%add3A_168, %dma_start3A_948] : memref<128x50xi32, #tpu.memory_space<vmem>> -> memref<1x50xi32, #tpu.memory_space<vmem>>
        %dma_start3A_950 = tpu.memref_squeeze %dma_start3A_949 : memref<1x50xi32, #tpu.memory_space<vmem>> -> memref<50xi32, #tpu.memory_space<vmem>>
        %dma_start3A_951 = arith.constant 0 : i32
        %dma_start3A_952 = arith.constant 0 : i32
        %dma_start3A_953 = tpu.memref_slice %arg3[%dma_start3A_951, %dma_start3A_952] : memref<100000x128xf32, #tpu.memory_space<hbm>> -> memref<100000x128xf32, #tpu.memory_space<hbm>>
        tpu.enqueue_indirect_dma source(%dma_start3A_953 : memref<100000x128xf32, #tpu.memory_space<hbm>>) target(%arg6 : memref<50x128xf32, #tpu.memory_space<vmem>>) offsets(%dma_start3A_950 : memref<50xi32, #tpu.memory_space<vmem>>) semaphore(%arg15 : memref<!tpu.dma_semaphore, #tpu.memory_space<semaphore_mem>>)
      } else {
      }
      %mul3A_171 = arith.constant 8 : i32
      %mul3A_172 = arith.muli %scan3A_65, %mul3A_171 : i32
      %add3A_173 = arith.constant 1 : i32
      %add3A_174 = arith.addi %mul3A_172, %add3A_173 : i32
      %dma_wait3A_175 = arith.constant 0 : i32
      %dma_wait3A_176 = tpu.memref_slice %arg5[%add3A_174, %dma_wait3A_175] : memref<128x50xi32, #tpu.memory_space<vmem>> -> memref<1x50xi32, #tpu.memory_space<vmem>>
      %dma_wait3A_177 = tpu.memref_squeeze %dma_wait3A_176 : memref<1x50xi32, #tpu.memory_space<vmem>> -> memref<50xi32, #tpu.memory_space<vmem>>
      %dma_wait3A_178 = arith.constant 0 : i32
      %dma_wait3A_179 = arith.constant 0 : i32
      %dma_wait3A_180 = tpu.memref_slice %arg3[%dma_wait3A_178, %dma_wait3A_179] : memref<100000x128xf32, #tpu.memory_space<hbm>> -> memref<100000x128xf32, #tpu.memory_space<hbm>>
      tpu.wait_indirect_dma semaphore(%arg16 : memref<!tpu.dma_semaphore, #tpu.memory_space<semaphore_mem>>) src(%dma_wait3A_180 : memref<100000x128xf32, #tpu.memory_space<hbm>>) dst(%arg7 : memref<50x128xf32, #tpu.memory_space<vmem>>)
      %broadcast_in_dim3A_181 = arith.constant 0.000000e+00 : f32
      %broadcast_in_dim3A_182 = vector.broadcast %broadcast_in_dim3A_181 : f32 to vector<16xf32>
      %broadcast_in_dim3A_183 = arith.constant 0.000000e+00 : f32
      %broadcast_in_dim3A_184 = vector.broadcast %broadcast_in_dim3A_183 : f32 to vector<16xf32>
      %broadcast_in_dim3A_185 = arith.constant 0.000000e+00 : f32
      %broadcast_in_dim3A_186 = vector.broadcast %broadcast_in_dim3A_185 : f32 to vector<16xf32>
      %broadcast_in_dim3A_187 = arith.constant 0.000000e+00 : f32
      %broadcast_in_dim3A_188 = vector.broadcast %broadcast_in_dim3A_187 : f32 to vector<16xf32>
      %broadcast_in_dim3A_189 = arith.constant 0.000000e+00 : f32
      %broadcast_in_dim3A_190 = vector.broadcast %broadcast_in_dim3A_189 : f32 to vector<16xf32>
      %broadcast_in_dim3A_191 = arith.constant 0.000000e+00 : f32
      %broadcast_in_dim3A_192 = vector.broadcast %broadcast_in_dim3A_191 : f32 to vector<16xf32>
      %broadcast_in_dim3A_193 = arith.constant 0.000000e+00 : f32
      %broadcast_in_dim3A_194 = vector.broadcast %broadcast_in_dim3A_193 : f32 to vector<16xf32>
      %broadcast_in_dim3A_195 = arith.constant 0.000000e+00 : f32
      %broadcast_in_dim3A_196 = vector.broadcast %broadcast_in_dim3A_195 : f32 to vector<16xf32>
      %scan3A_197 = arith.constant 0 : i32
      %scan3A_198 = arith.constant 10 : i32
      %scan3A_199 = arith.addi %scan3A_197, %scan3A_198 : i32
      %scan3A_200 = arith.constant 1 : i32
      %scan3A_201:8 = scf.for %scan3A_948 = %scan3A_197 to %scan3A_199 step %scan3A_200 iter_args(%scan3A_949 = %broadcast_in_dim3A_182, %scan3A_950 = %broadcast_in_dim3A_184, %scan3A_951 = %broadcast_in_dim3A_186, %scan3A_952 = %broadcast_in_dim3A_188, %scan3A_953 = %broadcast_in_dim3A_190, %scan3A_954 = %broadcast_in_dim3A_192, %scan3A_955 = %broadcast_in_dim3A_194, %scan3A_956 = %broadcast_in_dim3A_196) -> (vector<16xf32>, vector<16xf32>, vector<16xf32>, vector<16xf32>, vector<16xf32>, vector<16xf32>, vector<16xf32>, vector<16xf32>)  : i32 {
        %mul3A_957 = arith.constant 5 : i32
        %mul3A_958 = arith.muli %scan3A_948, %mul3A_957 : i32
        %add3A_959 = arith.constant 0 : i32
        %add3A_960 = arith.addi %add3A_959, %mul3A_958 : i32
        %add3A_961 = arith.constant 0 : i32
        %add3A_962 = arith.addi %add3A_960, %add3A_961 : i32
        %get3A = arith.index_cast %add3A_962 : i32 to index
        %get3A_963 = arith.constant 0 : index
        %get3A_964 = tpu.vector_load %arg7[%get3A, %get3A_963] {strides = array<i32>} : memref<50x128xf32, #tpu.memory_space<vmem>>, vector<1x16xf32>,
        %get3A_965 = vector.shape_cast %get3A_964 : vector<1x16xf32> to vector<16xf32>
        %add3A_966 = arith.addf %scan3A_949, %get3A_965 : vector<16xf32>
        %add3A_967 = arith.constant 0 : i32
        %add3A_968 = arith.addi %add3A_967, %mul3A_958 : i32
        %add3A_969 = arith.constant 1 : i32
        %add3A_970 = arith.addi %add3A_968, %add3A_969 : i32
        %get3A_971 = arith.index_cast %add3A_970 : i32 to index
        %get3A_972 = arith.constant 0 : index
        %get3A_973 = tpu.vector_load %arg7[%get3A_971, %get3A_972] {strides = array<i32>} : memref<50x128xf32, #tpu.memory_space<vmem>>, vector<1x16xf32>,
        %get3A_974 = vector.shape_cast %get3A_973 : vector<1x16xf32> to vector<16xf32>
        %add3A_975 = arith.addf %add3A_966, %get3A_974 : vector<16xf32>
        %add3A_976 = arith.constant 0 : i32
        %add3A_977 = arith.addi %add3A_976, %mul3A_958 : i32
        %add3A_978 = arith.constant 2 : i32
        %add3A_979 = arith.addi %add3A_977, %add3A_978 : i32
        %get3A_980 = arith.index_cast %add3A_979 : i32 to index
        %get3A_981 = arith.constant 0 : index
        %get3A_982 = tpu.vector_load %arg7[%get3A_980, %get3A_981] {strides = array<i32>} : memref<50x128xf32, #tpu.memory_space<vmem>>, vector<1x16xf32>,
        %get3A_983 = vector.shape_cast %get3A_982 : vector<1x16xf32> to vector<16xf32>
        %add3A_984 = arith.addf %add3A_975, %get3A_983 : vector<16xf32>
        %add3A_985 = arith.constant 0 : i32
        %add3A_986 = arith.addi %add3A_985, %mul3A_958 : i32
        %add3A_987 = arith.constant 3 : i32
        %add3A_988 = arith.addi %add3A_986, %add3A_987 : i32
        %get3A_989 = arith.index_cast %add3A_988 : i32 to index
        %get3A_990 = arith.constant 0 : index
        %get3A_991 = tpu.vector_load %arg7[%get3A_989, %get3A_990] {strides = array<i32>} : memref<50x128xf32, #tpu.memory_space<vmem>>, vector<1x16xf32>,
        %get3A_992 = vector.shape_cast %get3A_991 : vector<1x16xf32> to vector<16xf32>
        %add3A_993 = arith.addf %add3A_984, %get3A_992 : vector<16xf32>
        %add3A_994 = arith.constant 0 : i32
        %add3A_995 = arith.addi %add3A_994, %mul3A_958 : i32
        %add3A_996 = arith.constant 4 : i32
        %add3A_997 = arith.addi %add3A_995, %add3A_996 : i32
        %get3A_998 = arith.index_cast %add3A_997 : i32 to index
        %get3A_999 = arith.constant 0 : index
        %get3A_1000 = tpu.vector_load %arg7[%get3A_998, %get3A_999] {strides = array<i32>} : memref<50x128xf32, #tpu.memory_space<vmem>>, vector<1x16xf32>,
        %get3A_1001 = vector.shape_cast %get3A_1000 : vector<1x16xf32> to vector<16xf32>
        %add3A_1002 = arith.addf %add3A_993, %get3A_1001 : vector<16xf32>
        %add3A_1003 = arith.constant 0 : i32
        %add3A_1004 = arith.addi %add3A_1003, %mul3A_958 : i32
        %add3A_1005 = arith.constant 0 : i32
        %add3A_1006 = arith.addi %add3A_1004, %add3A_1005 : i32
        %get3A_1007 = arith.index_cast %add3A_1006 : i32 to index
        %get3A_1008 = arith.constant 16 : index
        %get3A_1009 = tpu.vector_load %arg7[%get3A_1007, %get3A_1008] {strides = array<i32>} : memref<50x128xf32, #tpu.memory_space<vmem>>, vector<1x16xf32>,
        %get3A_1010 = vector.shape_cast %get3A_1009 : vector<1x16xf32> to vector<16xf32>
        %add3A_1011 = arith.addf %scan3A_950, %get3A_1010 : vector<16xf32>
        %add3A_1012 = arith.constant 0 : i32
        %add3A_1013 = arith.addi %add3A_1012, %mul3A_958 : i32
        %add3A_1014 = arith.constant 1 : i32
        %add3A_1015 = arith.addi %add3A_1013, %add3A_1014 : i32
        %get3A_1016 = arith.index_cast %add3A_1015 : i32 to index
        %get3A_1017 = arith.constant 16 : index
        %get3A_1018 = tpu.vector_load %arg7[%get3A_1016, %get3A_1017] {strides = array<i32>} : memref<50x128xf32, #tpu.memory_space<vmem>>, vector<1x16xf32>,
        %get3A_1019 = vector.shape_cast %get3A_1018 : vector<1x16xf32> to vector<16xf32>
        %add3A_1020 = arith.addf %add3A_1011, %get3A_1019 : vector<16xf32>
        %add3A_1021 = arith.constant 0 : i32
        %add3A_1022 = arith.addi %add3A_1021, %mul3A_958 : i32
        %add3A_1023 = arith.constant 2 : i32
        %add3A_1024 = arith.addi %add3A_1022, %add3A_1023 : i32
        %get3A_1025 = arith.index_cast %add3A_1024 : i32 to index
        %get3A_1026 = arith.constant 16 : index
        %get3A_1027 = tpu.vector_load %arg7[%get3A_1025, %get3A_1026] {strides = array<i32>} : memref<50x128xf32, #tpu.memory_space<vmem>>, vector<1x16xf32>,
        %get3A_1028 = vector.shape_cast %get3A_1027 : vector<1x16xf32> to vector<16xf32>
        %add3A_1029 = arith.addf %add3A_1020, %get3A_1028 : vector<16xf32>
        %add3A_1030 = arith.constant 0 : i32
        %add3A_1031 = arith.addi %add3A_1030, %mul3A_958 : i32
        %add3A_1032 = arith.constant 3 : i32
        %add3A_1033 = arith.addi %add3A_1031, %add3A_1032 : i32
        %get3A_1034 = arith.index_cast %add3A_1033 : i32 to index
        %get3A_1035 = arith.constant 16 : index
        %get3A_1036 = tpu.vector_load %arg7[%get3A_1034, %get3A_1035] {strides = array<i32>} : memref<50x128xf32, #tpu.memory_space<vmem>>, vector<1x16xf32>,
        %get3A_1037 = vector.shape_cast %get3A_1036 : vector<1x16xf32> to vector<16xf32>
        %add3A_1038 = arith.addf %add3A_1029, %get3A_1037 : vector<16xf32>
        %add3A_1039 = arith.constant 0 : i32
        %add3A_1040 = arith.addi %add3A_1039, %mul3A_958 : i32
        %add3A_1041 = arith.constant 4 : i32
        %add3A_1042 = arith.addi %add3A_1040, %add3A_1041 : i32
        %get3A_1043 = arith.index_cast %add3A_1042 : i32 to index
        %get3A_1044 = arith.constant 16 : index
        %get3A_1045 = tpu.vector_load %arg7[%get3A_1043, %get3A_1044] {strides = array<i32>} : memref<50x128xf32, #tpu.memory_space<vmem>>, vector<1x16xf32>,
        %get3A_1046 = vector.shape_cast %get3A_1045 : vector<1x16xf32> to vector<16xf32>
        %add3A_1047 = arith.addf %add3A_1038, %get3A_1046 : vector<16xf32>
        %add3A_1048 = arith.constant 0 : i32
        %add3A_1049 = arith.addi %add3A_1048, %mul3A_958 : i32
        %add3A_1050 = arith.constant 0 : i32
        %add3A_1051 = arith.addi %add3A_1049, %add3A_1050 : i32
        %get3A_1052 = arith.index_cast %add3A_1051 : i32 to index
        %get3A_1053 = arith.constant 32 : index
        %get3A_1054 = tpu.vector_load %arg7[%get3A_1052, %get3A_1053] {strides = array<i32>} : memref<50x128xf32, #tpu.memory_space<vmem>>, vector<1x16xf32>,
        %get3A_1055 = vector.shape_cast %get3A_1054 : vector<1x16xf32> to vector<16xf32>
        %add3A_1056 = arith.addf %scan3A_951, %get3A_1055 : vector<16xf32>
        %add3A_1057 = arith.constant 0 : i32
        %add3A_1058 = arith.addi %add3A_1057, %mul3A_958 : i32
        %add3A_1059 = arith.constant 1 : i32
        %add3A_1060 = arith.addi %add3A_1058, %add3A_1059 : i32
        %get3A_1061 = arith.index_cast %add3A_1060 : i32 to index
        %get3A_1062 = arith.constant 32 : index
        %get3A_1063 = tpu.vector_load %arg7[%get3A_1061, %get3A_1062] {strides = array<i32>} : memref<50x128xf32, #tpu.memory_space<vmem>>, vector<1x16xf32>,
        %get3A_1064 = vector.shape_cast %get3A_1063 : vector<1x16xf32> to vector<16xf32>
        %add3A_1065 = arith.addf %add3A_1056, %get3A_1064 : vector<16xf32>
        %add3A_1066 = arith.constant 0 : i32
        %add3A_1067 = arith.addi %add3A_1066, %mul3A_958 : i32
        %add3A_1068 = arith.constant 2 : i32
        %add3A_1069 = arith.addi %add3A_1067, %add3A_1068 : i32
        %get3A_1070 = arith.index_cast %add3A_1069 : i32 to index
        %get3A_1071 = arith.constant 32 : index
        %get3A_1072 = tpu.vector_load %arg7[%get3A_1070, %get3A_1071] {strides = array<i32>} : memref<50x128xf32, #tpu.memory_space<vmem>>, vector<1x16xf32>,
        %get3A_1073 = vector.shape_cast %get3A_1072 : vector<1x16xf32> to vector<16xf32>
        %add3A_1074 = arith.addf %add3A_1065, %get3A_1073 : vector<16xf32>
        %add3A_1075 = arith.constant 0 : i32
        %add3A_1076 = arith.addi %add3A_1075, %mul3A_958 : i32
        %add3A_1077 = arith.constant 3 : i32
        %add3A_1078 = arith.addi %add3A_1076, %add3A_1077 : i32
        %get3A_1079 = arith.index_cast %add3A_1078 : i32 to index
        %get3A_1080 = arith.constant 32 : index
        %get3A_1081 = tpu.vector_load %arg7[%get3A_1079, %get3A_1080] {strides = array<i32>} : memref<50x128xf32, #tpu.memory_space<vmem>>, vector<1x16xf32>,
        %get3A_1082 = vector.shape_cast %get3A_1081 : vector<1x16xf32> to vector<16xf32>
        %add3A_1083 = arith.addf %add3A_1074, %get3A_1082 : vector<16xf32>
        %add3A_1084 = arith.constant 0 : i32
        %add3A_1085 = arith.addi %add3A_1084, %mul3A_958 : i32
        %add3A_1086 = arith.constant 4 : i32
        %add3A_1087 = arith.addi %add3A_1085, %add3A_1086 : i32
        %get3A_1088 = arith.index_cast %add3A_1087 : i32 to index
        %get3A_1089 = arith.constant 32 : index
        %get3A_1090 = tpu.vector_load %arg7[%get3A_1088, %get3A_1089] {strides = array<i32>} : memref<50x128xf32, #tpu.memory_space<vmem>>, vector<1x16xf32>,
        %get3A_1091 = vector.shape_cast %get3A_1090 : vector<1x16xf32> to vector<16xf32>
        %add3A_1092 = arith.addf %add3A_1083, %get3A_1091 : vector<16xf32>
        %add3A_1093 = arith.constant 0 : i32
        %add3A_1094 = arith.addi %add3A_1093, %mul3A_958 : i32
        %add3A_1095 = arith.constant 0 : i32
        %add3A_1096 = arith.addi %add3A_1094, %add3A_1095 : i32
        %get3A_1097 = arith.index_cast %add3A_1096 : i32 to index
        %get3A_1098 = arith.constant 48 : index
        %get3A_1099 = tpu.vector_load %arg7[%get3A_1097, %get3A_1098] {strides = array<i32>} : memref<50x128xf32, #tpu.memory_space<vmem>>, vector<1x16xf32>,
        %get3A_1100 = vector.shape_cast %get3A_1099 : vector<1x16xf32> to vector<16xf32>
        %add3A_1101 = arith.addf %scan3A_952, %get3A_1100 : vector<16xf32>
        %add3A_1102 = arith.constant 0 : i32
        %add3A_1103 = arith.addi %add3A_1102, %mul3A_958 : i32
        %add3A_1104 = arith.constant 1 : i32
        %add3A_1105 = arith.addi %add3A_1103, %add3A_1104 : i32
        %get3A_1106 = arith.index_cast %add3A_1105 : i32 to index
        %get3A_1107 = arith.constant 48 : index
        %get3A_1108 = tpu.vector_load %arg7[%get3A_1106, %get3A_1107] {strides = array<i32>} : memref<50x128xf32, #tpu.memory_space<vmem>>, vector<1x16xf32>,
        %get3A_1109 = vector.shape_cast %get3A_1108 : vector<1x16xf32> to vector<16xf32>
        %add3A_1110 = arith.addf %add3A_1101, %get3A_1109 : vector<16xf32>
        %add3A_1111 = arith.constant 0 : i32
        %add3A_1112 = arith.addi %add3A_1111, %mul3A_958 : i32
        %add3A_1113 = arith.constant 2 : i32
        %add3A_1114 = arith.addi %add3A_1112, %add3A_1113 : i32
        %get3A_1115 = arith.index_cast %add3A_1114 : i32 to index
        %get3A_1116 = arith.constant 48 : index
        %get3A_1117 = tpu.vector_load %arg7[%get3A_1115, %get3A_1116] {strides = array<i32>} : memref<50x128xf32, #tpu.memory_space<vmem>>, vector<1x16xf32>,
        %get3A_1118 = vector.shape_cast %get3A_1117 : vector<1x16xf32> to vector<16xf32>
        %add3A_1119 = arith.addf %add3A_1110, %get3A_1118 : vector<16xf32>
        %add3A_1120 = arith.constant 0 : i32
        %add3A_1121 = arith.addi %add3A_1120, %mul3A_958 : i32
        %add3A_1122 = arith.constant 3 : i32
        %add3A_1123 = arith.addi %add3A_1121, %add3A_1122 : i32
        %get3A_1124 = arith.index_cast %add3A_1123 : i32 to index
        %get3A_1125 = arith.constant 48 : index
        %get3A_1126 = tpu.vector_load %arg7[%get3A_1124, %get3A_1125] {strides = array<i32>} : memref<50x128xf32, #tpu.memory_space<vmem>>, vector<1x16xf32>,
        %get3A_1127 = vector.shape_cast %get3A_1126 : vector<1x16xf32> to vector<16xf32>
        %add3A_1128 = arith.addf %add3A_1119, %get3A_1127 : vector<16xf32>
        %add3A_1129 = arith.constant 0 : i32
        %add3A_1130 = arith.addi %add3A_1129, %mul3A_958 : i32
        %add3A_1131 = arith.constant 4 : i32
        %add3A_1132 = arith.addi %add3A_1130, %add3A_1131 : i32
        %get3A_1133 = arith.index_cast %add3A_1132 : i32 to index
        %get3A_1134 = arith.constant 48 : index
        %get3A_1135 = tpu.vector_load %arg7[%get3A_1133, %get3A_1134] {strides = array<i32>} : memref<50x128xf32, #tpu.memory_space<vmem>>, vector<1x16xf32>,
        %get3A_1136 = vector.shape_cast %get3A_1135 : vector<1x16xf32> to vector<16xf32>
        %add3A_1137 = arith.addf %add3A_1128, %get3A_1136 : vector<16xf32>
        %add3A_1138 = arith.constant 0 : i32
        %add3A_1139 = arith.addi %add3A_1138, %mul3A_958 : i32
        %add3A_1140 = arith.constant 0 : i32
        %add3A_1141 = arith.addi %add3A_1139, %add3A_1140 : i32
        %get3A_1142 = arith.index_cast %add3A_1141 : i32 to index
        %get3A_1143 = arith.constant 64 : index
        %get3A_1144 = tpu.vector_load %arg7[%get3A_1142, %get3A_1143] {strides = array<i32>} : memref<50x128xf32, #tpu.memory_space<vmem>>, vector<1x16xf32>,
        %get3A_1145 = vector.shape_cast %get3A_1144 : vector<1x16xf32> to vector<16xf32>
        %add3A_1146 = arith.addf %scan3A_953, %get3A_1145 : vector<16xf32>
        %add3A_1147 = arith.constant 0 : i32
        %add3A_1148 = arith.addi %add3A_1147, %mul3A_958 : i32
        %add3A_1149 = arith.constant 1 : i32
        %add3A_1150 = arith.addi %add3A_1148, %add3A_1149 : i32
        %get3A_1151 = arith.index_cast %add3A_1150 : i32 to index
        %get3A_1152 = arith.constant 64 : index
        %get3A_1153 = tpu.vector_load %arg7[%get3A_1151, %get3A_1152] {strides = array<i32>} : memref<50x128xf32, #tpu.memory_space<vmem>>, vector<1x16xf32>,
        %get3A_1154 = vector.shape_cast %get3A_1153 : vector<1x16xf32> to vector<16xf32>
        %add3A_1155 = arith.addf %add3A_1146, %get3A_1154 : vector<16xf32>
        %add3A_1156 = arith.constant 0 : i32
        %add3A_1157 = arith.addi %add3A_1156, %mul3A_958 : i32
        %add3A_1158 = arith.constant 2 : i32
        %add3A_1159 = arith.addi %add3A_1157, %add3A_1158 : i32
        %get3A_1160 = arith.index_cast %add3A_1159 : i32 to index
        %get3A_1161 = arith.constant 64 : index
        %get3A_1162 = tpu.vector_load %arg7[%get3A_1160, %get3A_1161] {strides = array<i32>} : memref<50x128xf32, #tpu.memory_space<vmem>>, vector<1x16xf32>,
        %get3A_1163 = vector.shape_cast %get3A_1162 : vector<1x16xf32> to vector<16xf32>
        %add3A_1164 = arith.addf %add3A_1155, %get3A_1163 : vector<16xf32>
        %add3A_1165 = arith.constant 0 : i32
        %add3A_1166 = arith.addi %add3A_1165, %mul3A_958 : i32
        %add3A_1167 = arith.constant 3 : i32
        %add3A_1168 = arith.addi %add3A_1166, %add3A_1167 : i32
        %get3A_1169 = arith.index_cast %add3A_1168 : i32 to index
        %get3A_1170 = arith.constant 64 : index
        %get3A_1171 = tpu.vector_load %arg7[%get3A_1169, %get3A_1170] {strides = array<i32>} : memref<50x128xf32, #tpu.memory_space<vmem>>, vector<1x16xf32>,
        %get3A_1172 = vector.shape_cast %get3A_1171 : vector<1x16xf32> to vector<16xf32>
        %add3A_1173 = arith.addf %add3A_1164, %get3A_1172 : vector<16xf32>
        %add3A_1174 = arith.constant 0 : i32
        %add3A_1175 = arith.addi %add3A_1174, %mul3A_958 : i32
        %add3A_1176 = arith.constant 4 : i32
        %add3A_1177 = arith.addi %add3A_1175, %add3A_1176 : i32
        %get3A_1178 = arith.index_cast %add3A_1177 : i32 to index
        %get3A_1179 = arith.constant 64 : index
        %get3A_1180 = tpu.vector_load %arg7[%get3A_1178, %get3A_1179] {strides = array<i32>} : memref<50x128xf32, #tpu.memory_space<vmem>>, vector<1x16xf32>,
        %get3A_1181 = vector.shape_cast %get3A_1180 : vector<1x16xf32> to vector<16xf32>
        %add3A_1182 = arith.addf %add3A_1173, %get3A_1181 : vector<16xf32>
        %add3A_1183 = arith.constant 0 : i32
        %add3A_1184 = arith.addi %add3A_1183, %mul3A_958 : i32
        %add3A_1185 = arith.constant 0 : i32
        %add3A_1186 = arith.addi %add3A_1184, %add3A_1185 : i32
        %get3A_1187 = arith.index_cast %add3A_1186 : i32 to index
        %get3A_1188 = arith.constant 80 : index
        %get3A_1189 = tpu.vector_load %arg7[%get3A_1187, %get3A_1188] {strides = array<i32>} : memref<50x128xf32, #tpu.memory_space<vmem>>, vector<1x16xf32>,
        %get3A_1190 = vector.shape_cast %get3A_1189 : vector<1x16xf32> to vector<16xf32>
        %add3A_1191 = arith.addf %scan3A_954, %get3A_1190 : vector<16xf32>
        %add3A_1192 = arith.constant 0 : i32
        %add3A_1193 = arith.addi %add3A_1192, %mul3A_958 : i32
        %add3A_1194 = arith.constant 1 : i32
        %add3A_1195 = arith.addi %add3A_1193, %add3A_1194 : i32
        %get3A_1196 = arith.index_cast %add3A_1195 : i32 to index
        %get3A_1197 = arith.constant 80 : index
        %get3A_1198 = tpu.vector_load %arg7[%get3A_1196, %get3A_1197] {strides = array<i32>} : memref<50x128xf32, #tpu.memory_space<vmem>>, vector<1x16xf32>,
        %get3A_1199 = vector.shape_cast %get3A_1198 : vector<1x16xf32> to vector<16xf32>
        %add3A_1200 = arith.addf %add3A_1191, %get3A_1199 : vector<16xf32>
        %add3A_1201 = arith.constant 0 : i32
        %add3A_1202 = arith.addi %add3A_1201, %mul3A_958 : i32
        %add3A_1203 = arith.constant 2 : i32
        %add3A_1204 = arith.addi %add3A_1202, %add3A_1203 : i32
        %get3A_1205 = arith.index_cast %add3A_1204 : i32 to index
        %get3A_1206 = arith.constant 80 : index
        %get3A_1207 = tpu.vector_load %arg7[%get3A_1205, %get3A_1206] {strides = array<i32>} : memref<50x128xf32, #tpu.memory_space<vmem>>, vector<1x16xf32>,
        %get3A_1208 = vector.shape_cast %get3A_1207 : vector<1x16xf32> to vector<16xf32>
        %add3A_1209 = arith.addf %add3A_1200, %get3A_1208 : vector<16xf32>
        %add3A_1210 = arith.constant 0 : i32
        %add3A_1211 = arith.addi %add3A_1210, %mul3A_958 : i32
        %add3A_1212 = arith.constant 3 : i32
        %add3A_1213 = arith.addi %add3A_1211, %add3A_1212 : i32
        %get3A_1214 = arith.index_cast %add3A_1213 : i32 to index
        %get3A_1215 = arith.constant 80 : index
        %get3A_1216 = tpu.vector_load %arg7[%get3A_1214, %get3A_1215] {strides = array<i32>} : memref<50x128xf32, #tpu.memory_space<vmem>>, vector<1x16xf32>,
        %get3A_1217 = vector.shape_cast %get3A_1216 : vector<1x16xf32> to vector<16xf32>
        %add3A_1218 = arith.addf %add3A_1209, %get3A_1217 : vector<16xf32>
        %add3A_1219 = arith.constant 0 : i32
        %add3A_1220 = arith.addi %add3A_1219, %mul3A_958 : i32
        %add3A_1221 = arith.constant 4 : i32
        %add3A_1222 = arith.addi %add3A_1220, %add3A_1221 : i32
        %get3A_1223 = arith.index_cast %add3A_1222 : i32 to index
        %get3A_1224 = arith.constant 80 : index
        %get3A_1225 = tpu.vector_load %arg7[%get3A_1223, %get3A_1224] {strides = array<i32>} : memref<50x128xf32, #tpu.memory_space<vmem>>, vector<1x16xf32>,
        %get3A_1226 = vector.shape_cast %get3A_1225 : vector<1x16xf32> to vector<16xf32>
        %add3A_1227 = arith.addf %add3A_1218, %get3A_1226 : vector<16xf32>
        %add3A_1228 = arith.constant 0 : i32
        %add3A_1229 = arith.addi %add3A_1228, %mul3A_958 : i32
        %add3A_1230 = arith.constant 0 : i32
        %add3A_1231 = arith.addi %add3A_1229, %add3A_1230 : i32
        %get3A_1232 = arith.index_cast %add3A_1231 : i32 to index
        %get3A_1233 = arith.constant 96 : index
        %get3A_1234 = tpu.vector_load %arg7[%get3A_1232, %get3A_1233] {strides = array<i32>} : memref<50x128xf32, #tpu.memory_space<vmem>>, vector<1x16xf32>,
        %get3A_1235 = vector.shape_cast %get3A_1234 : vector<1x16xf32> to vector<16xf32>
        %add3A_1236 = arith.addf %scan3A_955, %get3A_1235 : vector<16xf32>
        %add3A_1237 = arith.constant 0 : i32
        %add3A_1238 = arith.addi %add3A_1237, %mul3A_958 : i32
        %add3A_1239 = arith.constant 1 : i32
        %add3A_1240 = arith.addi %add3A_1238, %add3A_1239 : i32
        %get3A_1241 = arith.index_cast %add3A_1240 : i32 to index
        %get3A_1242 = arith.constant 96 : index
        %get3A_1243 = tpu.vector_load %arg7[%get3A_1241, %get3A_1242] {strides = array<i32>} : memref<50x128xf32, #tpu.memory_space<vmem>>, vector<1x16xf32>,
        %get3A_1244 = vector.shape_cast %get3A_1243 : vector<1x16xf32> to vector<16xf32>
        %add3A_1245 = arith.addf %add3A_1236, %get3A_1244 : vector<16xf32>
        %add3A_1246 = arith.constant 0 : i32
        %add3A_1247 = arith.addi %add3A_1246, %mul3A_958 : i32
        %add3A_1248 = arith.constant 2 : i32
        %add3A_1249 = arith.addi %add3A_1247, %add3A_1248 : i32
        %get3A_1250 = arith.index_cast %add3A_1249 : i32 to index
        %get3A_1251 = arith.constant 96 : index
        %get3A_1252 = tpu.vector_load %arg7[%get3A_1250, %get3A_1251] {strides = array<i32>} : memref<50x128xf32, #tpu.memory_space<vmem>>, vector<1x16xf32>,
        %get3A_1253 = vector.shape_cast %get3A_1252 : vector<1x16xf32> to vector<16xf32>
        %add3A_1254 = arith.addf %add3A_1245, %get3A_1253 : vector<16xf32>
        %add3A_1255 = arith.constant 0 : i32
        %add3A_1256 = arith.addi %add3A_1255, %mul3A_958 : i32
        %add3A_1257 = arith.constant 3 : i32
        %add3A_1258 = arith.addi %add3A_1256, %add3A_1257 : i32
        %get3A_1259 = arith.index_cast %add3A_1258 : i32 to index
        %get3A_1260 = arith.constant 96 : index
        %get3A_1261 = tpu.vector_load %arg7[%get3A_1259, %get3A_1260] {strides = array<i32>} : memref<50x128xf32, #tpu.memory_space<vmem>>, vector<1x16xf32>,
        %get3A_1262 = vector.shape_cast %get3A_1261 : vector<1x16xf32> to vector<16xf32>
        %add3A_1263 = arith.addf %add3A_1254, %get3A_1262 : vector<16xf32>
        %add3A_1264 = arith.constant 0 : i32
        %add3A_1265 = arith.addi %add3A_1264, %mul3A_958 : i32
        %add3A_1266 = arith.constant 4 : i32
        %add3A_1267 = arith.addi %add3A_1265, %add3A_1266 : i32
        %get3A_1268 = arith.index_cast %add3A_1267 : i32 to index
        %get3A_1269 = arith.constant 96 : index
        %get3A_1270 = tpu.vector_load %arg7[%get3A_1268, %get3A_1269] {strides = array<i32>} : memref<50x128xf32, #tpu.memory_space<vmem>>, vector<1x16xf32>,
        %get3A_1271 = vector.shape_cast %get3A_1270 : vector<1x16xf32> to vector<16xf32>
        %add3A_1272 = arith.addf %add3A_1263, %get3A_1271 : vector<16xf32>
        %add3A_1273 = arith.constant 0 : i32
        %add3A_1274 = arith.addi %add3A_1273, %mul3A_958 : i32
        %add3A_1275 = arith.constant 0 : i32
        %add3A_1276 = arith.addi %add3A_1274, %add3A_1275 : i32
        %get3A_1277 = arith.index_cast %add3A_1276 : i32 to index
        %get3A_1278 = arith.constant 112 : index
        %get3A_1279 = tpu.vector_load %arg7[%get3A_1277, %get3A_1278] {strides = array<i32>} : memref<50x128xf32, #tpu.memory_space<vmem>>, vector<1x16xf32>,
        %get3A_1280 = vector.shape_cast %get3A_1279 : vector<1x16xf32> to vector<16xf32>
        %add3A_1281 = arith.addf %scan3A_956, %get3A_1280 : vector<16xf32>
        %add3A_1282 = arith.constant 0 : i32
        %add3A_1283 = arith.addi %add3A_1282, %mul3A_958 : i32
        %add3A_1284 = arith.constant 1 : i32
        %add3A_1285 = arith.addi %add3A_1283, %add3A_1284 : i32
        %get3A_1286 = arith.index_cast %add3A_1285 : i32 to index
        %get3A_1287 = arith.constant 112 : index
        %get3A_1288 = tpu.vector_load %arg7[%get3A_1286, %get3A_1287] {strides = array<i32>} : memref<50x128xf32, #tpu.memory_space<vmem>>, vector<1x16xf32>,
        %get3A_1289 = vector.shape_cast %get3A_1288 : vector<1x16xf32> to vector<16xf32>
        %add3A_1290 = arith.addf %add3A_1281, %get3A_1289 : vector<16xf32>
        %add3A_1291 = arith.constant 0 : i32
        %add3A_1292 = arith.addi %add3A_1291, %mul3A_958 : i32
        %add3A_1293 = arith.constant 2 : i32
        %add3A_1294 = arith.addi %add3A_1292, %add3A_1293 : i32
        %get3A_1295 = arith.index_cast %add3A_1294 : i32 to index
        %get3A_1296 = arith.constant 112 : index
        %get3A_1297 = tpu.vector_load %arg7[%get3A_1295, %get3A_1296] {strides = array<i32>} : memref<50x128xf32, #tpu.memory_space<vmem>>, vector<1x16xf32>,
        %get3A_1298 = vector.shape_cast %get3A_1297 : vector<1x16xf32> to vector<16xf32>
        %add3A_1299 = arith.addf %add3A_1290, %get3A_1298 : vector<16xf32>
        %add3A_1300 = arith.constant 0 : i32
        %add3A_1301 = arith.addi %add3A_1300, %mul3A_958 : i32
        %add3A_1302 = arith.constant 3 : i32
        %add3A_1303 = arith.addi %add3A_1301, %add3A_1302 : i32
        %get3A_1304 = arith.index_cast %add3A_1303 : i32 to index
        %get3A_1305 = arith.constant 112 : index
        %get3A_1306 = tpu.vector_load %arg7[%get3A_1304, %get3A_1305] {strides = array<i32>} : memref<50x128xf32, #tpu.memory_space<vmem>>, vector<1x16xf32>,
        %get3A_1307 = vector.shape_cast %get3A_1306 : vector<1x16xf32> to vector<16xf32>
        %add3A_1308 = arith.addf %add3A_1299, %get3A_1307 : vector<16xf32>
        %add3A_1309 = arith.constant 0 : i32
        %add3A_1310 = arith.addi %add3A_1309, %mul3A_958 : i32
        %add3A_1311 = arith.constant 4 : i32
        %add3A_1312 = arith.addi %add3A_1310, %add3A_1311 : i32
        %get3A_1313 = arith.index_cast %add3A_1312 : i32 to index
        %get3A_1314 = arith.constant 112 : index
        %get3A_1315 = tpu.vector_load %arg7[%get3A_1313, %get3A_1314] {strides = array<i32>} : memref<50x128xf32, #tpu.memory_space<vmem>>, vector<1x16xf32>,
        %get3A_1316 = vector.shape_cast %get3A_1315 : vector<1x16xf32> to vector<16xf32>
        %add3A_1317 = arith.addf %add3A_1308, %get3A_1316 : vector<16xf32>
        scf.yield %add3A_1002, %add3A_1047, %add3A_1092, %add3A_1137, %add3A_1182, %add3A_1227, %add3A_1272, %add3A_1317 : vector<16xf32>, vector<16xf32>, vector<16xf32>, vector<16xf32>, vector<16xf32>, vector<16xf32>, vector<16xf32>, vector<16xf32>
      }
      %scan3A_202 = arith.constant 10 : i32
      %mul3A_203 = arith.constant 1 : i32
      %mul3A_204 = arith.muli %add3A_174, %mul3A_203 : i32
      %add3A_205 = arith.constant 0 : i32
      %add3A_206 = arith.addi %mul3A_204, %add3A_205 : i32
      %swap3A_207 = arith.index_cast %add3A_206 : i32 to index
      %swap3A_208 = arith.constant 0 : index
      %swap3A_209 = tpu.vector_load %arg14[%swap3A_207, %swap3A_208] {strides = array<i32>} : memref<128x128xf32, #tpu.memory_space<vmem>>, vector<1x16xf32>,
      %swap3A_210 = vector.shape_cast %swap3A_209 : vector<1x16xf32> to vector<16xf32>
      %swap3A_211 = vector.shape_cast %scan3A_201#0 : vector<16xf32> to vector<1x16xf32>
      tpu.vector_store %arg14[%swap3A_207, %swap3A_208], %swap3A_211 {strides = array<i32>} : memref<128x128xf32, #tpu.memory_space<vmem>>, vector<1x16xf32>,
      %mul3A_212 = arith.constant 1 : i32
      %mul3A_213 = arith.muli %add3A_174, %mul3A_212 : i32
      %add3A_214 = arith.constant 0 : i32
      %add3A_215 = arith.addi %mul3A_213, %add3A_214 : i32
      %swap3A_216 = arith.index_cast %add3A_215 : i32 to index
      %swap3A_217 = arith.constant 16 : index
      %swap3A_218 = tpu.vector_load %arg14[%swap3A_216, %swap3A_217] {strides = array<i32>} : memref<128x128xf32, #tpu.memory_space<vmem>>, vector<1x16xf32>,
      %swap3A_219 = vector.shape_cast %swap3A_218 : vector<1x16xf32> to vector<16xf32>
      %swap3A_220 = vector.shape_cast %scan3A_201#1 : vector<16xf32> to vector<1x16xf32>
      tpu.vector_store %arg14[%swap3A_216, %swap3A_217], %swap3A_220 {strides = array<i32>} : memref<128x128xf32, #tpu.memory_space<vmem>>, vector<1x16xf32>,
      %mul3A_221 = arith.constant 1 : i32
      %mul3A_222 = arith.muli %add3A_174, %mul3A_221 : i32
      %add3A_223 = arith.constant 0 : i32
      %add3A_224 = arith.addi %mul3A_222, %add3A_223 : i32
      %swap3A_225 = arith.index_cast %add3A_224 : i32 to index
      %swap3A_226 = arith.constant 32 : index
      %swap3A_227 = tpu.vector_load %arg14[%swap3A_225, %swap3A_226] {strides = array<i32>} : memref<128x128xf32, #tpu.memory_space<vmem>>, vector<1x16xf32>,
      %swap3A_228 = vector.shape_cast %swap3A_227 : vector<1x16xf32> to vector<16xf32>
      %swap3A_229 = vector.shape_cast %scan3A_201#2 : vector<16xf32> to vector<1x16xf32>
      tpu.vector_store %arg14[%swap3A_225, %swap3A_226], %swap3A_229 {strides = array<i32>} : memref<128x128xf32, #tpu.memory_space<vmem>>, vector<1x16xf32>,
      %mul3A_230 = arith.constant 1 : i32
      %mul3A_231 = arith.muli %add3A_174, %mul3A_230 : i32
      %add3A_232 = arith.constant 0 : i32
      %add3A_233 = arith.addi %mul3A_231, %add3A_232 : i32
      %swap3A_234 = arith.index_cast %add3A_233 : i32 to index
      %swap3A_235 = arith.constant 48 : index
      %swap3A_236 = tpu.vector_load %arg14[%swap3A_234, %swap3A_235] {strides = array<i32>} : memref<128x128xf32, #tpu.memory_space<vmem>>, vector<1x16xf32>,
      %swap3A_237 = vector.shape_cast %swap3A_236 : vector<1x16xf32> to vector<16xf32>
      %swap3A_238 = vector.shape_cast %scan3A_201#3 : vector<16xf32> to vector<1x16xf32>
      tpu.vector_store %arg14[%swap3A_234, %swap3A_235], %swap3A_238 {strides = array<i32>} : memref<128x128xf32, #tpu.memory_space<vmem>>, vector<1x16xf32>,
      %mul3A_239 = arith.constant 1 : i32
      %mul3A_240 = arith.muli %add3A_174, %mul3A_239 : i32
      %add3A_241 = arith.constant 0 : i32
      %add3A_242 = arith.addi %mul3A_240, %add3A_241 : i32
      %swap3A_243 = arith.index_cast %add3A_242 : i32 to index
      %swap3A_244 = arith.constant 64 : index
      %swap3A_245 = tpu.vector_load %arg14[%swap3A_243, %swap3A_244] {strides = array<i32>} : memref<128x128xf32, #tpu.memory_space<vmem>>, vector<1x16xf32>,
      %swap3A_246 = vector.shape_cast %swap3A_245 : vector<1x16xf32> to vector<16xf32>
      %swap3A_247 = vector.shape_cast %scan3A_201#4 : vector<16xf32> to vector<1x16xf32>
      tpu.vector_store %arg14[%swap3A_243, %swap3A_244], %swap3A_247 {strides = array<i32>} : memref<128x128xf32, #tpu.memory_space<vmem>>, vector<1x16xf32>,
      %mul3A_248 = arith.constant 1 : i32
      %mul3A_249 = arith.muli %add3A_174, %mul3A_248 : i32
      %add3A_250 = arith.constant 0 : i32
      %add3A_251 = arith.addi %mul3A_249, %add3A_250 : i32
      %swap3A_252 = arith.index_cast %add3A_251 : i32 to index
      %swap3A_253 = arith.constant 80 : index
      %swap3A_254 = tpu.vector_load %arg14[%swap3A_252, %swap3A_253] {strides = array<i32>} : memref<128x128xf32, #tpu.memory_space<vmem>>, vector<1x16xf32>,
      %swap3A_255 = vector.shape_cast %swap3A_254 : vector<1x16xf32> to vector<16xf32>
      %swap3A_256 = vector.shape_cast %scan3A_201#5 : vector<16xf32> to vector<1x16xf32>
      tpu.vector_store %arg14[%swap3A_252, %swap3A_253], %swap3A_256 {strides = array<i32>} : memref<128x128xf32, #tpu.memory_space<vmem>>, vector<1x16xf32>,
      %mul3A_257 = arith.constant 1 : i32
      %mul3A_258 = arith.muli %add3A_174, %mul3A_257 : i32
      %add3A_259 = arith.constant 0 : i32
      %add3A_260 = arith.addi %mul3A_258, %add3A_259 : i32
      %swap3A_261 = arith.index_cast %add3A_260 : i32 to index
      %swap3A_262 = arith.constant 96 : index
      %swap3A_263 = tpu.vector_load %arg14[%swap3A_261, %swap3A_262] {strides = array<i32>} : memref<128x128xf32, #tpu.memory_space<vmem>>, vector<1x16xf32>,
      %swap3A_264 = vector.shape_cast %swap3A_263 : vector<1x16xf32> to vector<16xf32>
      %swap3A_265 = vector.shape_cast %scan3A_201#6 : vector<16xf32> to vector<1x16xf32>
      tpu.vector_store %arg14[%swap3A_261, %swap3A_262], %swap3A_265 {strides = array<i32>} : memref<128x128xf32, #tpu.memory_space<vmem>>, vector<1x16xf32>,
      %mul3A_266 = arith.constant 1 : i32
      %mul3A_267 = arith.muli %add3A_174, %mul3A_266 : i32
      %add3A_268 = arith.constant 0 : i32
      %add3A_269 = arith.addi %mul3A_267, %add3A_268 : i32
      %swap3A_270 = arith.index_cast %add3A_269 : i32 to index
      %swap3A_271 = arith.constant 112 : index
      %swap3A_272 = tpu.vector_load %arg14[%swap3A_270, %swap3A_271] {strides = array<i32>} : memref<128x128xf32, #tpu.memory_space<vmem>>, vector<1x16xf32>,
      %swap3A_273 = vector.shape_cast %swap3A_272 : vector<1x16xf32> to vector<16xf32>
      %swap3A_274 = vector.shape_cast %scan3A_201#7 : vector<16xf32> to vector<1x16xf32>
      tpu.vector_store %arg14[%swap3A_270, %swap3A_271], %swap3A_274 {strides = array<i32>} : memref<128x128xf32, #tpu.memory_space<vmem>>, vector<1x16xf32>,
      %add3A_275 = arith.constant 8 : i32
      %add3A_276 = arith.addi %add3A_174, %add3A_275 : i32
      %lt3A_277 = arith.constant 128 : i32
      %lt3A_278 = arith.cmpi slt, %add3A_276, %lt3A_277 : i32
      %convert_element_type3A_279 = arith.extui %lt3A_278 : i1 to i32
      %cond3A_280 = arith.constant 0 : i32
      %cond3A_281 = arith.cmpi ne, %convert_element_type3A_279, %cond3A_280 : i32
      scf.if %cond3A_281 {
        %dma_start3A_948 = arith.constant 0 : i32
        %dma_start3A_949 = tpu.memref_slice %arg5[%add3A_276, %dma_start3A_948] : memref<128x50xi32, #tpu.memory_space<vmem>> -> memref<1x50xi32, #tpu.memory_space<vmem>>
        %dma_start3A_950 = tpu.memref_squeeze %dma_start3A_949 : memref<1x50xi32, #tpu.memory_space<vmem>> -> memref<50xi32, #tpu.memory_space<vmem>>
        %dma_start3A_951 = arith.constant 0 : i32
        %dma_start3A_952 = arith.constant 0 : i32
        %dma_start3A_953 = tpu.memref_slice %arg3[%dma_start3A_951, %dma_start3A_952] : memref<100000x128xf32, #tpu.memory_space<hbm>> -> memref<100000x128xf32, #tpu.memory_space<hbm>>
        tpu.enqueue_indirect_dma source(%dma_start3A_953 : memref<100000x128xf32, #tpu.memory_space<hbm>>) target(%arg7 : memref<50x128xf32, #tpu.memory_space<vmem>>) offsets(%dma_start3A_950 : memref<50xi32, #tpu.memory_space<vmem>>) semaphore(%arg16 : memref<!tpu.dma_semaphore, #tpu.memory_space<semaphore_mem>>)
      } else {
      }
      %mul3A_282 = arith.constant 8 : i32
      %mul3A_283 = arith.muli %scan3A_65, %mul3A_282 : i32
      %add3A_284 = arith.constant 2 : i32
      %add3A_285 = arith.addi %mul3A_283, %add3A_284 : i32
      %dma_wait3A_286 = arith.constant 0 : i32
      %dma_wait3A_287 = tpu.memref_slice %arg5[%add3A_285, %dma_wait3A_286] : memref<128x50xi32, #tpu.memory_space<vmem>> -> memref<1x50xi32, #tpu.memory_space<vmem>>
      %dma_wait3A_288 = tpu.memref_squeeze %dma_wait3A_287 : memref<1x50xi32, #tpu.memory_space<vmem>> -> memref<50xi32, #tpu.memory_space<vmem>>
      %dma_wait3A_289 = arith.constant 0 : i32
      %dma_wait3A_290 = arith.constant 0 : i32
      %dma_wait3A_291 = tpu.memref_slice %arg3[%dma_wait3A_289, %dma_wait3A_290] : memref<100000x128xf32, #tpu.memory_space<hbm>> -> memref<100000x128xf32, #tpu.memory_space<hbm>>
      tpu.wait_indirect_dma semaphore(%arg17 : memref<!tpu.dma_semaphore, #tpu.memory_space<semaphore_mem>>) src(%dma_wait3A_291 : memref<100000x128xf32, #tpu.memory_space<hbm>>) dst(%arg8 : memref<50x128xf32, #tpu.memory_space<vmem>>)
      %broadcast_in_dim3A_292 = arith.constant 0.000000e+00 : f32
      %broadcast_in_dim3A_293 = vector.broadcast %broadcast_in_dim3A_292 : f32 to vector<16xf32>
      %broadcast_in_dim3A_294 = arith.constant 0.000000e+00 : f32
      %broadcast_in_dim3A_295 = vector.broadcast %broadcast_in_dim3A_294 : f32 to vector<16xf32>
      %broadcast_in_dim3A_296 = arith.constant 0.000000e+00 : f32
      %broadcast_in_dim3A_297 = vector.broadcast %broadcast_in_dim3A_296 : f32 to vector<16xf32>
      %broadcast_in_dim3A_298 = arith.constant 0.000000e+00 : f32
      %broadcast_in_dim3A_299 = vector.broadcast %broadcast_in_dim3A_298 : f32 to vector<16xf32>
      %broadcast_in_dim3A_300 = arith.constant 0.000000e+00 : f32
      %broadcast_in_dim3A_301 = vector.broadcast %broadcast_in_dim3A_300 : f32 to vector<16xf32>
      %broadcast_in_dim3A_302 = arith.constant 0.000000e+00 : f32
      %broadcast_in_dim3A_303 = vector.broadcast %broadcast_in_dim3A_302 : f32 to vector<16xf32>
      %broadcast_in_dim3A_304 = arith.constant 0.000000e+00 : f32
      %broadcast_in_dim3A_305 = vector.broadcast %broadcast_in_dim3A_304 : f32 to vector<16xf32>
      %broadcast_in_dim3A_306 = arith.constant 0.000000e+00 : f32
      %broadcast_in_dim3A_307 = vector.broadcast %broadcast_in_dim3A_306 : f32 to vector<16xf32>
      %scan3A_308 = arith.constant 0 : i32
      %scan3A_309 = arith.constant 10 : i32
      %scan3A_310 = arith.addi %scan3A_308, %scan3A_309 : i32
      %scan3A_311 = arith.constant 1 : i32
      %scan3A_312:8 = scf.for %scan3A_948 = %scan3A_308 to %scan3A_310 step %scan3A_311 iter_args(%scan3A_949 = %broadcast_in_dim3A_293, %scan3A_950 = %broadcast_in_dim3A_295, %scan3A_951 = %broadcast_in_dim3A_297, %scan3A_952 = %broadcast_in_dim3A_299, %scan3A_953 = %broadcast_in_dim3A_301, %scan3A_954 = %broadcast_in_dim3A_303, %scan3A_955 = %broadcast_in_dim3A_305, %scan3A_956 = %broadcast_in_dim3A_307) -> (vector<16xf32>, vector<16xf32>, vector<16xf32>, vector<16xf32>, vector<16xf32>, vector<16xf32>, vector<16xf32>, vector<16xf32>)  : i32 {
        %mul3A_957 = arith.constant 5 : i32
        %mul3A_958 = arith.muli %scan3A_948, %mul3A_957 : i32
        %add3A_959 = arith.constant 0 : i32
        %add3A_960 = arith.addi %add3A_959, %mul3A_958 : i32
        %add3A_961 = arith.constant 0 : i32
        %add3A_962 = arith.addi %add3A_960, %add3A_961 : i32
        %get3A = arith.index_cast %add3A_962 : i32 to index
        %get3A_963 = arith.constant 0 : index
        %get3A_964 = tpu.vector_load %arg8[%get3A, %get3A_963] {strides = array<i32>} : memref<50x128xf32, #tpu.memory_space<vmem>>, vector<1x16xf32>,
        %get3A_965 = vector.shape_cast %get3A_964 : vector<1x16xf32> to vector<16xf32>
        %add3A_966 = arith.addf %scan3A_949, %get3A_965 : vector<16xf32>
        %add3A_967 = arith.constant 0 : i32
        %add3A_968 = arith.addi %add3A_967, %mul3A_958 : i32
        %add3A_969 = arith.constant 1 : i32
        %add3A_970 = arith.addi %add3A_968, %add3A_969 : i32
        %get3A_971 = arith.index_cast %add3A_970 : i32 to index
        %get3A_972 = arith.constant 0 : index
        %get3A_973 = tpu.vector_load %arg8[%get3A_971, %get3A_972] {strides = array<i32>} : memref<50x128xf32, #tpu.memory_space<vmem>>, vector<1x16xf32>,
        %get3A_974 = vector.shape_cast %get3A_973 : vector<1x16xf32> to vector<16xf32>
        %add3A_975 = arith.addf %add3A_966, %get3A_974 : vector<16xf32>
        %add3A_976 = arith.constant 0 : i32
        %add3A_977 = arith.addi %add3A_976, %mul3A_958 : i32
        %add3A_978 = arith.constant 2 : i32
        %add3A_979 = arith.addi %add3A_977, %add3A_978 : i32
        %get3A_980 = arith.index_cast %add3A_979 : i32 to index
        %get3A_981 = arith.constant 0 : index
        %get3A_982 = tpu.vector_load %arg8[%get3A_980, %get3A_981] {strides = array<i32>} : memref<50x128xf32, #tpu.memory_space<vmem>>, vector<1x16xf32>,
        %get3A_983 = vector.shape_cast %get3A_982 : vector<1x16xf32> to vector<16xf32>
        %add3A_984 = arith.addf %add3A_975, %get3A_983 : vector<16xf32>
        %add3A_985 = arith.constant 0 : i32
        %add3A_986 = arith.addi %add3A_985, %mul3A_958 : i32
        %add3A_987 = arith.constant 3 : i32
        %add3A_988 = arith.addi %add3A_986, %add3A_987 : i32
        %get3A_989 = arith.index_cast %add3A_988 : i32 to index
        %get3A_990 = arith.constant 0 : index
        %get3A_991 = tpu.vector_load %arg8[%get3A_989, %get3A_990] {strides = array<i32>} : memref<50x128xf32, #tpu.memory_space<vmem>>, vector<1x16xf32>,
        %get3A_992 = vector.shape_cast %get3A_991 : vector<1x16xf32> to vector<16xf32>
        %add3A_993 = arith.addf %add3A_984, %get3A_992 : vector<16xf32>
        %add3A_994 = arith.constant 0 : i32
        %add3A_995 = arith.addi %add3A_994, %mul3A_958 : i32
        %add3A_996 = arith.constant 4 : i32
        %add3A_997 = arith.addi %add3A_995, %add3A_996 : i32
        %get3A_998 = arith.index_cast %add3A_997 : i32 to index
        %get3A_999 = arith.constant 0 : index
        %get3A_1000 = tpu.vector_load %arg8[%get3A_998, %get3A_999] {strides = array<i32>} : memref<50x128xf32, #tpu.memory_space<vmem>>, vector<1x16xf32>,
        %get3A_1001 = vector.shape_cast %get3A_1000 : vector<1x16xf32> to vector<16xf32>
        %add3A_1002 = arith.addf %add3A_993, %get3A_1001 : vector<16xf32>
        %add3A_1003 = arith.constant 0 : i32
        %add3A_1004 = arith.addi %add3A_1003, %mul3A_958 : i32
        %add3A_1005 = arith.constant 0 : i32
        %add3A_1006 = arith.addi %add3A_1004, %add3A_1005 : i32
        %get3A_1007 = arith.index_cast %add3A_1006 : i32 to index
        %get3A_1008 = arith.constant 16 : index
        %get3A_1009 = tpu.vector_load %arg8[%get3A_1007, %get3A_1008] {strides = array<i32>} : memref<50x128xf32, #tpu.memory_space<vmem>>, vector<1x16xf32>,
        %get3A_1010 = vector.shape_cast %get3A_1009 : vector<1x16xf32> to vector<16xf32>
        %add3A_1011 = arith.addf %scan3A_950, %get3A_1010 : vector<16xf32>
        %add3A_1012 = arith.constant 0 : i32
        %add3A_1013 = arith.addi %add3A_1012, %mul3A_958 : i32
        %add3A_1014 = arith.constant 1 : i32
        %add3A_1015 = arith.addi %add3A_1013, %add3A_1014 : i32
        %get3A_1016 = arith.index_cast %add3A_1015 : i32 to index
        %get3A_1017 = arith.constant 16 : index
        %get3A_1018 = tpu.vector_load %arg8[%get3A_1016, %get3A_1017] {strides = array<i32>} : memref<50x128xf32, #tpu.memory_space<vmem>>, vector<1x16xf32>,
        %get3A_1019 = vector.shape_cast %get3A_1018 : vector<1x16xf32> to vector<16xf32>
        %add3A_1020 = arith.addf %add3A_1011, %get3A_1019 : vector<16xf32>
        %add3A_1021 = arith.constant 0 : i32
        %add3A_1022 = arith.addi %add3A_1021, %mul3A_958 : i32
        %add3A_1023 = arith.constant 2 : i32
        %add3A_1024 = arith.addi %add3A_1022, %add3A_1023 : i32
        %get3A_1025 = arith.index_cast %add3A_1024 : i32 to index
        %get3A_1026 = arith.constant 16 : index
        %get3A_1027 = tpu.vector_load %arg8[%get3A_1025, %get3A_1026] {strides = array<i32>} : memref<50x128xf32, #tpu.memory_space<vmem>>, vector<1x16xf32>,
        %get3A_1028 = vector.shape_cast %get3A_1027 : vector<1x16xf32> to vector<16xf32>
        %add3A_1029 = arith.addf %add3A_1020, %get3A_1028 : vector<16xf32>
        %add3A_1030 = arith.constant 0 : i32
        %add3A_1031 = arith.addi %add3A_1030, %mul3A_958 : i32
        %add3A_1032 = arith.constant 3 : i32
        %add3A_1033 = arith.addi %add3A_1031, %add3A_1032 : i32
        %get3A_1034 = arith.index_cast %add3A_1033 : i32 to index
        %get3A_1035 = arith.constant 16 : index
        %get3A_1036 = tpu.vector_load %arg8[%get3A_1034, %get3A_1035] {strides = array<i32>} : memref<50x128xf32, #tpu.memory_space<vmem>>, vector<1x16xf32>,
        %get3A_1037 = vector.shape_cast %get3A_1036 : vector<1x16xf32> to vector<16xf32>
        %add3A_1038 = arith.addf %add3A_1029, %get3A_1037 : vector<16xf32>
        %add3A_1039 = arith.constant 0 : i32
        %add3A_1040 = arith.addi %add3A_1039, %mul3A_958 : i32
        %add3A_1041 = arith.constant 4 : i32
        %add3A_1042 = arith.addi %add3A_1040, %add3A_1041 : i32
        %get3A_1043 = arith.index_cast %add3A_1042 : i32 to index
        %get3A_1044 = arith.constant 16 : index
        %get3A_1045 = tpu.vector_load %arg8[%get3A_1043, %get3A_1044] {strides = array<i32>} : memref<50x128xf32, #tpu.memory_space<vmem>>, vector<1x16xf32>,
        %get3A_1046 = vector.shape_cast %get3A_1045 : vector<1x16xf32> to vector<16xf32>
        %add3A_1047 = arith.addf %add3A_1038, %get3A_1046 : vector<16xf32>
        %add3A_1048 = arith.constant 0 : i32
        %add3A_1049 = arith.addi %add3A_1048, %mul3A_958 : i32
        %add3A_1050 = arith.constant 0 : i32
        %add3A_1051 = arith.addi %add3A_1049, %add3A_1050 : i32
        %get3A_1052 = arith.index_cast %add3A_1051 : i32 to index
        %get3A_1053 = arith.constant 32 : index
        %get3A_1054 = tpu.vector_load %arg8[%get3A_1052, %get3A_1053] {strides = array<i32>} : memref<50x128xf32, #tpu.memory_space<vmem>>, vector<1x16xf32>,
        %get3A_1055 = vector.shape_cast %get3A_1054 : vector<1x16xf32> to vector<16xf32>
        %add3A_1056 = arith.addf %scan3A_951, %get3A_1055 : vector<16xf32>
        %add3A_1057 = arith.constant 0 : i32
        %add3A_1058 = arith.addi %add3A_1057, %mul3A_958 : i32
        %add3A_1059 = arith.constant 1 : i32
        %add3A_1060 = arith.addi %add3A_1058, %add3A_1059 : i32
        %get3A_1061 = arith.index_cast %add3A_1060 : i32 to index
        %get3A_1062 = arith.constant 32 : index
        %get3A_1063 = tpu.vector_load %arg8[%get3A_1061, %get3A_1062] {strides = array<i32>} : memref<50x128xf32, #tpu.memory_space<vmem>>, vector<1x16xf32>,
        %get3A_1064 = vector.shape_cast %get3A_1063 : vector<1x16xf32> to vector<16xf32>
        %add3A_1065 = arith.addf %add3A_1056, %get3A_1064 : vector<16xf32>
        %add3A_1066 = arith.constant 0 : i32
        %add3A_1067 = arith.addi %add3A_1066, %mul3A_958 : i32
        %add3A_1068 = arith.constant 2 : i32
        %add3A_1069 = arith.addi %add3A_1067, %add3A_1068 : i32
        %get3A_1070 = arith.index_cast %add3A_1069 : i32 to index
        %get3A_1071 = arith.constant 32 : index
        %get3A_1072 = tpu.vector_load %arg8[%get3A_1070, %get3A_1071] {strides = array<i32>} : memref<50x128xf32, #tpu.memory_space<vmem>>, vector<1x16xf32>,
        %get3A_1073 = vector.shape_cast %get3A_1072 : vector<1x16xf32> to vector<16xf32>
        %add3A_1074 = arith.addf %add3A_1065, %get3A_1073 : vector<16xf32>
        %add3A_1075 = arith.constant 0 : i32
        %add3A_1076 = arith.addi %add3A_1075, %mul3A_958 : i32
        %add3A_1077 = arith.constant 3 : i32
        %add3A_1078 = arith.addi %add3A_1076, %add3A_1077 : i32
        %get3A_1079 = arith.index_cast %add3A_1078 : i32 to index
        %get3A_1080 = arith.constant 32 : index
        %get3A_1081 = tpu.vector_load %arg8[%get3A_1079, %get3A_1080] {strides = array<i32>} : memref<50x128xf32, #tpu.memory_space<vmem>>, vector<1x16xf32>,
        %get3A_1082 = vector.shape_cast %get3A_1081 : vector<1x16xf32> to vector<16xf32>
        %add3A_1083 = arith.addf %add3A_1074, %get3A_1082 : vector<16xf32>
        %add3A_1084 = arith.constant 0 : i32
        %add3A_1085 = arith.addi %add3A_1084, %mul3A_958 : i32
        %add3A_1086 = arith.constant 4 : i32
        %add3A_1087 = arith.addi %add3A_1085, %add3A_1086 : i32
        %get3A_1088 = arith.index_cast %add3A_1087 : i32 to index
        %get3A_1089 = arith.constant 32 : index
        %get3A_1090 = tpu.vector_load %arg8[%get3A_1088, %get3A_1089] {strides = array<i32>} : memref<50x128xf32, #tpu.memory_space<vmem>>, vector<1x16xf32>,
        %get3A_1091 = vector.shape_cast %get3A_1090 : vector<1x16xf32> to vector<16xf32>
        %add3A_1092 = arith.addf %add3A_1083, %get3A_1091 : vector<16xf32>
        %add3A_1093 = arith.constant 0 : i32
        %add3A_1094 = arith.addi %add3A_1093, %mul3A_958 : i32
        %add3A_1095 = arith.constant 0 : i32
        %add3A_1096 = arith.addi %add3A_1094, %add3A_1095 : i32
        %get3A_1097 = arith.index_cast %add3A_1096 : i32 to index
        %get3A_1098 = arith.constant 48 : index
        %get3A_1099 = tpu.vector_load %arg8[%get3A_1097, %get3A_1098] {strides = array<i32>} : memref<50x128xf32, #tpu.memory_space<vmem>>, vector<1x16xf32>,
        %get3A_1100 = vector.shape_cast %get3A_1099 : vector<1x16xf32> to vector<16xf32>
        %add3A_1101 = arith.addf %scan3A_952, %get3A_1100 : vector<16xf32>
        %add3A_1102 = arith.constant 0 : i32
        %add3A_1103 = arith.addi %add3A_1102, %mul3A_958 : i32
        %add3A_1104 = arith.constant 1 : i32
        %add3A_1105 = arith.addi %add3A_1103, %add3A_1104 : i32
        %get3A_1106 = arith.index_cast %add3A_1105 : i32 to index
        %get3A_1107 = arith.constant 48 : index
        %get3A_1108 = tpu.vector_load %arg8[%get3A_1106, %get3A_1107] {strides = array<i32>} : memref<50x128xf32, #tpu.memory_space<vmem>>, vector<1x16xf32>,
        %get3A_1109 = vector.shape_cast %get3A_1108 : vector<1x16xf32> to vector<16xf32>
        %add3A_1110 = arith.addf %add3A_1101, %get3A_1109 : vector<16xf32>
        %add3A_1111 = arith.constant 0 : i32
        %add3A_1112 = arith.addi %add3A_1111, %mul3A_958 : i32
        %add3A_1113 = arith.constant 2 : i32
        %add3A_1114 = arith.addi %add3A_1112, %add3A_1113 : i32
        %get3A_1115 = arith.index_cast %add3A_1114 : i32 to index
        %get3A_1116 = arith.constant 48 : index
        %get3A_1117 = tpu.vector_load %arg8[%get3A_1115, %get3A_1116] {strides = array<i32>} : memref<50x128xf32, #tpu.memory_space<vmem>>, vector<1x16xf32>,
        %get3A_1118 = vector.shape_cast %get3A_1117 : vector<1x16xf32> to vector<16xf32>
        %add3A_1119 = arith.addf %add3A_1110, %get3A_1118 : vector<16xf32>
        %add3A_1120 = arith.constant 0 : i32
        %add3A_1121 = arith.addi %add3A_1120, %mul3A_958 : i32
        %add3A_1122 = arith.constant 3 : i32
        %add3A_1123 = arith.addi %add3A_1121, %add3A_1122 : i32
        %get3A_1124 = arith.index_cast %add3A_1123 : i32 to index
        %get3A_1125 = arith.constant 48 : index
        %get3A_1126 = tpu.vector_load %arg8[%get3A_1124, %get3A_1125] {strides = array<i32>} : memref<50x128xf32, #tpu.memory_space<vmem>>, vector<1x16xf32>,
        %get3A_1127 = vector.shape_cast %get3A_1126 : vector<1x16xf32> to vector<16xf32>
        %add3A_1128 = arith.addf %add3A_1119, %get3A_1127 : vector<16xf32>
        %add3A_1129 = arith.constant 0 : i32
        %add3A_1130 = arith.addi %add3A_1129, %mul3A_958 : i32
        %add3A_1131 = arith.constant 4 : i32
        %add3A_1132 = arith.addi %add3A_1130, %add3A_1131 : i32
        %get3A_1133 = arith.index_cast %add3A_1132 : i32 to index
        %get3A_1134 = arith.constant 48 : index
        %get3A_1135 = tpu.vector_load %arg8[%get3A_1133, %get3A_1134] {strides = array<i32>} : memref<50x128xf32, #tpu.memory_space<vmem>>, vector<1x16xf32>,
        %get3A_1136 = vector.shape_cast %get3A_1135 : vector<1x16xf32> to vector<16xf32>
        %add3A_1137 = arith.addf %add3A_1128, %get3A_1136 : vector<16xf32>
        %add3A_1138 = arith.constant 0 : i32
        %add3A_1139 = arith.addi %add3A_1138, %mul3A_958 : i32
        %add3A_1140 = arith.constant 0 : i32
        %add3A_1141 = arith.addi %add3A_1139, %add3A_1140 : i32
        %get3A_1142 = arith.index_cast %add3A_1141 : i32 to index
        %get3A_1143 = arith.constant 64 : index
        %get3A_1144 = tpu.vector_load %arg8[%get3A_1142, %get3A_1143] {strides = array<i32>} : memref<50x128xf32, #tpu.memory_space<vmem>>, vector<1x16xf32>,
        %get3A_1145 = vector.shape_cast %get3A_1144 : vector<1x16xf32> to vector<16xf32>
        %add3A_1146 = arith.addf %scan3A_953, %get3A_1145 : vector<16xf32>
        %add3A_1147 = arith.constant 0 : i32
        %add3A_1148 = arith.addi %add3A_1147, %mul3A_958 : i32
        %add3A_1149 = arith.constant 1 : i32
        %add3A_1150 = arith.addi %add3A_1148, %add3A_1149 : i32
        %get3A_1151 = arith.index_cast %add3A_1150 : i32 to index
        %get3A_1152 = arith.constant 64 : index
        %get3A_1153 = tpu.vector_load %arg8[%get3A_1151, %get3A_1152] {strides = array<i32>} : memref<50x128xf32, #tpu.memory_space<vmem>>, vector<1x16xf32>,
        %get3A_1154 = vector.shape_cast %get3A_1153 : vector<1x16xf32> to vector<16xf32>
        %add3A_1155 = arith.addf %add3A_1146, %get3A_1154 : vector<16xf32>
        %add3A_1156 = arith.constant 0 : i32
        %add3A_1157 = arith.addi %add3A_1156, %mul3A_958 : i32
        %add3A_1158 = arith.constant 2 : i32
        %add3A_1159 = arith.addi %add3A_1157, %add3A_1158 : i32
        %get3A_1160 = arith.index_cast %add3A_1159 : i32 to index
        %get3A_1161 = arith.constant 64 : index
        %get3A_1162 = tpu.vector_load %arg8[%get3A_1160, %get3A_1161] {strides = array<i32>} : memref<50x128xf32, #tpu.memory_space<vmem>>, vector<1x16xf32>,
        %get3A_1163 = vector.shape_cast %get3A_1162 : vector<1x16xf32> to vector<16xf32>
        %add3A_1164 = arith.addf %add3A_1155, %get3A_1163 : vector<16xf32>
        %add3A_1165 = arith.constant 0 : i32
        %add3A_1166 = arith.addi %add3A_1165, %mul3A_958 : i32
        %add3A_1167 = arith.constant 3 : i32
        %add3A_1168 = arith.addi %add3A_1166, %add3A_1167 : i32
        %get3A_1169 = arith.index_cast %add3A_1168 : i32 to index
        %get3A_1170 = arith.constant 64 : index
        %get3A_1171 = tpu.vector_load %arg8[%get3A_1169, %get3A_1170] {strides = array<i32>} : memref<50x128xf32, #tpu.memory_space<vmem>>, vector<1x16xf32>,
        %get3A_1172 = vector.shape_cast %get3A_1171 : vector<1x16xf32> to vector<16xf32>
        %add3A_1173 = arith.addf %add3A_1164, %get3A_1172 : vector<16xf32>
        %add3A_1174 = arith.constant 0 : i32
        %add3A_1175 = arith.addi %add3A_1174, %mul3A_958 : i32
        %add3A_1176 = arith.constant 4 : i32
        %add3A_1177 = arith.addi %add3A_1175, %add3A_1176 : i32
        %get3A_1178 = arith.index_cast %add3A_1177 : i32 to index
        %get3A_1179 = arith.constant 64 : index
        %get3A_1180 = tpu.vector_load %arg8[%get3A_1178, %get3A_1179] {strides = array<i32>} : memref<50x128xf32, #tpu.memory_space<vmem>>, vector<1x16xf32>,
        %get3A_1181 = vector.shape_cast %get3A_1180 : vector<1x16xf32> to vector<16xf32>
        %add3A_1182 = arith.addf %add3A_1173, %get3A_1181 : vector<16xf32>
        %add3A_1183 = arith.constant 0 : i32
        %add3A_1184 = arith.addi %add3A_1183, %mul3A_958 : i32
        %add3A_1185 = arith.constant 0 : i32
        %add3A_1186 = arith.addi %add3A_1184, %add3A_1185 : i32
        %get3A_1187 = arith.index_cast %add3A_1186 : i32 to index
        %get3A_1188 = arith.constant 80 : index
        %get3A_1189 = tpu.vector_load %arg8[%get3A_1187, %get3A_1188] {strides = array<i32>} : memref<50x128xf32, #tpu.memory_space<vmem>>, vector<1x16xf32>,
        %get3A_1190 = vector.shape_cast %get3A_1189 : vector<1x16xf32> to vector<16xf32>
        %add3A_1191 = arith.addf %scan3A_954, %get3A_1190 : vector<16xf32>
        %add3A_1192 = arith.constant 0 : i32
        %add3A_1193 = arith.addi %add3A_1192, %mul3A_958 : i32
        %add3A_1194 = arith.constant 1 : i32
        %add3A_1195 = arith.addi %add3A_1193, %add3A_1194 : i32
        %get3A_1196 = arith.index_cast %add3A_1195 : i32 to index
        %get3A_1197 = arith.constant 80 : index
        %get3A_1198 = tpu.vector_load %arg8[%get3A_1196, %get3A_1197] {strides = array<i32>} : memref<50x128xf32, #tpu.memory_space<vmem>>, vector<1x16xf32>,
        %get3A_1199 = vector.shape_cast %get3A_1198 : vector<1x16xf32> to vector<16xf32>
        %add3A_1200 = arith.addf %add3A_1191, %get3A_1199 : vector<16xf32>
        %add3A_1201 = arith.constant 0 : i32
        %add3A_1202 = arith.addi %add3A_1201, %mul3A_958 : i32
        %add3A_1203 = arith.constant 2 : i32
        %add3A_1204 = arith.addi %add3A_1202, %add3A_1203 : i32
        %get3A_1205 = arith.index_cast %add3A_1204 : i32 to index
        %get3A_1206 = arith.constant 80 : index
        %get3A_1207 = tpu.vector_load %arg8[%get3A_1205, %get3A_1206] {strides = array<i32>} : memref<50x128xf32, #tpu.memory_space<vmem>>, vector<1x16xf32>,
        %get3A_1208 = vector.shape_cast %get3A_1207 : vector<1x16xf32> to vector<16xf32>
        %add3A_1209 = arith.addf %add3A_1200, %get3A_1208 : vector<16xf32>
        %add3A_1210 = arith.constant 0 : i32
        %add3A_1211 = arith.addi %add3A_1210, %mul3A_958 : i32
        %add3A_1212 = arith.constant 3 : i32
        %add3A_1213 = arith.addi %add3A_1211, %add3A_1212 : i32
        %get3A_1214 = arith.index_cast %add3A_1213 : i32 to index
        %get3A_1215 = arith.constant 80 : index
        %get3A_1216 = tpu.vector_load %arg8[%get3A_1214, %get3A_1215] {strides = array<i32>} : memref<50x128xf32, #tpu.memory_space<vmem>>, vector<1x16xf32>,
        %get3A_1217 = vector.shape_cast %get3A_1216 : vector<1x16xf32> to vector<16xf32>
        %add3A_1218 = arith.addf %add3A_1209, %get3A_1217 : vector<16xf32>
        %add3A_1219 = arith.constant 0 : i32
        %add3A_1220 = arith.addi %add3A_1219, %mul3A_958 : i32
        %add3A_1221 = arith.constant 4 : i32
        %add3A_1222 = arith.addi %add3A_1220, %add3A_1221 : i32
        %get3A_1223 = arith.index_cast %add3A_1222 : i32 to index
        %get3A_1224 = arith.constant 80 : index
        %get3A_1225 = tpu.vector_load %arg8[%get3A_1223, %get3A_1224] {strides = array<i32>} : memref<50x128xf32, #tpu.memory_space<vmem>>, vector<1x16xf32>,
        %get3A_1226 = vector.shape_cast %get3A_1225 : vector<1x16xf32> to vector<16xf32>
        %add3A_1227 = arith.addf %add3A_1218, %get3A_1226 : vector<16xf32>
        %add3A_1228 = arith.constant 0 : i32
        %add3A_1229 = arith.addi %add3A_1228, %mul3A_958 : i32
        %add3A_1230 = arith.constant 0 : i32
        %add3A_1231 = arith.addi %add3A_1229, %add3A_1230 : i32
        %get3A_1232 = arith.index_cast %add3A_1231 : i32 to index
        %get3A_1233 = arith.constant 96 : index
        %get3A_1234 = tpu.vector_load %arg8[%get3A_1232, %get3A_1233] {strides = array<i32>} : memref<50x128xf32, #tpu.memory_space<vmem>>, vector<1x16xf32>,
        %get3A_1235 = vector.shape_cast %get3A_1234 : vector<1x16xf32> to vector<16xf32>
        %add3A_1236 = arith.addf %scan3A_955, %get3A_1235 : vector<16xf32>
        %add3A_1237 = arith.constant 0 : i32
        %add3A_1238 = arith.addi %add3A_1237, %mul3A_958 : i32
        %add3A_1239 = arith.constant 1 : i32
        %add3A_1240 = arith.addi %add3A_1238, %add3A_1239 : i32
        %get3A_1241 = arith.index_cast %add3A_1240 : i32 to index
        %get3A_1242 = arith.constant 96 : index
        %get3A_1243 = tpu.vector_load %arg8[%get3A_1241, %get3A_1242] {strides = array<i32>} : memref<50x128xf32, #tpu.memory_space<vmem>>, vector<1x16xf32>,
        %get3A_1244 = vector.shape_cast %get3A_1243 : vector<1x16xf32> to vector<16xf32>
        %add3A_1245 = arith.addf %add3A_1236, %get3A_1244 : vector<16xf32>
        %add3A_1246 = arith.constant 0 : i32
        %add3A_1247 = arith.addi %add3A_1246, %mul3A_958 : i32
        %add3A_1248 = arith.constant 2 : i32
        %add3A_1249 = arith.addi %add3A_1247, %add3A_1248 : i32
        %get3A_1250 = arith.index_cast %add3A_1249 : i32 to index
        %get3A_1251 = arith.constant 96 : index
        %get3A_1252 = tpu.vector_load %arg8[%get3A_1250, %get3A_1251] {strides = array<i32>} : memref<50x128xf32, #tpu.memory_space<vmem>>, vector<1x16xf32>,
        %get3A_1253 = vector.shape_cast %get3A_1252 : vector<1x16xf32> to vector<16xf32>
        %add3A_1254 = arith.addf %add3A_1245, %get3A_1253 : vector<16xf32>
        %add3A_1255 = arith.constant 0 : i32
        %add3A_1256 = arith.addi %add3A_1255, %mul3A_958 : i32
        %add3A_1257 = arith.constant 3 : i32
        %add3A_1258 = arith.addi %add3A_1256, %add3A_1257 : i32
        %get3A_1259 = arith.index_cast %add3A_1258 : i32 to index
        %get3A_1260 = arith.constant 96 : index
        %get3A_1261 = tpu.vector_load %arg8[%get3A_1259, %get3A_1260] {strides = array<i32>} : memref<50x128xf32, #tpu.memory_space<vmem>>, vector<1x16xf32>,
        %get3A_1262 = vector.shape_cast %get3A_1261 : vector<1x16xf32> to vector<16xf32>
        %add3A_1263 = arith.addf %add3A_1254, %get3A_1262 : vector<16xf32>
        %add3A_1264 = arith.constant 0 : i32
        %add3A_1265 = arith.addi %add3A_1264, %mul3A_958 : i32
        %add3A_1266 = arith.constant 4 : i32
        %add3A_1267 = arith.addi %add3A_1265, %add3A_1266 : i32
        %get3A_1268 = arith.index_cast %add3A_1267 : i32 to index
        %get3A_1269 = arith.constant 96 : index
        %get3A_1270 = tpu.vector_load %arg8[%get3A_1268, %get3A_1269] {strides = array<i32>} : memref<50x128xf32, #tpu.memory_space<vmem>>, vector<1x16xf32>,
        %get3A_1271 = vector.shape_cast %get3A_1270 : vector<1x16xf32> to vector<16xf32>
        %add3A_1272 = arith.addf %add3A_1263, %get3A_1271 : vector<16xf32>
        %add3A_1273 = arith.constant 0 : i32
        %add3A_1274 = arith.addi %add3A_1273, %mul3A_958 : i32
        %add3A_1275 = arith.constant 0 : i32
        %add3A_1276 = arith.addi %add3A_1274, %add3A_1275 : i32
        %get3A_1277 = arith.index_cast %add3A_1276 : i32 to index
        %get3A_1278 = arith.constant 112 : index
        %get3A_1279 = tpu.vector_load %arg8[%get3A_1277, %get3A_1278] {strides = array<i32>} : memref<50x128xf32, #tpu.memory_space<vmem>>, vector<1x16xf32>,
        %get3A_1280 = vector.shape_cast %get3A_1279 : vector<1x16xf32> to vector<16xf32>
        %add3A_1281 = arith.addf %scan3A_956, %get3A_1280 : vector<16xf32>
        %add3A_1282 = arith.constant 0 : i32
        %add3A_1283 = arith.addi %add3A_1282, %mul3A_958 : i32
        %add3A_1284 = arith.constant 1 : i32
        %add3A_1285 = arith.addi %add3A_1283, %add3A_1284 : i32
        %get3A_1286 = arith.index_cast %add3A_1285 : i32 to index
        %get3A_1287 = arith.constant 112 : index
        %get3A_1288 = tpu.vector_load %arg8[%get3A_1286, %get3A_1287] {strides = array<i32>} : memref<50x128xf32, #tpu.memory_space<vmem>>, vector<1x16xf32>,
        %get3A_1289 = vector.shape_cast %get3A_1288 : vector<1x16xf32> to vector<16xf32>
        %add3A_1290 = arith.addf %add3A_1281, %get3A_1289 : vector<16xf32>
        %add3A_1291 = arith.constant 0 : i32
        %add3A_1292 = arith.addi %add3A_1291, %mul3A_958 : i32
        %add3A_1293 = arith.constant 2 : i32
        %add3A_1294 = arith.addi %add3A_1292, %add3A_1293 : i32
        %get3A_1295 = arith.index_cast %add3A_1294 : i32 to index
        %get3A_1296 = arith.constant 112 : index
        %get3A_1297 = tpu.vector_load %arg8[%get3A_1295, %get3A_1296] {strides = array<i32>} : memref<50x128xf32, #tpu.memory_space<vmem>>, vector<1x16xf32>,
        %get3A_1298 = vector.shape_cast %get3A_1297 : vector<1x16xf32> to vector<16xf32>
        %add3A_1299 = arith.addf %add3A_1290, %get3A_1298 : vector<16xf32>
        %add3A_1300 = arith.constant 0 : i32
        %add3A_1301 = arith.addi %add3A_1300, %mul3A_958 : i32
        %add3A_1302 = arith.constant 3 : i32
        %add3A_1303 = arith.addi %add3A_1301, %add3A_1302 : i32
        %get3A_1304 = arith.index_cast %add3A_1303 : i32 to index
        %get3A_1305 = arith.constant 112 : index
        %get3A_1306 = tpu.vector_load %arg8[%get3A_1304, %get3A_1305] {strides = array<i32>} : memref<50x128xf32, #tpu.memory_space<vmem>>, vector<1x16xf32>,
        %get3A_1307 = vector.shape_cast %get3A_1306 : vector<1x16xf32> to vector<16xf32>
        %add3A_1308 = arith.addf %add3A_1299, %get3A_1307 : vector<16xf32>
        %add3A_1309 = arith.constant 0 : i32
        %add3A_1310 = arith.addi %add3A_1309, %mul3A_958 : i32
        %add3A_1311 = arith.constant 4 : i32
        %add3A_1312 = arith.addi %add3A_1310, %add3A_1311 : i32
        %get3A_1313 = arith.index_cast %add3A_1312 : i32 to index
        %get3A_1314 = arith.constant 112 : index
        %get3A_1315 = tpu.vector_load %arg8[%get3A_1313, %get3A_1314] {strides = array<i32>} : memref<50x128xf32, #tpu.memory_space<vmem>>, vector<1x16xf32>,
        %get3A_1316 = vector.shape_cast %get3A_1315 : vector<1x16xf32> to vector<16xf32>
        %add3A_1317 = arith.addf %add3A_1308, %get3A_1316 : vector<16xf32>
        scf.yield %add3A_1002, %add3A_1047, %add3A_1092, %add3A_1137, %add3A_1182, %add3A_1227, %add3A_1272, %add3A_1317 : vector<16xf32>, vector<16xf32>, vector<16xf32>, vector<16xf32>, vector<16xf32>, vector<16xf32>, vector<16xf32>, vector<16xf32>
      }
      %scan3A_313 = arith.constant 10 : i32
      %mul3A_314 = arith.constant 1 : i32
      %mul3A_315 = arith.muli %add3A_285, %mul3A_314 : i32
      %add3A_316 = arith.constant 0 : i32
      %add3A_317 = arith.addi %mul3A_315, %add3A_316 : i32
      %swap3A_318 = arith.index_cast %add3A_317 : i32 to index
      %swap3A_319 = arith.constant 0 : index
      %swap3A_320 = tpu.vector_load %arg14[%swap3A_318, %swap3A_319] {strides = array<i32>} : memref<128x128xf32, #tpu.memory_space<vmem>>, vector<1x16xf32>,
      %swap3A_321 = vector.shape_cast %swap3A_320 : vector<1x16xf32> to vector<16xf32>
      %swap3A_322 = vector.shape_cast %scan3A_312#0 : vector<16xf32> to vector<1x16xf32>
      tpu.vector_store %arg14[%swap3A_318, %swap3A_319], %swap3A_322 {strides = array<i32>} : memref<128x128xf32, #tpu.memory_space<vmem>>, vector<1x16xf32>,
      %mul3A_323 = arith.constant 1 : i32
      %mul3A_324 = arith.muli %add3A_285, %mul3A_323 : i32
      %add3A_325 = arith.constant 0 : i32
      %add3A_326 = arith.addi %mul3A_324, %add3A_325 : i32
      %swap3A_327 = arith.index_cast %add3A_326 : i32 to index
      %swap3A_328 = arith.constant 16 : index
      %swap3A_329 = tpu.vector_load %arg14[%swap3A_327, %swap3A_328] {strides = array<i32>} : memref<128x128xf32, #tpu.memory_space<vmem>>, vector<1x16xf32>,
      %swap3A_330 = vector.shape_cast %swap3A_329 : vector<1x16xf32> to vector<16xf32>
      %swap3A_331 = vector.shape_cast %scan3A_312#1 : vector<16xf32> to vector<1x16xf32>
      tpu.vector_store %arg14[%swap3A_327, %swap3A_328], %swap3A_331 {strides = array<i32>} : memref<128x128xf32, #tpu.memory_space<vmem>>, vector<1x16xf32>,
      %mul3A_332 = arith.constant 1 : i32
      %mul3A_333 = arith.muli %add3A_285, %mul3A_332 : i32
      %add3A_334 = arith.constant 0 : i32
      %add3A_335 = arith.addi %mul3A_333, %add3A_334 : i32
      %swap3A_336 = arith.index_cast %add3A_335 : i32 to index
      %swap3A_337 = arith.constant 32 : index
      %swap3A_338 = tpu.vector_load %arg14[%swap3A_336, %swap3A_337] {strides = array<i32>} : memref<128x128xf32, #tpu.memory_space<vmem>>, vector<1x16xf32>,
      %swap3A_339 = vector.shape_cast %swap3A_338 : vector<1x16xf32> to vector<16xf32>
      %swap3A_340 = vector.shape_cast %scan3A_312#2 : vector<16xf32> to vector<1x16xf32>
      tpu.vector_store %arg14[%swap3A_336, %swap3A_337], %swap3A_340 {strides = array<i32>} : memref<128x128xf32, #tpu.memory_space<vmem>>, vector<1x16xf32>,
      %mul3A_341 = arith.constant 1 : i32
      %mul3A_342 = arith.muli %add3A_285, %mul3A_341 : i32
      %add3A_343 = arith.constant 0 : i32
      %add3A_344 = arith.addi %mul3A_342, %add3A_343 : i32
      %swap3A_345 = arith.index_cast %add3A_344 : i32 to index
      %swap3A_346 = arith.constant 48 : index
      %swap3A_347 = tpu.vector_load %arg14[%swap3A_345, %swap3A_346] {strides = array<i32>} : memref<128x128xf32, #tpu.memory_space<vmem>>, vector<1x16xf32>,
      %swap3A_348 = vector.shape_cast %swap3A_347 : vector<1x16xf32> to vector<16xf32>
      %swap3A_349 = vector.shape_cast %scan3A_312#3 : vector<16xf32> to vector<1x16xf32>
      tpu.vector_store %arg14[%swap3A_345, %swap3A_346], %swap3A_349 {strides = array<i32>} : memref<128x128xf32, #tpu.memory_space<vmem>>, vector<1x16xf32>,
      %mul3A_350 = arith.constant 1 : i32
      %mul3A_351 = arith.muli %add3A_285, %mul3A_350 : i32
      %add3A_352 = arith.constant 0 : i32
      %add3A_353 = arith.addi %mul3A_351, %add3A_352 : i32
      %swap3A_354 = arith.index_cast %add3A_353 : i32 to index
      %swap3A_355 = arith.constant 64 : index
      %swap3A_356 = tpu.vector_load %arg14[%swap3A_354, %swap3A_355] {strides = array<i32>} : memref<128x128xf32, #tpu.memory_space<vmem>>, vector<1x16xf32>,
      %swap3A_357 = vector.shape_cast %swap3A_356 : vector<1x16xf32> to vector<16xf32>
      %swap3A_358 = vector.shape_cast %scan3A_312#4 : vector<16xf32> to vector<1x16xf32>
      tpu.vector_store %arg14[%swap3A_354, %swap3A_355], %swap3A_358 {strides = array<i32>} : memref<128x128xf32, #tpu.memory_space<vmem>>, vector<1x16xf32>,
      %mul3A_359 = arith.constant 1 : i32
      %mul3A_360 = arith.muli %add3A_285, %mul3A_359 : i32
      %add3A_361 = arith.constant 0 : i32
      %add3A_362 = arith.addi %mul3A_360, %add3A_361 : i32
      %swap3A_363 = arith.index_cast %add3A_362 : i32 to index
      %swap3A_364 = arith.constant 80 : index
      %swap3A_365 = tpu.vector_load %arg14[%swap3A_363, %swap3A_364] {strides = array<i32>} : memref<128x128xf32, #tpu.memory_space<vmem>>, vector<1x16xf32>,
      %swap3A_366 = vector.shape_cast %swap3A_365 : vector<1x16xf32> to vector<16xf32>
      %swap3A_367 = vector.shape_cast %scan3A_312#5 : vector<16xf32> to vector<1x16xf32>
      tpu.vector_store %arg14[%swap3A_363, %swap3A_364], %swap3A_367 {strides = array<i32>} : memref<128x128xf32, #tpu.memory_space<vmem>>, vector<1x16xf32>,
      %mul3A_368 = arith.constant 1 : i32
      %mul3A_369 = arith.muli %add3A_285, %mul3A_368 : i32
      %add3A_370 = arith.constant 0 : i32
      %add3A_371 = arith.addi %mul3A_369, %add3A_370 : i32
      %swap3A_372 = arith.index_cast %add3A_371 : i32 to index
      %swap3A_373 = arith.constant 96 : index
      %swap3A_374 = tpu.vector_load %arg14[%swap3A_372, %swap3A_373] {strides = array<i32>} : memref<128x128xf32, #tpu.memory_space<vmem>>, vector<1x16xf32>,
      %swap3A_375 = vector.shape_cast %swap3A_374 : vector<1x16xf32> to vector<16xf32>
      %swap3A_376 = vector.shape_cast %scan3A_312#6 : vector<16xf32> to vector<1x16xf32>
      tpu.vector_store %arg14[%swap3A_372, %swap3A_373], %swap3A_376 {strides = array<i32>} : memref<128x128xf32, #tpu.memory_space<vmem>>, vector<1x16xf32>,
      %mul3A_377 = arith.constant 1 : i32
      %mul3A_378 = arith.muli %add3A_285, %mul3A_377 : i32
      %add3A_379 = arith.constant 0 : i32
      %add3A_380 = arith.addi %mul3A_378, %add3A_379 : i32
      %swap3A_381 = arith.index_cast %add3A_380 : i32 to index
      %swap3A_382 = arith.constant 112 : index
      %swap3A_383 = tpu.vector_load %arg14[%swap3A_381, %swap3A_382] {strides = array<i32>} : memref<128x128xf32, #tpu.memory_space<vmem>>, vector<1x16xf32>,
      %swap3A_384 = vector.shape_cast %swap3A_383 : vector<1x16xf32> to vector<16xf32>
      %swap3A_385 = vector.shape_cast %scan3A_312#7 : vector<16xf32> to vector<1x16xf32>
      tpu.vector_store %arg14[%swap3A_381, %swap3A_382], %swap3A_385 {strides = array<i32>} : memref<128x128xf32, #tpu.memory_space<vmem>>, vector<1x16xf32>,
      %add3A_386 = arith.constant 8 : i32
      %add3A_387 = arith.addi %add3A_285, %add3A_386 : i32
      %lt3A_388 = arith.constant 128 : i32
      %lt3A_389 = arith.cmpi slt, %add3A_387, %lt3A_388 : i32
      %convert_element_type3A_390 = arith.extui %lt3A_389 : i1 to i32
      %cond3A_391 = arith.constant 0 : i32
      %cond3A_392 = arith.cmpi ne, %convert_element_type3A_390, %cond3A_391 : i32
      scf.if %cond3A_392 {
        %dma_start3A_948 = arith.constant 0 : i32
        %dma_start3A_949 = tpu.memref_slice %arg5[%add3A_387, %dma_start3A_948] : memref<128x50xi32, #tpu.memory_space<vmem>> -> memref<1x50xi32, #tpu.memory_space<vmem>>
        %dma_start3A_950 = tpu.memref_squeeze %dma_start3A_949 : memref<1x50xi32, #tpu.memory_space<vmem>> -> memref<50xi32, #tpu.memory_space<vmem>>
        %dma_start3A_951 = arith.constant 0 : i32
        %dma_start3A_952 = arith.constant 0 : i32
        %dma_start3A_953 = tpu.memref_slice %arg3[%dma_start3A_951, %dma_start3A_952] : memref<100000x128xf32, #tpu.memory_space<hbm>> -> memref<100000x128xf32, #tpu.memory_space<hbm>>
        tpu.enqueue_indirect_dma source(%dma_start3A_953 : memref<100000x128xf32, #tpu.memory_space<hbm>>) target(%arg8 : memref<50x128xf32, #tpu.memory_space<vmem>>) offsets(%dma_start3A_950 : memref<50xi32, #tpu.memory_space<vmem>>) semaphore(%arg17 : memref<!tpu.dma_semaphore, #tpu.memory_space<semaphore_mem>>)
      } else {
      }
      %mul3A_393 = arith.constant 8 : i32
      %mul3A_394 = arith.muli %scan3A_65, %mul3A_393 : i32
      %add3A_395 = arith.constant 3 : i32
      %add3A_396 = arith.addi %mul3A_394, %add3A_395 : i32
      %dma_wait3A_397 = arith.constant 0 : i32
      %dma_wait3A_398 = tpu.memref_slice %arg5[%add3A_396, %dma_wait3A_397] : memref<128x50xi32, #tpu.memory_space<vmem>> -> memref<1x50xi32, #tpu.memory_space<vmem>>
      %dma_wait3A_399 = tpu.memref_squeeze %dma_wait3A_398 : memref<1x50xi32, #tpu.memory_space<vmem>> -> memref<50xi32, #tpu.memory_space<vmem>>
      %dma_wait3A_400 = arith.constant 0 : i32
      %dma_wait3A_401 = arith.constant 0 : i32
      %dma_wait3A_402 = tpu.memref_slice %arg3[%dma_wait3A_400, %dma_wait3A_401] : memref<100000x128xf32, #tpu.memory_space<hbm>> -> memref<100000x128xf32, #tpu.memory_space<hbm>>
      tpu.wait_indirect_dma semaphore(%arg18 : memref<!tpu.dma_semaphore, #tpu.memory_space<semaphore_mem>>) src(%dma_wait3A_402 : memref<100000x128xf32, #tpu.memory_space<hbm>>) dst(%arg9 : memref<50x128xf32, #tpu.memory_space<vmem>>)
      %broadcast_in_dim3A_403 = arith.constant 0.000000e+00 : f32
      %broadcast_in_dim3A_404 = vector.broadcast %broadcast_in_dim3A_403 : f32 to vector<16xf32>
      %broadcast_in_dim3A_405 = arith.constant 0.000000e+00 : f32
      %broadcast_in_dim3A_406 = vector.broadcast %broadcast_in_dim3A_405 : f32 to vector<16xf32>
      %broadcast_in_dim3A_407 = arith.constant 0.000000e+00 : f32
      %broadcast_in_dim3A_408 = vector.broadcast %broadcast_in_dim3A_407 : f32 to vector<16xf32>
      %broadcast_in_dim3A_409 = arith.constant 0.000000e+00 : f32
      %broadcast_in_dim3A_410 = vector.broadcast %broadcast_in_dim3A_409 : f32 to vector<16xf32>
      %broadcast_in_dim3A_411 = arith.constant 0.000000e+00 : f32
      %broadcast_in_dim3A_412 = vector.broadcast %broadcast_in_dim3A_411 : f32 to vector<16xf32>
      %broadcast_in_dim3A_413 = arith.constant 0.000000e+00 : f32
      %broadcast_in_dim3A_414 = vector.broadcast %broadcast_in_dim3A_413 : f32 to vector<16xf32>
      %broadcast_in_dim3A_415 = arith.constant 0.000000e+00 : f32
      %broadcast_in_dim3A_416 = vector.broadcast %broadcast_in_dim3A_415 : f32 to vector<16xf32>
      %broadcast_in_dim3A_417 = arith.constant 0.000000e+00 : f32
      %broadcast_in_dim3A_418 = vector.broadcast %broadcast_in_dim3A_417 : f32 to vector<16xf32>
      %scan3A_419 = arith.constant 0 : i32
      %scan3A_420 = arith.constant 10 : i32
      %scan3A_421 = arith.addi %scan3A_419, %scan3A_420 : i32
      %scan3A_422 = arith.constant 1 : i32
      %scan3A_423:8 = scf.for %scan3A_948 = %scan3A_419 to %scan3A_421 step %scan3A_422 iter_args(%scan3A_949 = %broadcast_in_dim3A_404, %scan3A_950 = %broadcast_in_dim3A_406, %scan3A_951 = %broadcast_in_dim3A_408, %scan3A_952 = %broadcast_in_dim3A_410, %scan3A_953 = %broadcast_in_dim3A_412, %scan3A_954 = %broadcast_in_dim3A_414, %scan3A_955 = %broadcast_in_dim3A_416, %scan3A_956 = %broadcast_in_dim3A_418) -> (vector<16xf32>, vector<16xf32>, vector<16xf32>, vector<16xf32>, vector<16xf32>, vector<16xf32>, vector<16xf32>, vector<16xf32>)  : i32 {
        %mul3A_957 = arith.constant 5 : i32
        %mul3A_958 = arith.muli %scan3A_948, %mul3A_957 : i32
        %add3A_959 = arith.constant 0 : i32
        %add3A_960 = arith.addi %add3A_959, %mul3A_958 : i32
        %add3A_961 = arith.constant 0 : i32
        %add3A_962 = arith.addi %add3A_960, %add3A_961 : i32
        %get3A = arith.index_cast %add3A_962 : i32 to index
        %get3A_963 = arith.constant 0 : index
        %get3A_964 = tpu.vector_load %arg9[%get3A, %get3A_963] {strides = array<i32>} : memref<50x128xf32, #tpu.memory_space<vmem>>, vector<1x16xf32>,
        %get3A_965 = vector.shape_cast %get3A_964 : vector<1x16xf32> to vector<16xf32>
        %add3A_966 = arith.addf %scan3A_949, %get3A_965 : vector<16xf32>
        %add3A_967 = arith.constant 0 : i32
        %add3A_968 = arith.addi %add3A_967, %mul3A_958 : i32
        %add3A_969 = arith.constant 1 : i32
        %add3A_970 = arith.addi %add3A_968, %add3A_969 : i32
        %get3A_971 = arith.index_cast %add3A_970 : i32 to index
        %get3A_972 = arith.constant 0 : index
        %get3A_973 = tpu.vector_load %arg9[%get3A_971, %get3A_972] {strides = array<i32>} : memref<50x128xf32, #tpu.memory_space<vmem>>, vector<1x16xf32>,
        %get3A_974 = vector.shape_cast %get3A_973 : vector<1x16xf32> to vector<16xf32>
        %add3A_975 = arith.addf %add3A_966, %get3A_974 : vector<16xf32>
        %add3A_976 = arith.constant 0 : i32
        %add3A_977 = arith.addi %add3A_976, %mul3A_958 : i32
        %add3A_978 = arith.constant 2 : i32
        %add3A_979 = arith.addi %add3A_977, %add3A_978 : i32
        %get3A_980 = arith.index_cast %add3A_979 : i32 to index
        %get3A_981 = arith.constant 0 : index
        %get3A_982 = tpu.vector_load %arg9[%get3A_980, %get3A_981] {strides = array<i32>} : memref<50x128xf32, #tpu.memory_space<vmem>>, vector<1x16xf32>,
        %get3A_983 = vector.shape_cast %get3A_982 : vector<1x16xf32> to vector<16xf32>
        %add3A_984 = arith.addf %add3A_975, %get3A_983 : vector<16xf32>
        %add3A_985 = arith.constant 0 : i32
        %add3A_986 = arith.addi %add3A_985, %mul3A_958 : i32
        %add3A_987 = arith.constant 3 : i32
        %add3A_988 = arith.addi %add3A_986, %add3A_987 : i32
        %get3A_989 = arith.index_cast %add3A_988 : i32 to index
        %get3A_990 = arith.constant 0 : index
        %get3A_991 = tpu.vector_load %arg9[%get3A_989, %get3A_990] {strides = array<i32>} : memref<50x128xf32, #tpu.memory_space<vmem>>, vector<1x16xf32>,
        %get3A_992 = vector.shape_cast %get3A_991 : vector<1x16xf32> to vector<16xf32>
        %add3A_993 = arith.addf %add3A_984, %get3A_992 : vector<16xf32>
        %add3A_994 = arith.constant 0 : i32
        %add3A_995 = arith.addi %add3A_994, %mul3A_958 : i32
        %add3A_996 = arith.constant 4 : i32
        %add3A_997 = arith.addi %add3A_995, %add3A_996 : i32
        %get3A_998 = arith.index_cast %add3A_997 : i32 to index
        %get3A_999 = arith.constant 0 : index
        %get3A_1000 = tpu.vector_load %arg9[%get3A_998, %get3A_999] {strides = array<i32>} : memref<50x128xf32, #tpu.memory_space<vmem>>, vector<1x16xf32>,
        %get3A_1001 = vector.shape_cast %get3A_1000 : vector<1x16xf32> to vector<16xf32>
        %add3A_1002 = arith.addf %add3A_993, %get3A_1001 : vector<16xf32>
        %add3A_1003 = arith.constant 0 : i32
        %add3A_1004 = arith.addi %add3A_1003, %mul3A_958 : i32
        %add3A_1005 = arith.constant 0 : i32
        %add3A_1006 = arith.addi %add3A_1004, %add3A_1005 : i32
        %get3A_1007 = arith.index_cast %add3A_1006 : i32 to index
        %get3A_1008 = arith.constant 16 : index
        %get3A_1009 = tpu.vector_load %arg9[%get3A_1007, %get3A_1008] {strides = array<i32>} : memref<50x128xf32, #tpu.memory_space<vmem>>, vector<1x16xf32>,
        %get3A_1010 = vector.shape_cast %get3A_1009 : vector<1x16xf32> to vector<16xf32>
        %add3A_1011 = arith.addf %scan3A_950, %get3A_1010 : vector<16xf32>
        %add3A_1012 = arith.constant 0 : i32
        %add3A_1013 = arith.addi %add3A_1012, %mul3A_958 : i32
        %add3A_1014 = arith.constant 1 : i32
        %add3A_1015 = arith.addi %add3A_1013, %add3A_1014 : i32
        %get3A_1016 = arith.index_cast %add3A_1015 : i32 to index
        %get3A_1017 = arith.constant 16 : index
        %get3A_1018 = tpu.vector_load %arg9[%get3A_1016, %get3A_1017] {strides = array<i32>} : memref<50x128xf32, #tpu.memory_space<vmem>>, vector<1x16xf32>,
        %get3A_1019 = vector.shape_cast %get3A_1018 : vector<1x16xf32> to vector<16xf32>
        %add3A_1020 = arith.addf %add3A_1011, %get3A_1019 : vector<16xf32>
        %add3A_1021 = arith.constant 0 : i32
        %add3A_1022 = arith.addi %add3A_1021, %mul3A_958 : i32
        %add3A_1023 = arith.constant 2 : i32
        %add3A_1024 = arith.addi %add3A_1022, %add3A_1023 : i32
        %get3A_1025 = arith.index_cast %add3A_1024 : i32 to index
        %get3A_1026 = arith.constant 16 : index
        %get3A_1027 = tpu.vector_load %arg9[%get3A_1025, %get3A_1026] {strides = array<i32>} : memref<50x128xf32, #tpu.memory_space<vmem>>, vector<1x16xf32>,
        %get3A_1028 = vector.shape_cast %get3A_1027 : vector<1x16xf32> to vector<16xf32>
        %add3A_1029 = arith.addf %add3A_1020, %get3A_1028 : vector<16xf32>
        %add3A_1030 = arith.constant 0 : i32
        %add3A_1031 = arith.addi %add3A_1030, %mul3A_958 : i32
        %add3A_1032 = arith.constant 3 : i32
        %add3A_1033 = arith.addi %add3A_1031, %add3A_1032 : i32
        %get3A_1034 = arith.index_cast %add3A_1033 : i32 to index
        %get3A_1035 = arith.constant 16 : index
        %get3A_1036 = tpu.vector_load %arg9[%get3A_1034, %get3A_1035] {strides = array<i32>} : memref<50x128xf32, #tpu.memory_space<vmem>>, vector<1x16xf32>,
        %get3A_1037 = vector.shape_cast %get3A_1036 : vector<1x16xf32> to vector<16xf32>
        %add3A_1038 = arith.addf %add3A_1029, %get3A_1037 : vector<16xf32>
        %add3A_1039 = arith.constant 0 : i32
        %add3A_1040 = arith.addi %add3A_1039, %mul3A_958 : i32
        %add3A_1041 = arith.constant 4 : i32
        %add3A_1042 = arith.addi %add3A_1040, %add3A_1041 : i32
        %get3A_1043 = arith.index_cast %add3A_1042 : i32 to index
        %get3A_1044 = arith.constant 16 : index
        %get3A_1045 = tpu.vector_load %arg9[%get3A_1043, %get3A_1044] {strides = array<i32>} : memref<50x128xf32, #tpu.memory_space<vmem>>, vector<1x16xf32>,
        %get3A_1046 = vector.shape_cast %get3A_1045 : vector<1x16xf32> to vector<16xf32>
        %add3A_1047 = arith.addf %add3A_1038, %get3A_1046 : vector<16xf32>
        %add3A_1048 = arith.constant 0 : i32
        %add3A_1049 = arith.addi %add3A_1048, %mul3A_958 : i32
        %add3A_1050 = arith.constant 0 : i32
        %add3A_1051 = arith.addi %add3A_1049, %add3A_1050 : i32
        %get3A_1052 = arith.index_cast %add3A_1051 : i32 to index
        %get3A_1053 = arith.constant 32 : index
        %get3A_1054 = tpu.vector_load %arg9[%get3A_1052, %get3A_1053] {strides = array<i32>} : memref<50x128xf32, #tpu.memory_space<vmem>>, vector<1x16xf32>,
        %get3A_1055 = vector.shape_cast %get3A_1054 : vector<1x16xf32> to vector<16xf32>
        %add3A_1056 = arith.addf %scan3A_951, %get3A_1055 : vector<16xf32>
        %add3A_1057 = arith.constant 0 : i32
        %add3A_1058 = arith.addi %add3A_1057, %mul3A_958 : i32
        %add3A_1059 = arith.constant 1 : i32
        %add3A_1060 = arith.addi %add3A_1058, %add3A_1059 : i32
        %get3A_1061 = arith.index_cast %add3A_1060 : i32 to index
        %get3A_1062 = arith.constant 32 : index
        %get3A_1063 = tpu.vector_load %arg9[%get3A_1061, %get3A_1062] {strides = array<i32>} : memref<50x128xf32, #tpu.memory_space<vmem>>, vector<1x16xf32>,
        %get3A_1064 = vector.shape_cast %get3A_1063 : vector<1x16xf32> to vector<16xf32>
        %add3A_1065 = arith.addf %add3A_1056, %get3A_1064 : vector<16xf32>
        %add3A_1066 = arith.constant 0 : i32
        %add3A_1067 = arith.addi %add3A_1066, %mul3A_958 : i32
        %add3A_1068 = arith.constant 2 : i32
        %add3A_1069 = arith.addi %add3A_1067, %add3A_1068 : i32
        %get3A_1070 = arith.index_cast %add3A_1069 : i32 to index
        %get3A_1071 = arith.constant 32 : index
        %get3A_1072 = tpu.vector_load %arg9[%get3A_1070, %get3A_1071] {strides = array<i32>} : memref<50x128xf32, #tpu.memory_space<vmem>>, vector<1x16xf32>,
        %get3A_1073 = vector.shape_cast %get3A_1072 : vector<1x16xf32> to vector<16xf32>
        %add3A_1074 = arith.addf %add3A_1065, %get3A_1073 : vector<16xf32>
        %add3A_1075 = arith.constant 0 : i32
        %add3A_1076 = arith.addi %add3A_1075, %mul3A_958 : i32
        %add3A_1077 = arith.constant 3 : i32
        %add3A_1078 = arith.addi %add3A_1076, %add3A_1077 : i32
        %get3A_1079 = arith.index_cast %add3A_1078 : i32 to index
        %get3A_1080 = arith.constant 32 : index
        %get3A_1081 = tpu.vector_load %arg9[%get3A_1079, %get3A_1080] {strides = array<i32>} : memref<50x128xf32, #tpu.memory_space<vmem>>, vector<1x16xf32>,
        %get3A_1082 = vector.shape_cast %get3A_1081 : vector<1x16xf32> to vector<16xf32>
        %add3A_1083 = arith.addf %add3A_1074, %get3A_1082 : vector<16xf32>
        %add3A_1084 = arith.constant 0 : i32
        %add3A_1085 = arith.addi %add3A_1084, %mul3A_958 : i32
        %add3A_1086 = arith.constant 4 : i32
        %add3A_1087 = arith.addi %add3A_1085, %add3A_1086 : i32
        %get3A_1088 = arith.index_cast %add3A_1087 : i32 to index
        %get3A_1089 = arith.constant 32 : index
        %get3A_1090 = tpu.vector_load %arg9[%get3A_1088, %get3A_1089] {strides = array<i32>} : memref<50x128xf32, #tpu.memory_space<vmem>>, vector<1x16xf32>,
        %get3A_1091 = vector.shape_cast %get3A_1090 : vector<1x16xf32> to vector<16xf32>
        %add3A_1092 = arith.addf %add3A_1083, %get3A_1091 : vector<16xf32>
        %add3A_1093 = arith.constant 0 : i32
        %add3A_1094 = arith.addi %add3A_1093, %mul3A_958 : i32
        %add3A_1095 = arith.constant 0 : i32
        %add3A_1096 = arith.addi %add3A_1094, %add3A_1095 : i32
        %get3A_1097 = arith.index_cast %add3A_1096 : i32 to index
        %get3A_1098 = arith.constant 48 : index
        %get3A_1099 = tpu.vector_load %arg9[%get3A_1097, %get3A_1098] {strides = array<i32>} : memref<50x128xf32, #tpu.memory_space<vmem>>, vector<1x16xf32>,
        %get3A_1100 = vector.shape_cast %get3A_1099 : vector<1x16xf32> to vector<16xf32>
        %add3A_1101 = arith.addf %scan3A_952, %get3A_1100 : vector<16xf32>
        %add3A_1102 = arith.constant 0 : i32
        %add3A_1103 = arith.addi %add3A_1102, %mul3A_958 : i32
        %add3A_1104 = arith.constant 1 : i32
        %add3A_1105 = arith.addi %add3A_1103, %add3A_1104 : i32
        %get3A_1106 = arith.index_cast %add3A_1105 : i32 to index
        %get3A_1107 = arith.constant 48 : index
        %get3A_1108 = tpu.vector_load %arg9[%get3A_1106, %get3A_1107] {strides = array<i32>} : memref<50x128xf32, #tpu.memory_space<vmem>>, vector<1x16xf32>,
        %get3A_1109 = vector.shape_cast %get3A_1108 : vector<1x16xf32> to vector<16xf32>
        %add3A_1110 = arith.addf %add3A_1101, %get3A_1109 : vector<16xf32>
        %add3A_1111 = arith.constant 0 : i32
        %add3A_1112 = arith.addi %add3A_1111, %mul3A_958 : i32
        %add3A_1113 = arith.constant 2 : i32
        %add3A_1114 = arith.addi %add3A_1112, %add3A_1113 : i32
        %get3A_1115 = arith.index_cast %add3A_1114 : i32 to index
        %get3A_1116 = arith.constant 48 : index
        %get3A_1117 = tpu.vector_load %arg9[%get3A_1115, %get3A_1116] {strides = array<i32>} : memref<50x128xf32, #tpu.memory_space<vmem>>, vector<1x16xf32>,
        %get3A_1118 = vector.shape_cast %get3A_1117 : vector<1x16xf32> to vector<16xf32>
        %add3A_1119 = arith.addf %add3A_1110, %get3A_1118 : vector<16xf32>
        %add3A_1120 = arith.constant 0 : i32
        %add3A_1121 = arith.addi %add3A_1120, %mul3A_958 : i32
        %add3A_1122 = arith.constant 3 : i32
        %add3A_1123 = arith.addi %add3A_1121, %add3A_1122 : i32
        %get3A_1124 = arith.index_cast %add3A_1123 : i32 to index
        %get3A_1125 = arith.constant 48 : index
        %get3A_1126 = tpu.vector_load %arg9[%get3A_1124, %get3A_1125] {strides = array<i32>} : memref<50x128xf32, #tpu.memory_space<vmem>>, vector<1x16xf32>,
        %get3A_1127 = vector.shape_cast %get3A_1126 : vector<1x16xf32> to vector<16xf32>
        %add3A_1128 = arith.addf %add3A_1119, %get3A_1127 : vector<16xf32>
        %add3A_1129 = arith.constant 0 : i32
        %add3A_1130 = arith.addi %add3A_1129, %mul3A_958 : i32
        %add3A_1131 = arith.constant 4 : i32
        %add3A_1132 = arith.addi %add3A_1130, %add3A_1131 : i32
        %get3A_1133 = arith.index_cast %add3A_1132 : i32 to index
        %get3A_1134 = arith.constant 48 : index
        %get3A_1135 = tpu.vector_load %arg9[%get3A_1133, %get3A_1134] {strides = array<i32>} : memref<50x128xf32, #tpu.memory_space<vmem>>, vector<1x16xf32>,
        %get3A_1136 = vector.shape_cast %get3A_1135 : vector<1x16xf32> to vector<16xf32>
        %add3A_1137 = arith.addf %add3A_1128, %get3A_1136 : vector<16xf32>
        %add3A_1138 = arith.constant 0 : i32
        %add3A_1139 = arith.addi %add3A_1138, %mul3A_958 : i32
        %add3A_1140 = arith.constant 0 : i32
        %add3A_1141 = arith.addi %add3A_1139, %add3A_1140 : i32
        %get3A_1142 = arith.index_cast %add3A_1141 : i32 to index
        %get3A_1143 = arith.constant 64 : index
        %get3A_1144 = tpu.vector_load %arg9[%get3A_1142, %get3A_1143] {strides = array<i32>} : memref<50x128xf32, #tpu.memory_space<vmem>>, vector<1x16xf32>,
        %get3A_1145 = vector.shape_cast %get3A_1144 : vector<1x16xf32> to vector<16xf32>
        %add3A_1146 = arith.addf %scan3A_953, %get3A_1145 : vector<16xf32>
        %add3A_1147 = arith.constant 0 : i32
        %add3A_1148 = arith.addi %add3A_1147, %mul3A_958 : i32
        %add3A_1149 = arith.constant 1 : i32
        %add3A_1150 = arith.addi %add3A_1148, %add3A_1149 : i32
        %get3A_1151 = arith.index_cast %add3A_1150 : i32 to index
        %get3A_1152 = arith.constant 64 : index
        %get3A_1153 = tpu.vector_load %arg9[%get3A_1151, %get3A_1152] {strides = array<i32>} : memref<50x128xf32, #tpu.memory_space<vmem>>, vector<1x16xf32>,
        %get3A_1154 = vector.shape_cast %get3A_1153 : vector<1x16xf32> to vector<16xf32>
        %add3A_1155 = arith.addf %add3A_1146, %get3A_1154 : vector<16xf32>
        %add3A_1156 = arith.constant 0 : i32
        %add3A_1157 = arith.addi %add3A_1156, %mul3A_958 : i32
        %add3A_1158 = arith.constant 2 : i32
        %add3A_1159 = arith.addi %add3A_1157, %add3A_1158 : i32
        %get3A_1160 = arith.index_cast %add3A_1159 : i32 to index
        %get3A_1161 = arith.constant 64 : index
        %get3A_1162 = tpu.vector_load %arg9[%get3A_1160, %get3A_1161] {strides = array<i32>} : memref<50x128xf32, #tpu.memory_space<vmem>>, vector<1x16xf32>,
        %get3A_1163 = vector.shape_cast %get3A_1162 : vector<1x16xf32> to vector<16xf32>
        %add3A_1164 = arith.addf %add3A_1155, %get3A_1163 : vector<16xf32>
        %add3A_1165 = arith.constant 0 : i32
        %add3A_1166 = arith.addi %add3A_1165, %mul3A_958 : i32
        %add3A_1167 = arith.constant 3 : i32
        %add3A_1168 = arith.addi %add3A_1166, %add3A_1167 : i32
        %get3A_1169 = arith.index_cast %add3A_1168 : i32 to index
        %get3A_1170 = arith.constant 64 : index
        %get3A_1171 = tpu.vector_load %arg9[%get3A_1169, %get3A_1170] {strides = array<i32>} : memref<50x128xf32, #tpu.memory_space<vmem>>, vector<1x16xf32>,
        %get3A_1172 = vector.shape_cast %get3A_1171 : vector<1x16xf32> to vector<16xf32>
        %add3A_1173 = arith.addf %add3A_1164, %get3A_1172 : vector<16xf32>
        %add3A_1174 = arith.constant 0 : i32
        %add3A_1175 = arith.addi %add3A_1174, %mul3A_958 : i32
        %add3A_1176 = arith.constant 4 : i32
        %add3A_1177 = arith.addi %add3A_1175, %add3A_1176 : i32
        %get3A_1178 = arith.index_cast %add3A_1177 : i32 to index
        %get3A_1179 = arith.constant 64 : index
        %get3A_1180 = tpu.vector_load %arg9[%get3A_1178, %get3A_1179] {strides = array<i32>} : memref<50x128xf32, #tpu.memory_space<vmem>>, vector<1x16xf32>,
        %get3A_1181 = vector.shape_cast %get3A_1180 : vector<1x16xf32> to vector<16xf32>
        %add3A_1182 = arith.addf %add3A_1173, %get3A_1181 : vector<16xf32>
        %add3A_1183 = arith.constant 0 : i32
        %add3A_1184 = arith.addi %add3A_1183, %mul3A_958 : i32
        %add3A_1185 = arith.constant 0 : i32
        %add3A_1186 = arith.addi %add3A_1184, %add3A_1185 : i32
        %get3A_1187 = arith.index_cast %add3A_1186 : i32 to index
        %get3A_1188 = arith.constant 80 : index
        %get3A_1189 = tpu.vector_load %arg9[%get3A_1187, %get3A_1188] {strides = array<i32>} : memref<50x128xf32, #tpu.memory_space<vmem>>, vector<1x16xf32>,
        %get3A_1190 = vector.shape_cast %get3A_1189 : vector<1x16xf32> to vector<16xf32>
        %add3A_1191 = arith.addf %scan3A_954, %get3A_1190 : vector<16xf32>
        %add3A_1192 = arith.constant 0 : i32
        %add3A_1193 = arith.addi %add3A_1192, %mul3A_958 : i32
        %add3A_1194 = arith.constant 1 : i32
        %add3A_1195 = arith.addi %add3A_1193, %add3A_1194 : i32
        %get3A_1196 = arith.index_cast %add3A_1195 : i32 to index
        %get3A_1197 = arith.constant 80 : index
        %get3A_1198 = tpu.vector_load %arg9[%get3A_1196, %get3A_1197] {strides = array<i32>} : memref<50x128xf32, #tpu.memory_space<vmem>>, vector<1x16xf32>,
        %get3A_1199 = vector.shape_cast %get3A_1198 : vector<1x16xf32> to vector<16xf32>
        %add3A_1200 = arith.addf %add3A_1191, %get3A_1199 : vector<16xf32>
        %add3A_1201 = arith.constant 0 : i32
        %add3A_1202 = arith.addi %add3A_1201, %mul3A_958 : i32
        %add3A_1203 = arith.constant 2 : i32
        %add3A_1204 = arith.addi %add3A_1202, %add3A_1203 : i32
        %get3A_1205 = arith.index_cast %add3A_1204 : i32 to index
        %get3A_1206 = arith.constant 80 : index
        %get3A_1207 = tpu.vector_load %arg9[%get3A_1205, %get3A_1206] {strides = array<i32>} : memref<50x128xf32, #tpu.memory_space<vmem>>, vector<1x16xf32>,
        %get3A_1208 = vector.shape_cast %get3A_1207 : vector<1x16xf32> to vector<16xf32>
        %add3A_1209 = arith.addf %add3A_1200, %get3A_1208 : vector<16xf32>
        %add3A_1210 = arith.constant 0 : i32
        %add3A_1211 = arith.addi %add3A_1210, %mul3A_958 : i32
        %add3A_1212 = arith.constant 3 : i32
        %add3A_1213 = arith.addi %add3A_1211, %add3A_1212 : i32
        %get3A_1214 = arith.index_cast %add3A_1213 : i32 to index
        %get3A_1215 = arith.constant 80 : index
        %get3A_1216 = tpu.vector_load %arg9[%get3A_1214, %get3A_1215] {strides = array<i32>} : memref<50x128xf32, #tpu.memory_space<vmem>>, vector<1x16xf32>,
        %get3A_1217 = vector.shape_cast %get3A_1216 : vector<1x16xf32> to vector<16xf32>
        %add3A_1218 = arith.addf %add3A_1209, %get3A_1217 : vector<16xf32>
        %add3A_1219 = arith.constant 0 : i32
        %add3A_1220 = arith.addi %add3A_1219, %mul3A_958 : i32
        %add3A_1221 = arith.constant 4 : i32
        %add3A_1222 = arith.addi %add3A_1220, %add3A_1221 : i32
        %get3A_1223 = arith.index_cast %add3A_1222 : i32 to index
        %get3A_1224 = arith.constant 80 : index
        %get3A_1225 = tpu.vector_load %arg9[%get3A_1223, %get3A_1224] {strides = array<i32>} : memref<50x128xf32, #tpu.memory_space<vmem>>, vector<1x16xf32>,
        %get3A_1226 = vector.shape_cast %get3A_1225 : vector<1x16xf32> to vector<16xf32>
        %add3A_1227 = arith.addf %add3A_1218, %get3A_1226 : vector<16xf32>
        %add3A_1228 = arith.constant 0 : i32
        %add3A_1229 = arith.addi %add3A_1228, %mul3A_958 : i32
        %add3A_1230 = arith.constant 0 : i32
        %add3A_1231 = arith.addi %add3A_1229, %add3A_1230 : i32
        %get3A_1232 = arith.index_cast %add3A_1231 : i32 to index
        %get3A_1233 = arith.constant 96 : index
        %get3A_1234 = tpu.vector_load %arg9[%get3A_1232, %get3A_1233] {strides = array<i32>} : memref<50x128xf32, #tpu.memory_space<vmem>>, vector<1x16xf32>,
        %get3A_1235 = vector.shape_cast %get3A_1234 : vector<1x16xf32> to vector<16xf32>
        %add3A_1236 = arith.addf %scan3A_955, %get3A_1235 : vector<16xf32>
        %add3A_1237 = arith.constant 0 : i32
        %add3A_1238 = arith.addi %add3A_1237, %mul3A_958 : i32
        %add3A_1239 = arith.constant 1 : i32
        %add3A_1240 = arith.addi %add3A_1238, %add3A_1239 : i32
        %get3A_1241 = arith.index_cast %add3A_1240 : i32 to index
        %get3A_1242 = arith.constant 96 : index
        %get3A_1243 = tpu.vector_load %arg9[%get3A_1241, %get3A_1242] {strides = array<i32>} : memref<50x128xf32, #tpu.memory_space<vmem>>, vector<1x16xf32>,
        %get3A_1244 = vector.shape_cast %get3A_1243 : vector<1x16xf32> to vector<16xf32>
        %add3A_1245 = arith.addf %add3A_1236, %get3A_1244 : vector<16xf32>
        %add3A_1246 = arith.constant 0 : i32
        %add3A_1247 = arith.addi %add3A_1246, %mul3A_958 : i32
        %add3A_1248 = arith.constant 2 : i32
        %add3A_1249 = arith.addi %add3A_1247, %add3A_1248 : i32
        %get3A_1250 = arith.index_cast %add3A_1249 : i32 to index
        %get3A_1251 = arith.constant 96 : index
        %get3A_1252 = tpu.vector_load %arg9[%get3A_1250, %get3A_1251] {strides = array<i32>} : memref<50x128xf32, #tpu.memory_space<vmem>>, vector<1x16xf32>,
        %get3A_1253 = vector.shape_cast %get3A_1252 : vector<1x16xf32> to vector<16xf32>
        %add3A_1254 = arith.addf %add3A_1245, %get3A_1253 : vector<16xf32>
        %add3A_1255 = arith.constant 0 : i32
        %add3A_1256 = arith.addi %add3A_1255, %mul3A_958 : i32
        %add3A_1257 = arith.constant 3 : i32
        %add3A_1258 = arith.addi %add3A_1256, %add3A_1257 : i32
        %get3A_1259 = arith.index_cast %add3A_1258 : i32 to index
        %get3A_1260 = arith.constant 96 : index
        %get3A_1261 = tpu.vector_load %arg9[%get3A_1259, %get3A_1260] {strides = array<i32>} : memref<50x128xf32, #tpu.memory_space<vmem>>, vector<1x16xf32>,
        %get3A_1262 = vector.shape_cast %get3A_1261 : vector<1x16xf32> to vector<16xf32>
        %add3A_1263 = arith.addf %add3A_1254, %get3A_1262 : vector<16xf32>
        %add3A_1264 = arith.constant 0 : i32
        %add3A_1265 = arith.addi %add3A_1264, %mul3A_958 : i32
        %add3A_1266 = arith.constant 4 : i32
        %add3A_1267 = arith.addi %add3A_1265, %add3A_1266 : i32
        %get3A_1268 = arith.index_cast %add3A_1267 : i32 to index
        %get3A_1269 = arith.constant 96 : index
        %get3A_1270 = tpu.vector_load %arg9[%get3A_1268, %get3A_1269] {strides = array<i32>} : memref<50x128xf32, #tpu.memory_space<vmem>>, vector<1x16xf32>,
        %get3A_1271 = vector.shape_cast %get3A_1270 : vector<1x16xf32> to vector<16xf32>
        %add3A_1272 = arith.addf %add3A_1263, %get3A_1271 : vector<16xf32>
        %add3A_1273 = arith.constant 0 : i32
        %add3A_1274 = arith.addi %add3A_1273, %mul3A_958 : i32
        %add3A_1275 = arith.constant 0 : i32
        %add3A_1276 = arith.addi %add3A_1274, %add3A_1275 : i32
        %get3A_1277 = arith.index_cast %add3A_1276 : i32 to index
        %get3A_1278 = arith.constant 112 : index
        %get3A_1279 = tpu.vector_load %arg9[%get3A_1277, %get3A_1278] {strides = array<i32>} : memref<50x128xf32, #tpu.memory_space<vmem>>, vector<1x16xf32>,
        %get3A_1280 = vector.shape_cast %get3A_1279 : vector<1x16xf32> to vector<16xf32>
        %add3A_1281 = arith.addf %scan3A_956, %get3A_1280 : vector<16xf32>
        %add3A_1282 = arith.constant 0 : i32
        %add3A_1283 = arith.addi %add3A_1282, %mul3A_958 : i32
        %add3A_1284 = arith.constant 1 : i32
        %add3A_1285 = arith.addi %add3A_1283, %add3A_1284 : i32
        %get3A_1286 = arith.index_cast %add3A_1285 : i32 to index
        %get3A_1287 = arith.constant 112 : index
        %get3A_1288 = tpu.vector_load %arg9[%get3A_1286, %get3A_1287] {strides = array<i32>} : memref<50x128xf32, #tpu.memory_space<vmem>>, vector<1x16xf32>,
        %get3A_1289 = vector.shape_cast %get3A_1288 : vector<1x16xf32> to vector<16xf32>
        %add3A_1290 = arith.addf %add3A_1281, %get3A_1289 : vector<16xf32>
        %add3A_1291 = arith.constant 0 : i32
        %add3A_1292 = arith.addi %add3A_1291, %mul3A_958 : i32
        %add3A_1293 = arith.constant 2 : i32
        %add3A_1294 = arith.addi %add3A_1292, %add3A_1293 : i32
        %get3A_1295 = arith.index_cast %add3A_1294 : i32 to index
        %get3A_1296 = arith.constant 112 : index
        %get3A_1297 = tpu.vector_load %arg9[%get3A_1295, %get3A_1296] {strides = array<i32>} : memref<50x128xf32, #tpu.memory_space<vmem>>, vector<1x16xf32>,
        %get3A_1298 = vector.shape_cast %get3A_1297 : vector<1x16xf32> to vector<16xf32>
        %add3A_1299 = arith.addf %add3A_1290, %get3A_1298 : vector<16xf32>
        %add3A_1300 = arith.constant 0 : i32
        %add3A_1301 = arith.addi %add3A_1300, %mul3A_958 : i32
        %add3A_1302 = arith.constant 3 : i32
        %add3A_1303 = arith.addi %add3A_1301, %add3A_1302 : i32
        %get3A_1304 = arith.index_cast %add3A_1303 : i32 to index
        %get3A_1305 = arith.constant 112 : index
        %get3A_1306 = tpu.vector_load %arg9[%get3A_1304, %get3A_1305] {strides = array<i32>} : memref<50x128xf32, #tpu.memory_space<vmem>>, vector<1x16xf32>,
        %get3A_1307 = vector.shape_cast %get3A_1306 : vector<1x16xf32> to vector<16xf32>
        %add3A_1308 = arith.addf %add3A_1299, %get3A_1307 : vector<16xf32>
        %add3A_1309 = arith.constant 0 : i32
        %add3A_1310 = arith.addi %add3A_1309, %mul3A_958 : i32
        %add3A_1311 = arith.constant 4 : i32
        %add3A_1312 = arith.addi %add3A_1310, %add3A_1311 : i32
        %get3A_1313 = arith.index_cast %add3A_1312 : i32 to index
        %get3A_1314 = arith.constant 112 : index
        %get3A_1315 = tpu.vector_load %arg9[%get3A_1313, %get3A_1314] {strides = array<i32>} : memref<50x128xf32, #tpu.memory_space<vmem>>, vector<1x16xf32>,
        %get3A_1316 = vector.shape_cast %get3A_1315 : vector<1x16xf32> to vector<16xf32>
        %add3A_1317 = arith.addf %add3A_1308, %get3A_1316 : vector<16xf32>
        scf.yield %add3A_1002, %add3A_1047, %add3A_1092, %add3A_1137, %add3A_1182, %add3A_1227, %add3A_1272, %add3A_1317 : vector<16xf32>, vector<16xf32>, vector<16xf32>, vector<16xf32>, vector<16xf32>, vector<16xf32>, vector<16xf32>, vector<16xf32>
      }
      %scan3A_424 = arith.constant 10 : i32
      %mul3A_425 = arith.constant 1 : i32
      %mul3A_426 = arith.muli %add3A_396, %mul3A_425 : i32
      %add3A_427 = arith.constant 0 : i32
      %add3A_428 = arith.addi %mul3A_426, %add3A_427 : i32
      %swap3A_429 = arith.index_cast %add3A_428 : i32 to index
      %swap3A_430 = arith.constant 0 : index
      %swap3A_431 = tpu.vector_load %arg14[%swap3A_429, %swap3A_430] {strides = array<i32>} : memref<128x128xf32, #tpu.memory_space<vmem>>, vector<1x16xf32>,
      %swap3A_432 = vector.shape_cast %swap3A_431 : vector<1x16xf32> to vector<16xf32>
      %swap3A_433 = vector.shape_cast %scan3A_423#0 : vector<16xf32> to vector<1x16xf32>
      tpu.vector_store %arg14[%swap3A_429, %swap3A_430], %swap3A_433 {strides = array<i32>} : memref<128x128xf32, #tpu.memory_space<vmem>>, vector<1x16xf32>,
      %mul3A_434 = arith.constant 1 : i32
      %mul3A_435 = arith.muli %add3A_396, %mul3A_434 : i32
      %add3A_436 = arith.constant 0 : i32
      %add3A_437 = arith.addi %mul3A_435, %add3A_436 : i32
      %swap3A_438 = arith.index_cast %add3A_437 : i32 to index
      %swap3A_439 = arith.constant 16 : index
      %swap3A_440 = tpu.vector_load %arg14[%swap3A_438, %swap3A_439] {strides = array<i32>} : memref<128x128xf32, #tpu.memory_space<vmem>>, vector<1x16xf32>,
      %swap3A_441 = vector.shape_cast %swap3A_440 : vector<1x16xf32> to vector<16xf32>
      %swap3A_442 = vector.shape_cast %scan3A_423#1 : vector<16xf32> to vector<1x16xf32>
      tpu.vector_store %arg14[%swap3A_438, %swap3A_439], %swap3A_442 {strides = array<i32>} : memref<128x128xf32, #tpu.memory_space<vmem>>, vector<1x16xf32>,
      %mul3A_443 = arith.constant 1 : i32
      %mul3A_444 = arith.muli %add3A_396, %mul3A_443 : i32
      %add3A_445 = arith.constant 0 : i32
      %add3A_446 = arith.addi %mul3A_444, %add3A_445 : i32
      %swap3A_447 = arith.index_cast %add3A_446 : i32 to index
      %swap3A_448 = arith.constant 32 : index
      %swap3A_449 = tpu.vector_load %arg14[%swap3A_447, %swap3A_448] {strides = array<i32>} : memref<128x128xf32, #tpu.memory_space<vmem>>, vector<1x16xf32>,
      %swap3A_450 = vector.shape_cast %swap3A_449 : vector<1x16xf32> to vector<16xf32>
      %swap3A_451 = vector.shape_cast %scan3A_423#2 : vector<16xf32> to vector<1x16xf32>
      tpu.vector_store %arg14[%swap3A_447, %swap3A_448], %swap3A_451 {strides = array<i32>} : memref<128x128xf32, #tpu.memory_space<vmem>>, vector<1x16xf32>,
      %mul3A_452 = arith.constant 1 : i32
      %mul3A_453 = arith.muli %add3A_396, %mul3A_452 : i32
      %add3A_454 = arith.constant 0 : i32
      %add3A_455 = arith.addi %mul3A_453, %add3A_454 : i32
      %swap3A_456 = arith.index_cast %add3A_455 : i32 to index
      %swap3A_457 = arith.constant 48 : index
      %swap3A_458 = tpu.vector_load %arg14[%swap3A_456, %swap3A_457] {strides = array<i32>} : memref<128x128xf32, #tpu.memory_space<vmem>>, vector<1x16xf32>,
      %swap3A_459 = vector.shape_cast %swap3A_458 : vector<1x16xf32> to vector<16xf32>
      %swap3A_460 = vector.shape_cast %scan3A_423#3 : vector<16xf32> to vector<1x16xf32>
      tpu.vector_store %arg14[%swap3A_456, %swap3A_457], %swap3A_460 {strides = array<i32>} : memref<128x128xf32, #tpu.memory_space<vmem>>, vector<1x16xf32>,
      %mul3A_461 = arith.constant 1 : i32
      %mul3A_462 = arith.muli %add3A_396, %mul3A_461 : i32
      %add3A_463 = arith.constant 0 : i32
      %add3A_464 = arith.addi %mul3A_462, %add3A_463 : i32
      %swap3A_465 = arith.index_cast %add3A_464 : i32 to index
      %swap3A_466 = arith.constant 64 : index
      %swap3A_467 = tpu.vector_load %arg14[%swap3A_465, %swap3A_466] {strides = array<i32>} : memref<128x128xf32, #tpu.memory_space<vmem>>, vector<1x16xf32>,
      %swap3A_468 = vector.shape_cast %swap3A_467 : vector<1x16xf32> to vector<16xf32>
      %swap3A_469 = vector.shape_cast %scan3A_423#4 : vector<16xf32> to vector<1x16xf32>
      tpu.vector_store %arg14[%swap3A_465, %swap3A_466], %swap3A_469 {strides = array<i32>} : memref<128x128xf32, #tpu.memory_space<vmem>>, vector<1x16xf32>,
      %mul3A_470 = arith.constant 1 : i32
      %mul3A_471 = arith.muli %add3A_396, %mul3A_470 : i32
      %add3A_472 = arith.constant 0 : i32
      %add3A_473 = arith.addi %mul3A_471, %add3A_472 : i32
      %swap3A_474 = arith.index_cast %add3A_473 : i32 to index
      %swap3A_475 = arith.constant 80 : index
      %swap3A_476 = tpu.vector_load %arg14[%swap3A_474, %swap3A_475] {strides = array<i32>} : memref<128x128xf32, #tpu.memory_space<vmem>>, vector<1x16xf32>,
      %swap3A_477 = vector.shape_cast %swap3A_476 : vector<1x16xf32> to vector<16xf32>
      %swap3A_478 = vector.shape_cast %scan3A_423#5 : vector<16xf32> to vector<1x16xf32>
      tpu.vector_store %arg14[%swap3A_474, %swap3A_475], %swap3A_478 {strides = array<i32>} : memref<128x128xf32, #tpu.memory_space<vmem>>, vector<1x16xf32>,
      %mul3A_479 = arith.constant 1 : i32
      %mul3A_480 = arith.muli %add3A_396, %mul3A_479 : i32
      %add3A_481 = arith.constant 0 : i32
      %add3A_482 = arith.addi %mul3A_480, %add3A_481 : i32
      %swap3A_483 = arith.index_cast %add3A_482 : i32 to index
      %swap3A_484 = arith.constant 96 : index
      %swap3A_485 = tpu.vector_load %arg14[%swap3A_483, %swap3A_484] {strides = array<i32>} : memref<128x128xf32, #tpu.memory_space<vmem>>, vector<1x16xf32>,
      %swap3A_486 = vector.shape_cast %swap3A_485 : vector<1x16xf32> to vector<16xf32>
      %swap3A_487 = vector.shape_cast %scan3A_423#6 : vector<16xf32> to vector<1x16xf32>
      tpu.vector_store %arg14[%swap3A_483, %swap3A_484], %swap3A_487 {strides = array<i32>} : memref<128x128xf32, #tpu.memory_space<vmem>>, vector<1x16xf32>,
      %mul3A_488 = arith.constant 1 : i32
      %mul3A_489 = arith.muli %add3A_396, %mul3A_488 : i32
      %add3A_490 = arith.constant 0 : i32
      %add3A_491 = arith.addi %mul3A_489, %add3A_490 : i32
      %swap3A_492 = arith.index_cast %add3A_491 : i32 to index
      %swap3A_493 = arith.constant 112 : index
      %swap3A_494 = tpu.vector_load %arg14[%swap3A_492, %swap3A_493] {strides = array<i32>} : memref<128x128xf32, #tpu.memory_space<vmem>>, vector<1x16xf32>,
      %swap3A_495 = vector.shape_cast %swap3A_494 : vector<1x16xf32> to vector<16xf32>
      %swap3A_496 = vector.shape_cast %scan3A_423#7 : vector<16xf32> to vector<1x16xf32>
      tpu.vector_store %arg14[%swap3A_492, %swap3A_493], %swap3A_496 {strides = array<i32>} : memref<128x128xf32, #tpu.memory_space<vmem>>, vector<1x16xf32>,
      %add3A_497 = arith.constant 8 : i32
      %add3A_498 = arith.addi %add3A_396, %add3A_497 : i32
      %lt3A_499 = arith.constant 128 : i32
      %lt3A_500 = arith.cmpi slt, %add3A_498, %lt3A_499 : i32
      %convert_element_type3A_501 = arith.extui %lt3A_500 : i1 to i32
      %cond3A_502 = arith.constant 0 : i32
      %cond3A_503 = arith.cmpi ne, %convert_element_type3A_501, %cond3A_502 : i32
      scf.if %cond3A_503 {
        %dma_start3A_948 = arith.constant 0 : i32
        %dma_start3A_949 = tpu.memref_slice %arg5[%add3A_498, %dma_start3A_948] : memref<128x50xi32, #tpu.memory_space<vmem>> -> memref<1x50xi32, #tpu.memory_space<vmem>>
        %dma_start3A_950 = tpu.memref_squeeze %dma_start3A_949 : memref<1x50xi32, #tpu.memory_space<vmem>> -> memref<50xi32, #tpu.memory_space<vmem>>
        %dma_start3A_951 = arith.constant 0 : i32
        %dma_start3A_952 = arith.constant 0 : i32
        %dma_start3A_953 = tpu.memref_slice %arg3[%dma_start3A_951, %dma_start3A_952] : memref<100000x128xf32, #tpu.memory_space<hbm>> -> memref<100000x128xf32, #tpu.memory_space<hbm>>
        tpu.enqueue_indirect_dma source(%dma_start3A_953 : memref<100000x128xf32, #tpu.memory_space<hbm>>) target(%arg9 : memref<50x128xf32, #tpu.memory_space<vmem>>) offsets(%dma_start3A_950 : memref<50xi32, #tpu.memory_space<vmem>>) semaphore(%arg18 : memref<!tpu.dma_semaphore, #tpu.memory_space<semaphore_mem>>)
      } else {
      }
      %mul3A_504 = arith.constant 8 : i32
      %mul3A_505 = arith.muli %scan3A_65, %mul3A_504 : i32
      %add3A_506 = arith.constant 4 : i32
      %add3A_507 = arith.addi %mul3A_505, %add3A_506 : i32
      %dma_wait3A_508 = arith.constant 0 : i32
      %dma_wait3A_509 = tpu.memref_slice %arg5[%add3A_507, %dma_wait3A_508] : memref<128x50xi32, #tpu.memory_space<vmem>> -> memref<1x50xi32, #tpu.memory_space<vmem>>
      %dma_wait3A_510 = tpu.memref_squeeze %dma_wait3A_509 : memref<1x50xi32, #tpu.memory_space<vmem>> -> memref<50xi32, #tpu.memory_space<vmem>>
      %dma_wait3A_511 = arith.constant 0 : i32
      %dma_wait3A_512 = arith.constant 0 : i32
      %dma_wait3A_513 = tpu.memref_slice %arg3[%dma_wait3A_511, %dma_wait3A_512] : memref<100000x128xf32, #tpu.memory_space<hbm>> -> memref<100000x128xf32, #tpu.memory_space<hbm>>
      tpu.wait_indirect_dma semaphore(%arg19 : memref<!tpu.dma_semaphore, #tpu.memory_space<semaphore_mem>>) src(%dma_wait3A_513 : memref<100000x128xf32, #tpu.memory_space<hbm>>) dst(%arg10 : memref<50x128xf32, #tpu.memory_space<vmem>>)
      %broadcast_in_dim3A_514 = arith.constant 0.000000e+00 : f32
      %broadcast_in_dim3A_515 = vector.broadcast %broadcast_in_dim3A_514 : f32 to vector<16xf32>
      %broadcast_in_dim3A_516 = arith.constant 0.000000e+00 : f32
      %broadcast_in_dim3A_517 = vector.broadcast %broadcast_in_dim3A_516 : f32 to vector<16xf32>
      %broadcast_in_dim3A_518 = arith.constant 0.000000e+00 : f32
      %broadcast_in_dim3A_519 = vector.broadcast %broadcast_in_dim3A_518 : f32 to vector<16xf32>
      %broadcast_in_dim3A_520 = arith.constant 0.000000e+00 : f32
      %broadcast_in_dim3A_521 = vector.broadcast %broadcast_in_dim3A_520 : f32 to vector<16xf32>
      %broadcast_in_dim3A_522 = arith.constant 0.000000e+00 : f32
      %broadcast_in_dim3A_523 = vector.broadcast %broadcast_in_dim3A_522 : f32 to vector<16xf32>
      %broadcast_in_dim3A_524 = arith.constant 0.000000e+00 : f32
      %broadcast_in_dim3A_525 = vector.broadcast %broadcast_in_dim3A_524 : f32 to vector<16xf32>
      %broadcast_in_dim3A_526 = arith.constant 0.000000e+00 : f32
      %broadcast_in_dim3A_527 = vector.broadcast %broadcast_in_dim3A_526 : f32 to vector<16xf32>
      %broadcast_in_dim3A_528 = arith.constant 0.000000e+00 : f32
      %broadcast_in_dim3A_529 = vector.broadcast %broadcast_in_dim3A_528 : f32 to vector<16xf32>
      %scan3A_530 = arith.constant 0 : i32
      %scan3A_531 = arith.constant 10 : i32
      %scan3A_532 = arith.addi %scan3A_530, %scan3A_531 : i32
      %scan3A_533 = arith.constant 1 : i32
      %scan3A_534:8 = scf.for %scan3A_948 = %scan3A_530 to %scan3A_532 step %scan3A_533 iter_args(%scan3A_949 = %broadcast_in_dim3A_515, %scan3A_950 = %broadcast_in_dim3A_517, %scan3A_951 = %broadcast_in_dim3A_519, %scan3A_952 = %broadcast_in_dim3A_521, %scan3A_953 = %broadcast_in_dim3A_523, %scan3A_954 = %broadcast_in_dim3A_525, %scan3A_955 = %broadcast_in_dim3A_527, %scan3A_956 = %broadcast_in_dim3A_529) -> (vector<16xf32>, vector<16xf32>, vector<16xf32>, vector<16xf32>, vector<16xf32>, vector<16xf32>, vector<16xf32>, vector<16xf32>)  : i32 {
        %mul3A_957 = arith.constant 5 : i32
        %mul3A_958 = arith.muli %scan3A_948, %mul3A_957 : i32
        %add3A_959 = arith.constant 0 : i32
        %add3A_960 = arith.addi %add3A_959, %mul3A_958 : i32
        %add3A_961 = arith.constant 0 : i32
        %add3A_962 = arith.addi %add3A_960, %add3A_961 : i32
        %get3A = arith.index_cast %add3A_962 : i32 to index
        %get3A_963 = arith.constant 0 : index
        %get3A_964 = tpu.vector_load %arg10[%get3A, %get3A_963] {strides = array<i32>} : memref<50x128xf32, #tpu.memory_space<vmem>>, vector<1x16xf32>,
        %get3A_965 = vector.shape_cast %get3A_964 : vector<1x16xf32> to vector<16xf32>
        %add3A_966 = arith.addf %scan3A_949, %get3A_965 : vector<16xf32>
        %add3A_967 = arith.constant 0 : i32
        %add3A_968 = arith.addi %add3A_967, %mul3A_958 : i32
        %add3A_969 = arith.constant 1 : i32
        %add3A_970 = arith.addi %add3A_968, %add3A_969 : i32
        %get3A_971 = arith.index_cast %add3A_970 : i32 to index
        %get3A_972 = arith.constant 0 : index
        %get3A_973 = tpu.vector_load %arg10[%get3A_971, %get3A_972] {strides = array<i32>} : memref<50x128xf32, #tpu.memory_space<vmem>>, vector<1x16xf32>,
        %get3A_974 = vector.shape_cast %get3A_973 : vector<1x16xf32> to vector<16xf32>
        %add3A_975 = arith.addf %add3A_966, %get3A_974 : vector<16xf32>
        %add3A_976 = arith.constant 0 : i32
        %add3A_977 = arith.addi %add3A_976, %mul3A_958 : i32
        %add3A_978 = arith.constant 2 : i32
        %add3A_979 = arith.addi %add3A_977, %add3A_978 : i32
        %get3A_980 = arith.index_cast %add3A_979 : i32 to index
        %get3A_981 = arith.constant 0 : index
        %get3A_982 = tpu.vector_load %arg10[%get3A_980, %get3A_981] {strides = array<i32>} : memref<50x128xf32, #tpu.memory_space<vmem>>, vector<1x16xf32>,
        %get3A_983 = vector.shape_cast %get3A_982 : vector<1x16xf32> to vector<16xf32>
        %add3A_984 = arith.addf %add3A_975, %get3A_983 : vector<16xf32>
        %add3A_985 = arith.constant 0 : i32
        %add3A_986 = arith.addi %add3A_985, %mul3A_958 : i32
        %add3A_987 = arith.constant 3 : i32
        %add3A_988 = arith.addi %add3A_986, %add3A_987 : i32
        %get3A_989 = arith.index_cast %add3A_988 : i32 to index
        %get3A_990 = arith.constant 0 : index
        %get3A_991 = tpu.vector_load %arg10[%get3A_989, %get3A_990] {strides = array<i32>} : memref<50x128xf32, #tpu.memory_space<vmem>>, vector<1x16xf32>,
        %get3A_992 = vector.shape_cast %get3A_991 : vector<1x16xf32> to vector<16xf32>
        %add3A_993 = arith.addf %add3A_984, %get3A_992 : vector<16xf32>
        %add3A_994 = arith.constant 0 : i32
        %add3A_995 = arith.addi %add3A_994, %mul3A_958 : i32
        %add3A_996 = arith.constant 4 : i32
        %add3A_997 = arith.addi %add3A_995, %add3A_996 : i32
        %get3A_998 = arith.index_cast %add3A_997 : i32 to index
        %get3A_999 = arith.constant 0 : index
        %get3A_1000 = tpu.vector_load %arg10[%get3A_998, %get3A_999] {strides = array<i32>} : memref<50x128xf32, #tpu.memory_space<vmem>>, vector<1x16xf32>,
        %get3A_1001 = vector.shape_cast %get3A_1000 : vector<1x16xf32> to vector<16xf32>
        %add3A_1002 = arith.addf %add3A_993, %get3A_1001 : vector<16xf32>
        %add3A_1003 = arith.constant 0 : i32
        %add3A_1004 = arith.addi %add3A_1003, %mul3A_958 : i32
        %add3A_1005 = arith.constant 0 : i32
        %add3A_1006 = arith.addi %add3A_1004, %add3A_1005 : i32
        %get3A_1007 = arith.index_cast %add3A_1006 : i32 to index
        %get3A_1008 = arith.constant 16 : index
        %get3A_1009 = tpu.vector_load %arg10[%get3A_1007, %get3A_1008] {strides = array<i32>} : memref<50x128xf32, #tpu.memory_space<vmem>>, vector<1x16xf32>,
        %get3A_1010 = vector.shape_cast %get3A_1009 : vector<1x16xf32> to vector<16xf32>
        %add3A_1011 = arith.addf %scan3A_950, %get3A_1010 : vector<16xf32>
        %add3A_1012 = arith.constant 0 : i32
        %add3A_1013 = arith.addi %add3A_1012, %mul3A_958 : i32
        %add3A_1014 = arith.constant 1 : i32
        %add3A_1015 = arith.addi %add3A_1013, %add3A_1014 : i32
        %get3A_1016 = arith.index_cast %add3A_1015 : i32 to index
        %get3A_1017 = arith.constant 16 : index
        %get3A_1018 = tpu.vector_load %arg10[%get3A_1016, %get3A_1017] {strides = array<i32>} : memref<50x128xf32, #tpu.memory_space<vmem>>, vector<1x16xf32>,
        %get3A_1019 = vector.shape_cast %get3A_1018 : vector<1x16xf32> to vector<16xf32>
        %add3A_1020 = arith.addf %add3A_1011, %get3A_1019 : vector<16xf32>
        %add3A_1021 = arith.constant 0 : i32
        %add3A_1022 = arith.addi %add3A_1021, %mul3A_958 : i32
        %add3A_1023 = arith.constant 2 : i32
        %add3A_1024 = arith.addi %add3A_1022, %add3A_1023 : i32
        %get3A_1025 = arith.index_cast %add3A_1024 : i32 to index
        %get3A_1026 = arith.constant 16 : index
        %get3A_1027 = tpu.vector_load %arg10[%get3A_1025, %get3A_1026] {strides = array<i32>} : memref<50x128xf32, #tpu.memory_space<vmem>>, vector<1x16xf32>,
        %get3A_1028 = vector.shape_cast %get3A_1027 : vector<1x16xf32> to vector<16xf32>
        %add3A_1029 = arith.addf %add3A_1020, %get3A_1028 : vector<16xf32>
        %add3A_1030 = arith.constant 0 : i32
        %add3A_1031 = arith.addi %add3A_1030, %mul3A_958 : i32
        %add3A_1032 = arith.constant 3 : i32
        %add3A_1033 = arith.addi %add3A_1031, %add3A_1032 : i32
        %get3A_1034 = arith.index_cast %add3A_1033 : i32 to index
        %get3A_1035 = arith.constant 16 : index
        %get3A_1036 = tpu.vector_load %arg10[%get3A_1034, %get3A_1035] {strides = array<i32>} : memref<50x128xf32, #tpu.memory_space<vmem>>, vector<1x16xf32>,
        %get3A_1037 = vector.shape_cast %get3A_1036 : vector<1x16xf32> to vector<16xf32>
        %add3A_1038 = arith.addf %add3A_1029, %get3A_1037 : vector<16xf32>
        %add3A_1039 = arith.constant 0 : i32
        %add3A_1040 = arith.addi %add3A_1039, %mul3A_958 : i32
        %add3A_1041 = arith.constant 4 : i32
        %add3A_1042 = arith.addi %add3A_1040, %add3A_1041 : i32
        %get3A_1043 = arith.index_cast %add3A_1042 : i32 to index
        %get3A_1044 = arith.constant 16 : index
        %get3A_1045 = tpu.vector_load %arg10[%get3A_1043, %get3A_1044] {strides = array<i32>} : memref<50x128xf32, #tpu.memory_space<vmem>>, vector<1x16xf32>,
        %get3A_1046 = vector.shape_cast %get3A_1045 : vector<1x16xf32> to vector<16xf32>
        %add3A_1047 = arith.addf %add3A_1038, %get3A_1046 : vector<16xf32>
        %add3A_1048 = arith.constant 0 : i32
        %add3A_1049 = arith.addi %add3A_1048, %mul3A_958 : i32
        %add3A_1050 = arith.constant 0 : i32
        %add3A_1051 = arith.addi %add3A_1049, %add3A_1050 : i32
        %get3A_1052 = arith.index_cast %add3A_1051 : i32 to index
        %get3A_1053 = arith.constant 32 : index
        %get3A_1054 = tpu.vector_load %arg10[%get3A_1052, %get3A_1053] {strides = array<i32>} : memref<50x128xf32, #tpu.memory_space<vmem>>, vector<1x16xf32>,
        %get3A_1055 = vector.shape_cast %get3A_1054 : vector<1x16xf32> to vector<16xf32>
        %add3A_1056 = arith.addf %scan3A_951, %get3A_1055 : vector<16xf32>
        %add3A_1057 = arith.constant 0 : i32
        %add3A_1058 = arith.addi %add3A_1057, %mul3A_958 : i32
        %add3A_1059 = arith.constant 1 : i32
        %add3A_1060 = arith.addi %add3A_1058, %add3A_1059 : i32
        %get3A_1061 = arith.index_cast %add3A_1060 : i32 to index
        %get3A_1062 = arith.constant 32 : index
        %get3A_1063 = tpu.vector_load %arg10[%get3A_1061, %get3A_1062] {strides = array<i32>} : memref<50x128xf32, #tpu.memory_space<vmem>>, vector<1x16xf32>,
        %get3A_1064 = vector.shape_cast %get3A_1063 : vector<1x16xf32> to vector<16xf32>
        %add3A_1065 = arith.addf %add3A_1056, %get3A_1064 : vector<16xf32>
        %add3A_1066 = arith.constant 0 : i32
        %add3A_1067 = arith.addi %add3A_1066, %mul3A_958 : i32
        %add3A_1068 = arith.constant 2 : i32
        %add3A_1069 = arith.addi %add3A_1067, %add3A_1068 : i32
        %get3A_1070 = arith.index_cast %add3A_1069 : i32 to index
        %get3A_1071 = arith.constant 32 : index
        %get3A_1072 = tpu.vector_load %arg10[%get3A_1070, %get3A_1071] {strides = array<i32>} : memref<50x128xf32, #tpu.memory_space<vmem>>, vector<1x16xf32>,
        %get3A_1073 = vector.shape_cast %get3A_1072 : vector<1x16xf32> to vector<16xf32>
        %add3A_1074 = arith.addf %add3A_1065, %get3A_1073 : vector<16xf32>
        %add3A_1075 = arith.constant 0 : i32
        %add3A_1076 = arith.addi %add3A_1075, %mul3A_958 : i32
        %add3A_1077 = arith.constant 3 : i32
        %add3A_1078 = arith.addi %add3A_1076, %add3A_1077 : i32
        %get3A_1079 = arith.index_cast %add3A_1078 : i32 to index
        %get3A_1080 = arith.constant 32 : index
        %get3A_1081 = tpu.vector_load %arg10[%get3A_1079, %get3A_1080] {strides = array<i32>} : memref<50x128xf32, #tpu.memory_space<vmem>>, vector<1x16xf32>,
        %get3A_1082 = vector.shape_cast %get3A_1081 : vector<1x16xf32> to vector<16xf32>
        %add3A_1083 = arith.addf %add3A_1074, %get3A_1082 : vector<16xf32>
        %add3A_1084 = arith.constant 0 : i32
        %add3A_1085 = arith.addi %add3A_1084, %mul3A_958 : i32
        %add3A_1086 = arith.constant 4 : i32
        %add3A_1087 = arith.addi %add3A_1085, %add3A_1086 : i32
        %get3A_1088 = arith.index_cast %add3A_1087 : i32 to index
        %get3A_1089 = arith.constant 32 : index
        %get3A_1090 = tpu.vector_load %arg10[%get3A_1088, %get3A_1089] {strides = array<i32>} : memref<50x128xf32, #tpu.memory_space<vmem>>, vector<1x16xf32>,
        %get3A_1091 = vector.shape_cast %get3A_1090 : vector<1x16xf32> to vector<16xf32>
        %add3A_1092 = arith.addf %add3A_1083, %get3A_1091 : vector<16xf32>
        %add3A_1093 = arith.constant 0 : i32
        %add3A_1094 = arith.addi %add3A_1093, %mul3A_958 : i32
        %add3A_1095 = arith.constant 0 : i32
        %add3A_1096 = arith.addi %add3A_1094, %add3A_1095 : i32
        %get3A_1097 = arith.index_cast %add3A_1096 : i32 to index
        %get3A_1098 = arith.constant 48 : index
        %get3A_1099 = tpu.vector_load %arg10[%get3A_1097, %get3A_1098] {strides = array<i32>} : memref<50x128xf32, #tpu.memory_space<vmem>>, vector<1x16xf32>,
        %get3A_1100 = vector.shape_cast %get3A_1099 : vector<1x16xf32> to vector<16xf32>
        %add3A_1101 = arith.addf %scan3A_952, %get3A_1100 : vector<16xf32>
        %add3A_1102 = arith.constant 0 : i32
        %add3A_1103 = arith.addi %add3A_1102, %mul3A_958 : i32
        %add3A_1104 = arith.constant 1 : i32
        %add3A_1105 = arith.addi %add3A_1103, %add3A_1104 : i32
        %get3A_1106 = arith.index_cast %add3A_1105 : i32 to index
        %get3A_1107 = arith.constant 48 : index
        %get3A_1108 = tpu.vector_load %arg10[%get3A_1106, %get3A_1107] {strides = array<i32>} : memref<50x128xf32, #tpu.memory_space<vmem>>, vector<1x16xf32>,
        %get3A_1109 = vector.shape_cast %get3A_1108 : vector<1x16xf32> to vector<16xf32>
        %add3A_1110 = arith.addf %add3A_1101, %get3A_1109 : vector<16xf32>
        %add3A_1111 = arith.constant 0 : i32
        %add3A_1112 = arith.addi %add3A_1111, %mul3A_958 : i32
        %add3A_1113 = arith.constant 2 : i32
        %add3A_1114 = arith.addi %add3A_1112, %add3A_1113 : i32
        %get3A_1115 = arith.index_cast %add3A_1114 : i32 to index
        %get3A_1116 = arith.constant 48 : index
        %get3A_1117 = tpu.vector_load %arg10[%get3A_1115, %get3A_1116] {strides = array<i32>} : memref<50x128xf32, #tpu.memory_space<vmem>>, vector<1x16xf32>,
        %get3A_1118 = vector.shape_cast %get3A_1117 : vector<1x16xf32> to vector<16xf32>
        %add3A_1119 = arith.addf %add3A_1110, %get3A_1118 : vector<16xf32>
        %add3A_1120 = arith.constant 0 : i32
        %add3A_1121 = arith.addi %add3A_1120, %mul3A_958 : i32
        %add3A_1122 = arith.constant 3 : i32
        %add3A_1123 = arith.addi %add3A_1121, %add3A_1122 : i32
        %get3A_1124 = arith.index_cast %add3A_1123 : i32 to index
        %get3A_1125 = arith.constant 48 : index
        %get3A_1126 = tpu.vector_load %arg10[%get3A_1124, %get3A_1125] {strides = array<i32>} : memref<50x128xf32, #tpu.memory_space<vmem>>, vector<1x16xf32>,
        %get3A_1127 = vector.shape_cast %get3A_1126 : vector<1x16xf32> to vector<16xf32>
        %add3A_1128 = arith.addf %add3A_1119, %get3A_1127 : vector<16xf32>
        %add3A_1129 = arith.constant 0 : i32
        %add3A_1130 = arith.addi %add3A_1129, %mul3A_958 : i32
        %add3A_1131 = arith.constant 4 : i32
        %add3A_1132 = arith.addi %add3A_1130, %add3A_1131 : i32
        %get3A_1133 = arith.index_cast %add3A_1132 : i32 to index
        %get3A_1134 = arith.constant 48 : index
        %get3A_1135 = tpu.vector_load %arg10[%get3A_1133, %get3A_1134] {strides = array<i32>} : memref<50x128xf32, #tpu.memory_space<vmem>>, vector<1x16xf32>,
        %get3A_1136 = vector.shape_cast %get3A_1135 : vector<1x16xf32> to vector<16xf32>
        %add3A_1137 = arith.addf %add3A_1128, %get3A_1136 : vector<16xf32>
        %add3A_1138 = arith.constant 0 : i32
        %add3A_1139 = arith.addi %add3A_1138, %mul3A_958 : i32
        %add3A_1140 = arith.constant 0 : i32
        %add3A_1141 = arith.addi %add3A_1139, %add3A_1140 : i32
        %get3A_1142 = arith.index_cast %add3A_1141 : i32 to index
        %get3A_1143 = arith.constant 64 : index
        %get3A_1144 = tpu.vector_load %arg10[%get3A_1142, %get3A_1143] {strides = array<i32>} : memref<50x128xf32, #tpu.memory_space<vmem>>, vector<1x16xf32>,
        %get3A_1145 = vector.shape_cast %get3A_1144 : vector<1x16xf32> to vector<16xf32>
        %add3A_1146 = arith.addf %scan3A_953, %get3A_1145 : vector<16xf32>
        %add3A_1147 = arith.constant 0 : i32
        %add3A_1148 = arith.addi %add3A_1147, %mul3A_958 : i32
        %add3A_1149 = arith.constant 1 : i32
        %add3A_1150 = arith.addi %add3A_1148, %add3A_1149 : i32
        %get3A_1151 = arith.index_cast %add3A_1150 : i32 to index
        %get3A_1152 = arith.constant 64 : index
        %get3A_1153 = tpu.vector_load %arg10[%get3A_1151, %get3A_1152] {strides = array<i32>} : memref<50x128xf32, #tpu.memory_space<vmem>>, vector<1x16xf32>,
        %get3A_1154 = vector.shape_cast %get3A_1153 : vector<1x16xf32> to vector<16xf32>
        %add3A_1155 = arith.addf %add3A_1146, %get3A_1154 : vector<16xf32>
        %add3A_1156 = arith.constant 0 : i32
        %add3A_1157 = arith.addi %add3A_1156, %mul3A_958 : i32
        %add3A_1158 = arith.constant 2 : i32
        %add3A_1159 = arith.addi %add3A_1157, %add3A_1158 : i32
        %get3A_1160 = arith.index_cast %add3A_1159 : i32 to index
        %get3A_1161 = arith.constant 64 : index
        %get3A_1162 = tpu.vector_load %arg10[%get3A_1160, %get3A_1161] {strides = array<i32>} : memref<50x128xf32, #tpu.memory_space<vmem>>, vector<1x16xf32>,
        %get3A_1163 = vector.shape_cast %get3A_1162 : vector<1x16xf32> to vector<16xf32>
        %add3A_1164 = arith.addf %add3A_1155, %get3A_1163 : vector<16xf32>
        %add3A_1165 = arith.constant 0 : i32
        %add3A_1166 = arith.addi %add3A_1165, %mul3A_958 : i32
        %add3A_1167 = arith.constant 3 : i32
        %add3A_1168 = arith.addi %add3A_1166, %add3A_1167 : i32
        %get3A_1169 = arith.index_cast %add3A_1168 : i32 to index
        %get3A_1170 = arith.constant 64 : index
        %get3A_1171 = tpu.vector_load %arg10[%get3A_1169, %get3A_1170] {strides = array<i32>} : memref<50x128xf32, #tpu.memory_space<vmem>>, vector<1x16xf32>,
        %get3A_1172 = vector.shape_cast %get3A_1171 : vector<1x16xf32> to vector<16xf32>
        %add3A_1173 = arith.addf %add3A_1164, %get3A_1172 : vector<16xf32>
        %add3A_1174 = arith.constant 0 : i32
        %add3A_1175 = arith.addi %add3A_1174, %mul3A_958 : i32
        %add3A_1176 = arith.constant 4 : i32
        %add3A_1177 = arith.addi %add3A_1175, %add3A_1176 : i32
        %get3A_1178 = arith.index_cast %add3A_1177 : i32 to index
        %get3A_1179 = arith.constant 64 : index
        %get3A_1180 = tpu.vector_load %arg10[%get3A_1178, %get3A_1179] {strides = array<i32>} : memref<50x128xf32, #tpu.memory_space<vmem>>, vector<1x16xf32>,
        %get3A_1181 = vector.shape_cast %get3A_1180 : vector<1x16xf32> to vector<16xf32>
        %add3A_1182 = arith.addf %add3A_1173, %get3A_1181 : vector<16xf32>
        %add3A_1183 = arith.constant 0 : i32
        %add3A_1184 = arith.addi %add3A_1183, %mul3A_958 : i32
        %add3A_1185 = arith.constant 0 : i32
        %add3A_1186 = arith.addi %add3A_1184, %add3A_1185 : i32
        %get3A_1187 = arith.index_cast %add3A_1186 : i32 to index
        %get3A_1188 = arith.constant 80 : index
        %get3A_1189 = tpu.vector_load %arg10[%get3A_1187, %get3A_1188] {strides = array<i32>} : memref<50x128xf32, #tpu.memory_space<vmem>>, vector<1x16xf32>,
        %get3A_1190 = vector.shape_cast %get3A_1189 : vector<1x16xf32> to vector<16xf32>
        %add3A_1191 = arith.addf %scan3A_954, %get3A_1190 : vector<16xf32>
        %add3A_1192 = arith.constant 0 : i32
        %add3A_1193 = arith.addi %add3A_1192, %mul3A_958 : i32
        %add3A_1194 = arith.constant 1 : i32
        %add3A_1195 = arith.addi %add3A_1193, %add3A_1194 : i32
        %get3A_1196 = arith.index_cast %add3A_1195 : i32 to index
        %get3A_1197 = arith.constant 80 : index
        %get3A_1198 = tpu.vector_load %arg10[%get3A_1196, %get3A_1197] {strides = array<i32>} : memref<50x128xf32, #tpu.memory_space<vmem>>, vector<1x16xf32>,
        %get3A_1199 = vector.shape_cast %get3A_1198 : vector<1x16xf32> to vector<16xf32>
        %add3A_1200 = arith.addf %add3A_1191, %get3A_1199 : vector<16xf32>
        %add3A_1201 = arith.constant 0 : i32
        %add3A_1202 = arith.addi %add3A_1201, %mul3A_958 : i32
        %add3A_1203 = arith.constant 2 : i32
        %add3A_1204 = arith.addi %add3A_1202, %add3A_1203 : i32
        %get3A_1205 = arith.index_cast %add3A_1204 : i32 to index
        %get3A_1206 = arith.constant 80 : index
        %get3A_1207 = tpu.vector_load %arg10[%get3A_1205, %get3A_1206] {strides = array<i32>} : memref<50x128xf32, #tpu.memory_space<vmem>>, vector<1x16xf32>,
        %get3A_1208 = vector.shape_cast %get3A_1207 : vector<1x16xf32> to vector<16xf32>
        %add3A_1209 = arith.addf %add3A_1200, %get3A_1208 : vector<16xf32>
        %add3A_1210 = arith.constant 0 : i32
        %add3A_1211 = arith.addi %add3A_1210, %mul3A_958 : i32
        %add3A_1212 = arith.constant 3 : i32
        %add3A_1213 = arith.addi %add3A_1211, %add3A_1212 : i32
        %get3A_1214 = arith.index_cast %add3A_1213 : i32 to index
        %get3A_1215 = arith.constant 80 : index
        %get3A_1216 = tpu.vector_load %arg10[%get3A_1214, %get3A_1215] {strides = array<i32>} : memref<50x128xf32, #tpu.memory_space<vmem>>, vector<1x16xf32>,
        %get3A_1217 = vector.shape_cast %get3A_1216 : vector<1x16xf32> to vector<16xf32>
        %add3A_1218 = arith.addf %add3A_1209, %get3A_1217 : vector<16xf32>
        %add3A_1219 = arith.constant 0 : i32
        %add3A_1220 = arith.addi %add3A_1219, %mul3A_958 : i32
        %add3A_1221 = arith.constant 4 : i32
        %add3A_1222 = arith.addi %add3A_1220, %add3A_1221 : i32
        %get3A_1223 = arith.index_cast %add3A_1222 : i32 to index
        %get3A_1224 = arith.constant 80 : index
        %get3A_1225 = tpu.vector_load %arg10[%get3A_1223, %get3A_1224] {strides = array<i32>} : memref<50x128xf32, #tpu.memory_space<vmem>>, vector<1x16xf32>,
        %get3A_1226 = vector.shape_cast %get3A_1225 : vector<1x16xf32> to vector<16xf32>
        %add3A_1227 = arith.addf %add3A_1218, %get3A_1226 : vector<16xf32>
        %add3A_1228 = arith.constant 0 : i32
        %add3A_1229 = arith.addi %add3A_1228, %mul3A_958 : i32
        %add3A_1230 = arith.constant 0 : i32
        %add3A_1231 = arith.addi %add3A_1229, %add3A_1230 : i32
        %get3A_1232 = arith.index_cast %add3A_1231 : i32 to index
        %get3A_1233 = arith.constant 96 : index
        %get3A_1234 = tpu.vector_load %arg10[%get3A_1232, %get3A_1233] {strides = array<i32>} : memref<50x128xf32, #tpu.memory_space<vmem>>, vector<1x16xf32>,
        %get3A_1235 = vector.shape_cast %get3A_1234 : vector<1x16xf32> to vector<16xf32>
        %add3A_1236 = arith.addf %scan3A_955, %get3A_1235 : vector<16xf32>
        %add3A_1237 = arith.constant 0 : i32
        %add3A_1238 = arith.addi %add3A_1237, %mul3A_958 : i32
        %add3A_1239 = arith.constant 1 : i32
        %add3A_1240 = arith.addi %add3A_1238, %add3A_1239 : i32
        %get3A_1241 = arith.index_cast %add3A_1240 : i32 to index
        %get3A_1242 = arith.constant 96 : index
        %get3A_1243 = tpu.vector_load %arg10[%get3A_1241, %get3A_1242] {strides = array<i32>} : memref<50x128xf32, #tpu.memory_space<vmem>>, vector<1x16xf32>,
        %get3A_1244 = vector.shape_cast %get3A_1243 : vector<1x16xf32> to vector<16xf32>
        %add3A_1245 = arith.addf %add3A_1236, %get3A_1244 : vector<16xf32>
        %add3A_1246 = arith.constant 0 : i32
        %add3A_1247 = arith.addi %add3A_1246, %mul3A_958 : i32
        %add3A_1248 = arith.constant 2 : i32
        %add3A_1249 = arith.addi %add3A_1247, %add3A_1248 : i32
        %get3A_1250 = arith.index_cast %add3A_1249 : i32 to index
        %get3A_1251 = arith.constant 96 : index
        %get3A_1252 = tpu.vector_load %arg10[%get3A_1250, %get3A_1251] {strides = array<i32>} : memref<50x128xf32, #tpu.memory_space<vmem>>, vector<1x16xf32>,
        %get3A_1253 = vector.shape_cast %get3A_1252 : vector<1x16xf32> to vector<16xf32>
        %add3A_1254 = arith.addf %add3A_1245, %get3A_1253 : vector<16xf32>
        %add3A_1255 = arith.constant 0 : i32
        %add3A_1256 = arith.addi %add3A_1255, %mul3A_958 : i32
        %add3A_1257 = arith.constant 3 : i32
        %add3A_1258 = arith.addi %add3A_1256, %add3A_1257 : i32
        %get3A_1259 = arith.index_cast %add3A_1258 : i32 to index
        %get3A_1260 = arith.constant 96 : index
        %get3A_1261 = tpu.vector_load %arg10[%get3A_1259, %get3A_1260] {strides = array<i32>} : memref<50x128xf32, #tpu.memory_space<vmem>>, vector<1x16xf32>,
        %get3A_1262 = vector.shape_cast %get3A_1261 : vector<1x16xf32> to vector<16xf32>
        %add3A_1263 = arith.addf %add3A_1254, %get3A_1262 : vector<16xf32>
        %add3A_1264 = arith.constant 0 : i32
        %add3A_1265 = arith.addi %add3A_1264, %mul3A_958 : i32
        %add3A_1266 = arith.constant 4 : i32
        %add3A_1267 = arith.addi %add3A_1265, %add3A_1266 : i32
        %get3A_1268 = arith.index_cast %add3A_1267 : i32 to index
        %get3A_1269 = arith.constant 96 : index
        %get3A_1270 = tpu.vector_load %arg10[%get3A_1268, %get3A_1269] {strides = array<i32>} : memref<50x128xf32, #tpu.memory_space<vmem>>, vector<1x16xf32>,
        %get3A_1271 = vector.shape_cast %get3A_1270 : vector<1x16xf32> to vector<16xf32>
        %add3A_1272 = arith.addf %add3A_1263, %get3A_1271 : vector<16xf32>
        %add3A_1273 = arith.constant 0 : i32
        %add3A_1274 = arith.addi %add3A_1273, %mul3A_958 : i32
        %add3A_1275 = arith.constant 0 : i32
        %add3A_1276 = arith.addi %add3A_1274, %add3A_1275 : i32
        %get3A_1277 = arith.index_cast %add3A_1276 : i32 to index
        %get3A_1278 = arith.constant 112 : index
        %get3A_1279 = tpu.vector_load %arg10[%get3A_1277, %get3A_1278] {strides = array<i32>} : memref<50x128xf32, #tpu.memory_space<vmem>>, vector<1x16xf32>,
        %get3A_1280 = vector.shape_cast %get3A_1279 : vector<1x16xf32> to vector<16xf32>
        %add3A_1281 = arith.addf %scan3A_956, %get3A_1280 : vector<16xf32>
        %add3A_1282 = arith.constant 0 : i32
        %add3A_1283 = arith.addi %add3A_1282, %mul3A_958 : i32
        %add3A_1284 = arith.constant 1 : i32
        %add3A_1285 = arith.addi %add3A_1283, %add3A_1284 : i32
        %get3A_1286 = arith.index_cast %add3A_1285 : i32 to index
        %get3A_1287 = arith.constant 112 : index
        %get3A_1288 = tpu.vector_load %arg10[%get3A_1286, %get3A_1287] {strides = array<i32>} : memref<50x128xf32, #tpu.memory_space<vmem>>, vector<1x16xf32>,
        %get3A_1289 = vector.shape_cast %get3A_1288 : vector<1x16xf32> to vector<16xf32>
        %add3A_1290 = arith.addf %add3A_1281, %get3A_1289 : vector<16xf32>
        %add3A_1291 = arith.constant 0 : i32
        %add3A_1292 = arith.addi %add3A_1291, %mul3A_958 : i32
        %add3A_1293 = arith.constant 2 : i32
        %add3A_1294 = arith.addi %add3A_1292, %add3A_1293 : i32
        %get3A_1295 = arith.index_cast %add3A_1294 : i32 to index
        %get3A_1296 = arith.constant 112 : index
        %get3A_1297 = tpu.vector_load %arg10[%get3A_1295, %get3A_1296] {strides = array<i32>} : memref<50x128xf32, #tpu.memory_space<vmem>>, vector<1x16xf32>,
        %get3A_1298 = vector.shape_cast %get3A_1297 : vector<1x16xf32> to vector<16xf32>
        %add3A_1299 = arith.addf %add3A_1290, %get3A_1298 : vector<16xf32>
        %add3A_1300 = arith.constant 0 : i32
        %add3A_1301 = arith.addi %add3A_1300, %mul3A_958 : i32
        %add3A_1302 = arith.constant 3 : i32
        %add3A_1303 = arith.addi %add3A_1301, %add3A_1302 : i32
        %get3A_1304 = arith.index_cast %add3A_1303 : i32 to index
        %get3A_1305 = arith.constant 112 : index
        %get3A_1306 = tpu.vector_load %arg10[%get3A_1304, %get3A_1305] {strides = array<i32>} : memref<50x128xf32, #tpu.memory_space<vmem>>, vector<1x16xf32>,
        %get3A_1307 = vector.shape_cast %get3A_1306 : vector<1x16xf32> to vector<16xf32>
        %add3A_1308 = arith.addf %add3A_1299, %get3A_1307 : vector<16xf32>
        %add3A_1309 = arith.constant 0 : i32
        %add3A_1310 = arith.addi %add3A_1309, %mul3A_958 : i32
        %add3A_1311 = arith.constant 4 : i32
        %add3A_1312 = arith.addi %add3A_1310, %add3A_1311 : i32
        %get3A_1313 = arith.index_cast %add3A_1312 : i32 to index
        %get3A_1314 = arith.constant 112 : index
        %get3A_1315 = tpu.vector_load %arg10[%get3A_1313, %get3A_1314] {strides = array<i32>} : memref<50x128xf32, #tpu.memory_space<vmem>>, vector<1x16xf32>,
        %get3A_1316 = vector.shape_cast %get3A_1315 : vector<1x16xf32> to vector<16xf32>
        %add3A_1317 = arith.addf %add3A_1308, %get3A_1316 : vector<16xf32>
        scf.yield %add3A_1002, %add3A_1047, %add3A_1092, %add3A_1137, %add3A_1182, %add3A_1227, %add3A_1272, %add3A_1317 : vector<16xf32>, vector<16xf32>, vector<16xf32>, vector<16xf32>, vector<16xf32>, vector<16xf32>, vector<16xf32>, vector<16xf32>
      }
      %scan3A_535 = arith.constant 10 : i32
      %mul3A_536 = arith.constant 1 : i32
      %mul3A_537 = arith.muli %add3A_507, %mul3A_536 : i32
      %add3A_538 = arith.constant 0 : i32
      %add3A_539 = arith.addi %mul3A_537, %add3A_538 : i32
      %swap3A_540 = arith.index_cast %add3A_539 : i32 to index
      %swap3A_541 = arith.constant 0 : index
      %swap3A_542 = tpu.vector_load %arg14[%swap3A_540, %swap3A_541] {strides = array<i32>} : memref<128x128xf32, #tpu.memory_space<vmem>>, vector<1x16xf32>,
      %swap3A_543 = vector.shape_cast %swap3A_542 : vector<1x16xf32> to vector<16xf32>
      %swap3A_544 = vector.shape_cast %scan3A_534#0 : vector<16xf32> to vector<1x16xf32>
      tpu.vector_store %arg14[%swap3A_540, %swap3A_541], %swap3A_544 {strides = array<i32>} : memref<128x128xf32, #tpu.memory_space<vmem>>, vector<1x16xf32>,
      %mul3A_545 = arith.constant 1 : i32
      %mul3A_546 = arith.muli %add3A_507, %mul3A_545 : i32
      %add3A_547 = arith.constant 0 : i32
      %add3A_548 = arith.addi %mul3A_546, %add3A_547 : i32
      %swap3A_549 = arith.index_cast %add3A_548 : i32 to index
      %swap3A_550 = arith.constant 16 : index
      %swap3A_551 = tpu.vector_load %arg14[%swap3A_549, %swap3A_550] {strides = array<i32>} : memref<128x128xf32, #tpu.memory_space<vmem>>, vector<1x16xf32>,
      %swap3A_552 = vector.shape_cast %swap3A_551 : vector<1x16xf32> to vector<16xf32>
      %swap3A_553 = vector.shape_cast %scan3A_534#1 : vector<16xf32> to vector<1x16xf32>
      tpu.vector_store %arg14[%swap3A_549, %swap3A_550], %swap3A_553 {strides = array<i32>} : memref<128x128xf32, #tpu.memory_space<vmem>>, vector<1x16xf32>,
      %mul3A_554 = arith.constant 1 : i32
      %mul3A_555 = arith.muli %add3A_507, %mul3A_554 : i32
      %add3A_556 = arith.constant 0 : i32
      %add3A_557 = arith.addi %mul3A_555, %add3A_556 : i32
      %swap3A_558 = arith.index_cast %add3A_557 : i32 to index
      %swap3A_559 = arith.constant 32 : index
      %swap3A_560 = tpu.vector_load %arg14[%swap3A_558, %swap3A_559] {strides = array<i32>} : memref<128x128xf32, #tpu.memory_space<vmem>>, vector<1x16xf32>,
      %swap3A_561 = vector.shape_cast %swap3A_560 : vector<1x16xf32> to vector<16xf32>
      %swap3A_562 = vector.shape_cast %scan3A_534#2 : vector<16xf32> to vector<1x16xf32>
      tpu.vector_store %arg14[%swap3A_558, %swap3A_559], %swap3A_562 {strides = array<i32>} : memref<128x128xf32, #tpu.memory_space<vmem>>, vector<1x16xf32>,
      %mul3A_563 = arith.constant 1 : i32
      %mul3A_564 = arith.muli %add3A_507, %mul3A_563 : i32
      %add3A_565 = arith.constant 0 : i32
      %add3A_566 = arith.addi %mul3A_564, %add3A_565 : i32
      %swap3A_567 = arith.index_cast %add3A_566 : i32 to index
      %swap3A_568 = arith.constant 48 : index
      %swap3A_569 = tpu.vector_load %arg14[%swap3A_567, %swap3A_568] {strides = array<i32>} : memref<128x128xf32, #tpu.memory_space<vmem>>, vector<1x16xf32>,
      %swap3A_570 = vector.shape_cast %swap3A_569 : vector<1x16xf32> to vector<16xf32>
      %swap3A_571 = vector.shape_cast %scan3A_534#3 : vector<16xf32> to vector<1x16xf32>
      tpu.vector_store %arg14[%swap3A_567, %swap3A_568], %swap3A_571 {strides = array<i32>} : memref<128x128xf32, #tpu.memory_space<vmem>>, vector<1x16xf32>,
      %mul3A_572 = arith.constant 1 : i32
      %mul3A_573 = arith.muli %add3A_507, %mul3A_572 : i32
      %add3A_574 = arith.constant 0 : i32
      %add3A_575 = arith.addi %mul3A_573, %add3A_574 : i32
      %swap3A_576 = arith.index_cast %add3A_575 : i32 to index
      %swap3A_577 = arith.constant 64 : index
      %swap3A_578 = tpu.vector_load %arg14[%swap3A_576, %swap3A_577] {strides = array<i32>} : memref<128x128xf32, #tpu.memory_space<vmem>>, vector<1x16xf32>,
      %swap3A_579 = vector.shape_cast %swap3A_578 : vector<1x16xf32> to vector<16xf32>
      %swap3A_580 = vector.shape_cast %scan3A_534#4 : vector<16xf32> to vector<1x16xf32>
      tpu.vector_store %arg14[%swap3A_576, %swap3A_577], %swap3A_580 {strides = array<i32>} : memref<128x128xf32, #tpu.memory_space<vmem>>, vector<1x16xf32>,
      %mul3A_581 = arith.constant 1 : i32
      %mul3A_582 = arith.muli %add3A_507, %mul3A_581 : i32
      %add3A_583 = arith.constant 0 : i32
      %add3A_584 = arith.addi %mul3A_582, %add3A_583 : i32
      %swap3A_585 = arith.index_cast %add3A_584 : i32 to index
      %swap3A_586 = arith.constant 80 : index
      %swap3A_587 = tpu.vector_load %arg14[%swap3A_585, %swap3A_586] {strides = array<i32>} : memref<128x128xf32, #tpu.memory_space<vmem>>, vector<1x16xf32>,
      %swap3A_588 = vector.shape_cast %swap3A_587 : vector<1x16xf32> to vector<16xf32>
      %swap3A_589 = vector.shape_cast %scan3A_534#5 : vector<16xf32> to vector<1x16xf32>
      tpu.vector_store %arg14[%swap3A_585, %swap3A_586], %swap3A_589 {strides = array<i32>} : memref<128x128xf32, #tpu.memory_space<vmem>>, vector<1x16xf32>,
      %mul3A_590 = arith.constant 1 : i32
      %mul3A_591 = arith.muli %add3A_507, %mul3A_590 : i32
      %add3A_592 = arith.constant 0 : i32
      %add3A_593 = arith.addi %mul3A_591, %add3A_592 : i32
      %swap3A_594 = arith.index_cast %add3A_593 : i32 to index
      %swap3A_595 = arith.constant 96 : index
      %swap3A_596 = tpu.vector_load %arg14[%swap3A_594, %swap3A_595] {strides = array<i32>} : memref<128x128xf32, #tpu.memory_space<vmem>>, vector<1x16xf32>,
      %swap3A_597 = vector.shape_cast %swap3A_596 : vector<1x16xf32> to vector<16xf32>
      %swap3A_598 = vector.shape_cast %scan3A_534#6 : vector<16xf32> to vector<1x16xf32>
      tpu.vector_store %arg14[%swap3A_594, %swap3A_595], %swap3A_598 {strides = array<i32>} : memref<128x128xf32, #tpu.memory_space<vmem>>, vector<1x16xf32>,
      %mul3A_599 = arith.constant 1 : i32
      %mul3A_600 = arith.muli %add3A_507, %mul3A_599 : i32
      %add3A_601 = arith.constant 0 : i32
      %add3A_602 = arith.addi %mul3A_600, %add3A_601 : i32
      %swap3A_603 = arith.index_cast %add3A_602 : i32 to index
      %swap3A_604 = arith.constant 112 : index
      %swap3A_605 = tpu.vector_load %arg14[%swap3A_603, %swap3A_604] {strides = array<i32>} : memref<128x128xf32, #tpu.memory_space<vmem>>, vector<1x16xf32>,
      %swap3A_606 = vector.shape_cast %swap3A_605 : vector<1x16xf32> to vector<16xf32>
      %swap3A_607 = vector.shape_cast %scan3A_534#7 : vector<16xf32> to vector<1x16xf32>
      tpu.vector_store %arg14[%swap3A_603, %swap3A_604], %swap3A_607 {strides = array<i32>} : memref<128x128xf32, #tpu.memory_space<vmem>>, vector<1x16xf32>,
      %add3A_608 = arith.constant 8 : i32
      %add3A_609 = arith.addi %add3A_507, %add3A_608 : i32
      %lt3A_610 = arith.constant 128 : i32
      %lt3A_611 = arith.cmpi slt, %add3A_609, %lt3A_610 : i32
      %convert_element_type3A_612 = arith.extui %lt3A_611 : i1 to i32
      %cond3A_613 = arith.constant 0 : i32
      %cond3A_614 = arith.cmpi ne, %convert_element_type3A_612, %cond3A_613 : i32
      scf.if %cond3A_614 {
        %dma_start3A_948 = arith.constant 0 : i32
        %dma_start3A_949 = tpu.memref_slice %arg5[%add3A_609, %dma_start3A_948] : memref<128x50xi32, #tpu.memory_space<vmem>> -> memref<1x50xi32, #tpu.memory_space<vmem>>
        %dma_start3A_950 = tpu.memref_squeeze %dma_start3A_949 : memref<1x50xi32, #tpu.memory_space<vmem>> -> memref<50xi32, #tpu.memory_space<vmem>>
        %dma_start3A_951 = arith.constant 0 : i32
        %dma_start3A_952 = arith.constant 0 : i32
        %dma_start3A_953 = tpu.memref_slice %arg3[%dma_start3A_951, %dma_start3A_952] : memref<100000x128xf32, #tpu.memory_space<hbm>> -> memref<100000x128xf32, #tpu.memory_space<hbm>>
        tpu.enqueue_indirect_dma source(%dma_start3A_953 : memref<100000x128xf32, #tpu.memory_space<hbm>>) target(%arg10 : memref<50x128xf32, #tpu.memory_space<vmem>>) offsets(%dma_start3A_950 : memref<50xi32, #tpu.memory_space<vmem>>) semaphore(%arg19 : memref<!tpu.dma_semaphore, #tpu.memory_space<semaphore_mem>>)
      } else {
      }
      %mul3A_615 = arith.constant 8 : i32
      %mul3A_616 = arith.muli %scan3A_65, %mul3A_615 : i32
      %add3A_617 = arith.constant 5 : i32
      %add3A_618 = arith.addi %mul3A_616, %add3A_617 : i32
      %dma_wait3A_619 = arith.constant 0 : i32
      %dma_wait3A_620 = tpu.memref_slice %arg5[%add3A_618, %dma_wait3A_619] : memref<128x50xi32, #tpu.memory_space<vmem>> -> memref<1x50xi32, #tpu.memory_space<vmem>>
      %dma_wait3A_621 = tpu.memref_squeeze %dma_wait3A_620 : memref<1x50xi32, #tpu.memory_space<vmem>> -> memref<50xi32, #tpu.memory_space<vmem>>
      %dma_wait3A_622 = arith.constant 0 : i32
      %dma_wait3A_623 = arith.constant 0 : i32
      %dma_wait3A_624 = tpu.memref_slice %arg3[%dma_wait3A_622, %dma_wait3A_623] : memref<100000x128xf32, #tpu.memory_space<hbm>> -> memref<100000x128xf32, #tpu.memory_space<hbm>>
      tpu.wait_indirect_dma semaphore(%arg20 : memref<!tpu.dma_semaphore, #tpu.memory_space<semaphore_mem>>) src(%dma_wait3A_624 : memref<100000x128xf32, #tpu.memory_space<hbm>>) dst(%arg11 : memref<50x128xf32, #tpu.memory_space<vmem>>)
      %broadcast_in_dim3A_625 = arith.constant 0.000000e+00 : f32
      %broadcast_in_dim3A_626 = vector.broadcast %broadcast_in_dim3A_625 : f32 to vector<16xf32>
      %broadcast_in_dim3A_627 = arith.constant 0.000000e+00 : f32
      %broadcast_in_dim3A_628 = vector.broadcast %broadcast_in_dim3A_627 : f32 to vector<16xf32>
      %broadcast_in_dim3A_629 = arith.constant 0.000000e+00 : f32
      %broadcast_in_dim3A_630 = vector.broadcast %broadcast_in_dim3A_629 : f32 to vector<16xf32>
      %broadcast_in_dim3A_631 = arith.constant 0.000000e+00 : f32
      %broadcast_in_dim3A_632 = vector.broadcast %broadcast_in_dim3A_631 : f32 to vector<16xf32>
      %broadcast_in_dim3A_633 = arith.constant 0.000000e+00 : f32
      %broadcast_in_dim3A_634 = vector.broadcast %broadcast_in_dim3A_633 : f32 to vector<16xf32>
      %broadcast_in_dim3A_635 = arith.constant 0.000000e+00 : f32
      %broadcast_in_dim3A_636 = vector.broadcast %broadcast_in_dim3A_635 : f32 to vector<16xf32>
      %broadcast_in_dim3A_637 = arith.constant 0.000000e+00 : f32
      %broadcast_in_dim3A_638 = vector.broadcast %broadcast_in_dim3A_637 : f32 to vector<16xf32>
      %broadcast_in_dim3A_639 = arith.constant 0.000000e+00 : f32
      %broadcast_in_dim3A_640 = vector.broadcast %broadcast_in_dim3A_639 : f32 to vector<16xf32>
      %scan3A_641 = arith.constant 0 : i32
      %scan3A_642 = arith.constant 10 : i32
      %scan3A_643 = arith.addi %scan3A_641, %scan3A_642 : i32
      %scan3A_644 = arith.constant 1 : i32
      %scan3A_645:8 = scf.for %scan3A_948 = %scan3A_641 to %scan3A_643 step %scan3A_644 iter_args(%scan3A_949 = %broadcast_in_dim3A_626, %scan3A_950 = %broadcast_in_dim3A_628, %scan3A_951 = %broadcast_in_dim3A_630, %scan3A_952 = %broadcast_in_dim3A_632, %scan3A_953 = %broadcast_in_dim3A_634, %scan3A_954 = %broadcast_in_dim3A_636, %scan3A_955 = %broadcast_in_dim3A_638, %scan3A_956 = %broadcast_in_dim3A_640) -> (vector<16xf32>, vector<16xf32>, vector<16xf32>, vector<16xf32>, vector<16xf32>, vector<16xf32>, vector<16xf32>, vector<16xf32>)  : i32 {
        %mul3A_957 = arith.constant 5 : i32
        %mul3A_958 = arith.muli %scan3A_948, %mul3A_957 : i32
        %add3A_959 = arith.constant 0 : i32
        %add3A_960 = arith.addi %add3A_959, %mul3A_958 : i32
        %add3A_961 = arith.constant 0 : i32
        %add3A_962 = arith.addi %add3A_960, %add3A_961 : i32
        %get3A = arith.index_cast %add3A_962 : i32 to index
        %get3A_963 = arith.constant 0 : index
        %get3A_964 = tpu.vector_load %arg11[%get3A, %get3A_963] {strides = array<i32>} : memref<50x128xf32, #tpu.memory_space<vmem>>, vector<1x16xf32>,
        %get3A_965 = vector.shape_cast %get3A_964 : vector<1x16xf32> to vector<16xf32>
        %add3A_966 = arith.addf %scan3A_949, %get3A_965 : vector<16xf32>
        %add3A_967 = arith.constant 0 : i32
        %add3A_968 = arith.addi %add3A_967, %mul3A_958 : i32
        %add3A_969 = arith.constant 1 : i32
        %add3A_970 = arith.addi %add3A_968, %add3A_969 : i32
        %get3A_971 = arith.index_cast %add3A_970 : i32 to index
        %get3A_972 = arith.constant 0 : index
        %get3A_973 = tpu.vector_load %arg11[%get3A_971, %get3A_972] {strides = array<i32>} : memref<50x128xf32, #tpu.memory_space<vmem>>, vector<1x16xf32>,
        %get3A_974 = vector.shape_cast %get3A_973 : vector<1x16xf32> to vector<16xf32>
        %add3A_975 = arith.addf %add3A_966, %get3A_974 : vector<16xf32>
        %add3A_976 = arith.constant 0 : i32
        %add3A_977 = arith.addi %add3A_976, %mul3A_958 : i32
        %add3A_978 = arith.constant 2 : i32
        %add3A_979 = arith.addi %add3A_977, %add3A_978 : i32
        %get3A_980 = arith.index_cast %add3A_979 : i32 to index
        %get3A_981 = arith.constant 0 : index
        %get3A_982 = tpu.vector_load %arg11[%get3A_980, %get3A_981] {strides = array<i32>} : memref<50x128xf32, #tpu.memory_space<vmem>>, vector<1x16xf32>,
        %get3A_983 = vector.shape_cast %get3A_982 : vector<1x16xf32> to vector<16xf32>
        %add3A_984 = arith.addf %add3A_975, %get3A_983 : vector<16xf32>
        %add3A_985 = arith.constant 0 : i32
        %add3A_986 = arith.addi %add3A_985, %mul3A_958 : i32
        %add3A_987 = arith.constant 3 : i32
        %add3A_988 = arith.addi %add3A_986, %add3A_987 : i32
        %get3A_989 = arith.index_cast %add3A_988 : i32 to index
        %get3A_990 = arith.constant 0 : index
        %get3A_991 = tpu.vector_load %arg11[%get3A_989, %get3A_990] {strides = array<i32>} : memref<50x128xf32, #tpu.memory_space<vmem>>, vector<1x16xf32>,
        %get3A_992 = vector.shape_cast %get3A_991 : vector<1x16xf32> to vector<16xf32>
        %add3A_993 = arith.addf %add3A_984, %get3A_992 : vector<16xf32>
        %add3A_994 = arith.constant 0 : i32
        %add3A_995 = arith.addi %add3A_994, %mul3A_958 : i32
        %add3A_996 = arith.constant 4 : i32
        %add3A_997 = arith.addi %add3A_995, %add3A_996 : i32
        %get3A_998 = arith.index_cast %add3A_997 : i32 to index
        %get3A_999 = arith.constant 0 : index
        %get3A_1000 = tpu.vector_load %arg11[%get3A_998, %get3A_999] {strides = array<i32>} : memref<50x128xf32, #tpu.memory_space<vmem>>, vector<1x16xf32>,
        %get3A_1001 = vector.shape_cast %get3A_1000 : vector<1x16xf32> to vector<16xf32>
        %add3A_1002 = arith.addf %add3A_993, %get3A_1001 : vector<16xf32>
        %add3A_1003 = arith.constant 0 : i32
        %add3A_1004 = arith.addi %add3A_1003, %mul3A_958 : i32
        %add3A_1005 = arith.constant 0 : i32
        %add3A_1006 = arith.addi %add3A_1004, %add3A_1005 : i32
        %get3A_1007 = arith.index_cast %add3A_1006 : i32 to index
        %get3A_1008 = arith.constant 16 : index
        %get3A_1009 = tpu.vector_load %arg11[%get3A_1007, %get3A_1008] {strides = array<i32>} : memref<50x128xf32, #tpu.memory_space<vmem>>, vector<1x16xf32>,
        %get3A_1010 = vector.shape_cast %get3A_1009 : vector<1x16xf32> to vector<16xf32>
        %add3A_1011 = arith.addf %scan3A_950, %get3A_1010 : vector<16xf32>
        %add3A_1012 = arith.constant 0 : i32
        %add3A_1013 = arith.addi %add3A_1012, %mul3A_958 : i32
        %add3A_1014 = arith.constant 1 : i32
        %add3A_1015 = arith.addi %add3A_1013, %add3A_1014 : i32
        %get3A_1016 = arith.index_cast %add3A_1015 : i32 to index
        %get3A_1017 = arith.constant 16 : index
        %get3A_1018 = tpu.vector_load %arg11[%get3A_1016, %get3A_1017] {strides = array<i32>} : memref<50x128xf32, #tpu.memory_space<vmem>>, vector<1x16xf32>,
        %get3A_1019 = vector.shape_cast %get3A_1018 : vector<1x16xf32> to vector<16xf32>
        %add3A_1020 = arith.addf %add3A_1011, %get3A_1019 : vector<16xf32>
        %add3A_1021 = arith.constant 0 : i32
        %add3A_1022 = arith.addi %add3A_1021, %mul3A_958 : i32
        %add3A_1023 = arith.constant 2 : i32
        %add3A_1024 = arith.addi %add3A_1022, %add3A_1023 : i32
        %get3A_1025 = arith.index_cast %add3A_1024 : i32 to index
        %get3A_1026 = arith.constant 16 : index
        %get3A_1027 = tpu.vector_load %arg11[%get3A_1025, %get3A_1026] {strides = array<i32>} : memref<50x128xf32, #tpu.memory_space<vmem>>, vector<1x16xf32>,
        %get3A_1028 = vector.shape_cast %get3A_1027 : vector<1x16xf32> to vector<16xf32>
        %add3A_1029 = arith.addf %add3A_1020, %get3A_1028 : vector<16xf32>
        %add3A_1030 = arith.constant 0 : i32
        %add3A_1031 = arith.addi %add3A_1030, %mul3A_958 : i32
        %add3A_1032 = arith.constant 3 : i32
        %add3A_1033 = arith.addi %add3A_1031, %add3A_1032 : i32
        %get3A_1034 = arith.index_cast %add3A_1033 : i32 to index
        %get3A_1035 = arith.constant 16 : index
        %get3A_1036 = tpu.vector_load %arg11[%get3A_1034, %get3A_1035] {strides = array<i32>} : memref<50x128xf32, #tpu.memory_space<vmem>>, vector<1x16xf32>,
        %get3A_1037 = vector.shape_cast %get3A_1036 : vector<1x16xf32> to vector<16xf32>
        %add3A_1038 = arith.addf %add3A_1029, %get3A_1037 : vector<16xf32>
        %add3A_1039 = arith.constant 0 : i32
        %add3A_1040 = arith.addi %add3A_1039, %mul3A_958 : i32
        %add3A_1041 = arith.constant 4 : i32
        %add3A_1042 = arith.addi %add3A_1040, %add3A_1041 : i32
        %get3A_1043 = arith.index_cast %add3A_1042 : i32 to index
        %get3A_1044 = arith.constant 16 : index
        %get3A_1045 = tpu.vector_load %arg11[%get3A_1043, %get3A_1044] {strides = array<i32>} : memref<50x128xf32, #tpu.memory_space<vmem>>, vector<1x16xf32>,
        %get3A_1046 = vector.shape_cast %get3A_1045 : vector<1x16xf32> to vector<16xf32>
        %add3A_1047 = arith.addf %add3A_1038, %get3A_1046 : vector<16xf32>
        %add3A_1048 = arith.constant 0 : i32
        %add3A_1049 = arith.addi %add3A_1048, %mul3A_958 : i32
        %add3A_1050 = arith.constant 0 : i32
        %add3A_1051 = arith.addi %add3A_1049, %add3A_1050 : i32
        %get3A_1052 = arith.index_cast %add3A_1051 : i32 to index
        %get3A_1053 = arith.constant 32 : index
        %get3A_1054 = tpu.vector_load %arg11[%get3A_1052, %get3A_1053] {strides = array<i32>} : memref<50x128xf32, #tpu.memory_space<vmem>>, vector<1x16xf32>,
        %get3A_1055 = vector.shape_cast %get3A_1054 : vector<1x16xf32> to vector<16xf32>
        %add3A_1056 = arith.addf %scan3A_951, %get3A_1055 : vector<16xf32>
        %add3A_1057 = arith.constant 0 : i32
        %add3A_1058 = arith.addi %add3A_1057, %mul3A_958 : i32
        %add3A_1059 = arith.constant 1 : i32
        %add3A_1060 = arith.addi %add3A_1058, %add3A_1059 : i32
        %get3A_1061 = arith.index_cast %add3A_1060 : i32 to index
        %get3A_1062 = arith.constant 32 : index
        %get3A_1063 = tpu.vector_load %arg11[%get3A_1061, %get3A_1062] {strides = array<i32>} : memref<50x128xf32, #tpu.memory_space<vmem>>, vector<1x16xf32>,
        %get3A_1064 = vector.shape_cast %get3A_1063 : vector<1x16xf32> to vector<16xf32>
        %add3A_1065 = arith.addf %add3A_1056, %get3A_1064 : vector<16xf32>
        %add3A_1066 = arith.constant 0 : i32
        %add3A_1067 = arith.addi %add3A_1066, %mul3A_958 : i32
        %add3A_1068 = arith.constant 2 : i32
        %add3A_1069 = arith.addi %add3A_1067, %add3A_1068 : i32
        %get3A_1070 = arith.index_cast %add3A_1069 : i32 to index
        %get3A_1071 = arith.constant 32 : index
        %get3A_1072 = tpu.vector_load %arg11[%get3A_1070, %get3A_1071] {strides = array<i32>} : memref<50x128xf32, #tpu.memory_space<vmem>>, vector<1x16xf32>,
        %get3A_1073 = vector.shape_cast %get3A_1072 : vector<1x16xf32> to vector<16xf32>
        %add3A_1074 = arith.addf %add3A_1065, %get3A_1073 : vector<16xf32>
        %add3A_1075 = arith.constant 0 : i32
        %add3A_1076 = arith.addi %add3A_1075, %mul3A_958 : i32
        %add3A_1077 = arith.constant 3 : i32
        %add3A_1078 = arith.addi %add3A_1076, %add3A_1077 : i32
        %get3A_1079 = arith.index_cast %add3A_1078 : i32 to index
        %get3A_1080 = arith.constant 32 : index
        %get3A_1081 = tpu.vector_load %arg11[%get3A_1079, %get3A_1080] {strides = array<i32>} : memref<50x128xf32, #tpu.memory_space<vmem>>, vector<1x16xf32>,
        %get3A_1082 = vector.shape_cast %get3A_1081 : vector<1x16xf32> to vector<16xf32>
        %add3A_1083 = arith.addf %add3A_1074, %get3A_1082 : vector<16xf32>
        %add3A_1084 = arith.constant 0 : i32
        %add3A_1085 = arith.addi %add3A_1084, %mul3A_958 : i32
        %add3A_1086 = arith.constant 4 : i32
        %add3A_1087 = arith.addi %add3A_1085, %add3A_1086 : i32
        %get3A_1088 = arith.index_cast %add3A_1087 : i32 to index
        %get3A_1089 = arith.constant 32 : index
        %get3A_1090 = tpu.vector_load %arg11[%get3A_1088, %get3A_1089] {strides = array<i32>} : memref<50x128xf32, #tpu.memory_space<vmem>>, vector<1x16xf32>,
        %get3A_1091 = vector.shape_cast %get3A_1090 : vector<1x16xf32> to vector<16xf32>
        %add3A_1092 = arith.addf %add3A_1083, %get3A_1091 : vector<16xf32>
        %add3A_1093 = arith.constant 0 : i32
        %add3A_1094 = arith.addi %add3A_1093, %mul3A_958 : i32
        %add3A_1095 = arith.constant 0 : i32
        %add3A_1096 = arith.addi %add3A_1094, %add3A_1095 : i32
        %get3A_1097 = arith.index_cast %add3A_1096 : i32 to index
        %get3A_1098 = arith.constant 48 : index
        %get3A_1099 = tpu.vector_load %arg11[%get3A_1097, %get3A_1098] {strides = array<i32>} : memref<50x128xf32, #tpu.memory_space<vmem>>, vector<1x16xf32>,
        %get3A_1100 = vector.shape_cast %get3A_1099 : vector<1x16xf32> to vector<16xf32>
        %add3A_1101 = arith.addf %scan3A_952, %get3A_1100 : vector<16xf32>
        %add3A_1102 = arith.constant 0 : i32
        %add3A_1103 = arith.addi %add3A_1102, %mul3A_958 : i32
        %add3A_1104 = arith.constant 1 : i32
        %add3A_1105 = arith.addi %add3A_1103, %add3A_1104 : i32
        %get3A_1106 = arith.index_cast %add3A_1105 : i32 to index
        %get3A_1107 = arith.constant 48 : index
        %get3A_1108 = tpu.vector_load %arg11[%get3A_1106, %get3A_1107] {strides = array<i32>} : memref<50x128xf32, #tpu.memory_space<vmem>>, vector<1x16xf32>,
        %get3A_1109 = vector.shape_cast %get3A_1108 : vector<1x16xf32> to vector<16xf32>
        %add3A_1110 = arith.addf %add3A_1101, %get3A_1109 : vector<16xf32>
        %add3A_1111 = arith.constant 0 : i32
        %add3A_1112 = arith.addi %add3A_1111, %mul3A_958 : i32
        %add3A_1113 = arith.constant 2 : i32
        %add3A_1114 = arith.addi %add3A_1112, %add3A_1113 : i32
        %get3A_1115 = arith.index_cast %add3A_1114 : i32 to index
        %get3A_1116 = arith.constant 48 : index
        %get3A_1117 = tpu.vector_load %arg11[%get3A_1115, %get3A_1116] {strides = array<i32>} : memref<50x128xf32, #tpu.memory_space<vmem>>, vector<1x16xf32>,
        %get3A_1118 = vector.shape_cast %get3A_1117 : vector<1x16xf32> to vector<16xf32>
        %add3A_1119 = arith.addf %add3A_1110, %get3A_1118 : vector<16xf32>
        %add3A_1120 = arith.constant 0 : i32
        %add3A_1121 = arith.addi %add3A_1120, %mul3A_958 : i32
        %add3A_1122 = arith.constant 3 : i32
        %add3A_1123 = arith.addi %add3A_1121, %add3A_1122 : i32
        %get3A_1124 = arith.index_cast %add3A_1123 : i32 to index
        %get3A_1125 = arith.constant 48 : index
        %get3A_1126 = tpu.vector_load %arg11[%get3A_1124, %get3A_1125] {strides = array<i32>} : memref<50x128xf32, #tpu.memory_space<vmem>>, vector<1x16xf32>,
        %get3A_1127 = vector.shape_cast %get3A_1126 : vector<1x16xf32> to vector<16xf32>
        %add3A_1128 = arith.addf %add3A_1119, %get3A_1127 : vector<16xf32>
        %add3A_1129 = arith.constant 0 : i32
        %add3A_1130 = arith.addi %add3A_1129, %mul3A_958 : i32
        %add3A_1131 = arith.constant 4 : i32
        %add3A_1132 = arith.addi %add3A_1130, %add3A_1131 : i32
        %get3A_1133 = arith.index_cast %add3A_1132 : i32 to index
        %get3A_1134 = arith.constant 48 : index
        %get3A_1135 = tpu.vector_load %arg11[%get3A_1133, %get3A_1134] {strides = array<i32>} : memref<50x128xf32, #tpu.memory_space<vmem>>, vector<1x16xf32>,
        %get3A_1136 = vector.shape_cast %get3A_1135 : vector<1x16xf32> to vector<16xf32>
        %add3A_1137 = arith.addf %add3A_1128, %get3A_1136 : vector<16xf32>
        %add3A_1138 = arith.constant 0 : i32
        %add3A_1139 = arith.addi %add3A_1138, %mul3A_958 : i32
        %add3A_1140 = arith.constant 0 : i32
        %add3A_1141 = arith.addi %add3A_1139, %add3A_1140 : i32
        %get3A_1142 = arith.index_cast %add3A_1141 : i32 to index
        %get3A_1143 = arith.constant 64 : index
        %get3A_1144 = tpu.vector_load %arg11[%get3A_1142, %get3A_1143] {strides = array<i32>} : memref<50x128xf32, #tpu.memory_space<vmem>>, vector<1x16xf32>,
        %get3A_1145 = vector.shape_cast %get3A_1144 : vector<1x16xf32> to vector<16xf32>
        %add3A_1146 = arith.addf %scan3A_953, %get3A_1145 : vector<16xf32>
        %add3A_1147 = arith.constant 0 : i32
        %add3A_1148 = arith.addi %add3A_1147, %mul3A_958 : i32
        %add3A_1149 = arith.constant 1 : i32
        %add3A_1150 = arith.addi %add3A_1148, %add3A_1149 : i32
        %get3A_1151 = arith.index_cast %add3A_1150 : i32 to index
        %get3A_1152 = arith.constant 64 : index
        %get3A_1153 = tpu.vector_load %arg11[%get3A_1151, %get3A_1152] {strides = array<i32>} : memref<50x128xf32, #tpu.memory_space<vmem>>, vector<1x16xf32>,
        %get3A_1154 = vector.shape_cast %get3A_1153 : vector<1x16xf32> to vector<16xf32>
        %add3A_1155 = arith.addf %add3A_1146, %get3A_1154 : vector<16xf32>
        %add3A_1156 = arith.constant 0 : i32
        %add3A_1157 = arith.addi %add3A_1156, %mul3A_958 : i32
        %add3A_1158 = arith.constant 2 : i32
        %add3A_1159 = arith.addi %add3A_1157, %add3A_1158 : i32
        %get3A_1160 = arith.index_cast %add3A_1159 : i32 to index
        %get3A_1161 = arith.constant 64 : index
        %get3A_1162 = tpu.vector_load %arg11[%get3A_1160, %get3A_1161] {strides = array<i32>} : memref<50x128xf32, #tpu.memory_space<vmem>>, vector<1x16xf32>,
        %get3A_1163 = vector.shape_cast %get3A_1162 : vector<1x16xf32> to vector<16xf32>
        %add3A_1164 = arith.addf %add3A_1155, %get3A_1163 : vector<16xf32>
        %add3A_1165 = arith.constant 0 : i32
        %add3A_1166 = arith.addi %add3A_1165, %mul3A_958 : i32
        %add3A_1167 = arith.constant 3 : i32
        %add3A_1168 = arith.addi %add3A_1166, %add3A_1167 : i32
        %get3A_1169 = arith.index_cast %add3A_1168 : i32 to index
        %get3A_1170 = arith.constant 64 : index
        %get3A_1171 = tpu.vector_load %arg11[%get3A_1169, %get3A_1170] {strides = array<i32>} : memref<50x128xf32, #tpu.memory_space<vmem>>, vector<1x16xf32>,
        %get3A_1172 = vector.shape_cast %get3A_1171 : vector<1x16xf32> to vector<16xf32>
        %add3A_1173 = arith.addf %add3A_1164, %get3A_1172 : vector<16xf32>
        %add3A_1174 = arith.constant 0 : i32
        %add3A_1175 = arith.addi %add3A_1174, %mul3A_958 : i32
        %add3A_1176 = arith.constant 4 : i32
        %add3A_1177 = arith.addi %add3A_1175, %add3A_1176 : i32
        %get3A_1178 = arith.index_cast %add3A_1177 : i32 to index
        %get3A_1179 = arith.constant 64 : index
        %get3A_1180 = tpu.vector_load %arg11[%get3A_1178, %get3A_1179] {strides = array<i32>} : memref<50x128xf32, #tpu.memory_space<vmem>>, vector<1x16xf32>,
        %get3A_1181 = vector.shape_cast %get3A_1180 : vector<1x16xf32> to vector<16xf32>
        %add3A_1182 = arith.addf %add3A_1173, %get3A_1181 : vector<16xf32>
        %add3A_1183 = arith.constant 0 : i32
        %add3A_1184 = arith.addi %add3A_1183, %mul3A_958 : i32
        %add3A_1185 = arith.constant 0 : i32
        %add3A_1186 = arith.addi %add3A_1184, %add3A_1185 : i32
        %get3A_1187 = arith.index_cast %add3A_1186 : i32 to index
        %get3A_1188 = arith.constant 80 : index
        %get3A_1189 = tpu.vector_load %arg11[%get3A_1187, %get3A_1188] {strides = array<i32>} : memref<50x128xf32, #tpu.memory_space<vmem>>, vector<1x16xf32>,
        %get3A_1190 = vector.shape_cast %get3A_1189 : vector<1x16xf32> to vector<16xf32>
        %add3A_1191 = arith.addf %scan3A_954, %get3A_1190 : vector<16xf32>
        %add3A_1192 = arith.constant 0 : i32
        %add3A_1193 = arith.addi %add3A_1192, %mul3A_958 : i32
        %add3A_1194 = arith.constant 1 : i32
        %add3A_1195 = arith.addi %add3A_1193, %add3A_1194 : i32
        %get3A_1196 = arith.index_cast %add3A_1195 : i32 to index
        %get3A_1197 = arith.constant 80 : index
        %get3A_1198 = tpu.vector_load %arg11[%get3A_1196, %get3A_1197] {strides = array<i32>} : memref<50x128xf32, #tpu.memory_space<vmem>>, vector<1x16xf32>,
        %get3A_1199 = vector.shape_cast %get3A_1198 : vector<1x16xf32> to vector<16xf32>
        %add3A_1200 = arith.addf %add3A_1191, %get3A_1199 : vector<16xf32>
        %add3A_1201 = arith.constant 0 : i32
        %add3A_1202 = arith.addi %add3A_1201, %mul3A_958 : i32
        %add3A_1203 = arith.constant 2 : i32
        %add3A_1204 = arith.addi %add3A_1202, %add3A_1203 : i32
        %get3A_1205 = arith.index_cast %add3A_1204 : i32 to index
        %get3A_1206 = arith.constant 80 : index
        %get3A_1207 = tpu.vector_load %arg11[%get3A_1205, %get3A_1206] {strides = array<i32>} : memref<50x128xf32, #tpu.memory_space<vmem>>, vector<1x16xf32>,
        %get3A_1208 = vector.shape_cast %get3A_1207 : vector<1x16xf32> to vector<16xf32>
        %add3A_1209 = arith.addf %add3A_1200, %get3A_1208 : vector<16xf32>
        %add3A_1210 = arith.constant 0 : i32
        %add3A_1211 = arith.addi %add3A_1210, %mul3A_958 : i32
        %add3A_1212 = arith.constant 3 : i32
        %add3A_1213 = arith.addi %add3A_1211, %add3A_1212 : i32
        %get3A_1214 = arith.index_cast %add3A_1213 : i32 to index
        %get3A_1215 = arith.constant 80 : index
        %get3A_1216 = tpu.vector_load %arg11[%get3A_1214, %get3A_1215] {strides = array<i32>} : memref<50x128xf32, #tpu.memory_space<vmem>>, vector<1x16xf32>,
        %get3A_1217 = vector.shape_cast %get3A_1216 : vector<1x16xf32> to vector<16xf32>
        %add3A_1218 = arith.addf %add3A_1209, %get3A_1217 : vector<16xf32>
        %add3A_1219 = arith.constant 0 : i32
        %add3A_1220 = arith.addi %add3A_1219, %mul3A_958 : i32
        %add3A_1221 = arith.constant 4 : i32
        %add3A_1222 = arith.addi %add3A_1220, %add3A_1221 : i32
        %get3A_1223 = arith.index_cast %add3A_1222 : i32 to index
        %get3A_1224 = arith.constant 80 : index
        %get3A_1225 = tpu.vector_load %arg11[%get3A_1223, %get3A_1224] {strides = array<i32>} : memref<50x128xf32, #tpu.memory_space<vmem>>, vector<1x16xf32>,
        %get3A_1226 = vector.shape_cast %get3A_1225 : vector<1x16xf32> to vector<16xf32>
        %add3A_1227 = arith.addf %add3A_1218, %get3A_1226 : vector<16xf32>
        %add3A_1228 = arith.constant 0 : i32
        %add3A_1229 = arith.addi %add3A_1228, %mul3A_958 : i32
        %add3A_1230 = arith.constant 0 : i32
        %add3A_1231 = arith.addi %add3A_1229, %add3A_1230 : i32
        %get3A_1232 = arith.index_cast %add3A_1231 : i32 to index
        %get3A_1233 = arith.constant 96 : index
        %get3A_1234 = tpu.vector_load %arg11[%get3A_1232, %get3A_1233] {strides = array<i32>} : memref<50x128xf32, #tpu.memory_space<vmem>>, vector<1x16xf32>,
        %get3A_1235 = vector.shape_cast %get3A_1234 : vector<1x16xf32> to vector<16xf32>
        %add3A_1236 = arith.addf %scan3A_955, %get3A_1235 : vector<16xf32>
        %add3A_1237 = arith.constant 0 : i32
        %add3A_1238 = arith.addi %add3A_1237, %mul3A_958 : i32
        %add3A_1239 = arith.constant 1 : i32
        %add3A_1240 = arith.addi %add3A_1238, %add3A_1239 : i32
        %get3A_1241 = arith.index_cast %add3A_1240 : i32 to index
        %get3A_1242 = arith.constant 96 : index
        %get3A_1243 = tpu.vector_load %arg11[%get3A_1241, %get3A_1242] {strides = array<i32>} : memref<50x128xf32, #tpu.memory_space<vmem>>, vector<1x16xf32>,
        %get3A_1244 = vector.shape_cast %get3A_1243 : vector<1x16xf32> to vector<16xf32>
        %add3A_1245 = arith.addf %add3A_1236, %get3A_1244 : vector<16xf32>
        %add3A_1246 = arith.constant 0 : i32
        %add3A_1247 = arith.addi %add3A_1246, %mul3A_958 : i32
        %add3A_1248 = arith.constant 2 : i32
        %add3A_1249 = arith.addi %add3A_1247, %add3A_1248 : i32
        %get3A_1250 = arith.index_cast %add3A_1249 : i32 to index
        %get3A_1251 = arith.constant 96 : index
        %get3A_1252 = tpu.vector_load %arg11[%get3A_1250, %get3A_1251] {strides = array<i32>} : memref<50x128xf32, #tpu.memory_space<vmem>>, vector<1x16xf32>,
        %get3A_1253 = vector.shape_cast %get3A_1252 : vector<1x16xf32> to vector<16xf32>
        %add3A_1254 = arith.addf %add3A_1245, %get3A_1253 : vector<16xf32>
        %add3A_1255 = arith.constant 0 : i32
        %add3A_1256 = arith.addi %add3A_1255, %mul3A_958 : i32
        %add3A_1257 = arith.constant 3 : i32
        %add3A_1258 = arith.addi %add3A_1256, %add3A_1257 : i32
        %get3A_1259 = arith.index_cast %add3A_1258 : i32 to index
        %get3A_1260 = arith.constant 96 : index
        %get3A_1261 = tpu.vector_load %arg11[%get3A_1259, %get3A_1260] {strides = array<i32>} : memref<50x128xf32, #tpu.memory_space<vmem>>, vector<1x16xf32>,
        %get3A_1262 = vector.shape_cast %get3A_1261 : vector<1x16xf32> to vector<16xf32>
        %add3A_1263 = arith.addf %add3A_1254, %get3A_1262 : vector<16xf32>
        %add3A_1264 = arith.constant 0 : i32
        %add3A_1265 = arith.addi %add3A_1264, %mul3A_958 : i32
        %add3A_1266 = arith.constant 4 : i32
        %add3A_1267 = arith.addi %add3A_1265, %add3A_1266 : i32
        %get3A_1268 = arith.index_cast %add3A_1267 : i32 to index
        %get3A_1269 = arith.constant 96 : index
        %get3A_1270 = tpu.vector_load %arg11[%get3A_1268, %get3A_1269] {strides = array<i32>} : memref<50x128xf32, #tpu.memory_space<vmem>>, vector<1x16xf32>,
        %get3A_1271 = vector.shape_cast %get3A_1270 : vector<1x16xf32> to vector<16xf32>
        %add3A_1272 = arith.addf %add3A_1263, %get3A_1271 : vector<16xf32>
        %add3A_1273 = arith.constant 0 : i32
        %add3A_1274 = arith.addi %add3A_1273, %mul3A_958 : i32
        %add3A_1275 = arith.constant 0 : i32
        %add3A_1276 = arith.addi %add3A_1274, %add3A_1275 : i32
        %get3A_1277 = arith.index_cast %add3A_1276 : i32 to index
        %get3A_1278 = arith.constant 112 : index
        %get3A_1279 = tpu.vector_load %arg11[%get3A_1277, %get3A_1278] {strides = array<i32>} : memref<50x128xf32, #tpu.memory_space<vmem>>, vector<1x16xf32>,
        %get3A_1280 = vector.shape_cast %get3A_1279 : vector<1x16xf32> to vector<16xf32>
        %add3A_1281 = arith.addf %scan3A_956, %get3A_1280 : vector<16xf32>
        %add3A_1282 = arith.constant 0 : i32
        %add3A_1283 = arith.addi %add3A_1282, %mul3A_958 : i32
        %add3A_1284 = arith.constant 1 : i32
        %add3A_1285 = arith.addi %add3A_1283, %add3A_1284 : i32
        %get3A_1286 = arith.index_cast %add3A_1285 : i32 to index
        %get3A_1287 = arith.constant 112 : index
        %get3A_1288 = tpu.vector_load %arg11[%get3A_1286, %get3A_1287] {strides = array<i32>} : memref<50x128xf32, #tpu.memory_space<vmem>>, vector<1x16xf32>,
        %get3A_1289 = vector.shape_cast %get3A_1288 : vector<1x16xf32> to vector<16xf32>
        %add3A_1290 = arith.addf %add3A_1281, %get3A_1289 : vector<16xf32>
        %add3A_1291 = arith.constant 0 : i32
        %add3A_1292 = arith.addi %add3A_1291, %mul3A_958 : i32
        %add3A_1293 = arith.constant 2 : i32
        %add3A_1294 = arith.addi %add3A_1292, %add3A_1293 : i32
        %get3A_1295 = arith.index_cast %add3A_1294 : i32 to index
        %get3A_1296 = arith.constant 112 : index
        %get3A_1297 = tpu.vector_load %arg11[%get3A_1295, %get3A_1296] {strides = array<i32>} : memref<50x128xf32, #tpu.memory_space<vmem>>, vector<1x16xf32>,
        %get3A_1298 = vector.shape_cast %get3A_1297 : vector<1x16xf32> to vector<16xf32>
        %add3A_1299 = arith.addf %add3A_1290, %get3A_1298 : vector<16xf32>
        %add3A_1300 = arith.constant 0 : i32
        %add3A_1301 = arith.addi %add3A_1300, %mul3A_958 : i32
        %add3A_1302 = arith.constant 3 : i32
        %add3A_1303 = arith.addi %add3A_1301, %add3A_1302 : i32
        %get3A_1304 = arith.index_cast %add3A_1303 : i32 to index
        %get3A_1305 = arith.constant 112 : index
        %get3A_1306 = tpu.vector_load %arg11[%get3A_1304, %get3A_1305] {strides = array<i32>} : memref<50x128xf32, #tpu.memory_space<vmem>>, vector<1x16xf32>,
        %get3A_1307 = vector.shape_cast %get3A_1306 : vector<1x16xf32> to vector<16xf32>
        %add3A_1308 = arith.addf %add3A_1299, %get3A_1307 : vector<16xf32>
        %add3A_1309 = arith.constant 0 : i32
        %add3A_1310 = arith.addi %add3A_1309, %mul3A_958 : i32
        %add3A_1311 = arith.constant 4 : i32
        %add3A_1312 = arith.addi %add3A_1310, %add3A_1311 : i32
        %get3A_1313 = arith.index_cast %add3A_1312 : i32 to index
        %get3A_1314 = arith.constant 112 : index
        %get3A_1315 = tpu.vector_load %arg11[%get3A_1313, %get3A_1314] {strides = array<i32>} : memref<50x128xf32, #tpu.memory_space<vmem>>, vector<1x16xf32>,
        %get3A_1316 = vector.shape_cast %get3A_1315 : vector<1x16xf32> to vector<16xf32>
        %add3A_1317 = arith.addf %add3A_1308, %get3A_1316 : vector<16xf32>
        scf.yield %add3A_1002, %add3A_1047, %add3A_1092, %add3A_1137, %add3A_1182, %add3A_1227, %add3A_1272, %add3A_1317 : vector<16xf32>, vector<16xf32>, vector<16xf32>, vector<16xf32>, vector<16xf32>, vector<16xf32>, vector<16xf32>, vector<16xf32>
      }
      %scan3A_646 = arith.constant 10 : i32
      %mul3A_647 = arith.constant 1 : i32
      %mul3A_648 = arith.muli %add3A_618, %mul3A_647 : i32
      %add3A_649 = arith.constant 0 : i32
      %add3A_650 = arith.addi %mul3A_648, %add3A_649 : i32
      %swap3A_651 = arith.index_cast %add3A_650 : i32 to index
      %swap3A_652 = arith.constant 0 : index
      %swap3A_653 = tpu.vector_load %arg14[%swap3A_651, %swap3A_652] {strides = array<i32>} : memref<128x128xf32, #tpu.memory_space<vmem>>, vector<1x16xf32>,
      %swap3A_654 = vector.shape_cast %swap3A_653 : vector<1x16xf32> to vector<16xf32>
      %swap3A_655 = vector.shape_cast %scan3A_645#0 : vector<16xf32> to vector<1x16xf32>
      tpu.vector_store %arg14[%swap3A_651, %swap3A_652], %swap3A_655 {strides = array<i32>} : memref<128x128xf32, #tpu.memory_space<vmem>>, vector<1x16xf32>,
      %mul3A_656 = arith.constant 1 : i32
      %mul3A_657 = arith.muli %add3A_618, %mul3A_656 : i32
      %add3A_658 = arith.constant 0 : i32
      %add3A_659 = arith.addi %mul3A_657, %add3A_658 : i32
      %swap3A_660 = arith.index_cast %add3A_659 : i32 to index
      %swap3A_661 = arith.constant 16 : index
      %swap3A_662 = tpu.vector_load %arg14[%swap3A_660, %swap3A_661] {strides = array<i32>} : memref<128x128xf32, #tpu.memory_space<vmem>>, vector<1x16xf32>,
      %swap3A_663 = vector.shape_cast %swap3A_662 : vector<1x16xf32> to vector<16xf32>
      %swap3A_664 = vector.shape_cast %scan3A_645#1 : vector<16xf32> to vector<1x16xf32>
      tpu.vector_store %arg14[%swap3A_660, %swap3A_661], %swap3A_664 {strides = array<i32>} : memref<128x128xf32, #tpu.memory_space<vmem>>, vector<1x16xf32>,
      %mul3A_665 = arith.constant 1 : i32
      %mul3A_666 = arith.muli %add3A_618, %mul3A_665 : i32
      %add3A_667 = arith.constant 0 : i32
      %add3A_668 = arith.addi %mul3A_666, %add3A_667 : i32
      %swap3A_669 = arith.index_cast %add3A_668 : i32 to index
      %swap3A_670 = arith.constant 32 : index
      %swap3A_671 = tpu.vector_load %arg14[%swap3A_669, %swap3A_670] {strides = array<i32>} : memref<128x128xf32, #tpu.memory_space<vmem>>, vector<1x16xf32>,
      %swap3A_672 = vector.shape_cast %swap3A_671 : vector<1x16xf32> to vector<16xf32>
      %swap3A_673 = vector.shape_cast %scan3A_645#2 : vector<16xf32> to vector<1x16xf32>
      tpu.vector_store %arg14[%swap3A_669, %swap3A_670], %swap3A_673 {strides = array<i32>} : memref<128x128xf32, #tpu.memory_space<vmem>>, vector<1x16xf32>,
      %mul3A_674 = arith.constant 1 : i32
      %mul3A_675 = arith.muli %add3A_618, %mul3A_674 : i32
      %add3A_676 = arith.constant 0 : i32
      %add3A_677 = arith.addi %mul3A_675, %add3A_676 : i32
      %swap3A_678 = arith.index_cast %add3A_677 : i32 to index
      %swap3A_679 = arith.constant 48 : index
      %swap3A_680 = tpu.vector_load %arg14[%swap3A_678, %swap3A_679] {strides = array<i32>} : memref<128x128xf32, #tpu.memory_space<vmem>>, vector<1x16xf32>,
      %swap3A_681 = vector.shape_cast %swap3A_680 : vector<1x16xf32> to vector<16xf32>
      %swap3A_682 = vector.shape_cast %scan3A_645#3 : vector<16xf32> to vector<1x16xf32>
      tpu.vector_store %arg14[%swap3A_678, %swap3A_679], %swap3A_682 {strides = array<i32>} : memref<128x128xf32, #tpu.memory_space<vmem>>, vector<1x16xf32>,
      %mul3A_683 = arith.constant 1 : i32
      %mul3A_684 = arith.muli %add3A_618, %mul3A_683 : i32
      %add3A_685 = arith.constant 0 : i32
      %add3A_686 = arith.addi %mul3A_684, %add3A_685 : i32
      %swap3A_687 = arith.index_cast %add3A_686 : i32 to index
      %swap3A_688 = arith.constant 64 : index
      %swap3A_689 = tpu.vector_load %arg14[%swap3A_687, %swap3A_688] {strides = array<i32>} : memref<128x128xf32, #tpu.memory_space<vmem>>, vector<1x16xf32>,
      %swap3A_690 = vector.shape_cast %swap3A_689 : vector<1x16xf32> to vector<16xf32>
      %swap3A_691 = vector.shape_cast %scan3A_645#4 : vector<16xf32> to vector<1x16xf32>
      tpu.vector_store %arg14[%swap3A_687, %swap3A_688], %swap3A_691 {strides = array<i32>} : memref<128x128xf32, #tpu.memory_space<vmem>>, vector<1x16xf32>,
      %mul3A_692 = arith.constant 1 : i32
      %mul3A_693 = arith.muli %add3A_618, %mul3A_692 : i32
      %add3A_694 = arith.constant 0 : i32
      %add3A_695 = arith.addi %mul3A_693, %add3A_694 : i32
      %swap3A_696 = arith.index_cast %add3A_695 : i32 to index
      %swap3A_697 = arith.constant 80 : index
      %swap3A_698 = tpu.vector_load %arg14[%swap3A_696, %swap3A_697] {strides = array<i32>} : memref<128x128xf32, #tpu.memory_space<vmem>>, vector<1x16xf32>,
      %swap3A_699 = vector.shape_cast %swap3A_698 : vector<1x16xf32> to vector<16xf32>
      %swap3A_700 = vector.shape_cast %scan3A_645#5 : vector<16xf32> to vector<1x16xf32>
      tpu.vector_store %arg14[%swap3A_696, %swap3A_697], %swap3A_700 {strides = array<i32>} : memref<128x128xf32, #tpu.memory_space<vmem>>, vector<1x16xf32>,
      %mul3A_701 = arith.constant 1 : i32
      %mul3A_702 = arith.muli %add3A_618, %mul3A_701 : i32
      %add3A_703 = arith.constant 0 : i32
      %add3A_704 = arith.addi %mul3A_702, %add3A_703 : i32
      %swap3A_705 = arith.index_cast %add3A_704 : i32 to index
      %swap3A_706 = arith.constant 96 : index
      %swap3A_707 = tpu.vector_load %arg14[%swap3A_705, %swap3A_706] {strides = array<i32>} : memref<128x128xf32, #tpu.memory_space<vmem>>, vector<1x16xf32>,
      %swap3A_708 = vector.shape_cast %swap3A_707 : vector<1x16xf32> to vector<16xf32>
      %swap3A_709 = vector.shape_cast %scan3A_645#6 : vector<16xf32> to vector<1x16xf32>
      tpu.vector_store %arg14[%swap3A_705, %swap3A_706], %swap3A_709 {strides = array<i32>} : memref<128x128xf32, #tpu.memory_space<vmem>>, vector<1x16xf32>,
      %mul3A_710 = arith.constant 1 : i32
      %mul3A_711 = arith.muli %add3A_618, %mul3A_710 : i32
      %add3A_712 = arith.constant 0 : i32
      %add3A_713 = arith.addi %mul3A_711, %add3A_712 : i32
      %swap3A_714 = arith.index_cast %add3A_713 : i32 to index
      %swap3A_715 = arith.constant 112 : index
      %swap3A_716 = tpu.vector_load %arg14[%swap3A_714, %swap3A_715] {strides = array<i32>} : memref<128x128xf32, #tpu.memory_space<vmem>>, vector<1x16xf32>,
      %swap3A_717 = vector.shape_cast %swap3A_716 : vector<1x16xf32> to vector<16xf32>
      %swap3A_718 = vector.shape_cast %scan3A_645#7 : vector<16xf32> to vector<1x16xf32>
      tpu.vector_store %arg14[%swap3A_714, %swap3A_715], %swap3A_718 {strides = array<i32>} : memref<128x128xf32, #tpu.memory_space<vmem>>, vector<1x16xf32>,
      %add3A_719 = arith.constant 8 : i32
      %add3A_720 = arith.addi %add3A_618, %add3A_719 : i32
      %lt3A_721 = arith.constant 128 : i32
      %lt3A_722 = arith.cmpi slt, %add3A_720, %lt3A_721 : i32
      %convert_element_type3A_723 = arith.extui %lt3A_722 : i1 to i32
      %cond3A_724 = arith.constant 0 : i32
      %cond3A_725 = arith.cmpi ne, %convert_element_type3A_723, %cond3A_724 : i32
      scf.if %cond3A_725 {
        %dma_start3A_948 = arith.constant 0 : i32
        %dma_start3A_949 = tpu.memref_slice %arg5[%add3A_720, %dma_start3A_948] : memref<128x50xi32, #tpu.memory_space<vmem>> -> memref<1x50xi32, #tpu.memory_space<vmem>>
        %dma_start3A_950 = tpu.memref_squeeze %dma_start3A_949 : memref<1x50xi32, #tpu.memory_space<vmem>> -> memref<50xi32, #tpu.memory_space<vmem>>
        %dma_start3A_951 = arith.constant 0 : i32
        %dma_start3A_952 = arith.constant 0 : i32
        %dma_start3A_953 = tpu.memref_slice %arg3[%dma_start3A_951, %dma_start3A_952] : memref<100000x128xf32, #tpu.memory_space<hbm>> -> memref<100000x128xf32, #tpu.memory_space<hbm>>
        tpu.enqueue_indirect_dma source(%dma_start3A_953 : memref<100000x128xf32, #tpu.memory_space<hbm>>) target(%arg11 : memref<50x128xf32, #tpu.memory_space<vmem>>) offsets(%dma_start3A_950 : memref<50xi32, #tpu.memory_space<vmem>>) semaphore(%arg20 : memref<!tpu.dma_semaphore, #tpu.memory_space<semaphore_mem>>)
      } else {
      }
      %mul3A_726 = arith.constant 8 : i32
      %mul3A_727 = arith.muli %scan3A_65, %mul3A_726 : i32
      %add3A_728 = arith.constant 6 : i32
      %add3A_729 = arith.addi %mul3A_727, %add3A_728 : i32
      %dma_wait3A_730 = arith.constant 0 : i32
      %dma_wait3A_731 = tpu.memref_slice %arg5[%add3A_729, %dma_wait3A_730] : memref<128x50xi32, #tpu.memory_space<vmem>> -> memref<1x50xi32, #tpu.memory_space<vmem>>
      %dma_wait3A_732 = tpu.memref_squeeze %dma_wait3A_731 : memref<1x50xi32, #tpu.memory_space<vmem>> -> memref<50xi32, #tpu.memory_space<vmem>>
      %dma_wait3A_733 = arith.constant 0 : i32
      %dma_wait3A_734 = arith.constant 0 : i32
      %dma_wait3A_735 = tpu.memref_slice %arg3[%dma_wait3A_733, %dma_wait3A_734] : memref<100000x128xf32, #tpu.memory_space<hbm>> -> memref<100000x128xf32, #tpu.memory_space<hbm>>
      tpu.wait_indirect_dma semaphore(%arg21 : memref<!tpu.dma_semaphore, #tpu.memory_space<semaphore_mem>>) src(%dma_wait3A_735 : memref<100000x128xf32, #tpu.memory_space<hbm>>) dst(%arg12 : memref<50x128xf32, #tpu.memory_space<vmem>>)
      %broadcast_in_dim3A_736 = arith.constant 0.000000e+00 : f32
      %broadcast_in_dim3A_737 = vector.broadcast %broadcast_in_dim3A_736 : f32 to vector<16xf32>
      %broadcast_in_dim3A_738 = arith.constant 0.000000e+00 : f32
      %broadcast_in_dim3A_739 = vector.broadcast %broadcast_in_dim3A_738 : f32 to vector<16xf32>
      %broadcast_in_dim3A_740 = arith.constant 0.000000e+00 : f32
      %broadcast_in_dim3A_741 = vector.broadcast %broadcast_in_dim3A_740 : f32 to vector<16xf32>
      %broadcast_in_dim3A_742 = arith.constant 0.000000e+00 : f32
      %broadcast_in_dim3A_743 = vector.broadcast %broadcast_in_dim3A_742 : f32 to vector<16xf32>
      %broadcast_in_dim3A_744 = arith.constant 0.000000e+00 : f32
      %broadcast_in_dim3A_745 = vector.broadcast %broadcast_in_dim3A_744 : f32 to vector<16xf32>
      %broadcast_in_dim3A_746 = arith.constant 0.000000e+00 : f32
      %broadcast_in_dim3A_747 = vector.broadcast %broadcast_in_dim3A_746 : f32 to vector<16xf32>
      %broadcast_in_dim3A_748 = arith.constant 0.000000e+00 : f32
      %broadcast_in_dim3A_749 = vector.broadcast %broadcast_in_dim3A_748 : f32 to vector<16xf32>
      %broadcast_in_dim3A_750 = arith.constant 0.000000e+00 : f32
      %broadcast_in_dim3A_751 = vector.broadcast %broadcast_in_dim3A_750 : f32 to vector<16xf32>
      %scan3A_752 = arith.constant 0 : i32
      %scan3A_753 = arith.constant 10 : i32
      %scan3A_754 = arith.addi %scan3A_752, %scan3A_753 : i32
      %scan3A_755 = arith.constant 1 : i32
      %scan3A_756:8 = scf.for %scan3A_948 = %scan3A_752 to %scan3A_754 step %scan3A_755 iter_args(%scan3A_949 = %broadcast_in_dim3A_737, %scan3A_950 = %broadcast_in_dim3A_739, %scan3A_951 = %broadcast_in_dim3A_741, %scan3A_952 = %broadcast_in_dim3A_743, %scan3A_953 = %broadcast_in_dim3A_745, %scan3A_954 = %broadcast_in_dim3A_747, %scan3A_955 = %broadcast_in_dim3A_749, %scan3A_956 = %broadcast_in_dim3A_751) -> (vector<16xf32>, vector<16xf32>, vector<16xf32>, vector<16xf32>, vector<16xf32>, vector<16xf32>, vector<16xf32>, vector<16xf32>)  : i32 {
        %mul3A_957 = arith.constant 5 : i32
        %mul3A_958 = arith.muli %scan3A_948, %mul3A_957 : i32
        %add3A_959 = arith.constant 0 : i32
        %add3A_960 = arith.addi %add3A_959, %mul3A_958 : i32
        %add3A_961 = arith.constant 0 : i32
        %add3A_962 = arith.addi %add3A_960, %add3A_961 : i32
        %get3A = arith.index_cast %add3A_962 : i32 to index
        %get3A_963 = arith.constant 0 : index
        %get3A_964 = tpu.vector_load %arg12[%get3A, %get3A_963] {strides = array<i32>} : memref<50x128xf32, #tpu.memory_space<vmem>>, vector<1x16xf32>,
        %get3A_965 = vector.shape_cast %get3A_964 : vector<1x16xf32> to vector<16xf32>
        %add3A_966 = arith.addf %scan3A_949, %get3A_965 : vector<16xf32>
        %add3A_967 = arith.constant 0 : i32
        %add3A_968 = arith.addi %add3A_967, %mul3A_958 : i32
        %add3A_969 = arith.constant 1 : i32
        %add3A_970 = arith.addi %add3A_968, %add3A_969 : i32
        %get3A_971 = arith.index_cast %add3A_970 : i32 to index
        %get3A_972 = arith.constant 0 : index
        %get3A_973 = tpu.vector_load %arg12[%get3A_971, %get3A_972] {strides = array<i32>} : memref<50x128xf32, #tpu.memory_space<vmem>>, vector<1x16xf32>,
        %get3A_974 = vector.shape_cast %get3A_973 : vector<1x16xf32> to vector<16xf32>
        %add3A_975 = arith.addf %add3A_966, %get3A_974 : vector<16xf32>
        %add3A_976 = arith.constant 0 : i32
        %add3A_977 = arith.addi %add3A_976, %mul3A_958 : i32
        %add3A_978 = arith.constant 2 : i32
        %add3A_979 = arith.addi %add3A_977, %add3A_978 : i32
        %get3A_980 = arith.index_cast %add3A_979 : i32 to index
        %get3A_981 = arith.constant 0 : index
        %get3A_982 = tpu.vector_load %arg12[%get3A_980, %get3A_981] {strides = array<i32>} : memref<50x128xf32, #tpu.memory_space<vmem>>, vector<1x16xf32>,
        %get3A_983 = vector.shape_cast %get3A_982 : vector<1x16xf32> to vector<16xf32>
        %add3A_984 = arith.addf %add3A_975, %get3A_983 : vector<16xf32>
        %add3A_985 = arith.constant 0 : i32
        %add3A_986 = arith.addi %add3A_985, %mul3A_958 : i32
        %add3A_987 = arith.constant 3 : i32
        %add3A_988 = arith.addi %add3A_986, %add3A_987 : i32
        %get3A_989 = arith.index_cast %add3A_988 : i32 to index
        %get3A_990 = arith.constant 0 : index
        %get3A_991 = tpu.vector_load %arg12[%get3A_989, %get3A_990] {strides = array<i32>} : memref<50x128xf32, #tpu.memory_space<vmem>>, vector<1x16xf32>,
        %get3A_992 = vector.shape_cast %get3A_991 : vector<1x16xf32> to vector<16xf32>
        %add3A_993 = arith.addf %add3A_984, %get3A_992 : vector<16xf32>
        %add3A_994 = arith.constant 0 : i32
        %add3A_995 = arith.addi %add3A_994, %mul3A_958 : i32
        %add3A_996 = arith.constant 4 : i32
        %add3A_997 = arith.addi %add3A_995, %add3A_996 : i32
        %get3A_998 = arith.index_cast %add3A_997 : i32 to index
        %get3A_999 = arith.constant 0 : index
        %get3A_1000 = tpu.vector_load %arg12[%get3A_998, %get3A_999] {strides = array<i32>} : memref<50x128xf32, #tpu.memory_space<vmem>>, vector<1x16xf32>,
        %get3A_1001 = vector.shape_cast %get3A_1000 : vector<1x16xf32> to vector<16xf32>
        %add3A_1002 = arith.addf %add3A_993, %get3A_1001 : vector<16xf32>
        %add3A_1003 = arith.constant 0 : i32
        %add3A_1004 = arith.addi %add3A_1003, %mul3A_958 : i32
        %add3A_1005 = arith.constant 0 : i32
        %add3A_1006 = arith.addi %add3A_1004, %add3A_1005 : i32
        %get3A_1007 = arith.index_cast %add3A_1006 : i32 to index
        %get3A_1008 = arith.constant 16 : index
        %get3A_1009 = tpu.vector_load %arg12[%get3A_1007, %get3A_1008] {strides = array<i32>} : memref<50x128xf32, #tpu.memory_space<vmem>>, vector<1x16xf32>,
        %get3A_1010 = vector.shape_cast %get3A_1009 : vector<1x16xf32> to vector<16xf32>
        %add3A_1011 = arith.addf %scan3A_950, %get3A_1010 : vector<16xf32>
        %add3A_1012 = arith.constant 0 : i32
        %add3A_1013 = arith.addi %add3A_1012, %mul3A_958 : i32
        %add3A_1014 = arith.constant 1 : i32
        %add3A_1015 = arith.addi %add3A_1013, %add3A_1014 : i32
        %get3A_1016 = arith.index_cast %add3A_1015 : i32 to index
        %get3A_1017 = arith.constant 16 : index
        %get3A_1018 = tpu.vector_load %arg12[%get3A_1016, %get3A_1017] {strides = array<i32>} : memref<50x128xf32, #tpu.memory_space<vmem>>, vector<1x16xf32>,
        %get3A_1019 = vector.shape_cast %get3A_1018 : vector<1x16xf32> to vector<16xf32>
        %add3A_1020 = arith.addf %add3A_1011, %get3A_1019 : vector<16xf32>
        %add3A_1021 = arith.constant 0 : i32
        %add3A_1022 = arith.addi %add3A_1021, %mul3A_958 : i32
        %add3A_1023 = arith.constant 2 : i32
        %add3A_1024 = arith.addi %add3A_1022, %add3A_1023 : i32
        %get3A_1025 = arith.index_cast %add3A_1024 : i32 to index
        %get3A_1026 = arith.constant 16 : index
        %get3A_1027 = tpu.vector_load %arg12[%get3A_1025, %get3A_1026] {strides = array<i32>} : memref<50x128xf32, #tpu.memory_space<vmem>>, vector<1x16xf32>,
        %get3A_1028 = vector.shape_cast %get3A_1027 : vector<1x16xf32> to vector<16xf32>
        %add3A_1029 = arith.addf %add3A_1020, %get3A_1028 : vector<16xf32>
        %add3A_1030 = arith.constant 0 : i32
        %add3A_1031 = arith.addi %add3A_1030, %mul3A_958 : i32
        %add3A_1032 = arith.constant 3 : i32
        %add3A_1033 = arith.addi %add3A_1031, %add3A_1032 : i32
        %get3A_1034 = arith.index_cast %add3A_1033 : i32 to index
        %get3A_1035 = arith.constant 16 : index
        %get3A_1036 = tpu.vector_load %arg12[%get3A_1034, %get3A_1035] {strides = array<i32>} : memref<50x128xf32, #tpu.memory_space<vmem>>, vector<1x16xf32>,
        %get3A_1037 = vector.shape_cast %get3A_1036 : vector<1x16xf32> to vector<16xf32>
        %add3A_1038 = arith.addf %add3A_1029, %get3A_1037 : vector<16xf32>
        %add3A_1039 = arith.constant 0 : i32
        %add3A_1040 = arith.addi %add3A_1039, %mul3A_958 : i32
        %add3A_1041 = arith.constant 4 : i32
        %add3A_1042 = arith.addi %add3A_1040, %add3A_1041 : i32
        %get3A_1043 = arith.index_cast %add3A_1042 : i32 to index
        %get3A_1044 = arith.constant 16 : index
        %get3A_1045 = tpu.vector_load %arg12[%get3A_1043, %get3A_1044] {strides = array<i32>} : memref<50x128xf32, #tpu.memory_space<vmem>>, vector<1x16xf32>,
        %get3A_1046 = vector.shape_cast %get3A_1045 : vector<1x16xf32> to vector<16xf32>
        %add3A_1047 = arith.addf %add3A_1038, %get3A_1046 : vector<16xf32>
        %add3A_1048 = arith.constant 0 : i32
        %add3A_1049 = arith.addi %add3A_1048, %mul3A_958 : i32
        %add3A_1050 = arith.constant 0 : i32
        %add3A_1051 = arith.addi %add3A_1049, %add3A_1050 : i32
        %get3A_1052 = arith.index_cast %add3A_1051 : i32 to index
        %get3A_1053 = arith.constant 32 : index
        %get3A_1054 = tpu.vector_load %arg12[%get3A_1052, %get3A_1053] {strides = array<i32>} : memref<50x128xf32, #tpu.memory_space<vmem>>, vector<1x16xf32>,
        %get3A_1055 = vector.shape_cast %get3A_1054 : vector<1x16xf32> to vector<16xf32>
        %add3A_1056 = arith.addf %scan3A_951, %get3A_1055 : vector<16xf32>
        %add3A_1057 = arith.constant 0 : i32
        %add3A_1058 = arith.addi %add3A_1057, %mul3A_958 : i32
        %add3A_1059 = arith.constant 1 : i32
        %add3A_1060 = arith.addi %add3A_1058, %add3A_1059 : i32
        %get3A_1061 = arith.index_cast %add3A_1060 : i32 to index
        %get3A_1062 = arith.constant 32 : index
        %get3A_1063 = tpu.vector_load %arg12[%get3A_1061, %get3A_1062] {strides = array<i32>} : memref<50x128xf32, #tpu.memory_space<vmem>>, vector<1x16xf32>,
        %get3A_1064 = vector.shape_cast %get3A_1063 : vector<1x16xf32> to vector<16xf32>
        %add3A_1065 = arith.addf %add3A_1056, %get3A_1064 : vector<16xf32>
        %add3A_1066 = arith.constant 0 : i32
        %add3A_1067 = arith.addi %add3A_1066, %mul3A_958 : i32
        %add3A_1068 = arith.constant 2 : i32
        %add3A_1069 = arith.addi %add3A_1067, %add3A_1068 : i32
        %get3A_1070 = arith.index_cast %add3A_1069 : i32 to index
        %get3A_1071 = arith.constant 32 : index
        %get3A_1072 = tpu.vector_load %arg12[%get3A_1070, %get3A_1071] {strides = array<i32>} : memref<50x128xf32, #tpu.memory_space<vmem>>, vector<1x16xf32>,
        %get3A_1073 = vector.shape_cast %get3A_1072 : vector<1x16xf32> to vector<16xf32>
        %add3A_1074 = arith.addf %add3A_1065, %get3A_1073 : vector<16xf32>
        %add3A_1075 = arith.constant 0 : i32
        %add3A_1076 = arith.addi %add3A_1075, %mul3A_958 : i32
        %add3A_1077 = arith.constant 3 : i32
        %add3A_1078 = arith.addi %add3A_1076, %add3A_1077 : i32
        %get3A_1079 = arith.index_cast %add3A_1078 : i32 to index
        %get3A_1080 = arith.constant 32 : index
        %get3A_1081 = tpu.vector_load %arg12[%get3A_1079, %get3A_1080] {strides = array<i32>} : memref<50x128xf32, #tpu.memory_space<vmem>>, vector<1x16xf32>,
        %get3A_1082 = vector.shape_cast %get3A_1081 : vector<1x16xf32> to vector<16xf32>
        %add3A_1083 = arith.addf %add3A_1074, %get3A_1082 : vector<16xf32>
        %add3A_1084 = arith.constant 0 : i32
        %add3A_1085 = arith.addi %add3A_1084, %mul3A_958 : i32
        %add3A_1086 = arith.constant 4 : i32
        %add3A_1087 = arith.addi %add3A_1085, %add3A_1086 : i32
        %get3A_1088 = arith.index_cast %add3A_1087 : i32 to index
        %get3A_1089 = arith.constant 32 : index
        %get3A_1090 = tpu.vector_load %arg12[%get3A_1088, %get3A_1089] {strides = array<i32>} : memref<50x128xf32, #tpu.memory_space<vmem>>, vector<1x16xf32>,
        %get3A_1091 = vector.shape_cast %get3A_1090 : vector<1x16xf32> to vector<16xf32>
        %add3A_1092 = arith.addf %add3A_1083, %get3A_1091 : vector<16xf32>
        %add3A_1093 = arith.constant 0 : i32
        %add3A_1094 = arith.addi %add3A_1093, %mul3A_958 : i32
        %add3A_1095 = arith.constant 0 : i32
        %add3A_1096 = arith.addi %add3A_1094, %add3A_1095 : i32
        %get3A_1097 = arith.index_cast %add3A_1096 : i32 to index
        %get3A_1098 = arith.constant 48 : index
        %get3A_1099 = tpu.vector_load %arg12[%get3A_1097, %get3A_1098] {strides = array<i32>} : memref<50x128xf32, #tpu.memory_space<vmem>>, vector<1x16xf32>,
        %get3A_1100 = vector.shape_cast %get3A_1099 : vector<1x16xf32> to vector<16xf32>
        %add3A_1101 = arith.addf %scan3A_952, %get3A_1100 : vector<16xf32>
        %add3A_1102 = arith.constant 0 : i32
        %add3A_1103 = arith.addi %add3A_1102, %mul3A_958 : i32
        %add3A_1104 = arith.constant 1 : i32
        %add3A_1105 = arith.addi %add3A_1103, %add3A_1104 : i32
        %get3A_1106 = arith.index_cast %add3A_1105 : i32 to index
        %get3A_1107 = arith.constant 48 : index
        %get3A_1108 = tpu.vector_load %arg12[%get3A_1106, %get3A_1107] {strides = array<i32>} : memref<50x128xf32, #tpu.memory_space<vmem>>, vector<1x16xf32>,
        %get3A_1109 = vector.shape_cast %get3A_1108 : vector<1x16xf32> to vector<16xf32>
        %add3A_1110 = arith.addf %add3A_1101, %get3A_1109 : vector<16xf32>
        %add3A_1111 = arith.constant 0 : i32
        %add3A_1112 = arith.addi %add3A_1111, %mul3A_958 : i32
        %add3A_1113 = arith.constant 2 : i32
        %add3A_1114 = arith.addi %add3A_1112, %add3A_1113 : i32
        %get3A_1115 = arith.index_cast %add3A_1114 : i32 to index
        %get3A_1116 = arith.constant 48 : index
        %get3A_1117 = tpu.vector_load %arg12[%get3A_1115, %get3A_1116] {strides = array<i32>} : memref<50x128xf32, #tpu.memory_space<vmem>>, vector<1x16xf32>,
        %get3A_1118 = vector.shape_cast %get3A_1117 : vector<1x16xf32> to vector<16xf32>
        %add3A_1119 = arith.addf %add3A_1110, %get3A_1118 : vector<16xf32>
        %add3A_1120 = arith.constant 0 : i32
        %add3A_1121 = arith.addi %add3A_1120, %mul3A_958 : i32
        %add3A_1122 = arith.constant 3 : i32
        %add3A_1123 = arith.addi %add3A_1121, %add3A_1122 : i32
        %get3A_1124 = arith.index_cast %add3A_1123 : i32 to index
        %get3A_1125 = arith.constant 48 : index
        %get3A_1126 = tpu.vector_load %arg12[%get3A_1124, %get3A_1125] {strides = array<i32>} : memref<50x128xf32, #tpu.memory_space<vmem>>, vector<1x16xf32>,
        %get3A_1127 = vector.shape_cast %get3A_1126 : vector<1x16xf32> to vector<16xf32>
        %add3A_1128 = arith.addf %add3A_1119, %get3A_1127 : vector<16xf32>
        %add3A_1129 = arith.constant 0 : i32
        %add3A_1130 = arith.addi %add3A_1129, %mul3A_958 : i32
        %add3A_1131 = arith.constant 4 : i32
        %add3A_1132 = arith.addi %add3A_1130, %add3A_1131 : i32
        %get3A_1133 = arith.index_cast %add3A_1132 : i32 to index
        %get3A_1134 = arith.constant 48 : index
        %get3A_1135 = tpu.vector_load %arg12[%get3A_1133, %get3A_1134] {strides = array<i32>} : memref<50x128xf32, #tpu.memory_space<vmem>>, vector<1x16xf32>,
        %get3A_1136 = vector.shape_cast %get3A_1135 : vector<1x16xf32> to vector<16xf32>
        %add3A_1137 = arith.addf %add3A_1128, %get3A_1136 : vector<16xf32>
        %add3A_1138 = arith.constant 0 : i32
        %add3A_1139 = arith.addi %add3A_1138, %mul3A_958 : i32
        %add3A_1140 = arith.constant 0 : i32
        %add3A_1141 = arith.addi %add3A_1139, %add3A_1140 : i32
        %get3A_1142 = arith.index_cast %add3A_1141 : i32 to index
        %get3A_1143 = arith.constant 64 : index
        %get3A_1144 = tpu.vector_load %arg12[%get3A_1142, %get3A_1143] {strides = array<i32>} : memref<50x128xf32, #tpu.memory_space<vmem>>, vector<1x16xf32>,
        %get3A_1145 = vector.shape_cast %get3A_1144 : vector<1x16xf32> to vector<16xf32>
        %add3A_1146 = arith.addf %scan3A_953, %get3A_1145 : vector<16xf32>
        %add3A_1147 = arith.constant 0 : i32
        %add3A_1148 = arith.addi %add3A_1147, %mul3A_958 : i32
        %add3A_1149 = arith.constant 1 : i32
        %add3A_1150 = arith.addi %add3A_1148, %add3A_1149 : i32
        %get3A_1151 = arith.index_cast %add3A_1150 : i32 to index
        %get3A_1152 = arith.constant 64 : index
        %get3A_1153 = tpu.vector_load %arg12[%get3A_1151, %get3A_1152] {strides = array<i32>} : memref<50x128xf32, #tpu.memory_space<vmem>>, vector<1x16xf32>,
        %get3A_1154 = vector.shape_cast %get3A_1153 : vector<1x16xf32> to vector<16xf32>
        %add3A_1155 = arith.addf %add3A_1146, %get3A_1154 : vector<16xf32>
        %add3A_1156 = arith.constant 0 : i32
        %add3A_1157 = arith.addi %add3A_1156, %mul3A_958 : i32
        %add3A_1158 = arith.constant 2 : i32
        %add3A_1159 = arith.addi %add3A_1157, %add3A_1158 : i32
        %get3A_1160 = arith.index_cast %add3A_1159 : i32 to index
        %get3A_1161 = arith.constant 64 : index
        %get3A_1162 = tpu.vector_load %arg12[%get3A_1160, %get3A_1161] {strides = array<i32>} : memref<50x128xf32, #tpu.memory_space<vmem>>, vector<1x16xf32>,
        %get3A_1163 = vector.shape_cast %get3A_1162 : vector<1x16xf32> to vector<16xf32>
        %add3A_1164 = arith.addf %add3A_1155, %get3A_1163 : vector<16xf32>
        %add3A_1165 = arith.constant 0 : i32
        %add3A_1166 = arith.addi %add3A_1165, %mul3A_958 : i32
        %add3A_1167 = arith.constant 3 : i32
        %add3A_1168 = arith.addi %add3A_1166, %add3A_1167 : i32
        %get3A_1169 = arith.index_cast %add3A_1168 : i32 to index
        %get3A_1170 = arith.constant 64 : index
        %get3A_1171 = tpu.vector_load %arg12[%get3A_1169, %get3A_1170] {strides = array<i32>} : memref<50x128xf32, #tpu.memory_space<vmem>>, vector<1x16xf32>,
        %get3A_1172 = vector.shape_cast %get3A_1171 : vector<1x16xf32> to vector<16xf32>
        %add3A_1173 = arith.addf %add3A_1164, %get3A_1172 : vector<16xf32>
        %add3A_1174 = arith.constant 0 : i32
        %add3A_1175 = arith.addi %add3A_1174, %mul3A_958 : i32
        %add3A_1176 = arith.constant 4 : i32
        %add3A_1177 = arith.addi %add3A_1175, %add3A_1176 : i32
        %get3A_1178 = arith.index_cast %add3A_1177 : i32 to index
        %get3A_1179 = arith.constant 64 : index
        %get3A_1180 = tpu.vector_load %arg12[%get3A_1178, %get3A_1179] {strides = array<i32>} : memref<50x128xf32, #tpu.memory_space<vmem>>, vector<1x16xf32>,
        %get3A_1181 = vector.shape_cast %get3A_1180 : vector<1x16xf32> to vector<16xf32>
        %add3A_1182 = arith.addf %add3A_1173, %get3A_1181 : vector<16xf32>
        %add3A_1183 = arith.constant 0 : i32
        %add3A_1184 = arith.addi %add3A_1183, %mul3A_958 : i32
        %add3A_1185 = arith.constant 0 : i32
        %add3A_1186 = arith.addi %add3A_1184, %add3A_1185 : i32
        %get3A_1187 = arith.index_cast %add3A_1186 : i32 to index
        %get3A_1188 = arith.constant 80 : index
        %get3A_1189 = tpu.vector_load %arg12[%get3A_1187, %get3A_1188] {strides = array<i32>} : memref<50x128xf32, #tpu.memory_space<vmem>>, vector<1x16xf32>,
        %get3A_1190 = vector.shape_cast %get3A_1189 : vector<1x16xf32> to vector<16xf32>
        %add3A_1191 = arith.addf %scan3A_954, %get3A_1190 : vector<16xf32>
        %add3A_1192 = arith.constant 0 : i32
        %add3A_1193 = arith.addi %add3A_1192, %mul3A_958 : i32
        %add3A_1194 = arith.constant 1 : i32
        %add3A_1195 = arith.addi %add3A_1193, %add3A_1194 : i32
        %get3A_1196 = arith.index_cast %add3A_1195 : i32 to index
        %get3A_1197 = arith.constant 80 : index
        %get3A_1198 = tpu.vector_load %arg12[%get3A_1196, %get3A_1197] {strides = array<i32>} : memref<50x128xf32, #tpu.memory_space<vmem>>, vector<1x16xf32>,
        %get3A_1199 = vector.shape_cast %get3A_1198 : vector<1x16xf32> to vector<16xf32>
        %add3A_1200 = arith.addf %add3A_1191, %get3A_1199 : vector<16xf32>
        %add3A_1201 = arith.constant 0 : i32
        %add3A_1202 = arith.addi %add3A_1201, %mul3A_958 : i32
        %add3A_1203 = arith.constant 2 : i32
        %add3A_1204 = arith.addi %add3A_1202, %add3A_1203 : i32
        %get3A_1205 = arith.index_cast %add3A_1204 : i32 to index
        %get3A_1206 = arith.constant 80 : index
        %get3A_1207 = tpu.vector_load %arg12[%get3A_1205, %get3A_1206] {strides = array<i32>} : memref<50x128xf32, #tpu.memory_space<vmem>>, vector<1x16xf32>,
        %get3A_1208 = vector.shape_cast %get3A_1207 : vector<1x16xf32> to vector<16xf32>
        %add3A_1209 = arith.addf %add3A_1200, %get3A_1208 : vector<16xf32>
        %add3A_1210 = arith.constant 0 : i32
        %add3A_1211 = arith.addi %add3A_1210, %mul3A_958 : i32
        %add3A_1212 = arith.constant 3 : i32
        %add3A_1213 = arith.addi %add3A_1211, %add3A_1212 : i32
        %get3A_1214 = arith.index_cast %add3A_1213 : i32 to index
        %get3A_1215 = arith.constant 80 : index
        %get3A_1216 = tpu.vector_load %arg12[%get3A_1214, %get3A_1215] {strides = array<i32>} : memref<50x128xf32, #tpu.memory_space<vmem>>, vector<1x16xf32>,
        %get3A_1217 = vector.shape_cast %get3A_1216 : vector<1x16xf32> to vector<16xf32>
        %add3A_1218 = arith.addf %add3A_1209, %get3A_1217 : vector<16xf32>
        %add3A_1219 = arith.constant 0 : i32
        %add3A_1220 = arith.addi %add3A_1219, %mul3A_958 : i32
        %add3A_1221 = arith.constant 4 : i32
        %add3A_1222 = arith.addi %add3A_1220, %add3A_1221 : i32
        %get3A_1223 = arith.index_cast %add3A_1222 : i32 to index
        %get3A_1224 = arith.constant 80 : index
        %get3A_1225 = tpu.vector_load %arg12[%get3A_1223, %get3A_1224] {strides = array<i32>} : memref<50x128xf32, #tpu.memory_space<vmem>>, vector<1x16xf32>,
        %get3A_1226 = vector.shape_cast %get3A_1225 : vector<1x16xf32> to vector<16xf32>
        %add3A_1227 = arith.addf %add3A_1218, %get3A_1226 : vector<16xf32>
        %add3A_1228 = arith.constant 0 : i32
        %add3A_1229 = arith.addi %add3A_1228, %mul3A_958 : i32
        %add3A_1230 = arith.constant 0 : i32
        %add3A_1231 = arith.addi %add3A_1229, %add3A_1230 : i32
        %get3A_1232 = arith.index_cast %add3A_1231 : i32 to index
        %get3A_1233 = arith.constant 96 : index
        %get3A_1234 = tpu.vector_load %arg12[%get3A_1232, %get3A_1233] {strides = array<i32>} : memref<50x128xf32, #tpu.memory_space<vmem>>, vector<1x16xf32>,
        %get3A_1235 = vector.shape_cast %get3A_1234 : vector<1x16xf32> to vector<16xf32>
        %add3A_1236 = arith.addf %scan3A_955, %get3A_1235 : vector<16xf32>
        %add3A_1237 = arith.constant 0 : i32
        %add3A_1238 = arith.addi %add3A_1237, %mul3A_958 : i32
        %add3A_1239 = arith.constant 1 : i32
        %add3A_1240 = arith.addi %add3A_1238, %add3A_1239 : i32
        %get3A_1241 = arith.index_cast %add3A_1240 : i32 to index
        %get3A_1242 = arith.constant 96 : index
        %get3A_1243 = tpu.vector_load %arg12[%get3A_1241, %get3A_1242] {strides = array<i32>} : memref<50x128xf32, #tpu.memory_space<vmem>>, vector<1x16xf32>,
        %get3A_1244 = vector.shape_cast %get3A_1243 : vector<1x16xf32> to vector<16xf32>
        %add3A_1245 = arith.addf %add3A_1236, %get3A_1244 : vector<16xf32>
        %add3A_1246 = arith.constant 0 : i32
        %add3A_1247 = arith.addi %add3A_1246, %mul3A_958 : i32
        %add3A_1248 = arith.constant 2 : i32
        %add3A_1249 = arith.addi %add3A_1247, %add3A_1248 : i32
        %get3A_1250 = arith.index_cast %add3A_1249 : i32 to index
        %get3A_1251 = arith.constant 96 : index
        %get3A_1252 = tpu.vector_load %arg12[%get3A_1250, %get3A_1251] {strides = array<i32>} : memref<50x128xf32, #tpu.memory_space<vmem>>, vector<1x16xf32>,
        %get3A_1253 = vector.shape_cast %get3A_1252 : vector<1x16xf32> to vector<16xf32>
        %add3A_1254 = arith.addf %add3A_1245, %get3A_1253 : vector<16xf32>
        %add3A_1255 = arith.constant 0 : i32
        %add3A_1256 = arith.addi %add3A_1255, %mul3A_958 : i32
        %add3A_1257 = arith.constant 3 : i32
        %add3A_1258 = arith.addi %add3A_1256, %add3A_1257 : i32
        %get3A_1259 = arith.index_cast %add3A_1258 : i32 to index
        %get3A_1260 = arith.constant 96 : index
        %get3A_1261 = tpu.vector_load %arg12[%get3A_1259, %get3A_1260] {strides = array<i32>} : memref<50x128xf32, #tpu.memory_space<vmem>>, vector<1x16xf32>,
        %get3A_1262 = vector.shape_cast %get3A_1261 : vector<1x16xf32> to vector<16xf32>
        %add3A_1263 = arith.addf %add3A_1254, %get3A_1262 : vector<16xf32>
        %add3A_1264 = arith.constant 0 : i32
        %add3A_1265 = arith.addi %add3A_1264, %mul3A_958 : i32
        %add3A_1266 = arith.constant 4 : i32
        %add3A_1267 = arith.addi %add3A_1265, %add3A_1266 : i32
        %get3A_1268 = arith.index_cast %add3A_1267 : i32 to index
        %get3A_1269 = arith.constant 96 : index
        %get3A_1270 = tpu.vector_load %arg12[%get3A_1268, %get3A_1269] {strides = array<i32>} : memref<50x128xf32, #tpu.memory_space<vmem>>, vector<1x16xf32>,
        %get3A_1271 = vector.shape_cast %get3A_1270 : vector<1x16xf32> to vector<16xf32>
        %add3A_1272 = arith.addf %add3A_1263, %get3A_1271 : vector<16xf32>
        %add3A_1273 = arith.constant 0 : i32
        %add3A_1274 = arith.addi %add3A_1273, %mul3A_958 : i32
        %add3A_1275 = arith.constant 0 : i32
        %add3A_1276 = arith.addi %add3A_1274, %add3A_1275 : i32
        %get3A_1277 = arith.index_cast %add3A_1276 : i32 to index
        %get3A_1278 = arith.constant 112 : index
        %get3A_1279 = tpu.vector_load %arg12[%get3A_1277, %get3A_1278] {strides = array<i32>} : memref<50x128xf32, #tpu.memory_space<vmem>>, vector<1x16xf32>,
        %get3A_1280 = vector.shape_cast %get3A_1279 : vector<1x16xf32> to vector<16xf32>
        %add3A_1281 = arith.addf %scan3A_956, %get3A_1280 : vector<16xf32>
        %add3A_1282 = arith.constant 0 : i32
        %add3A_1283 = arith.addi %add3A_1282, %mul3A_958 : i32
        %add3A_1284 = arith.constant 1 : i32
        %add3A_1285 = arith.addi %add3A_1283, %add3A_1284 : i32
        %get3A_1286 = arith.index_cast %add3A_1285 : i32 to index
        %get3A_1287 = arith.constant 112 : index
        %get3A_1288 = tpu.vector_load %arg12[%get3A_1286, %get3A_1287] {strides = array<i32>} : memref<50x128xf32, #tpu.memory_space<vmem>>, vector<1x16xf32>,
        %get3A_1289 = vector.shape_cast %get3A_1288 : vector<1x16xf32> to vector<16xf32>
        %add3A_1290 = arith.addf %add3A_1281, %get3A_1289 : vector<16xf32>
        %add3A_1291 = arith.constant 0 : i32
        %add3A_1292 = arith.addi %add3A_1291, %mul3A_958 : i32
        %add3A_1293 = arith.constant 2 : i32
        %add3A_1294 = arith.addi %add3A_1292, %add3A_1293 : i32
        %get3A_1295 = arith.index_cast %add3A_1294 : i32 to index
        %get3A_1296 = arith.constant 112 : index
        %get3A_1297 = tpu.vector_load %arg12[%get3A_1295, %get3A_1296] {strides = array<i32>} : memref<50x128xf32, #tpu.memory_space<vmem>>, vector<1x16xf32>,
        %get3A_1298 = vector.shape_cast %get3A_1297 : vector<1x16xf32> to vector<16xf32>
        %add3A_1299 = arith.addf %add3A_1290, %get3A_1298 : vector<16xf32>
        %add3A_1300 = arith.constant 0 : i32
        %add3A_1301 = arith.addi %add3A_1300, %mul3A_958 : i32
        %add3A_1302 = arith.constant 3 : i32
        %add3A_1303 = arith.addi %add3A_1301, %add3A_1302 : i32
        %get3A_1304 = arith.index_cast %add3A_1303 : i32 to index
        %get3A_1305 = arith.constant 112 : index
        %get3A_1306 = tpu.vector_load %arg12[%get3A_1304, %get3A_1305] {strides = array<i32>} : memref<50x128xf32, #tpu.memory_space<vmem>>, vector<1x16xf32>,
        %get3A_1307 = vector.shape_cast %get3A_1306 : vector<1x16xf32> to vector<16xf32>
        %add3A_1308 = arith.addf %add3A_1299, %get3A_1307 : vector<16xf32>
        %add3A_1309 = arith.constant 0 : i32
        %add3A_1310 = arith.addi %add3A_1309, %mul3A_958 : i32
        %add3A_1311 = arith.constant 4 : i32
        %add3A_1312 = arith.addi %add3A_1310, %add3A_1311 : i32
        %get3A_1313 = arith.index_cast %add3A_1312 : i32 to index
        %get3A_1314 = arith.constant 112 : index
        %get3A_1315 = tpu.vector_load %arg12[%get3A_1313, %get3A_1314] {strides = array<i32>} : memref<50x128xf32, #tpu.memory_space<vmem>>, vector<1x16xf32>,
        %get3A_1316 = vector.shape_cast %get3A_1315 : vector<1x16xf32> to vector<16xf32>
        %add3A_1317 = arith.addf %add3A_1308, %get3A_1316 : vector<16xf32>
        scf.yield %add3A_1002, %add3A_1047, %add3A_1092, %add3A_1137, %add3A_1182, %add3A_1227, %add3A_1272, %add3A_1317 : vector<16xf32>, vector<16xf32>, vector<16xf32>, vector<16xf32>, vector<16xf32>, vector<16xf32>, vector<16xf32>, vector<16xf32>
      }
      %scan3A_757 = arith.constant 10 : i32
      %mul3A_758 = arith.constant 1 : i32
      %mul3A_759 = arith.muli %add3A_729, %mul3A_758 : i32
      %add3A_760 = arith.constant 0 : i32
      %add3A_761 = arith.addi %mul3A_759, %add3A_760 : i32
      %swap3A_762 = arith.index_cast %add3A_761 : i32 to index
      %swap3A_763 = arith.constant 0 : index
      %swap3A_764 = tpu.vector_load %arg14[%swap3A_762, %swap3A_763] {strides = array<i32>} : memref<128x128xf32, #tpu.memory_space<vmem>>, vector<1x16xf32>,
      %swap3A_765 = vector.shape_cast %swap3A_764 : vector<1x16xf32> to vector<16xf32>
      %swap3A_766 = vector.shape_cast %scan3A_756#0 : vector<16xf32> to vector<1x16xf32>
      tpu.vector_store %arg14[%swap3A_762, %swap3A_763], %swap3A_766 {strides = array<i32>} : memref<128x128xf32, #tpu.memory_space<vmem>>, vector<1x16xf32>,
      %mul3A_767 = arith.constant 1 : i32
      %mul3A_768 = arith.muli %add3A_729, %mul3A_767 : i32
      %add3A_769 = arith.constant 0 : i32
      %add3A_770 = arith.addi %mul3A_768, %add3A_769 : i32
      %swap3A_771 = arith.index_cast %add3A_770 : i32 to index
      %swap3A_772 = arith.constant 16 : index
      %swap3A_773 = tpu.vector_load %arg14[%swap3A_771, %swap3A_772] {strides = array<i32>} : memref<128x128xf32, #tpu.memory_space<vmem>>, vector<1x16xf32>,
      %swap3A_774 = vector.shape_cast %swap3A_773 : vector<1x16xf32> to vector<16xf32>
      %swap3A_775 = vector.shape_cast %scan3A_756#1 : vector<16xf32> to vector<1x16xf32>
      tpu.vector_store %arg14[%swap3A_771, %swap3A_772], %swap3A_775 {strides = array<i32>} : memref<128x128xf32, #tpu.memory_space<vmem>>, vector<1x16xf32>,
      %mul3A_776 = arith.constant 1 : i32
      %mul3A_777 = arith.muli %add3A_729, %mul3A_776 : i32
      %add3A_778 = arith.constant 0 : i32
      %add3A_779 = arith.addi %mul3A_777, %add3A_778 : i32
      %swap3A_780 = arith.index_cast %add3A_779 : i32 to index
      %swap3A_781 = arith.constant 32 : index
      %swap3A_782 = tpu.vector_load %arg14[%swap3A_780, %swap3A_781] {strides = array<i32>} : memref<128x128xf32, #tpu.memory_space<vmem>>, vector<1x16xf32>,
      %swap3A_783 = vector.shape_cast %swap3A_782 : vector<1x16xf32> to vector<16xf32>
      %swap3A_784 = vector.shape_cast %scan3A_756#2 : vector<16xf32> to vector<1x16xf32>
      tpu.vector_store %arg14[%swap3A_780, %swap3A_781], %swap3A_784 {strides = array<i32>} : memref<128x128xf32, #tpu.memory_space<vmem>>, vector<1x16xf32>,
      %mul3A_785 = arith.constant 1 : i32
      %mul3A_786 = arith.muli %add3A_729, %mul3A_785 : i32
      %add3A_787 = arith.constant 0 : i32
      %add3A_788 = arith.addi %mul3A_786, %add3A_787 : i32
      %swap3A_789 = arith.index_cast %add3A_788 : i32 to index
      %swap3A_790 = arith.constant 48 : index
      %swap3A_791 = tpu.vector_load %arg14[%swap3A_789, %swap3A_790] {strides = array<i32>} : memref<128x128xf32, #tpu.memory_space<vmem>>, vector<1x16xf32>,
      %swap3A_792 = vector.shape_cast %swap3A_791 : vector<1x16xf32> to vector<16xf32>
      %swap3A_793 = vector.shape_cast %scan3A_756#3 : vector<16xf32> to vector<1x16xf32>
      tpu.vector_store %arg14[%swap3A_789, %swap3A_790], %swap3A_793 {strides = array<i32>} : memref<128x128xf32, #tpu.memory_space<vmem>>, vector<1x16xf32>,
      %mul3A_794 = arith.constant 1 : i32
      %mul3A_795 = arith.muli %add3A_729, %mul3A_794 : i32
      %add3A_796 = arith.constant 0 : i32
      %add3A_797 = arith.addi %mul3A_795, %add3A_796 : i32
      %swap3A_798 = arith.index_cast %add3A_797 : i32 to index
      %swap3A_799 = arith.constant 64 : index
      %swap3A_800 = tpu.vector_load %arg14[%swap3A_798, %swap3A_799] {strides = array<i32>} : memref<128x128xf32, #tpu.memory_space<vmem>>, vector<1x16xf32>,
      %swap3A_801 = vector.shape_cast %swap3A_800 : vector<1x16xf32> to vector<16xf32>
      %swap3A_802 = vector.shape_cast %scan3A_756#4 : vector<16xf32> to vector<1x16xf32>
      tpu.vector_store %arg14[%swap3A_798, %swap3A_799], %swap3A_802 {strides = array<i32>} : memref<128x128xf32, #tpu.memory_space<vmem>>, vector<1x16xf32>,
      %mul3A_803 = arith.constant 1 : i32
      %mul3A_804 = arith.muli %add3A_729, %mul3A_803 : i32
      %add3A_805 = arith.constant 0 : i32
      %add3A_806 = arith.addi %mul3A_804, %add3A_805 : i32
      %swap3A_807 = arith.index_cast %add3A_806 : i32 to index
      %swap3A_808 = arith.constant 80 : index
      %swap3A_809 = tpu.vector_load %arg14[%swap3A_807, %swap3A_808] {strides = array<i32>} : memref<128x128xf32, #tpu.memory_space<vmem>>, vector<1x16xf32>,
      %swap3A_810 = vector.shape_cast %swap3A_809 : vector<1x16xf32> to vector<16xf32>
      %swap3A_811 = vector.shape_cast %scan3A_756#5 : vector<16xf32> to vector<1x16xf32>
      tpu.vector_store %arg14[%swap3A_807, %swap3A_808], %swap3A_811 {strides = array<i32>} : memref<128x128xf32, #tpu.memory_space<vmem>>, vector<1x16xf32>,
      %mul3A_812 = arith.constant 1 : i32
      %mul3A_813 = arith.muli %add3A_729, %mul3A_812 : i32
      %add3A_814 = arith.constant 0 : i32
      %add3A_815 = arith.addi %mul3A_813, %add3A_814 : i32
      %swap3A_816 = arith.index_cast %add3A_815 : i32 to index
      %swap3A_817 = arith.constant 96 : index
      %swap3A_818 = tpu.vector_load %arg14[%swap3A_816, %swap3A_817] {strides = array<i32>} : memref<128x128xf32, #tpu.memory_space<vmem>>, vector<1x16xf32>,
      %swap3A_819 = vector.shape_cast %swap3A_818 : vector<1x16xf32> to vector<16xf32>
      %swap3A_820 = vector.shape_cast %scan3A_756#6 : vector<16xf32> to vector<1x16xf32>
      tpu.vector_store %arg14[%swap3A_816, %swap3A_817], %swap3A_820 {strides = array<i32>} : memref<128x128xf32, #tpu.memory_space<vmem>>, vector<1x16xf32>,
      %mul3A_821 = arith.constant 1 : i32
      %mul3A_822 = arith.muli %add3A_729, %mul3A_821 : i32
      %add3A_823 = arith.constant 0 : i32
      %add3A_824 = arith.addi %mul3A_822, %add3A_823 : i32
      %swap3A_825 = arith.index_cast %add3A_824 : i32 to index
      %swap3A_826 = arith.constant 112 : index
      %swap3A_827 = tpu.vector_load %arg14[%swap3A_825, %swap3A_826] {strides = array<i32>} : memref<128x128xf32, #tpu.memory_space<vmem>>, vector<1x16xf32>,
      %swap3A_828 = vector.shape_cast %swap3A_827 : vector<1x16xf32> to vector<16xf32>
      %swap3A_829 = vector.shape_cast %scan3A_756#7 : vector<16xf32> to vector<1x16xf32>
      tpu.vector_store %arg14[%swap3A_825, %swap3A_826], %swap3A_829 {strides = array<i32>} : memref<128x128xf32, #tpu.memory_space<vmem>>, vector<1x16xf32>,
      %add3A_830 = arith.constant 8 : i32
      %add3A_831 = arith.addi %add3A_729, %add3A_830 : i32
      %lt3A_832 = arith.constant 128 : i32
      %lt3A_833 = arith.cmpi slt, %add3A_831, %lt3A_832 : i32
      %convert_element_type3A_834 = arith.extui %lt3A_833 : i1 to i32
      %cond3A_835 = arith.constant 0 : i32
      %cond3A_836 = arith.cmpi ne, %convert_element_type3A_834, %cond3A_835 : i32
      scf.if %cond3A_836 {
        %dma_start3A_948 = arith.constant 0 : i32
        %dma_start3A_949 = tpu.memref_slice %arg5[%add3A_831, %dma_start3A_948] : memref<128x50xi32, #tpu.memory_space<vmem>> -> memref<1x50xi32, #tpu.memory_space<vmem>>
        %dma_start3A_950 = tpu.memref_squeeze %dma_start3A_949 : memref<1x50xi32, #tpu.memory_space<vmem>> -> memref<50xi32, #tpu.memory_space<vmem>>
        %dma_start3A_951 = arith.constant 0 : i32
        %dma_start3A_952 = arith.constant 0 : i32
        %dma_start3A_953 = tpu.memref_slice %arg3[%dma_start3A_951, %dma_start3A_952] : memref<100000x128xf32, #tpu.memory_space<hbm>> -> memref<100000x128xf32, #tpu.memory_space<hbm>>
        tpu.enqueue_indirect_dma source(%dma_start3A_953 : memref<100000x128xf32, #tpu.memory_space<hbm>>) target(%arg12 : memref<50x128xf32, #tpu.memory_space<vmem>>) offsets(%dma_start3A_950 : memref<50xi32, #tpu.memory_space<vmem>>) semaphore(%arg21 : memref<!tpu.dma_semaphore, #tpu.memory_space<semaphore_mem>>)
      } else {
      }
      %mul3A_837 = arith.constant 8 : i32
      %mul3A_838 = arith.muli %scan3A_65, %mul3A_837 : i32
      %add3A_839 = arith.constant 7 : i32
      %add3A_840 = arith.addi %mul3A_838, %add3A_839 : i32
      %dma_wait3A_841 = arith.constant 0 : i32
      %dma_wait3A_842 = tpu.memref_slice %arg5[%add3A_840, %dma_wait3A_841] : memref<128x50xi32, #tpu.memory_space<vmem>> -> memref<1x50xi32, #tpu.memory_space<vmem>>
      %dma_wait3A_843 = tpu.memref_squeeze %dma_wait3A_842 : memref<1x50xi32, #tpu.memory_space<vmem>> -> memref<50xi32, #tpu.memory_space<vmem>>
      %dma_wait3A_844 = arith.constant 0 : i32
      %dma_wait3A_845 = arith.constant 0 : i32
      %dma_wait3A_846 = tpu.memref_slice %arg3[%dma_wait3A_844, %dma_wait3A_845] : memref<100000x128xf32, #tpu.memory_space<hbm>> -> memref<100000x128xf32, #tpu.memory_space<hbm>>
      tpu.wait_indirect_dma semaphore(%arg22 : memref<!tpu.dma_semaphore, #tpu.memory_space<semaphore_mem>>) src(%dma_wait3A_846 : memref<100000x128xf32, #tpu.memory_space<hbm>>) dst(%arg13 : memref<50x128xf32, #tpu.memory_space<vmem>>)
      %broadcast_in_dim3A_847 = arith.constant 0.000000e+00 : f32
      %broadcast_in_dim3A_848 = vector.broadcast %broadcast_in_dim3A_847 : f32 to vector<16xf32>
      %broadcast_in_dim3A_849 = arith.constant 0.000000e+00 : f32
      %broadcast_in_dim3A_850 = vector.broadcast %broadcast_in_dim3A_849 : f32 to vector<16xf32>
      %broadcast_in_dim3A_851 = arith.constant 0.000000e+00 : f32
      %broadcast_in_dim3A_852 = vector.broadcast %broadcast_in_dim3A_851 : f32 to vector<16xf32>
      %broadcast_in_dim3A_853 = arith.constant 0.000000e+00 : f32
      %broadcast_in_dim3A_854 = vector.broadcast %broadcast_in_dim3A_853 : f32 to vector<16xf32>
      %broadcast_in_dim3A_855 = arith.constant 0.000000e+00 : f32
      %broadcast_in_dim3A_856 = vector.broadcast %broadcast_in_dim3A_855 : f32 to vector<16xf32>
      %broadcast_in_dim3A_857 = arith.constant 0.000000e+00 : f32
      %broadcast_in_dim3A_858 = vector.broadcast %broadcast_in_dim3A_857 : f32 to vector<16xf32>
      %broadcast_in_dim3A_859 = arith.constant 0.000000e+00 : f32
      %broadcast_in_dim3A_860 = vector.broadcast %broadcast_in_dim3A_859 : f32 to vector<16xf32>
      %broadcast_in_dim3A_861 = arith.constant 0.000000e+00 : f32
      %broadcast_in_dim3A_862 = vector.broadcast %broadcast_in_dim3A_861 : f32 to vector<16xf32>
      %scan3A_863 = arith.constant 0 : i32
      %scan3A_864 = arith.constant 10 : i32
      %scan3A_865 = arith.addi %scan3A_863, %scan3A_864 : i32
      %scan3A_866 = arith.constant 1 : i32
      %scan3A_867:8 = scf.for %scan3A_948 = %scan3A_863 to %scan3A_865 step %scan3A_866 iter_args(%scan3A_949 = %broadcast_in_dim3A_848, %scan3A_950 = %broadcast_in_dim3A_850, %scan3A_951 = %broadcast_in_dim3A_852, %scan3A_952 = %broadcast_in_dim3A_854, %scan3A_953 = %broadcast_in_dim3A_856, %scan3A_954 = %broadcast_in_dim3A_858, %scan3A_955 = %broadcast_in_dim3A_860, %scan3A_956 = %broadcast_in_dim3A_862) -> (vector<16xf32>, vector<16xf32>, vector<16xf32>, vector<16xf32>, vector<16xf32>, vector<16xf32>, vector<16xf32>, vector<16xf32>)  : i32 {
        %mul3A_957 = arith.constant 5 : i32
        %mul3A_958 = arith.muli %scan3A_948, %mul3A_957 : i32
        %add3A_959 = arith.constant 0 : i32
        %add3A_960 = arith.addi %add3A_959, %mul3A_958 : i32
        %add3A_961 = arith.constant 0 : i32
        %add3A_962 = arith.addi %add3A_960, %add3A_961 : i32
        %get3A = arith.index_cast %add3A_962 : i32 to index
        %get3A_963 = arith.constant 0 : index
        %get3A_964 = tpu.vector_load %arg13[%get3A, %get3A_963] {strides = array<i32>} : memref<50x128xf32, #tpu.memory_space<vmem>>, vector<1x16xf32>,
        %get3A_965 = vector.shape_cast %get3A_964 : vector<1x16xf32> to vector<16xf32>
        %add3A_966 = arith.addf %scan3A_949, %get3A_965 : vector<16xf32>
        %add3A_967 = arith.constant 0 : i32
        %add3A_968 = arith.addi %add3A_967, %mul3A_958 : i32
        %add3A_969 = arith.constant 1 : i32
        %add3A_970 = arith.addi %add3A_968, %add3A_969 : i32
        %get3A_971 = arith.index_cast %add3A_970 : i32 to index
        %get3A_972 = arith.constant 0 : index
        %get3A_973 = tpu.vector_load %arg13[%get3A_971, %get3A_972] {strides = array<i32>} : memref<50x128xf32, #tpu.memory_space<vmem>>, vector<1x16xf32>,
        %get3A_974 = vector.shape_cast %get3A_973 : vector<1x16xf32> to vector<16xf32>
        %add3A_975 = arith.addf %add3A_966, %get3A_974 : vector<16xf32>
        %add3A_976 = arith.constant 0 : i32
        %add3A_977 = arith.addi %add3A_976, %mul3A_958 : i32
        %add3A_978 = arith.constant 2 : i32
        %add3A_979 = arith.addi %add3A_977, %add3A_978 : i32
        %get3A_980 = arith.index_cast %add3A_979 : i32 to index
        %get3A_981 = arith.constant 0 : index
        %get3A_982 = tpu.vector_load %arg13[%get3A_980, %get3A_981] {strides = array<i32>} : memref<50x128xf32, #tpu.memory_space<vmem>>, vector<1x16xf32>,
        %get3A_983 = vector.shape_cast %get3A_982 : vector<1x16xf32> to vector<16xf32>
        %add3A_984 = arith.addf %add3A_975, %get3A_983 : vector<16xf32>
        %add3A_985 = arith.constant 0 : i32
        %add3A_986 = arith.addi %add3A_985, %mul3A_958 : i32
        %add3A_987 = arith.constant 3 : i32
        %add3A_988 = arith.addi %add3A_986, %add3A_987 : i32
        %get3A_989 = arith.index_cast %add3A_988 : i32 to index
        %get3A_990 = arith.constant 0 : index
        %get3A_991 = tpu.vector_load %arg13[%get3A_989, %get3A_990] {strides = array<i32>} : memref<50x128xf32, #tpu.memory_space<vmem>>, vector<1x16xf32>,
        %get3A_992 = vector.shape_cast %get3A_991 : vector<1x16xf32> to vector<16xf32>
        %add3A_993 = arith.addf %add3A_984, %get3A_992 : vector<16xf32>
        %add3A_994 = arith.constant 0 : i32
        %add3A_995 = arith.addi %add3A_994, %mul3A_958 : i32
        %add3A_996 = arith.constant 4 : i32
        %add3A_997 = arith.addi %add3A_995, %add3A_996 : i32
        %get3A_998 = arith.index_cast %add3A_997 : i32 to index
        %get3A_999 = arith.constant 0 : index
        %get3A_1000 = tpu.vector_load %arg13[%get3A_998, %get3A_999] {strides = array<i32>} : memref<50x128xf32, #tpu.memory_space<vmem>>, vector<1x16xf32>,
        %get3A_1001 = vector.shape_cast %get3A_1000 : vector<1x16xf32> to vector<16xf32>
        %add3A_1002 = arith.addf %add3A_993, %get3A_1001 : vector<16xf32>
        %add3A_1003 = arith.constant 0 : i32
        %add3A_1004 = arith.addi %add3A_1003, %mul3A_958 : i32
        %add3A_1005 = arith.constant 0 : i32
        %add3A_1006 = arith.addi %add3A_1004, %add3A_1005 : i32
        %get3A_1007 = arith.index_cast %add3A_1006 : i32 to index
        %get3A_1008 = arith.constant 16 : index
        %get3A_1009 = tpu.vector_load %arg13[%get3A_1007, %get3A_1008] {strides = array<i32>} : memref<50x128xf32, #tpu.memory_space<vmem>>, vector<1x16xf32>,
        %get3A_1010 = vector.shape_cast %get3A_1009 : vector<1x16xf32> to vector<16xf32>
        %add3A_1011 = arith.addf %scan3A_950, %get3A_1010 : vector<16xf32>
        %add3A_1012 = arith.constant 0 : i32
        %add3A_1013 = arith.addi %add3A_1012, %mul3A_958 : i32
        %add3A_1014 = arith.constant 1 : i32
        %add3A_1015 = arith.addi %add3A_1013, %add3A_1014 : i32
        %get3A_1016 = arith.index_cast %add3A_1015 : i32 to index
        %get3A_1017 = arith.constant 16 : index
        %get3A_1018 = tpu.vector_load %arg13[%get3A_1016, %get3A_1017] {strides = array<i32>} : memref<50x128xf32, #tpu.memory_space<vmem>>, vector<1x16xf32>,
        %get3A_1019 = vector.shape_cast %get3A_1018 : vector<1x16xf32> to vector<16xf32>
        %add3A_1020 = arith.addf %add3A_1011, %get3A_1019 : vector<16xf32>
        %add3A_1021 = arith.constant 0 : i32
        %add3A_1022 = arith.addi %add3A_1021, %mul3A_958 : i32
        %add3A_1023 = arith.constant 2 : i32
        %add3A_1024 = arith.addi %add3A_1022, %add3A_1023 : i32
        %get3A_1025 = arith.index_cast %add3A_1024 : i32 to index
        %get3A_1026 = arith.constant 16 : index
        %get3A_1027 = tpu.vector_load %arg13[%get3A_1025, %get3A_1026] {strides = array<i32>} : memref<50x128xf32, #tpu.memory_space<vmem>>, vector<1x16xf32>,
        %get3A_1028 = vector.shape_cast %get3A_1027 : vector<1x16xf32> to vector<16xf32>
        %add3A_1029 = arith.addf %add3A_1020, %get3A_1028 : vector<16xf32>
        %add3A_1030 = arith.constant 0 : i32
        %add3A_1031 = arith.addi %add3A_1030, %mul3A_958 : i32
        %add3A_1032 = arith.constant 3 : i32
        %add3A_1033 = arith.addi %add3A_1031, %add3A_1032 : i32
        %get3A_1034 = arith.index_cast %add3A_1033 : i32 to index
        %get3A_1035 = arith.constant 16 : index
        %get3A_1036 = tpu.vector_load %arg13[%get3A_1034, %get3A_1035] {strides = array<i32>} : memref<50x128xf32, #tpu.memory_space<vmem>>, vector<1x16xf32>,
        %get3A_1037 = vector.shape_cast %get3A_1036 : vector<1x16xf32> to vector<16xf32>
        %add3A_1038 = arith.addf %add3A_1029, %get3A_1037 : vector<16xf32>
        %add3A_1039 = arith.constant 0 : i32
        %add3A_1040 = arith.addi %add3A_1039, %mul3A_958 : i32
        %add3A_1041 = arith.constant 4 : i32
        %add3A_1042 = arith.addi %add3A_1040, %add3A_1041 : i32
        %get3A_1043 = arith.index_cast %add3A_1042 : i32 to index
        %get3A_1044 = arith.constant 16 : index
        %get3A_1045 = tpu.vector_load %arg13[%get3A_1043, %get3A_1044] {strides = array<i32>} : memref<50x128xf32, #tpu.memory_space<vmem>>, vector<1x16xf32>,
        %get3A_1046 = vector.shape_cast %get3A_1045 : vector<1x16xf32> to vector<16xf32>
        %add3A_1047 = arith.addf %add3A_1038, %get3A_1046 : vector<16xf32>
        %add3A_1048 = arith.constant 0 : i32
        %add3A_1049 = arith.addi %add3A_1048, %mul3A_958 : i32
        %add3A_1050 = arith.constant 0 : i32
        %add3A_1051 = arith.addi %add3A_1049, %add3A_1050 : i32
        %get3A_1052 = arith.index_cast %add3A_1051 : i32 to index
        %get3A_1053 = arith.constant 32 : index
        %get3A_1054 = tpu.vector_load %arg13[%get3A_1052, %get3A_1053] {strides = array<i32>} : memref<50x128xf32, #tpu.memory_space<vmem>>, vector<1x16xf32>,
        %get3A_1055 = vector.shape_cast %get3A_1054 : vector<1x16xf32> to vector<16xf32>
        %add3A_1056 = arith.addf %scan3A_951, %get3A_1055 : vector<16xf32>
        %add3A_1057 = arith.constant 0 : i32
        %add3A_1058 = arith.addi %add3A_1057, %mul3A_958 : i32
        %add3A_1059 = arith.constant 1 : i32
        %add3A_1060 = arith.addi %add3A_1058, %add3A_1059 : i32
        %get3A_1061 = arith.index_cast %add3A_1060 : i32 to index
        %get3A_1062 = arith.constant 32 : index
        %get3A_1063 = tpu.vector_load %arg13[%get3A_1061, %get3A_1062] {strides = array<i32>} : memref<50x128xf32, #tpu.memory_space<vmem>>, vector<1x16xf32>,
        %get3A_1064 = vector.shape_cast %get3A_1063 : vector<1x16xf32> to vector<16xf32>
        %add3A_1065 = arith.addf %add3A_1056, %get3A_1064 : vector<16xf32>
        %add3A_1066 = arith.constant 0 : i32
        %add3A_1067 = arith.addi %add3A_1066, %mul3A_958 : i32
        %add3A_1068 = arith.constant 2 : i32
        %add3A_1069 = arith.addi %add3A_1067, %add3A_1068 : i32
        %get3A_1070 = arith.index_cast %add3A_1069 : i32 to index
        %get3A_1071 = arith.constant 32 : index
        %get3A_1072 = tpu.vector_load %arg13[%get3A_1070, %get3A_1071] {strides = array<i32>} : memref<50x128xf32, #tpu.memory_space<vmem>>, vector<1x16xf32>,
        %get3A_1073 = vector.shape_cast %get3A_1072 : vector<1x16xf32> to vector<16xf32>
        %add3A_1074 = arith.addf %add3A_1065, %get3A_1073 : vector<16xf32>
        %add3A_1075 = arith.constant 0 : i32
        %add3A_1076 = arith.addi %add3A_1075, %mul3A_958 : i32
        %add3A_1077 = arith.constant 3 : i32
        %add3A_1078 = arith.addi %add3A_1076, %add3A_1077 : i32
        %get3A_1079 = arith.index_cast %add3A_1078 : i32 to index
        %get3A_1080 = arith.constant 32 : index
        %get3A_1081 = tpu.vector_load %arg13[%get3A_1079, %get3A_1080] {strides = array<i32>} : memref<50x128xf32, #tpu.memory_space<vmem>>, vector<1x16xf32>,
        %get3A_1082 = vector.shape_cast %get3A_1081 : vector<1x16xf32> to vector<16xf32>
        %add3A_1083 = arith.addf %add3A_1074, %get3A_1082 : vector<16xf32>
        %add3A_1084 = arith.constant 0 : i32
        %add3A_1085 = arith.addi %add3A_1084, %mul3A_958 : i32
        %add3A_1086 = arith.constant 4 : i32
        %add3A_1087 = arith.addi %add3A_1085, %add3A_1086 : i32
        %get3A_1088 = arith.index_cast %add3A_1087 : i32 to index
        %get3A_1089 = arith.constant 32 : index
        %get3A_1090 = tpu.vector_load %arg13[%get3A_1088, %get3A_1089] {strides = array<i32>} : memref<50x128xf32, #tpu.memory_space<vmem>>, vector<1x16xf32>,
        %get3A_1091 = vector.shape_cast %get3A_1090 : vector<1x16xf32> to vector<16xf32>
        %add3A_1092 = arith.addf %add3A_1083, %get3A_1091 : vector<16xf32>
        %add3A_1093 = arith.constant 0 : i32
        %add3A_1094 = arith.addi %add3A_1093, %mul3A_958 : i32
        %add3A_1095 = arith.constant 0 : i32
        %add3A_1096 = arith.addi %add3A_1094, %add3A_1095 : i32
        %get3A_1097 = arith.index_cast %add3A_1096 : i32 to index
        %get3A_1098 = arith.constant 48 : index
        %get3A_1099 = tpu.vector_load %arg13[%get3A_1097, %get3A_1098] {strides = array<i32>} : memref<50x128xf32, #tpu.memory_space<vmem>>, vector<1x16xf32>,
        %get3A_1100 = vector.shape_cast %get3A_1099 : vector<1x16xf32> to vector<16xf32>
        %add3A_1101 = arith.addf %scan3A_952, %get3A_1100 : vector<16xf32>
        %add3A_1102 = arith.constant 0 : i32
        %add3A_1103 = arith.addi %add3A_1102, %mul3A_958 : i32
        %add3A_1104 = arith.constant 1 : i32
        %add3A_1105 = arith.addi %add3A_1103, %add3A_1104 : i32
        %get3A_1106 = arith.index_cast %add3A_1105 : i32 to index
        %get3A_1107 = arith.constant 48 : index
        %get3A_1108 = tpu.vector_load %arg13[%get3A_1106, %get3A_1107] {strides = array<i32>} : memref<50x128xf32, #tpu.memory_space<vmem>>, vector<1x16xf32>,
        %get3A_1109 = vector.shape_cast %get3A_1108 : vector<1x16xf32> to vector<16xf32>
        %add3A_1110 = arith.addf %add3A_1101, %get3A_1109 : vector<16xf32>
        %add3A_1111 = arith.constant 0 : i32
        %add3A_1112 = arith.addi %add3A_1111, %mul3A_958 : i32
        %add3A_1113 = arith.constant 2 : i32
        %add3A_1114 = arith.addi %add3A_1112, %add3A_1113 : i32
        %get3A_1115 = arith.index_cast %add3A_1114 : i32 to index
        %get3A_1116 = arith.constant 48 : index
        %get3A_1117 = tpu.vector_load %arg13[%get3A_1115, %get3A_1116] {strides = array<i32>} : memref<50x128xf32, #tpu.memory_space<vmem>>, vector<1x16xf32>,
        %get3A_1118 = vector.shape_cast %get3A_1117 : vector<1x16xf32> to vector<16xf32>
        %add3A_1119 = arith.addf %add3A_1110, %get3A_1118 : vector<16xf32>
        %add3A_1120 = arith.constant 0 : i32
        %add3A_1121 = arith.addi %add3A_1120, %mul3A_958 : i32
        %add3A_1122 = arith.constant 3 : i32
        %add3A_1123 = arith.addi %add3A_1121, %add3A_1122 : i32
        %get3A_1124 = arith.index_cast %add3A_1123 : i32 to index
        %get3A_1125 = arith.constant 48 : index
        %get3A_1126 = tpu.vector_load %arg13[%get3A_1124, %get3A_1125] {strides = array<i32>} : memref<50x128xf32, #tpu.memory_space<vmem>>, vector<1x16xf32>,
        %get3A_1127 = vector.shape_cast %get3A_1126 : vector<1x16xf32> to vector<16xf32>
        %add3A_1128 = arith.addf %add3A_1119, %get3A_1127 : vector<16xf32>
        %add3A_1129 = arith.constant 0 : i32
        %add3A_1130 = arith.addi %add3A_1129, %mul3A_958 : i32
        %add3A_1131 = arith.constant 4 : i32
        %add3A_1132 = arith.addi %add3A_1130, %add3A_1131 : i32
        %get3A_1133 = arith.index_cast %add3A_1132 : i32 to index
        %get3A_1134 = arith.constant 48 : index
        %get3A_1135 = tpu.vector_load %arg13[%get3A_1133, %get3A_1134] {strides = array<i32>} : memref<50x128xf32, #tpu.memory_space<vmem>>, vector<1x16xf32>,
        %get3A_1136 = vector.shape_cast %get3A_1135 : vector<1x16xf32> to vector<16xf32>
        %add3A_1137 = arith.addf %add3A_1128, %get3A_1136 : vector<16xf32>
        %add3A_1138 = arith.constant 0 : i32
        %add3A_1139 = arith.addi %add3A_1138, %mul3A_958 : i32
        %add3A_1140 = arith.constant 0 : i32
        %add3A_1141 = arith.addi %add3A_1139, %add3A_1140 : i32
        %get3A_1142 = arith.index_cast %add3A_1141 : i32 to index
        %get3A_1143 = arith.constant 64 : index
        %get3A_1144 = tpu.vector_load %arg13[%get3A_1142, %get3A_1143] {strides = array<i32>} : memref<50x128xf32, #tpu.memory_space<vmem>>, vector<1x16xf32>,
        %get3A_1145 = vector.shape_cast %get3A_1144 : vector<1x16xf32> to vector<16xf32>
        %add3A_1146 = arith.addf %scan3A_953, %get3A_1145 : vector<16xf32>
        %add3A_1147 = arith.constant 0 : i32
        %add3A_1148 = arith.addi %add3A_1147, %mul3A_958 : i32
        %add3A_1149 = arith.constant 1 : i32
        %add3A_1150 = arith.addi %add3A_1148, %add3A_1149 : i32
        %get3A_1151 = arith.index_cast %add3A_1150 : i32 to index
        %get3A_1152 = arith.constant 64 : index
        %get3A_1153 = tpu.vector_load %arg13[%get3A_1151, %get3A_1152] {strides = array<i32>} : memref<50x128xf32, #tpu.memory_space<vmem>>, vector<1x16xf32>,
        %get3A_1154 = vector.shape_cast %get3A_1153 : vector<1x16xf32> to vector<16xf32>
        %add3A_1155 = arith.addf %add3A_1146, %get3A_1154 : vector<16xf32>
        %add3A_1156 = arith.constant 0 : i32
        %add3A_1157 = arith.addi %add3A_1156, %mul3A_958 : i32
        %add3A_1158 = arith.constant 2 : i32
        %add3A_1159 = arith.addi %add3A_1157, %add3A_1158 : i32
        %get3A_1160 = arith.index_cast %add3A_1159 : i32 to index
        %get3A_1161 = arith.constant 64 : index
        %get3A_1162 = tpu.vector_load %arg13[%get3A_1160, %get3A_1161] {strides = array<i32>} : memref<50x128xf32, #tpu.memory_space<vmem>>, vector<1x16xf32>,
        %get3A_1163 = vector.shape_cast %get3A_1162 : vector<1x16xf32> to vector<16xf32>
        %add3A_1164 = arith.addf %add3A_1155, %get3A_1163 : vector<16xf32>
        %add3A_1165 = arith.constant 0 : i32
        %add3A_1166 = arith.addi %add3A_1165, %mul3A_958 : i32
        %add3A_1167 = arith.constant 3 : i32
        %add3A_1168 = arith.addi %add3A_1166, %add3A_1167 : i32
        %get3A_1169 = arith.index_cast %add3A_1168 : i32 to index
        %get3A_1170 = arith.constant 64 : index
        %get3A_1171 = tpu.vector_load %arg13[%get3A_1169, %get3A_1170] {strides = array<i32>} : memref<50x128xf32, #tpu.memory_space<vmem>>, vector<1x16xf32>,
        %get3A_1172 = vector.shape_cast %get3A_1171 : vector<1x16xf32> to vector<16xf32>
        %add3A_1173 = arith.addf %add3A_1164, %get3A_1172 : vector<16xf32>
        %add3A_1174 = arith.constant 0 : i32
        %add3A_1175 = arith.addi %add3A_1174, %mul3A_958 : i32
        %add3A_1176 = arith.constant 4 : i32
        %add3A_1177 = arith.addi %add3A_1175, %add3A_1176 : i32
        %get3A_1178 = arith.index_cast %add3A_1177 : i32 to index
        %get3A_1179 = arith.constant 64 : index
        %get3A_1180 = tpu.vector_load %arg13[%get3A_1178, %get3A_1179] {strides = array<i32>} : memref<50x128xf32, #tpu.memory_space<vmem>>, vector<1x16xf32>,
        %get3A_1181 = vector.shape_cast %get3A_1180 : vector<1x16xf32> to vector<16xf32>
        %add3A_1182 = arith.addf %add3A_1173, %get3A_1181 : vector<16xf32>
        %add3A_1183 = arith.constant 0 : i32
        %add3A_1184 = arith.addi %add3A_1183, %mul3A_958 : i32
        %add3A_1185 = arith.constant 0 : i32
        %add3A_1186 = arith.addi %add3A_1184, %add3A_1185 : i32
        %get3A_1187 = arith.index_cast %add3A_1186 : i32 to index
        %get3A_1188 = arith.constant 80 : index
        %get3A_1189 = tpu.vector_load %arg13[%get3A_1187, %get3A_1188] {strides = array<i32>} : memref<50x128xf32, #tpu.memory_space<vmem>>, vector<1x16xf32>,
        %get3A_1190 = vector.shape_cast %get3A_1189 : vector<1x16xf32> to vector<16xf32>
        %add3A_1191 = arith.addf %scan3A_954, %get3A_1190 : vector<16xf32>
        %add3A_1192 = arith.constant 0 : i32
        %add3A_1193 = arith.addi %add3A_1192, %mul3A_958 : i32
        %add3A_1194 = arith.constant 1 : i32
        %add3A_1195 = arith.addi %add3A_1193, %add3A_1194 : i32
        %get3A_1196 = arith.index_cast %add3A_1195 : i32 to index
        %get3A_1197 = arith.constant 80 : index
        %get3A_1198 = tpu.vector_load %arg13[%get3A_1196, %get3A_1197] {strides = array<i32>} : memref<50x128xf32, #tpu.memory_space<vmem>>, vector<1x16xf32>,
        %get3A_1199 = vector.shape_cast %get3A_1198 : vector<1x16xf32> to vector<16xf32>
        %add3A_1200 = arith.addf %add3A_1191, %get3A_1199 : vector<16xf32>
        %add3A_1201 = arith.constant 0 : i32
        %add3A_1202 = arith.addi %add3A_1201, %mul3A_958 : i32
        %add3A_1203 = arith.constant 2 : i32
        %add3A_1204 = arith.addi %add3A_1202, %add3A_1203 : i32
        %get3A_1205 = arith.index_cast %add3A_1204 : i32 to index
        %get3A_1206 = arith.constant 80 : index
        %get3A_1207 = tpu.vector_load %arg13[%get3A_1205, %get3A_1206] {strides = array<i32>} : memref<50x128xf32, #tpu.memory_space<vmem>>, vector<1x16xf32>,
        %get3A_1208 = vector.shape_cast %get3A_1207 : vector<1x16xf32> to vector<16xf32>
        %add3A_1209 = arith.addf %add3A_1200, %get3A_1208 : vector<16xf32>
        %add3A_1210 = arith.constant 0 : i32
        %add3A_1211 = arith.addi %add3A_1210, %mul3A_958 : i32
        %add3A_1212 = arith.constant 3 : i32
        %add3A_1213 = arith.addi %add3A_1211, %add3A_1212 : i32
        %get3A_1214 = arith.index_cast %add3A_1213 : i32 to index
        %get3A_1215 = arith.constant 80 : index
        %get3A_1216 = tpu.vector_load %arg13[%get3A_1214, %get3A_1215] {strides = array<i32>} : memref<50x128xf32, #tpu.memory_space<vmem>>, vector<1x16xf32>,
        %get3A_1217 = vector.shape_cast %get3A_1216 : vector<1x16xf32> to vector<16xf32>
        %add3A_1218 = arith.addf %add3A_1209, %get3A_1217 : vector<16xf32>
        %add3A_1219 = arith.constant 0 : i32
        %add3A_1220 = arith.addi %add3A_1219, %mul3A_958 : i32
        %add3A_1221 = arith.constant 4 : i32
        %add3A_1222 = arith.addi %add3A_1220, %add3A_1221 : i32
        %get3A_1223 = arith.index_cast %add3A_1222 : i32 to index
        %get3A_1224 = arith.constant 80 : index
        %get3A_1225 = tpu.vector_load %arg13[%get3A_1223, %get3A_1224] {strides = array<i32>} : memref<50x128xf32, #tpu.memory_space<vmem>>, vector<1x16xf32>,
        %get3A_1226 = vector.shape_cast %get3A_1225 : vector<1x16xf32> to vector<16xf32>
        %add3A_1227 = arith.addf %add3A_1218, %get3A_1226 : vector<16xf32>
        %add3A_1228 = arith.constant 0 : i32
        %add3A_1229 = arith.addi %add3A_1228, %mul3A_958 : i32
        %add3A_1230 = arith.constant 0 : i32
        %add3A_1231 = arith.addi %add3A_1229, %add3A_1230 : i32
        %get3A_1232 = arith.index_cast %add3A_1231 : i32 to index
        %get3A_1233 = arith.constant 96 : index
        %get3A_1234 = tpu.vector_load %arg13[%get3A_1232, %get3A_1233] {strides = array<i32>} : memref<50x128xf32, #tpu.memory_space<vmem>>, vector<1x16xf32>,
        %get3A_1235 = vector.shape_cast %get3A_1234 : vector<1x16xf32> to vector<16xf32>
        %add3A_1236 = arith.addf %scan3A_955, %get3A_1235 : vector<16xf32>
        %add3A_1237 = arith.constant 0 : i32
        %add3A_1238 = arith.addi %add3A_1237, %mul3A_958 : i32
        %add3A_1239 = arith.constant 1 : i32
        %add3A_1240 = arith.addi %add3A_1238, %add3A_1239 : i32
        %get3A_1241 = arith.index_cast %add3A_1240 : i32 to index
        %get3A_1242 = arith.constant 96 : index
        %get3A_1243 = tpu.vector_load %arg13[%get3A_1241, %get3A_1242] {strides = array<i32>} : memref<50x128xf32, #tpu.memory_space<vmem>>, vector<1x16xf32>,
        %get3A_1244 = vector.shape_cast %get3A_1243 : vector<1x16xf32> to vector<16xf32>
        %add3A_1245 = arith.addf %add3A_1236, %get3A_1244 : vector<16xf32>
        %add3A_1246 = arith.constant 0 : i32
        %add3A_1247 = arith.addi %add3A_1246, %mul3A_958 : i32
        %add3A_1248 = arith.constant 2 : i32
        %add3A_1249 = arith.addi %add3A_1247, %add3A_1248 : i32
        %get3A_1250 = arith.index_cast %add3A_1249 : i32 to index
        %get3A_1251 = arith.constant 96 : index
        %get3A_1252 = tpu.vector_load %arg13[%get3A_1250, %get3A_1251] {strides = array<i32>} : memref<50x128xf32, #tpu.memory_space<vmem>>, vector<1x16xf32>,
        %get3A_1253 = vector.shape_cast %get3A_1252 : vector<1x16xf32> to vector<16xf32>
        %add3A_1254 = arith.addf %add3A_1245, %get3A_1253 : vector<16xf32>
        %add3A_1255 = arith.constant 0 : i32
        %add3A_1256 = arith.addi %add3A_1255, %mul3A_958 : i32
        %add3A_1257 = arith.constant 3 : i32
        %add3A_1258 = arith.addi %add3A_1256, %add3A_1257 : i32
        %get3A_1259 = arith.index_cast %add3A_1258 : i32 to index
        %get3A_1260 = arith.constant 96 : index
        %get3A_1261 = tpu.vector_load %arg13[%get3A_1259, %get3A_1260] {strides = array<i32>} : memref<50x128xf32, #tpu.memory_space<vmem>>, vector<1x16xf32>,
        %get3A_1262 = vector.shape_cast %get3A_1261 : vector<1x16xf32> to vector<16xf32>
        %add3A_1263 = arith.addf %add3A_1254, %get3A_1262 : vector<16xf32>
        %add3A_1264 = arith.constant 0 : i32
        %add3A_1265 = arith.addi %add3A_1264, %mul3A_958 : i32
        %add3A_1266 = arith.constant 4 : i32
        %add3A_1267 = arith.addi %add3A_1265, %add3A_1266 : i32
        %get3A_1268 = arith.index_cast %add3A_1267 : i32 to index
        %get3A_1269 = arith.constant 96 : index
        %get3A_1270 = tpu.vector_load %arg13[%get3A_1268, %get3A_1269] {strides = array<i32>} : memref<50x128xf32, #tpu.memory_space<vmem>>, vector<1x16xf32>,
        %get3A_1271 = vector.shape_cast %get3A_1270 : vector<1x16xf32> to vector<16xf32>
        %add3A_1272 = arith.addf %add3A_1263, %get3A_1271 : vector<16xf32>
        %add3A_1273 = arith.constant 0 : i32
        %add3A_1274 = arith.addi %add3A_1273, %mul3A_958 : i32
        %add3A_1275 = arith.constant 0 : i32
        %add3A_1276 = arith.addi %add3A_1274, %add3A_1275 : i32
        %get3A_1277 = arith.index_cast %add3A_1276 : i32 to index
        %get3A_1278 = arith.constant 112 : index
        %get3A_1279 = tpu.vector_load %arg13[%get3A_1277, %get3A_1278] {strides = array<i32>} : memref<50x128xf32, #tpu.memory_space<vmem>>, vector<1x16xf32>,
        %get3A_1280 = vector.shape_cast %get3A_1279 : vector<1x16xf32> to vector<16xf32>
        %add3A_1281 = arith.addf %scan3A_956, %get3A_1280 : vector<16xf32>
        %add3A_1282 = arith.constant 0 : i32
        %add3A_1283 = arith.addi %add3A_1282, %mul3A_958 : i32
        %add3A_1284 = arith.constant 1 : i32
        %add3A_1285 = arith.addi %add3A_1283, %add3A_1284 : i32
        %get3A_1286 = arith.index_cast %add3A_1285 : i32 to index
        %get3A_1287 = arith.constant 112 : index
        %get3A_1288 = tpu.vector_load %arg13[%get3A_1286, %get3A_1287] {strides = array<i32>} : memref<50x128xf32, #tpu.memory_space<vmem>>, vector<1x16xf32>,
        %get3A_1289 = vector.shape_cast %get3A_1288 : vector<1x16xf32> to vector<16xf32>
        %add3A_1290 = arith.addf %add3A_1281, %get3A_1289 : vector<16xf32>
        %add3A_1291 = arith.constant 0 : i32
        %add3A_1292 = arith.addi %add3A_1291, %mul3A_958 : i32
        %add3A_1293 = arith.constant 2 : i32
        %add3A_1294 = arith.addi %add3A_1292, %add3A_1293 : i32
        %get3A_1295 = arith.index_cast %add3A_1294 : i32 to index
        %get3A_1296 = arith.constant 112 : index
        %get3A_1297 = tpu.vector_load %arg13[%get3A_1295, %get3A_1296] {strides = array<i32>} : memref<50x128xf32, #tpu.memory_space<vmem>>, vector<1x16xf32>,
        %get3A_1298 = vector.shape_cast %get3A_1297 : vector<1x16xf32> to vector<16xf32>
        %add3A_1299 = arith.addf %add3A_1290, %get3A_1298 : vector<16xf32>
        %add3A_1300 = arith.constant 0 : i32
        %add3A_1301 = arith.addi %add3A_1300, %mul3A_958 : i32
        %add3A_1302 = arith.constant 3 : i32
        %add3A_1303 = arith.addi %add3A_1301, %add3A_1302 : i32
        %get3A_1304 = arith.index_cast %add3A_1303 : i32 to index
        %get3A_1305 = arith.constant 112 : index
        %get3A_1306 = tpu.vector_load %arg13[%get3A_1304, %get3A_1305] {strides = array<i32>} : memref<50x128xf32, #tpu.memory_space<vmem>>, vector<1x16xf32>,
        %get3A_1307 = vector.shape_cast %get3A_1306 : vector<1x16xf32> to vector<16xf32>
        %add3A_1308 = arith.addf %add3A_1299, %get3A_1307 : vector<16xf32>
        %add3A_1309 = arith.constant 0 : i32
        %add3A_1310 = arith.addi %add3A_1309, %mul3A_958 : i32
        %add3A_1311 = arith.constant 4 : i32
        %add3A_1312 = arith.addi %add3A_1310, %add3A_1311 : i32
        %get3A_1313 = arith.index_cast %add3A_1312 : i32 to index
        %get3A_1314 = arith.constant 112 : index
        %get3A_1315 = tpu.vector_load %arg13[%get3A_1313, %get3A_1314] {strides = array<i32>} : memref<50x128xf32, #tpu.memory_space<vmem>>, vector<1x16xf32>,
        %get3A_1316 = vector.shape_cast %get3A_1315 : vector<1x16xf32> to vector<16xf32>
        %add3A_1317 = arith.addf %add3A_1308, %get3A_1316 : vector<16xf32>
        scf.yield %add3A_1002, %add3A_1047, %add3A_1092, %add3A_1137, %add3A_1182, %add3A_1227, %add3A_1272, %add3A_1317 : vector<16xf32>, vector<16xf32>, vector<16xf32>, vector<16xf32>, vector<16xf32>, vector<16xf32>, vector<16xf32>, vector<16xf32>
      }
      %scan3A_868 = arith.constant 10 : i32
      %mul3A_869 = arith.constant 1 : i32
      %mul3A_870 = arith.muli %add3A_840, %mul3A_869 : i32
      %add3A_871 = arith.constant 0 : i32
      %add3A_872 = arith.addi %mul3A_870, %add3A_871 : i32
      %swap3A_873 = arith.index_cast %add3A_872 : i32 to index
      %swap3A_874 = arith.constant 0 : index
      %swap3A_875 = tpu.vector_load %arg14[%swap3A_873, %swap3A_874] {strides = array<i32>} : memref<128x128xf32, #tpu.memory_space<vmem>>, vector<1x16xf32>,
      %swap3A_876 = vector.shape_cast %swap3A_875 : vector<1x16xf32> to vector<16xf32>
      %swap3A_877 = vector.shape_cast %scan3A_867#0 : vector<16xf32> to vector<1x16xf32>
      tpu.vector_store %arg14[%swap3A_873, %swap3A_874], %swap3A_877 {strides = array<i32>} : memref<128x128xf32, #tpu.memory_space<vmem>>, vector<1x16xf32>,
      %mul3A_878 = arith.constant 1 : i32
      %mul3A_879 = arith.muli %add3A_840, %mul3A_878 : i32
      %add3A_880 = arith.constant 0 : i32
      %add3A_881 = arith.addi %mul3A_879, %add3A_880 : i32
      %swap3A_882 = arith.index_cast %add3A_881 : i32 to index
      %swap3A_883 = arith.constant 16 : index
      %swap3A_884 = tpu.vector_load %arg14[%swap3A_882, %swap3A_883] {strides = array<i32>} : memref<128x128xf32, #tpu.memory_space<vmem>>, vector<1x16xf32>,
      %swap3A_885 = vector.shape_cast %swap3A_884 : vector<1x16xf32> to vector<16xf32>
      %swap3A_886 = vector.shape_cast %scan3A_867#1 : vector<16xf32> to vector<1x16xf32>
      tpu.vector_store %arg14[%swap3A_882, %swap3A_883], %swap3A_886 {strides = array<i32>} : memref<128x128xf32, #tpu.memory_space<vmem>>, vector<1x16xf32>,
      %mul3A_887 = arith.constant 1 : i32
      %mul3A_888 = arith.muli %add3A_840, %mul3A_887 : i32
      %add3A_889 = arith.constant 0 : i32
      %add3A_890 = arith.addi %mul3A_888, %add3A_889 : i32
      %swap3A_891 = arith.index_cast %add3A_890 : i32 to index
      %swap3A_892 = arith.constant 32 : index
      %swap3A_893 = tpu.vector_load %arg14[%swap3A_891, %swap3A_892] {strides = array<i32>} : memref<128x128xf32, #tpu.memory_space<vmem>>, vector<1x16xf32>,
      %swap3A_894 = vector.shape_cast %swap3A_893 : vector<1x16xf32> to vector<16xf32>
      %swap3A_895 = vector.shape_cast %scan3A_867#2 : vector<16xf32> to vector<1x16xf32>
      tpu.vector_store %arg14[%swap3A_891, %swap3A_892], %swap3A_895 {strides = array<i32>} : memref<128x128xf32, #tpu.memory_space<vmem>>, vector<1x16xf32>,
      %mul3A_896 = arith.constant 1 : i32
      %mul3A_897 = arith.muli %add3A_840, %mul3A_896 : i32
      %add3A_898 = arith.constant 0 : i32
      %add3A_899 = arith.addi %mul3A_897, %add3A_898 : i32
      %swap3A_900 = arith.index_cast %add3A_899 : i32 to index
      %swap3A_901 = arith.constant 48 : index
      %swap3A_902 = tpu.vector_load %arg14[%swap3A_900, %swap3A_901] {strides = array<i32>} : memref<128x128xf32, #tpu.memory_space<vmem>>, vector<1x16xf32>,
      %swap3A_903 = vector.shape_cast %swap3A_902 : vector<1x16xf32> to vector<16xf32>
      %swap3A_904 = vector.shape_cast %scan3A_867#3 : vector<16xf32> to vector<1x16xf32>
      tpu.vector_store %arg14[%swap3A_900, %swap3A_901], %swap3A_904 {strides = array<i32>} : memref<128x128xf32, #tpu.memory_space<vmem>>, vector<1x16xf32>,
      %mul3A_905 = arith.constant 1 : i32
      %mul3A_906 = arith.muli %add3A_840, %mul3A_905 : i32
      %add3A_907 = arith.constant 0 : i32
      %add3A_908 = arith.addi %mul3A_906, %add3A_907 : i32
      %swap3A_909 = arith.index_cast %add3A_908 : i32 to index
      %swap3A_910 = arith.constant 64 : index
      %swap3A_911 = tpu.vector_load %arg14[%swap3A_909, %swap3A_910] {strides = array<i32>} : memref<128x128xf32, #tpu.memory_space<vmem>>, vector<1x16xf32>,
      %swap3A_912 = vector.shape_cast %swap3A_911 : vector<1x16xf32> to vector<16xf32>
      %swap3A_913 = vector.shape_cast %scan3A_867#4 : vector<16xf32> to vector<1x16xf32>
      tpu.vector_store %arg14[%swap3A_909, %swap3A_910], %swap3A_913 {strides = array<i32>} : memref<128x128xf32, #tpu.memory_space<vmem>>, vector<1x16xf32>,
      %mul3A_914 = arith.constant 1 : i32
      %mul3A_915 = arith.muli %add3A_840, %mul3A_914 : i32
      %add3A_916 = arith.constant 0 : i32
      %add3A_917 = arith.addi %mul3A_915, %add3A_916 : i32
      %swap3A_918 = arith.index_cast %add3A_917 : i32 to index
      %swap3A_919 = arith.constant 80 : index
      %swap3A_920 = tpu.vector_load %arg14[%swap3A_918, %swap3A_919] {strides = array<i32>} : memref<128x128xf32, #tpu.memory_space<vmem>>, vector<1x16xf32>,
      %swap3A_921 = vector.shape_cast %swap3A_920 : vector<1x16xf32> to vector<16xf32>
      %swap3A_922 = vector.shape_cast %scan3A_867#5 : vector<16xf32> to vector<1x16xf32>
      tpu.vector_store %arg14[%swap3A_918, %swap3A_919], %swap3A_922 {strides = array<i32>} : memref<128x128xf32, #tpu.memory_space<vmem>>, vector<1x16xf32>,
      %mul3A_923 = arith.constant 1 : i32
      %mul3A_924 = arith.muli %add3A_840, %mul3A_923 : i32
      %add3A_925 = arith.constant 0 : i32
      %add3A_926 = arith.addi %mul3A_924, %add3A_925 : i32
      %swap3A_927 = arith.index_cast %add3A_926 : i32 to index
      %swap3A_928 = arith.constant 96 : index
      %swap3A_929 = tpu.vector_load %arg14[%swap3A_927, %swap3A_928] {strides = array<i32>} : memref<128x128xf32, #tpu.memory_space<vmem>>, vector<1x16xf32>,
      %swap3A_930 = vector.shape_cast %swap3A_929 : vector<1x16xf32> to vector<16xf32>
      %swap3A_931 = vector.shape_cast %scan3A_867#6 : vector<16xf32> to vector<1x16xf32>
      tpu.vector_store %arg14[%swap3A_927, %swap3A_928], %swap3A_931 {strides = array<i32>} : memref<128x128xf32, #tpu.memory_space<vmem>>, vector<1x16xf32>,
      %mul3A_932 = arith.constant 1 : i32
      %mul3A_933 = arith.muli %add3A_840, %mul3A_932 : i32
      %add3A_934 = arith.constant 0 : i32
      %add3A_935 = arith.addi %mul3A_933, %add3A_934 : i32
      %swap3A_936 = arith.index_cast %add3A_935 : i32 to index
      %swap3A_937 = arith.constant 112 : index
      %swap3A_938 = tpu.vector_load %arg14[%swap3A_936, %swap3A_937] {strides = array<i32>} : memref<128x128xf32, #tpu.memory_space<vmem>>, vector<1x16xf32>,
      %swap3A_939 = vector.shape_cast %swap3A_938 : vector<1x16xf32> to vector<16xf32>
      %swap3A_940 = vector.shape_cast %scan3A_867#7 : vector<16xf32> to vector<1x16xf32>
      tpu.vector_store %arg14[%swap3A_936, %swap3A_937], %swap3A_940 {strides = array<i32>} : memref<128x128xf32, #tpu.memory_space<vmem>>, vector<1x16xf32>,
      %add3A_941 = arith.constant 8 : i32
      %add3A_942 = arith.addi %add3A_840, %add3A_941 : i32
      %lt3A_943 = arith.constant 128 : i32
      %lt3A_944 = arith.cmpi slt, %add3A_942, %lt3A_943 : i32
      %convert_element_type3A_945 = arith.extui %lt3A_944 : i1 to i32
      %cond3A_946 = arith.constant 0 : i32
      %cond3A_947 = arith.cmpi ne, %convert_element_type3A_945, %cond3A_946 : i32
      scf.if %cond3A_947 {
        %dma_start3A_948 = arith.constant 0 : i32
        %dma_start3A_949 = tpu.memref_slice %arg5[%add3A_942, %dma_start3A_948] : memref<128x50xi32, #tpu.memory_space<vmem>> -> memref<1x50xi32, #tpu.memory_space<vmem>>
        %dma_start3A_950 = tpu.memref_squeeze %dma_start3A_949 : memref<1x50xi32, #tpu.memory_space<vmem>> -> memref<50xi32, #tpu.memory_space<vmem>>
        %dma_start3A_951 = arith.constant 0 : i32
        %dma_start3A_952 = arith.constant 0 : i32
        %dma_start3A_953 = tpu.memref_slice %arg3[%dma_start3A_951, %dma_start3A_952] : memref<100000x128xf32, #tpu.memory_space<hbm>> -> memref<100000x128xf32, #tpu.memory_space<hbm>>
        tpu.enqueue_indirect_dma source(%dma_start3A_953 : memref<100000x128xf32, #tpu.memory_space<hbm>>) target(%arg13 : memref<50x128xf32, #tpu.memory_space<vmem>>) offsets(%dma_start3A_950 : memref<50xi32, #tpu.memory_space<vmem>>) semaphore(%arg22 : memref<!tpu.dma_semaphore, #tpu.memory_space<semaphore_mem>>)
      } else {
      }
    }
    %scan3A_62 = arith.constant 16 : i32
    %mul3A_63 = arith.constant 128 : i32
    %mul3A_64 = arith.muli %add3A, %mul3A_63 : i32
    "tpu.region"() ({
      %run_scoped3A = tpu.sem_alloc : memref<!tpu.dma_semaphore, #tpu.memory_space<semaphore_mem>>
      %dma_start3A_65 = arith.constant 0 : i32
      %dma_start3A_66 = tpu.memref_slice %arg4[%mul3A_64, %dma_start3A_65] : memref<4096x128xf32, #tpu.memory_space<hbm>> -> memref<128x128xf32, #tpu.memory_space<hbm>>
      %dma_start3A_67 = arith.constant 0 : i32
      %dma_start3A_68 = tpu.memref_slice %arg4[%mul3A_64, %dma_start3A_67] : memref<4096x128xf32, #tpu.memory_space<hbm>> -> memref<128x128xf32, #tpu.memory_space<hbm>>
      tpu.enqueue_dma source(%arg14 : memref<128x128xf32, #tpu.memory_space<vmem>>) target(%dma_start3A_68 : memref<128x128xf32, #tpu.memory_space<hbm>>) target_semaphore(%run_scoped3A : memref<!tpu.dma_semaphore, #tpu.memory_space<semaphore_mem>>)
      %dma_wait3A = arith.constant 0 : i32
      %dma_wait3A_69 = tpu.memref_slice %arg4[%mul3A_64, %dma_wait3A] : memref<4096x128xf32, #tpu.memory_space<hbm>> -> memref<128x128xf32, #tpu.memory_space<hbm>>
      %dma_wait3A_70 = arith.constant 0 : i32
      %dma_wait3A_71 = tpu.memref_slice %arg4[%mul3A_64, %dma_wait3A_70] : memref<4096x128xf32, #tpu.memory_space<hbm>> -> memref<128x128xf32, #tpu.memory_space<hbm>>
      tpu.wait_dma2 semaphore(%run_scoped3A : memref<!tpu.dma_semaphore, #tpu.memory_space<semaphore_mem>>) src(%arg14 : memref<128x128xf32, #tpu.memory_space<vmem>>) dst(%dma_wait3A_71 : memref<128x128xf32, #tpu.memory_space<hbm>>)
      tpu.yield
    }) : () -> ()
    return
  }
}

module attributes {stable_mosaic.version = 14 : i64} {
  func.func @_proj_kernel(%arg0: i32, %arg1: memref<2048x128xf32, #tpu.memory_space<vmem>>, %arg2: memref<128x128xf32, #tpu.memory_space<vmem>>, %arg3: memref<1x128xf32, #tpu.memory_space<vmem>>, %arg4: memref<2048x128xf32, #tpu.memory_space<vmem>>) attributes {dimension_semantics = [#tpu.dimension_semantics<arbitrary>], iteration_bounds = array<i64: 2>, scalar_prefetch = 0 : i64, scratch_operands = 0 : i64, tpu.core_type = #tpu.core_type<tc>, window_params = [{transform_indices = @transform_0, window_bounds = array<i64: 2048, 128>}, {pipeline_mode = #tpu.pipeline_mode<synchronous>, transform_indices = @transform_1, window_bounds = array<i64: 128, 128>}, {pipeline_mode = #tpu.pipeline_mode<synchronous>, transform_indices = @transform_2, window_bounds = array<i64: 1, 128>}, {transform_indices = @transform_3, window_bounds = array<i64: 2048, 128>}]} {
    %get3A = arith.constant 0 : index
    %get3A_0 = arith.constant 0 : index
    %get3A_1 = vector.load %arg1[%get3A, %get3A_0] : memref<2048x128xf32, #tpu.memory_space<vmem>>, vector<2048x128xf32>
    %get3A_2 = arith.constant 0 : index
    %get3A_3 = arith.constant 0 : index
    %get3A_4 = vector.load %arg2[%get3A_2, %get3A_3] : memref<128x128xf32, #tpu.memory_space<vmem>>, vector<128x128xf32>
    %dot_general3A = arith.constant dense<0.000000e+00> : vector<2048x128xf32>
    %dot_general3A_5 = tpu.matmul %get3A_1, %get3A_4, %dot_general3A {dimension_numbers = #tpu.dot_dimension_numbers<[1], [1], [0], [0], [0, 0, 1, 0], [], []>, transpose_lhs_hint = false} : vector<2048x128xf32>, vector<128x128xf32>, vector<2048x128xf32> -> vector<2048x128xf32>
    %mul3A = arith.constant 2.000000e-02 : f32
    %mul3A_6 = vector.broadcast %mul3A : f32 to vector<2048x128xf32>
    %mul3A_7 = arith.mulf %dot_general3A_5, %mul3A_6 : vector<2048x128xf32>
    %get3A_8 = arith.constant 0 : index
    %get3A_9 = arith.constant 0 : index
    %get3A_10 = vector.load %arg3[%get3A_8, %get3A_9] : memref<1x128xf32, #tpu.memory_space<vmem>>, vector<1x128xf32>
    %add3A = vector.broadcast %get3A_10 : vector<1x128xf32> to vector<2048x128xf32>
    %add3A_11 = arith.addf %mul3A_7, %add3A : vector<2048x128xf32>
    %swap3A = arith.constant 0 : index
    %swap3A_12 = arith.constant 0 : index
    %swap3A_13 = vector.load %arg4[%swap3A, %swap3A_12] : memref<2048x128xf32, #tpu.memory_space<vmem>>, vector<2048x128xf32>
    tpu.vector_store %arg4[%swap3A, %swap3A_12], %add3A_11 {strides = array<i32>} : memref<2048x128xf32, #tpu.memory_space<vmem>>, vector<2048x128xf32>,
    return
  }
  func.func @transform_0(%arg0: i32) -> (i32, i32) {
    %c0_i32 = arith.constant 0 : i32
    %c0_i32_0 = arith.constant 0 : i32
    return %arg0, %c0_i32 : i32, i32
  }
  func.func @transform_1(%arg0: i32) -> (i32, i32) {
    %c0_i32 = arith.constant 0 : i32
    %c0_i32_0 = arith.constant 0 : i32
    %c0_i32_1 = arith.constant 0 : i32
    return %c0_i32, %c0_i32_0 : i32, i32
  }
  func.func @transform_2(%arg0: i32) -> (i32, i32) {
    %c0_i32 = arith.constant 0 : i32
    %c0_i32_0 = arith.constant 0 : i32
    %c0_i32_1 = arith.constant 0 : i32
    return %c0_i32, %c0_i32_0 : i32, i32
  }
  func.func @transform_3(%arg0: i32) -> (i32, i32) {
    %c0_i32 = arith.constant 0 : i32
    %c0_i32_0 = arith.constant 0 : i32
    return %arg0, %c0_i32 : i32, i32
  }
}

</mosaic_0001>

<sc_bundles>
// kernel: kernel.4.cloned.1.call-start
scs
__scs_entry_jumppad:
0x0: {  	(pc) =	sbr.rel $0x88, $3  }
0x1: {  	(tag) =	ssettag $0x0;
	lr =	simm.s32 $0x1  }
0x2: {  	[smem:$0x3F9D] =	sst lr;
	_ =	strace $0xD0000000  }
0x3: {  	_ = 	snop  }
0x4: {  	_ = 	snop  }
0x5: {  	_ = 	snop  }
0x6: {  	_ = 	snop  }
0x7: {  	_ = 	snop  }
__scs_overlays_trampoline_lowered:
0x8: {  	[smem:$0x3FAC] =	sst s0  }
0x9: {  	[smem:$0x3FAD] =	sst s1  }
0xa: {  	[smem:$0x3FAE] =	sst s2  }
0xb: {  	[smem:$0x3FAF] =	sst s3  }
0xc: {  	[smem:$0x3FB0] =	sst s4  }
0xd: {  	[smem:$0x3FB1] =	sst s5  }
0xe: {  	[smem:$0x3FB2] =	sst s6  }
0xf: {  	[smem:$0x3FB3] =	sst s7  }
0x10: {  	[smem:$0x3FB4] =	sst s8  }
0x11: {  	[smem:$0x3FB5] =	sst s9;
	s0 =	simm.s32 @!p0 $0x0  }
0x12: {  	s1 =	sld [smem:$0x3F9B];
	s0 =	simm.s32 @p0 $0x1  }
0x13: {  	[smem:$0x3FB6] =	sst s0;
	s0 =	simm.s32 @!p1 $0x0  }
0x14: {  	s2 =	sld [smem:$0x3F9A];
	s0 =	simm.s32 @p1 $0x1  }
0x15: {  	[smem:$0x3FB7] =	sst s0;
	s0 =	simm.s32 @!p2 $0x0  }
0x16: {  	s3 =	sld [smem:$0x3FDB];
	s0 =	simm.s32 @p2 $0x1  }
0x17: {  	s4 =	simm.s32 $0x1BF5;
	[smem:$0x3FB9] =	sst s0  }
0x18: {  	s0 =	sld [smem:$0x3F9C];
	_ =	swait.ge [sflag:s4], $0x0  }
0x19: {  	s7 =	sld [smem:$0x3F9D]  }
0x1a: {  	s8 =	sadd.s32 $0xFFFFE003, lr  }
0x1b: {  	s9 =	sadd.s32 $0xFFFFFEF7, lr;
	s5 =	simm.s32 $0xFFFFFFFF;
	p2 =	slt.u32 s8, $0xFFFFF086  }
0x1c: {  	p1 =	slt.u32 s9, $0xF7A;
	s5 =	simm.s32 @!p2 $0x0  }
0x1d: {  	s5 =	simm.s32 @p1 $0x1;
	p0 =	seq.s32 s7, s2  }
0x1e: {  	s7 =	smul.u32 @!p0 $0xF7A, s2;
	p2 =	seq.s32 @!p0 s5, $0x0  }
0x1f: {  	s9 =	smul.u32 $0xF7A, s1;
	s8 =	simm.s32 @!p0 $0x1BF5;
	p2 =	por !p2, p0  }
0x20: {  	[sflag:s8] =	ssyncset.s32 @!p0 $0xFFFFF086;
	s6 =	sadd.s32 @!p0 s3, s7;
	s7 =	simm.s32 @!p0 $0x108  }
0x21: {  	s3 =	sadd.s32 s3, s9;
	s6 =	sadd.s32 @!p0 $0x88, s6;
	s7 =	simm.s32 @p2 $0x1082  }
0x22: {  	[simem:s7], [sflag:s8] =	dma.local @!p0 [hbm:s6], $0xF7A  }
0x23: {  	s9 =	sor.u32 $0xD0000000, s2;
	s6 =	simm.s32 $0x108;
	_ =	swait.ge @!p0 [sflag:s8], $0x0  }
0x24: {  	s3 =	sadd.s32 $0x88, s3;
	s6 =	simm.s32 @!p1 $0x1082;
	[sflag:s4] =	ssyncset.s32 $0xFFFFF086  }
0x25: {  	[simem:s6], [sflag:s4] =	dma.local [hbm:s3], $0xF7A  }
0x26: {  	[smem:$0x3F9D] =	sst s1;
	(tag) =	ssettag s2;
	_ =	strace s9  }
0x27: {  	s1 =	sld [smem:$0x3FAD]  }
0x28: {  	s2 =	sld [smem:$0x3FAE]  }
0x29: {  	s4 =	sld [smem:$0x3FB0]  }
0x2a: {  	p0 =	seq.s32 s5, $0x0;
	s5 =	sld [smem:$0x3FB1]  }
0x2b: {  	s6 =	sld [smem:$0x3FB2]  }
0x2c: {  	s7 =	sld [smem:$0x3FB3]  }
0x2d: {  	s3 =	simm.s32 $0x108;
	s8 =	sld [smem:$0x3FB4]  }
0x2e: {  	s3 =	simm.s32 @!p0 $0x1082;
	s9 =	sld [smem:$0x3FB5]  }
0x2f: {  	lr =	sadd.s32 s0, s3;
	s0 =	sld [smem:$0x3FAC]  }
0x30: {  	s3 =	sld [smem:$0x3FAF]  }
0x31: {  	[smem:$0x3FB8] =	sst s10  }
0x32: {  	s10 =	sld [smem:$0x3FB6];
	_ =	sdelay $0x3  }
0x33: {  	p0 =	seq.s32 s10, $0x1;
	s10 =	sld [smem:$0x3FB8];
	_ =	sdelay $0x3  }
0x34: {  	[smem:$0x3FB8] =	sst s10  }
0x35: {  	s10 =	sld [smem:$0x3FB7];
	_ =	sdelay $0x3  }
0x36: {  	p1 =	seq.s32 s10, $0x1;
	s10 =	sld [smem:$0x3FB8];
	_ =	sdelay $0x3  }
0x37: {  	[smem:$0x3FB8] =	sst s10  }
0x38: {  	s10 =	sld [smem:$0x3FB9]  }
0x39: {  	_ = 	snop;
	(pc) =	sbr.ind lr, $3  }
0x3a: {  	_ = 	snop  }
0x3b: {  	_ = 	snop  }
0x3c: {  	p2 =	seq.s32 s10, $0x1;
	s10 =	sld [smem:$0x3FB8]  }
0x3d: {  	_ =	shalt  }
0x3e: {  	_ =	shalt  }
0x3f: {  	_ =	shalt  }
0x40: {  	_ =	shalt  }
0x41: {  	_ =	shalt  }
0x42: {  	_ =	shalt  }
0x43: {  	_ =	shalt  }
0x44: {  	_ =	shalt  }
0x45: {  	_ =	shalt  }
0x46: {  	_ =	shalt  }
0x47: {  	_ =	shalt  }
0x48: {  	_ =	shalt  }
0x49: {  	_ =	shalt  }
0x4a: {  	_ =	shalt  }
0x4b: {  	_ =	shalt  }
0x4c: {  	_ =	shalt  }
0x4d: {  	_ =	shalt  }
0x4e: {  	_ =	shalt  }
0x4f: {  	_ =	shalt  }
0x50: {  	_ =	shalt  }
0x51: {  	_ =	shalt  }
0x52: {  	_ =	shalt  }
0x53: {  	_ =	shalt  }
0x54: {  	_ =	shalt  }
0x55: {  	_ =	shalt  }
0x56: {  	_ =	shalt  }
0x57: {  	_ =	shalt  }
0x58: {  	_ =	shalt  }
0x59: {  	_ =	shalt  }
0x5a: {  	_ =	shalt  }
0x5b: {  	_ =	shalt  }
0x5c: {  	_ =	shalt  }
0x5d: {  	_ =	shalt  }
0x5e: {  	_ =	shalt  }
0x5f: {  	_ =	shalt  }
0x60: {  	_ =	shalt  }
0x61: {  	_ =	shalt  }
0x62: {  	_ =	shalt  }
0x63: {  	_ =	shalt  }
0x64: {  	_ =	shalt  }
0x65: {  	_ =	shalt  }
0x66: {  	_ =	shalt  }
0x67: {  	_ =	shalt  }
0x68: {  	_ =	shalt  }
0x69: {  	_ =	shalt  }
0x6a: {  	_ =	shalt  }
0x6b: {  	_ =	shalt  }
0x6c: {  	_ =	shalt  }
0x6d: {  	_ =	shalt  }
0x6e: {  	_ =	shalt  }
0x6f: {  	_ =	shalt  }
0x70: {  	_ =	shalt  }
0x71: {  	_ =	shalt  }
0x72: {  	_ =	shalt  }
0x73: {  	_ =	shalt  }
0x74: {  	_ =	shalt  }
0x75: {  	_ =	shalt  }
0x76: {  	_ =	shalt  }
0x77: {  	_ =	shalt  }
0x78: {  	_ =	shalt  }
0x79: {  	_ =	shalt  }
0x7a: {  	_ =	shalt  }
0x7b: {  	_ =	shalt  }
0x7c: {  	_ =	shalt  }
0x7d: {  	_ =	shalt  }
0x7e: {  	_ =	shalt  }
0x7f: {  	_ =	shalt  }
0x80: {  	_ =	shalt  }
0x81: {  	_ =	shalt  }
0x82: {  	_ =	shalt  }
0x83: {  	_ =	shalt  }
0x84: {  	_ =	shalt  }
0x85: {  	_ =	shalt  }
0x86: {  	_ =	shalt  }
0x87: {  	_ =	shalt  }
.Lfunc_end0:
.L_simem_size_0:
called_computation_lowered:
.L_overlay_start_0:
0x88: {  	s2 =	sld [smem:$0x3FD9]  }
0x89: {  	s3 =	sld [smem:$0x3FFE];
	_ =	sdelay $0x1  }
0x8a: {  	s1 =	srdreg.scid  }
0x8b: {  	s0 =	sand.u32 $0x1, s1  }
0x8c: {  	s17 =	sshll.u32 s0, $0xA;
	s2 =	sadd.s32 s3, s2  }
0x8d: {  	s2 =	sadd.s32 s2, s17  }
0x8e: {  	[smem:$0x3FC4] =	sst s2  }
0x8f: {  	_ = 	snop  }
0x90: {  	s2 =	sld [smem:$0x3FC8]  }
0x91: {  	s18 =	sld [smem:$0x3FD0];
	(tm) =	ssettm $0x1  }
0x92: {  	s4 =	sld [smem:$0x3FFB];
	_ =	sdelay $0x3  }
0x93: {  	_ =	strace s4  }
0x94: {  	s4 =	sld [smem:$0x3FFC];
	_ =	sdelay $0x3  }
0x95: {  	_ =	strace s4  }
0x96: {  	s4 =	sld [smem:$0x3FFD];
	_ =	sdelay $0x3  }
0x97: {  	_ =	strace s4  }
0x98: {  	_ =	strace $0x8FFFFFFF  }
0x99: {  	s19 =	sld [smem:$0x3FDB];
	_ =	sdelay $0x1  }
0x9a: {  	s5 =	simm.s32 $_scs_section_size  }
0x9b: {  	s6 =	simm.s32 $_size__tile_overlayer_lowered;
	s7 =	simm.s32 $_tile_overlayer_lowered  }
0x9c: {  	s22 =	simm.s32 $0x1BFF;
	s21 =	sshll.u32 s7, $0x1;
	s4 =	sadd.s32 s5, s19  }
0x9d: {  	s8 =	simm.s32 $0x0;
	s20 =	sshll.u32 s6, $0x1;
	s6 =	sadd.s32 s21, s4  }
0x9e: {  	[timem:s8], [sflag:s22] =	dma.local [hbm:s6], s20  }
0x9f: {  	_ =	swait.ge [sflag:s22], s20  }
0xa0: {  	s5 =	ssub.s32 $0x0, s20;
	[sflag:s22] =	ssyncset.done $0x0  }
0xa1: {  	[sflag:s22] =	ssyncadd.s32 s5;
	_ =	sdelay $0x1  }
0xa2: {  	s23 =	simm.s32 $0x1B8B  }
0xa3: {  	_ =	swait.ge [sflag:s23], $0x1  }
0xa4: {  	[sflag:s23] =	ssyncset.done $0x0  }
0xa5: {  	s25 =	simm.s32 $0x1B8E;
	s24 =	sld [smem:$0x3FFE];
	[sflag:s23] =	ssyncadd.s32 $0xFFFFFFFF  }
0xa6: {  	s26 =	simm.s32 $execute0_lowered;
	[smem:$0x3FD2] =	sst s25  }
0xa7: {  	s6 =	sshll.u32 s26, $0x1;
	_ =	strace $0x80000046;
	[dreg:$0x1] =	wrdreg $0xFFFFFFFF  }
0xa8: {  	s28 =	simm.s32 $_size_execute0_lowered;
	s4 =	sadd.s32 s4, s6;
	[dreg:$0x0] =	wrdreg $0x0  }
0xa9: {  	s6 =	sshll.u32 s28, $0x1;
	[dreg:$0x2] =	wrdreg s4  }
0xaa: {  	[dreg:$0x3] =	wrdreg s6  }
0xab: {  	[dreg:$0x4] =	wrdreg $0xC0  }
0xac: {  	_ =	task [dreg:s8], $0x5FFFF  }
0xad: {  	[dreg:$0x1] =	wrdreg $0xFFFFFFFF  }
0xae: {  	[dreg:$0x0] =	wrdreg $0x60  }
0xaf: {  	[dreg:$0x2] =	wrdreg s18  }
0xb0: {  	[dreg:$0x3] =	wrdreg s2  }
0xb1: {  	[dreg:$0x4] =	wrdreg s24  }
0xb2: {  	[dreg:$0x5] =	wrdreg $0x9  }
0xb3: {  	_ =	task.clear_ibuf [dreg:s8], $0x6FFFF;
	_ =	strace $0x90000046  }
0xb4: {  	s29 =	simm.s32 $0x9;
	_ =	strace $0x80000048  }
0xb5: {  	_ =	swait.ge [sflag:s29], $0x1  }
0xb6: {  	[sflag:s29] =	ssyncadd.s32 $0xFFFFFFFF  }
0xb7: {  	_ =	strace $0x90000048  }
0xb8: {  	_ =	sfence  }
0xb9: {  	s30 =	sld [smem:$0x0];
	_ =	sdelay $0x2  }
0xba: {  	s31 =	sshll.u32 s1, $0xD;
	s1 =	sshrl.u32 s1, $0x2  }
0xbb: {  	s3 =	sand.u32 $0x4000, s31;
	s1 =	sadd.s32 s1, s30  }
0xbc: {  	s0 =	sor.u32 s3, s0;
	s1 =	sshll.u32 s1, $0x11  }
0xbd: {  	s0 =	sor.u32 s1, s0  }
0xbe: {  	s0 =	sadd.s32 $0x8F2B, s0  }
0xbf: {  	[sflag:s0] =	ssyncadd.remote.s32 $0x1  }
0xc0: {  	_ =	sfence.sel $0xFFFF  }
0xc1: {  	[dreg:$0x0] =	wrdreg $0xFFFFFFFF;
	(pc) =	sbr.abs _section_cstart, $3  }
0xc2: {  	[dreg:$0x1] =	wrdreg $0xFFFFFFFF  }
0xc3: {  	_ =	task.clear_ibuf [dreg:s8], $0x2FFFF;
	_ =	strace $0x9FFFFFFF  }
0xc4: {  	(tm) =	ssettm $0x7FFFFFFF  }
0xc5: {  	_ =	shalt  }
tec
execute0_lowered:
.L_overlay_start_1:
0x0: {  	(tag) =	ssettag $0x1  }
0x1: {  	s0 =	rddreg [dreg:$0x0]  }
0x2: {  	s1 =	rddreg [dreg:$0x1]  }
0x3: {  	s2 =	rddreg [dreg:$0x2];
	s4 =	srdreg.scid  }
0x4: {  	s3 =	simm.s32 $0x0;
	s5 =	stileid.u32;
	s7 =	simm.s32 $0x9  }
0x5: {  	s8 =	simm.s32 $0x32;
	s16 =	simm.s32 $0x200;
	s17 =	simm.s32 $0xB000  }
0x6: {  	s18 =	simm.s32 $0x280;
	s19 =	simm.s32 $0xCC00;
	s20 =	simm.s32 $0x300  }
0x7: {  	s21 =	simm.s32 $0xE800;
	s22 =	simm.s32 $0x380;
	s23 =	simm.s32 $0x10400  }
0x8: {  	s24 =	simm.s32 $0x1;
	s25 =	simm.s32 $0x2;
	s28 =	simm.s32 $0x4  }
0x9: {  	s29 =	simm.s32 $0x5;
	s30 =	simm.s32 $0x6;
	s31 =	simm.s32 $0x7  }
0xa: {  	s9 =	simm.s32 $0x0;
	s4 =	sand.u32 $0x1, s4;
	s5 =	sshll.u32 s5, $0xC  }
.Ltmp0:
0xb: {  	s6 =	sshll.u32 s4, $0xB;
	s4 =	ssub.s32 $0x2, s4;
	(pc) =	sbr.rel .LBB2_1-.Ltmp0, $4  }
0xc: {  	[smem:$0x7FF] =	sst s3;
	s5 =	sor.u32 s6, s5;
	s26 =	sshrl.u32 s4, $0x1  }
0xd: {  	_ =	strace $0x80000047;
	s2 =	sadd.s32 s5, s2;
	s6 =	ssub.s32 s4, s26  }
0xe: {  	s4 =	sadd.s32 s0, s5;
	s26 =	simm.s32 $0x3;
	s0 =	simm.s32 $0x8  }
0xf: {  	s5 =	sadd.s32 $0xA00, s2;
	s6 =	smax.u32 s6, $0x1;
	s2 =	simm.s32 $0x12000  }
.LBB2_20:
0x10: {  	s9 =	sadd.s32 $0x1, s9  }
0x11: {  	p0 =	sne.s32 s9, s6  }
.Ltmp1:
0x12: {  	_ = 	snop;
	(pc) =	sbr.rel @!p0 .LBB2_21-.Ltmp1, $4  }
0x13: {  	[hbm4b:s5+s3] =	stream.linear.scatter [tilespmem:s2], [sflag:$0x9], $0x4000, $0x38;
	[tilespmem:$0x16000] =	vst v63  }
0x14: {  	_ =	swait.ge [sflag:s7], $0x4000  }
0x15: {  	[sflag:s7] =	ssyncset.done $0x0  }
0x16: {  	[sflag:s7] =	ssyncadd.s32 $0xFFFFC000  }
.LBB2_1:
0x17: {  	[tilespmem:s3], [sflag:$0x9] =	stream.linear.gather [hbm4b:s4+s3], $0x4000, $0x38;
	[tilespmem:$0x16000] =	vst v63  }
0x18: {  	_ =	swait.ge [sflag:s7], $0x4000  }
0x19: {  	[sflag:s7] =	ssyncset.done $0x0  }
0x1a: {  	s10 =	simm.s32 $0x4000;
	[sflag:s7] =	ssyncadd.s32 $0xFFFFC000  }
0x1b: {  	[tilespmem:s10], [sflag:$0x1] =	stream.indirect.gather [hbm4b:s1+s8], $0x80, s3, s8, $0xb8;
	[tilespmem:$0x16000] =	vst v63  }
0x1c: {  	s15 =	simm.s32 $0x80;
	s11 =	simm.s32 $0x5C00  }
0x1d: {  	[tilespmem:s11], [sflag:$0x2] =	stream.indirect.gather [hbm4b:s1+s8], $0x80, s15, s8, $0xb8;
	[tilespmem:$0x16000] =	vst v63  }
0x1e: {  	s12 =	simm.s32 $0x100;
	s13 =	simm.s32 $0x7800  }
0x1f: {  	[tilespmem:s13], [sflag:$0x3] =	stream.indirect.gather [hbm4b:s1+s8], $0x80, s12, s8, $0xb8;
	[tilespmem:$0x16000] =	vst v63  }
0x20: {  	s14 =	simm.s32 $0x180;
	s15 =	simm.s32 $0x9400  }
0x21: {  	[tilespmem:s15], [sflag:$0x4] =	stream.indirect.gather [hbm4b:s1+s8], $0x80, s14, s8, $0xb8;
	[tilespmem:$0x16000] =	vst v63  }
0x22: {  	_ = 	snop  }
0x23: {  	[tilespmem:s17], [sflag:$0x5] =	stream.indirect.gather [hbm4b:s1+s8], $0x80, s16, s8, $0xb8;
	[tilespmem:$0x16000] =	vst v63  }
0x24: {  	_ = 	snop  }
0x25: {  	[tilespmem:s19], [sflag:$0x6] =	stream.indirect.gather [hbm4b:s1+s8], $0x80, s18, s8, $0xb8;
	[tilespmem:$0x16000] =	vst v63  }
0x26: {  	_ = 	snop  }
0x27: {  	[tilespmem:s21], [sflag:$0x7] =	stream.indirect.gather [hbm4b:s1+s8], $0x80, s20, s8, $0xb8;
	[tilespmem:$0x16000] =	vst v63  }
0x28: {  	s10 =	simm.s32 $0x0  }
0x29: {  	[tilespmem:s23], [sflag:$0x8] =	stream.indirect.gather [hbm4b:s1+s8], $0x80, s22, s8, $0xb8;
	[tilespmem:$0x16000] =	vst v63  }
.LBB2_2:
0x2a: {  	_ =	swait.ge [sflag:s24], $0x1900  }
0x2b: {  	[sflag:s24] =	ssyncset.done $0x0  }
0x2c: {  	s11 =	simm.s32 $0x0;
	[sflag:s24] =	ssyncadd.s32 $0xFFFFE700  }
0x2d: {  	v4 =	vld [tilespmem:s11+$0x4200]  }
0x2e: {  	v5 =	vld [tilespmem:s11+$0x4210]  }
0x2f: {  	v6 =	vld [tilespmem:s11+$0x4220]  }
0x30: {  	v7 =	vld [tilespmem:s11+$0x4230]  }
0x31: {  	v0 =	vld [tilespmem:s11+$0x4240]  }
0x32: {  	v1 =	vld [tilespmem:s11+$0x4250]  }
0x33: {  	v11 =	vld [tilespmem:s11+$0x4180]  }
0x34: {  	v15 =	vld [tilespmem:s11+$0x4190]  }
0x35: {  	v10 =	vld [tilespmem:s11+$0x41A0]  }
0x36: {  	v12 =	vld [tilespmem:s11+$0x41B0]  }
0x37: {  	v3 =	vld [tilespmem:s11+$0x41C0]  }
0x38: {  	v2 =	vld [tilespmem:s11+$0x41D0]  }
0x39: {  	v9 =	vld [tilespmem:s11+$0x4100]  }
0x3a: {  	v13 =	vld [tilespmem:s11+$0x4110]  }
0x3b: {  	v16 =	vld [tilespmem:s11+$0x4120]  }
0x3c: {  	v19 =	vld [tilespmem:s11+$0x4080]  }
0x3d: {  	v20 =	vld [tilespmem:s11+$0x4090]  }
0x3e: {  	v17 =	vld [tilespmem:s11+$0x4000]  }
0x3f: {  	v18 =	vld [tilespmem:s11+$0x4010]  }
0x40: {  	v21 =	vld [tilespmem:s11+$0x4020]  }
0x41: {  	v22 =	vld [tilespmem:s11+$0x4030]  }
0x42: {  	v23 =	vld [tilespmem:s11+$0x40A0]  }
0x43: {  	v24 =	vld [tilespmem:s11+$0x40B0]  }
0x44: {  	v8 =	vimm.f32 $0.0e+00;
	v26 =	vld [tilespmem:s11+$0x4130]  }
0x45: {  	v14 =	vld [tilespmem:s11+$0x4140];
	v25 =	vadd.f32 v17, v8;
	v27 =	vadd.f32 v18, v8  }
0x46: {  	v17 =	vld [tilespmem:s11+$0x4150];
	v21 =	vadd.f32 v21, v8;
	v22 =	vadd.f32 v22, v8  }
0x47: {  	v18 =	vld [tilespmem:s11+$0x40C0];
	v25 =	vadd.f32 v19, v25;
	v27 =	vadd.f32 v20, v27  }
0x48: {  	v19 =	vld [tilespmem:s11+$0x40D0];
	v28 =	vadd.f32 v23, v21;
	v22 =	vadd.f32 v24, v22  }
0x49: {  	v20 =	vld [tilespmem:s11+$0x4040];
	v23 =	vadd.f32 v9, v25;
	v24 =	vadd.f32 v13, v27  }
0x4a: {  	v21 =	vld [tilespmem:s11+$0x4050];
	v25 =	vadd.f32 v16, v28;
	v26 =	vadd.f32 v26, v22  }
0x4b: {  	s12 =	simm.s32 $0xA00;
	v22 =	vld [tilespmem:s11+$0x4060];
	v16 =	vimm.f32 $0.0e+00;
	v13 =	vimm.f32 $0.0e+00;
	v9 =	vimm.f32 $0.0e+00  }
.LBB2_3:
0x4c: {  	p0 =	sne.s32 s12, $0x5A00;
	v11 =	vadd.f32 v11, v23;
	v15 =	vadd.f32 v15, v24;
	v23 =	vld [tilespmem:s11+$0x4070]  }
0x4d: {  	v10 =	vadd.f32 v10, v25;
	v12 =	vadd.f32 v12, v26;
	v24 =	vld [tilespmem:s11+$0x40E0]  }
0x4e: {  	v25 =	vadd.f32 v4, v11;
	v26 =	vadd.f32 v5, v15;
	v4 =	vld [tilespmem:s11+$0x40F0]  }
0x4f: {  	v27 =	vadd.f32 v6, v10;
	v28 =	vadd.f32 v7, v12;
	v5 =	vld [tilespmem:s11+$0x4160]  }
0x50: {  	v6 =	vadd.f32 v20, v8;
	v7 =	vadd.f32 v21, v16;
	v8 =	vld [tilespmem:s11+$0x4170]  }
0x51: {  	v10 =	vadd.f32 v22, v13;
	v11 =	vld [tilespmem:s11+$0x41E0];
	v9 =	vadd.f32 v23, v9  }
0x52: {  	v6 =	vadd.f32 v18, v6;
	v7 =	vadd.f32 v19, v7;
	v12 =	vld [tilespmem:s11+$0x41F0]  }
0x53: {  	v10 =	vadd.f32 v24, v10;
	v13 =	vld [tilespmem:s11+$0x4260];
	v9 =	vadd.f32 v4, v9  }
0x54: {  	v6 =	vadd.f32 v14, v6;
	v7 =	vadd.f32 v17, v7;
	v14 =	vld [tilespmem:s11+$0x4270];
	s11 =	sshra.s32 s12, $0x2  }
0x55: {  	v10 =	vadd.f32 v5, v10;
	v4 =	vld [tilespmem:s11+$0x4200];
	v8 =	vadd.f32 v8, v9  }
0x56: {  	v3 =	vadd.f32 v3, v6;
	v2 =	vadd.f32 v2, v7;
	v5 =	vld [tilespmem:s11+$0x4210]  }
0x57: {  	v9 =	vadd.f32 v11, v10;
	v6 =	vld [tilespmem:s11+$0x4220];
	v10 =	vadd.f32 v12, v8  }
0x58: {  	v8 =	vadd.f32 v0, v3;
	v16 =	vadd.f32 v1, v2;
	v7 =	vld [tilespmem:s11+$0x4230]  }
0x59: {  	v13 =	vadd.f32 v13, v9;
	v0 =	vld [tilespmem:s11+$0x4240];
	v9 =	vadd.f32 v14, v10  }
0x5a: {  	v1 =	vld [tilespmem:s11+$0x4250]  }
0x5b: {  	v11 =	vld [tilespmem:s11+$0x4180]  }
0x5c: {  	v15 =	vld [tilespmem:s11+$0x4190]  }
0x5d: {  	v10 =	vld [tilespmem:s11+$0x41A0]  }
0x5e: {  	v12 =	vld [tilespmem:s11+$0x41B0]  }
0x5f: {  	v3 =	vld [tilespmem:s11+$0x41C0]  }
0x60: {  	v2 =	vld [tilespmem:s11+$0x41D0]  }
0x61: {  	v21 =	vld [tilespmem:s11+$0x4100]  }
0x62: {  	v22 =	vld [tilespmem:s11+$0x4110]  }
0x63: {  	v29 =	vld [tilespmem:s11+$0x4120]  }
0x64: {  	v30 =	vld [tilespmem:s11+$0x4130]  }
0x65: {  	v19 =	vld [tilespmem:s11+$0x4080]  }
0x66: {  	v20 =	vld [tilespmem:s11+$0x4090]  }
0x67: {  	v17 =	vld [tilespmem:s11+$0x4000]  }
0x68: {  	v18 =	vld [tilespmem:s11+$0x4010]  }
0x69: {  	v23 =	vld [tilespmem:s11+$0x4020]  }
0x6a: {  	v24 =	vld [tilespmem:s11+$0x4030]  }
0x6b: {  	v31 =	vld [tilespmem:s11+$0x40A0]  }
0x6c: {  	v32 =	vld [tilespmem:s11+$0x40B0]  }
0x6d: {  	v14 =	vld [tilespmem:s11+$0x4140]  }
0x6e: {  	v25 =	vadd.f32 v17, v25;
	v26 =	vadd.f32 v18, v26;
	v17 =	vld [tilespmem:s11+$0x4150]  }
.Ltmp2:
0x6f: {  	v23 =	vadd.f32 v23, v27;
	v24 =	vadd.f32 v24, v28;
	v18 =	vld [tilespmem:s11+$0x40C0];
	(pc) =	sbr.rel @p0 .LBB2_3-.Ltmp2, $4  }
0x70: {  	v25 =	vadd.f32 v19, v25;
	v26 =	vadd.f32 v20, v26;
	v19 =	vld [tilespmem:s11+$0x40D0]  }
0x71: {  	v27 =	vadd.f32 v31, v23;
	v28 =	vadd.f32 v32, v24;
	v20 =	vld [tilespmem:s11+$0x4040]  }
0x72: {  	v23 =	vadd.f32 v21, v25;
	v24 =	vadd.f32 v22, v26;
	v21 =	vld [tilespmem:s11+$0x4050]  }
0x73: {  	s12 =	sadd.s32 $0xA00, s12;
	v25 =	vadd.f32 v29, v27;
	v26 =	vadd.f32 v30, v28;
	v22 =	vld [tilespmem:s11+$0x4060]  }
0x74: {  	v11 =	vadd.f32 v11, v23;
	v15 =	vadd.f32 v15, v24;
	v23 =	vld [tilespmem:s11+$0x4070]  }
0x75: {  	v24 =	vld [tilespmem:s11+$0x40E0];
	v10 =	vadd.f32 v10, v25;
	v12 =	vadd.f32 v12, v26  }
0x76: {  	v4 =	vadd.f32 v4, v11;
	v5 =	vadd.f32 v5, v15;
	v11 =	vld [tilespmem:s11+$0x40F0]  }
0x77: {  	v8 =	vadd.f32 v20, v8;
	v15 =	vld [tilespmem:s11+$0x4170];
	v6 =	vadd.f32 v6, v10  }
0x78: {  	v10 =	vld [tilespmem:s11+$0x4160];
	v7 =	vadd.f32 v7, v12;
	v12 =	vadd.f32 v21, v16  }
0x79: {  	v16 =	vld [tilespmem:s11+$0x41E0];
	v13 =	vadd.f32 v22, v13;
	v8 =	vadd.f32 v18, v8  }
0x7a: {  	v18 =	vld [tilespmem:s11+$0x41F0];
	v9 =	vadd.f32 v23, v9;
	v12 =	vadd.f32 v19, v12  }
0x7b: {  	s12 =	sshll.u32 s10, $0xC;
	v19 =	vld [tilespmem:s11+$0x4260];
	v13 =	vadd.f32 v24, v13;
	v8 =	vadd.f32 v14, v8  }
0x7c: {  	v9 =	vadd.f32 v11, v9;
	v11 =	vadd.f32 v17, v12;
	v12 =	vld [tilespmem:s11+$0x4270];
	s11 =	sshrl.u32 s12, $0x2  }
0x7d: {  	v10 =	vadd.f32 v10, v13;
	v3 =	vadd.f32 v3, v8;
	[tilespmem:s11+$0x12000] =	vst v4  }
0x7e: {  	[tilespmem:s11+$0x12010] =	vst v5;
	v4 =	vadd.f32 v15, v9;
	v2 =	vadd.f32 v2, v11  }
0x7f: {  	[tilespmem:s11+$0x12020] =	vst v6;
	v5 =	vadd.f32 v16, v10;
	v0 =	vadd.f32 v0, v3  }
0x80: {  	[tilespmem:s11+$0x12030] =	vst v7;
	v3 =	vadd.f32 v18, v4;
	v1 =	vadd.f32 v1, v2  }
0x81: {  	v2 =	vadd.f32 v19, v5;
	[tilespmem:s11+$0x12040] =	vst v0  }
0x82: {  	p0 =	seq.s32 s10, $0xF;
	v0 =	vadd.f32 v12, v3;
	[tilespmem:s11+$0x12050] =	vst v1  }
0x83: {  	s12 =	sshrl.u32 @!p0 s12, $0x2;
	[tilespmem:s11+$0x12060] =	vst v2  }
0x84: {  	s14 =	simm.s32 @!p0 $0x32;
	s15 =	simm.s32 @!p0 $0x4000;
	s13 =	sadd.s32 @!p0 $0x400, s12;
	[tilespmem:s11+$0x12070] =	vst v0  }
0x85: {  	[tilespmem:s15], [sflag:$0x1] =	stream.indirect.gather @!p0 [hbm4b:s1+s14], $0x80, s13, s14, $0xb8;
	[tilespmem:$0x16000] =	vst v63  }
0x86: {  	_ =	swait.ge [sflag:s25], $0x1900  }
0x87: {  	[sflag:s25] =	ssyncset.done $0x0  }
0x88: {  	s13 =	simm.s32 $0x0;
	[sflag:s25] =	ssyncadd.s32 $0xFFFFE700  }
0x89: {  	v4 =	vld [tilespmem:s13+$0x5E00]  }
0x8a: {  	v5 =	vld [tilespmem:s13+$0x5E10]  }
0x8b: {  	v6 =	vld [tilespmem:s13+$0x5E20]  }
0x8c: {  	v7 =	vld [tilespmem:s13+$0x5E30]  }
0x8d: {  	v0 =	vld [tilespmem:s13+$0x5E40]  }
0x8e: {  	v1 =	vld [tilespmem:s13+$0x5E50]  }
0x8f: {  	v11 =	vld [tilespmem:s13+$0x5D80]  }
0x90: {  	v15 =	vld [tilespmem:s13+$0x5D90]  }
0x91: {  	v10 =	vld [tilespmem:s13+$0x5DA0]  }
0x92: {  	v12 =	vld [tilespmem:s13+$0x5DB0]  }
0x93: {  	v3 =	vld [tilespmem:s13+$0x5DC0]  }
0x94: {  	v2 =	vld [tilespmem:s13+$0x5DD0]  }
0x95: {  	v9 =	vld [tilespmem:s13+$0x5D00]  }
0x96: {  	v13 =	vld [tilespmem:s13+$0x5D10]  }
0x97: {  	v16 =	vld [tilespmem:s13+$0x5D20]  }
0x98: {  	v19 =	vld [tilespmem:s13+$0x5C80]  }
0x99: {  	v20 =	vld [tilespmem:s13+$0x5C90]  }
0x9a: {  	v17 =	vld [tilespmem:s13+$0x5C00]  }
0x9b: {  	v18 =	vld [tilespmem:s13+$0x5C10]  }
0x9c: {  	v21 =	vld [tilespmem:s13+$0x5C20]  }
0x9d: {  	v22 =	vld [tilespmem:s13+$0x5C30]  }
0x9e: {  	v23 =	vld [tilespmem:s13+$0x5CA0]  }
0x9f: {  	v24 =	vld [tilespmem:s13+$0x5CB0]  }
0xa0: {  	v8 =	vimm.f32 $0.0e+00;
	v26 =	vld [tilespmem:s13+$0x5D30]  }
0xa1: {  	v14 =	vld [tilespmem:s13+$0x5D40];
	v25 =	vadd.f32 v17, v8;
	v27 =	vadd.f32 v18, v8  }
0xa2: {  	v17 =	vld [tilespmem:s13+$0x5D50];
	v21 =	vadd.f32 v21, v8;
	v22 =	vadd.f32 v22, v8  }
0xa3: {  	v18 =	vld [tilespmem:s13+$0x5CC0];
	v25 =	vadd.f32 v19, v25;
	v27 =	vadd.f32 v20, v27  }
0xa4: {  	v19 =	vld [tilespmem:s13+$0x5CD0];
	v28 =	vadd.f32 v23, v21;
	v22 =	vadd.f32 v24, v22  }
0xa5: {  	v20 =	vld [tilespmem:s13+$0x5C40];
	v23 =	vadd.f32 v9, v25;
	v24 =	vadd.f32 v13, v27  }
0xa6: {  	v21 =	vld [tilespmem:s13+$0x5C50];
	v25 =	vadd.f32 v16, v28;
	v26 =	vadd.f32 v26, v22  }
0xa7: {  	s14 =	simm.s32 $0xA00;
	v22 =	vld [tilespmem:s13+$0x5C60];
	v16 =	vimm.f32 $0.0e+00;
	v13 =	vimm.f32 $0.0e+00;
	v9 =	vimm.f32 $0.0e+00  }
.LBB2_5:
0xa8: {  	p1 =	sne.s32 s14, $0x5A00;
	v11 =	vadd.f32 v11, v23;
	v15 =	vadd.f32 v15, v24;
	v23 =	vld [tilespmem:s13+$0x5C70]  }
0xa9: {  	v10 =	vadd.f32 v10, v25;
	v12 =	vadd.f32 v12, v26;
	v24 =	vld [tilespmem:s13+$0x5CE0]  }
0xaa: {  	v25 =	vadd.f32 v4, v11;
	v26 =	vadd.f32 v5, v15;
	v4 =	vld [tilespmem:s13+$0x5CF0]  }
0xab: {  	v27 =	vadd.f32 v6, v10;
	v28 =	vadd.f32 v7, v12;
	v5 =	vld [tilespmem:s13+$0x5D60]  }
0xac: {  	v6 =	vadd.f32 v20, v8;
	v7 =	vadd.f32 v21, v16;
	v8 =	vld [tilespmem:s13+$0x5D70]  }
0xad: {  	v10 =	vadd.f32 v22, v13;
	v11 =	vld [tilespmem:s13+$0x5DE0];
	v9 =	vadd.f32 v23, v9  }
0xae: {  	v6 =	vadd.f32 v18, v6;
	v7 =	vadd.f32 v19, v7;
	v12 =	vld [tilespmem:s13+$0x5DF0]  }
0xaf: {  	v10 =	vadd.f32 v24, v10;
	v13 =	vld [tilespmem:s13+$0x5E60];
	v9 =	vadd.f32 v4, v9  }
0xb0: {  	v6 =	vadd.f32 v14, v6;
	v7 =	vadd.f32 v17, v7;
	v14 =	vld [tilespmem:s13+$0x5E70];
	s13 =	sshra.s32 s14, $0x2  }
0xb1: {  	v10 =	vadd.f32 v5, v10;
	v4 =	vld [tilespmem:s13+$0x5E00];
	v8 =	vadd.f32 v8, v9  }
0xb2: {  	v3 =	vadd.f32 v3, v6;
	v2 =	vadd.f32 v2, v7;
	v5 =	vld [tilespmem:s13+$0x5E10]  }
0xb3: {  	v9 =	vadd.f32 v11, v10;
	v6 =	vld [tilespmem:s13+$0x5E20];
	v10 =	vadd.f32 v12, v8  }
0xb4: {  	v8 =	vadd.f32 v0, v3;
	v16 =	vadd.f32 v1, v2;
	v7 =	vld [tilespmem:s13+$0x5E30]  }
0xb5: {  	v13 =	vadd.f32 v13, v9;
	v0 =	vld [tilespmem:s13+$0x5E40];
	v9 =	vadd.f32 v14, v10  }
0xb6: {  	v1 =	vld [tilespmem:s13+$0x5E50]  }
0xb7: {  	v11 =	vld [tilespmem:s13+$0x5D80]  }
0xb8: {  	v15 =	vld [tilespmem:s13+$0x5D90]  }
0xb9: {  	v10 =	vld [tilespmem:s13+$0x5DA0]  }
0xba: {  	v12 =	vld [tilespmem:s13+$0x5DB0]  }
0xbb: {  	v3 =	vld [tilespmem:s13+$0x5DC0]  }
0xbc: {  	v2 =	vld [tilespmem:s13+$0x5DD0]  }
0xbd: {  	v21 =	vld [tilespmem:s13+$0x5D00]  }
0xbe: {  	v22 =	vld [tilespmem:s13+$0x5D10]  }
0xbf: {  	v29 =	vld [tilespmem:s13+$0x5D20]  }
0xc0: {  	v30 =	vld [tilespmem:s13+$0x5D30]  }
0xc1: {  	v19 =	vld [tilespmem:s13+$0x5C80]  }
0xc2: {  	v20 =	vld [tilespmem:s13+$0x5C90]  }
0xc3: {  	v17 =	vld [tilespmem:s13+$0x5C00]  }
0xc4: {  	v18 =	vld [tilespmem:s13+$0x5C10]  }
0xc5: {  	v23 =	vld [tilespmem:s13+$0x5C20]  }
0xc6: {  	v24 =	vld [tilespmem:s13+$0x5C30]  }
0xc7: {  	v31 =	vld [tilespmem:s13+$0x5CA0]  }
0xc8: {  	v32 =	vld [tilespmem:s13+$0x5CB0]  }
0xc9: {  	v14 =	vld [tilespmem:s13+$0x5D40]  }
0xca: {  	v25 =	vadd.f32 v17, v25;
	v26 =	vadd.f32 v18, v26;
	v17 =	vld [tilespmem:s13+$0x5D50]  }
.Ltmp3:
0xcb: {  	v23 =	vadd.f32 v23, v27;
	v24 =	vadd.f32 v24, v28;
	v18 =	vld [tilespmem:s13+$0x5CC0];
	(pc) =	sbr.rel @p1 .LBB2_5-.Ltmp3, $4  }
0xcc: {  	v25 =	vadd.f32 v19, v25;
	v26 =	vadd.f32 v20, v26;
	v19 =	vld [tilespmem:s13+$0x5CD0]  }
0xcd: {  	v27 =	vadd.f32 v31, v23;
	v28 =	vadd.f32 v32, v24;
	v20 =	vld [tilespmem:s13+$0x5C40]  }
0xce: {  	v23 =	vadd.f32 v21, v25;
	v24 =	vadd.f32 v22, v26;
	v21 =	vld [tilespmem:s13+$0x5C50]  }
0xcf: {  	s14 =	sadd.s32 $0xA00, s14;
	v25 =	vadd.f32 v29, v27;
	v26 =	vadd.f32 v30, v28;
	v22 =	vld [tilespmem:s13+$0x5C60]  }
0xd0: {  	v11 =	vadd.f32 v11, v23;
	v15 =	vadd.f32 v15, v24  }
0xd1: {  	v23 =	vld [tilespmem:s13+$0x5C70];
	v10 =	vadd.f32 v10, v25;
	v12 =	vadd.f32 v12, v26  }
0xd2: {  	v24 =	vld [tilespmem:s13+$0x5CE0];
	v4 =	vadd.f32 v4, v11;
	v5 =	vadd.f32 v5, v15  }
0xd3: {  	v11 =	vld [tilespmem:s13+$0x5CF0];
	v8 =	vadd.f32 v20, v8;
	v6 =	vadd.f32 v6, v10  }
0xd4: {  	v10 =	vld [tilespmem:s13+$0x5D60];
	v7 =	vadd.f32 v7, v12;
	v12 =	vadd.f32 v21, v16  }
0xd5: {  	v15 =	vld [tilespmem:s13+$0x5D70];
	v13 =	vadd.f32 v22, v13;
	v8 =	vadd.f32 v18, v8  }
0xd6: {  	v16 =	vld [tilespmem:s13+$0x5DE0];
	v9 =	vadd.f32 v23, v9;
	v12 =	vadd.f32 v19, v12  }
0xd7: {  	v18 =	vld [tilespmem:s13+$0x5DF0];
	v13 =	vadd.f32 v24, v13;
	v8 =	vadd.f32 v14, v8  }
0xd8: {  	v19 =	vld [tilespmem:s13+$0x5E60];
	v9 =	vadd.f32 v11, v9;
	v11 =	vadd.f32 v17, v12  }
0xd9: {  	v12 =	vld [tilespmem:s13+$0x5E70];
	[tilespmem:s11+$0x12080] =	vst v4;
	v10 =	vadd.f32 v10, v13;
	v3 =	vadd.f32 v3, v8  }
0xda: {  	[tilespmem:s11+$0x12090] =	vst v5;
	v4 =	vadd.f32 v15, v9;
	v2 =	vadd.f32 v2, v11  }
0xdb: {  	[tilespmem:s11+$0x120A0] =	vst v6;
	v5 =	vadd.f32 v16, v10;
	v0 =	vadd.f32 v0, v3  }
0xdc: {  	[tilespmem:s11+$0x120B0] =	vst v7;
	v3 =	vadd.f32 v18, v4;
	v1 =	vadd.f32 v1, v2  }
0xdd: {  	v2 =	vadd.f32 v19, v5;
	[tilespmem:s11+$0x120C0] =	vst v0  }
0xde: {  	v0 =	vadd.f32 v12, v3;
	[tilespmem:s11+$0x120D0] =	vst v1  }
0xdf: {  	[tilespmem:s11+$0x120E0] =	vst v2  }
0xe0: {  	s14 =	simm.s32 @!p0 $0x32;
	s15 =	simm.s32 @!p0 $0x5C00;
	s13 =	sadd.s32 @!p0 $0x480, s12;
	[tilespmem:s11+$0x120F0] =	vst v0  }
0xe1: {  	[tilespmem:s15], [sflag:$0x2] =	stream.indirect.gather @!p0 [hbm4b:s1+s14], $0x80, s13, s14, $0xb8;
	[tilespmem:$0x16000] =	vst v63  }
0xe2: {  	_ =	swait.ge [sflag:s26], $0x1900  }
0xe3: {  	[sflag:s26] =	ssyncset.done $0x0  }
0xe4: {  	s13 =	simm.s32 $0x0;
	[sflag:s26] =	ssyncadd.s32 $0xFFFFE700  }
0xe5: {  	v4 =	vld [tilespmem:s13+$0x7A00]  }
0xe6: {  	v5 =	vld [tilespmem:s13+$0x7A10]  }
0xe7: {  	v6 =	vld [tilespmem:s13+$0x7A20]  }
0xe8: {  	v7 =	vld [tilespmem:s13+$0x7A30]  }
0xe9: {  	v0 =	vld [tilespmem:s13+$0x7A40]  }
0xea: {  	v1 =	vld [tilespmem:s13+$0x7A50]  }
0xeb: {  	v11 =	vld [tilespmem:s13+$0x7980]  }
0xec: {  	v15 =	vld [tilespmem:s13+$0x7990]  }
0xed: {  	v10 =	vld [tilespmem:s13+$0x79A0]  }
0xee: {  	v12 =	vld [tilespmem:s13+$0x79B0]  }
0xef: {  	v3 =	vld [tilespmem:s13+$0x79C0]  }
0xf0: {  	v2 =	vld [tilespmem:s13+$0x79D0]  }
0xf1: {  	v9 =	vld [tilespmem:s13+$0x7900]  }
0xf2: {  	v13 =	vld [tilespmem:s13+$0x7910]  }
0xf3: {  	v16 =	vld [tilespmem:s13+$0x7920]  }
0xf4: {  	v19 =	vld [tilespmem:s13+$0x7880]  }
0xf5: {  	v20 =	vld [tilespmem:s13+$0x7890]  }
0xf6: {  	v17 =	vld [tilespmem:s13+$0x7800]  }
0xf7: {  	v18 =	vld [tilespmem:s13+$0x7810]  }
0xf8: {  	v21 =	vld [tilespmem:s13+$0x7820]  }
0xf9: {  	v22 =	vld [tilespmem:s13+$0x7830]  }
0xfa: {  	v23 =	vld [tilespmem:s13+$0x78A0]  }
0xfb: {  	v24 =	vld [tilespmem:s13+$0x78B0]  }
0xfc: {  	v8 =	vimm.f32 $0.0e+00;
	v26 =	vld [tilespmem:s13+$0x7930]  }
0xfd: {  	v14 =	vld [tilespmem:s13+$0x7940];
	v25 =	vadd.f32 v17, v8;
	v27 =	vadd.f32 v18, v8  }
0xfe: {  	v17 =	vld [tilespmem:s13+$0x7950];
	v21 =	vadd.f32 v21, v8;
	v22 =	vadd.f32 v22, v8  }
0xff: {  	v18 =	vld [tilespmem:s13+$0x78C0];
	v25 =	vadd.f32 v19, v25;
	v27 =	vadd.f32 v20, v27  }
0x100: {  	v19 =	vld [tilespmem:s13+$0x78D0];
	v28 =	vadd.f32 v23, v21;
	v22 =	vadd.f32 v24, v22  }
0x101: {  	v20 =	vld [tilespmem:s13+$0x7840];
	v23 =	vadd.f32 v9, v25;
	v24 =	vadd.f32 v13, v27  }
0x102: {  	v21 =	vld [tilespmem:s13+$0x7850];
	v25 =	vadd.f32 v16, v28;
	v26 =	vadd.f32 v26, v22  }
0x103: {  	s14 =	simm.s32 $0xA00;
	v22 =	vld [tilespmem:s13+$0x7860];
	v16 =	vimm.f32 $0.0e+00;
	v13 =	vimm.f32 $0.0e+00;
	v9 =	vimm.f32 $0.0e+00  }
.LBB2_7:
0x104: {  	p1 =	sne.s32 s14, $0x5A00;
	v11 =	vadd.f32 v11, v23;
	v15 =	vadd.f32 v15, v24;
	v23 =	vld [tilespmem:s13+$0x7870]  }
0x105: {  	v10 =	vadd.f32 v10, v25;
	v12 =	vadd.f32 v12, v26;
	v24 =	vld [tilespmem:s13+$0x78E0]  }
0x106: {  	v25 =	vadd.f32 v4, v11;
	v26 =	vadd.f32 v5, v15;
	v4 =	vld [tilespmem:s13+$0x78F0]  }
0x107: {  	v27 =	vadd.f32 v6, v10;
	v28 =	vadd.f32 v7, v12;
	v5 =	vld [tilespmem:s13+$0x7960]  }
0x108: {  	v6 =	vadd.f32 v20, v8;
	v7 =	vadd.f32 v21, v16;
	v8 =	vld [tilespmem:s13+$0x7970]  }
0x109: {  	v10 =	vadd.f32 v22, v13;
	v11 =	vld [tilespmem:s13+$0x79E0];
	v9 =	vadd.f32 v23, v9  }
0x10a: {  	v6 =	vadd.f32 v18, v6;
	v7 =	vadd.f32 v19, v7;
	v12 =	vld [tilespmem:s13+$0x79F0]  }
0x10b: {  	v10 =	vadd.f32 v24, v10;
	v13 =	vld [tilespmem:s13+$0x7A60];
	v9 =	vadd.f32 v4, v9  }
0x10c: {  	v6 =	vadd.f32 v14, v6;
	v7 =	vadd.f32 v17, v7;
	v14 =	vld [tilespmem:s13+$0x7A70];
	s13 =	sshra.s32 s14, $0x2  }
0x10d: {  	v10 =	vadd.f32 v5, v10;
	v4 =	vld [tilespmem:s13+$0x7A00];
	v8 =	vadd.f32 v8, v9  }
0x10e: {  	v3 =	vadd.f32 v3, v6;
	v2 =	vadd.f32 v2, v7;
	v5 =	vld [tilespmem:s13+$0x7A10]  }
0x10f: {  	v9 =	vadd.f32 v11, v10;
	v6 =	vld [tilespmem:s13+$0x7A20];
	v10 =	vadd.f32 v12, v8  }
0x110: {  	v8 =	vadd.f32 v0, v3;
	v16 =	vadd.f32 v1, v2;
	v7 =	vld [tilespmem:s13+$0x7A30]  }
0x111: {  	v13 =	vadd.f32 v13, v9;
	v0 =	vld [tilespmem:s13+$0x7A40];
	v9 =	vadd.f32 v14, v10  }
0x112: {  	v1 =	vld [tilespmem:s13+$0x7A50]  }
0x113: {  	v11 =	vld [tilespmem:s13+$0x7980]  }
0x114: {  	v15 =	vld [tilespmem:s13+$0x7990]  }
0x115: {  	v10 =	vld [tilespmem:s13+$0x79A0]  }
0x116: {  	v12 =	vld [tilespmem:s13+$0x79B0]  }
0x117: {  	v3 =	vld [tilespmem:s13+$0x79C0]  }
0x118: {  	v2 =	vld [tilespmem:s13+$0x79D0]  }
0x119: {  	v21 =	vld [tilespmem:s13+$0x7900]  }
0x11a: {  	v22 =	vld [tilespmem:s13+$0x7910]  }
0x11b: {  	v29 =	vld [tilespmem:s13+$0x7920]  }
0x11c: {  	v30 =	vld [tilespmem:s13+$0x7930]  }
0x11d: {  	v19 =	vld [tilespmem:s13+$0x7880]  }
0x11e: {  	v20 =	vld [tilespmem:s13+$0x7890]  }
0x11f: {  	v17 =	vld [tilespmem:s13+$0x7800]  }
0x120: {  	v18 =	vld [tilespmem:s13+$0x7810]  }
0x121: {  	v23 =	vld [tilespmem:s13+$0x7820]  }
0x122: {  	v24 =	vld [tilespmem:s13+$0x7830]  }
0x123: {  	v31 =	vld [tilespmem:s13+$0x78A0]  }
0x124: {  	v32 =	vld [tilespmem:s13+$0x78B0]  }
0x125: {  	v14 =	vld [tilespmem:s13+$0x7940]  }
0x126: {  	v25 =	vadd.f32 v17, v25;
	v26 =	vadd.f32 v18, v26;
	v17 =	vld [tilespmem:s13+$0x7950]  }
.Ltmp4:
0x127: {  	v23 =	vadd.f32 v23, v27;
	v24 =	vadd.f32 v24, v28;
	v18 =	vld [tilespmem:s13+$0x78C0];
	(pc) =	sbr.rel @p1 .LBB2_7-.Ltmp4, $4  }
0x128: {  	v25 =	vadd.f32 v19, v25;
	v26 =	vadd.f32 v20, v26;
	v19 =	vld [tilespmem:s13+$0x78D0]  }
0x129: {  	v27 =	vadd.f32 v31, v23;
	v28 =	vadd.f32 v32, v24;
	v20 =	vld [tilespmem:s13+$0x7840]  }
0x12a: {  	v23 =	vadd.f32 v21, v25;
	v24 =	vadd.f32 v22, v26;
	v21 =	vld [tilespmem:s13+$0x7850]  }
0x12b: {  	s14 =	sadd.s32 $0xA00, s14;
	v25 =	vadd.f32 v29, v27;
	v26 =	vadd.f32 v30, v28;
	v22 =	vld [tilespmem:s13+$0x7860]  }
0x12c: {  	v11 =	vadd.f32 v11, v23;
	v15 =	vadd.f32 v15, v24  }
0x12d: {  	v23 =	vld [tilespmem:s13+$0x7870];
	v10 =	vadd.f32 v10, v25;
	v12 =	vadd.f32 v12, v26  }
0x12e: {  	v24 =	vld [tilespmem:s13+$0x78E0];
	v4 =	vadd.f32 v4, v11;
	v5 =	vadd.f32 v5, v15  }
0x12f: {  	v11 =	vld [tilespmem:s13+$0x78F0];
	v8 =	vadd.f32 v20, v8;
	v6 =	vadd.f32 v6, v10  }
0x130: {  	v10 =	vld [tilespmem:s13+$0x7960];
	v7 =	vadd.f32 v7, v12;
	v12 =	vadd.f32 v21, v16  }
0x131: {  	v15 =	vld [tilespmem:s13+$0x7970];
	v13 =	vadd.f32 v22, v13;
	v8 =	vadd.f32 v18, v8  }
0x132: {  	v16 =	vld [tilespmem:s13+$0x79E0];
	v9 =	vadd.f32 v23, v9;
	v12 =	vadd.f32 v19, v12  }
0x133: {  	v18 =	vld [tilespmem:s13+$0x79F0];
	v13 =	vadd.f32 v24, v13;
	v8 =	vadd.f32 v14, v8  }
0x134: {  	v19 =	vld [tilespmem:s13+$0x7A60];
	v9 =	vadd.f32 v11, v9;
	v11 =	vadd.f32 v17, v12  }
0x135: {  	v12 =	vld [tilespmem:s13+$0x7A70];
	[tilespmem:s11+$0x12100] =	vst v4;
	v10 =	vadd.f32 v10, v13;
	v3 =	vadd.f32 v3, v8  }
0x136: {  	[tilespmem:s11+$0x12110] =	vst v5;
	v4 =	vadd.f32 v15, v9;
	v2 =	vadd.f32 v2, v11  }
0x137: {  	[tilespmem:s11+$0x12120] =	vst v6;
	v5 =	vadd.f32 v16, v10;
	v0 =	vadd.f32 v0, v3  }
0x138: {  	[tilespmem:s11+$0x12130] =	vst v7;
	v3 =	vadd.f32 v18, v4;
	v1 =	vadd.f32 v1, v2  }
0x139: {  	v2 =	vadd.f32 v19, v5;
	[tilespmem:s11+$0x12140] =	vst v0  }
0x13a: {  	v0 =	vadd.f32 v12, v3;
	[tilespmem:s11+$0x12150] =	vst v1  }
0x13b: {  	[tilespmem:s11+$0x12160] =	vst v2  }
0x13c: {  	s14 =	simm.s32 @!p0 $0x32;
	s15 =	simm.s32 @!p0 $0x7800;
	s13 =	sadd.s32 @!p0 $0x500, s12;
	[tilespmem:s11+$0x12170] =	vst v0  }
0x13d: {  	[tilespmem:s15], [sflag:$0x3] =	stream.indirect.gather @!p0 [hbm4b:s1+s14], $0x80, s13, s14, $0xb8;
	[tilespmem:$0x16000] =	vst v63  }
0x13e: {  	_ =	swait.ge [sflag:s28], $0x1900  }
0x13f: {  	[sflag:s28] =	ssyncset.done $0x0  }
0x140: {  	s13 =	simm.s32 $0x0;
	[sflag:s28] =	ssyncadd.s32 $0xFFFFE700  }
0x141: {  	v4 =	vld [tilespmem:s13+$0x9600]  }
0x142: {  	v5 =	vld [tilespmem:s13+$0x9610]  }
0x143: {  	v6 =	vld [tilespmem:s13+$0x9620]  }
0x144: {  	v7 =	vld [tilespmem:s13+$0x9630]  }
0x145: {  	v0 =	vld [tilespmem:s13+$0x9640]  }
0x146: {  	v1 =	vld [tilespmem:s13+$0x9650]  }
0x147: {  	v11 =	vld [tilespmem:s13+$0x9580]  }
0x148: {  	v15 =	vld [tilespmem:s13+$0x9590]  }
0x149: {  	v10 =	vld [tilespmem:s13+$0x95A0]  }
0x14a: {  	v12 =	vld [tilespmem:s13+$0x95B0]  }
0x14b: {  	v3 =	vld [tilespmem:s13+$0x95C0]  }
0x14c: {  	v2 =	vld [tilespmem:s13+$0x95D0]  }
0x14d: {  	v9 =	vld [tilespmem:s13+$0x9500]  }
0x14e: {  	v13 =	vld [tilespmem:s13+$0x9510]  }
0x14f: {  	v16 =	vld [tilespmem:s13+$0x9520]  }
0x150: {  	v19 =	vld [tilespmem:s13+$0x9480]  }
0x151: {  	v20 =	vld [tilespmem:s13+$0x9490]  }
0x152: {  	v17 =	vld [tilespmem:s13+$0x9400]  }
0x153: {  	v18 =	vld [tilespmem:s13+$0x9410]  }
0x154: {  	v21 =	vld [tilespmem:s13+$0x9420]  }
0x155: {  	v22 =	vld [tilespmem:s13+$0x9430]  }
0x156: {  	v23 =	vld [tilespmem:s13+$0x94A0]  }
0x157: {  	v24 =	vld [tilespmem:s13+$0x94B0]  }
0x158: {  	v8 =	vimm.f32 $0.0e+00;
	v26 =	vld [tilespmem:s13+$0x9530]  }
0x159: {  	v14 =	vld [tilespmem:s13+$0x9540];
	v25 =	vadd.f32 v17, v8;
	v27 =	vadd.f32 v18, v8  }
0x15a: {  	v17 =	vld [tilespmem:s13+$0x9550];
	v21 =	vadd.f32 v21, v8;
	v22 =	vadd.f32 v22, v8  }
0x15b: {  	v18 =	vld [tilespmem:s13+$0x94C0];
	v25 =	vadd.f32 v19, v25;
	v27 =	vadd.f32 v20, v27  }
0x15c: {  	v19 =	vld [tilespmem:s13+$0x94D0];
	v28 =	vadd.f32 v23, v21;
	v22 =	vadd.f32 v24, v22  }
0x15d: {  	v20 =	vld [tilespmem:s13+$0x9440];
	v23 =	vadd.f32 v9, v25;
	v24 =	vadd.f32 v13, v27  }
0x15e: {  	v21 =	vld [tilespmem:s13+$0x9450];
	v25 =	vadd.f32 v16, v28;
	v26 =	vadd.f32 v26, v22  }
0x15f: {  	s14 =	simm.s32 $0xA00;
	v22 =	vld [tilespmem:s13+$0x9460];
	v16 =	vimm.f32 $0.0e+00;
	v13 =	vimm.f32 $0.0e+00;
	v9 =	vimm.f32 $0.0e+00  }
.LBB2_9:
0x160: {  	p1 =	sne.s32 s14, $0x5A00;
	v11 =	vadd.f32 v11, v23;
	v15 =	vadd.f32 v15, v24;
	v23 =	vld [tilespmem:s13+$0x9470]  }
0x161: {  	v10 =	vadd.f32 v10, v25;
	v12 =	vadd.f32 v12, v26;
	v24 =	vld [tilespmem:s13+$0x94E0]  }
0x162: {  	v25 =	vadd.f32 v4, v11;
	v26 =	vadd.f32 v5, v15;
	v4 =	vld [tilespmem:s13+$0x94F0]  }
0x163: {  	v27 =	vadd.f32 v6, v10;
	v28 =	vadd.f32 v7, v12;
	v5 =	vld [tilespmem:s13+$0x9560]  }
0x164: {  	v6 =	vadd.f32 v20, v8;
	v7 =	vadd.f32 v21, v16;
	v8 =	vld [tilespmem:s13+$0x9570]  }
0x165: {  	v10 =	vadd.f32 v22, v13;
	v11 =	vld [tilespmem:s13+$0x95E0];
	v9 =	vadd.f32 v23, v9  }
0x166: {  	v6 =	vadd.f32 v18, v6;
	v7 =	vadd.f32 v19, v7;
	v12 =	vld [tilespmem:s13+$0x95F0]  }
0x167: {  	v10 =	vadd.f32 v24, v10;
	v13 =	vld [tilespmem:s13+$0x9660];
	v9 =	vadd.f32 v4, v9  }
0x168: {  	v6 =	vadd.f32 v14, v6;
	v7 =	vadd.f32 v17, v7;
	v14 =	vld [tilespmem:s13+$0x9670];
	s13 =	sshra.s32 s14, $0x2  }
0x169: {  	v10 =	vadd.f32 v5, v10;
	v4 =	vld [tilespmem:s13+$0x9600];
	v8 =	vadd.f32 v8, v9  }
0x16a: {  	v3 =	vadd.f32 v3, v6;
	v2 =	vadd.f32 v2, v7;
	v5 =	vld [tilespmem:s13+$0x9610]  }
0x16b: {  	v9 =	vadd.f32 v11, v10;
	v6 =	vld [tilespmem:s13+$0x9620];
	v10 =	vadd.f32 v12, v8  }
0x16c: {  	v8 =	vadd.f32 v0, v3;
	v16 =	vadd.f32 v1, v2;
	v7 =	vld [tilespmem:s13+$0x9630]  }
0x16d: {  	v13 =	vadd.f32 v13, v9;
	v0 =	vld [tilespmem:s13+$0x9640];
	v9 =	vadd.f32 v14, v10  }
0x16e: {  	v1 =	vld [tilespmem:s13+$0x9650]  }
0x16f: {  	v11 =	vld [tilespmem:s13+$0x9580]  }
0x170: {  	v15 =	vld [tilespmem:s13+$0x9590]  }
0x171: {  	v10 =	vld [tilespmem:s13+$0x95A0]  }
0x172: {  	v12 =	vld [tilespmem:s13+$0x95B0]  }
0x173: {  	v3 =	vld [tilespmem:s13+$0x95C0]  }
0x174: {  	v2 =	vld [tilespmem:s13+$0x95D0]  }
0x175: {  	v21 =	vld [tilespmem:s13+$0x9500]  }
0x176: {  	v22 =	vld [tilespmem:s13+$0x9510]  }
0x177: {  	v29 =	vld [tilespmem:s13+$0x9520]  }
0x178: {  	v30 =	vld [tilespmem:s13+$0x9530]  }
0x179: {  	v19 =	vld [tilespmem:s13+$0x9480]  }
0x17a: {  	v20 =	vld [tilespmem:s13+$0x9490]  }
0x17b: {  	v17 =	vld [tilespmem:s13+$0x9400]  }
0x17c: {  	v18 =	vld [tilespmem:s13+$0x9410]  }
0x17d: {  	v23 =	vld [tilespmem:s13+$0x9420]  }
0x17e: {  	v24 =	vld [tilespmem:s13+$0x9430]  }
0x17f: {  	v31 =	vld [tilespmem:s13+$0x94A0]  }
0x180: {  	v32 =	vld [tilespmem:s13+$0x94B0]  }
0x181: {  	v14 =	vld [tilespmem:s13+$0x9540]  }
0x182: {  	v25 =	vadd.f32 v17, v25;
	v26 =	vadd.f32 v18, v26;
	v17 =	vld [tilespmem:s13+$0x9550]  }
.Ltmp5:
0x183: {  	v23 =	vadd.f32 v23, v27;
	v24 =	vadd.f32 v24, v28;
	v18 =	vld [tilespmem:s13+$0x94C0];
	(pc) =	sbr.rel @p1 .LBB2_9-.Ltmp5, $4  }
0x184: {  	v25 =	vadd.f32 v19, v25;
	v26 =	vadd.f32 v20, v26;
	v19 =	vld [tilespmem:s13+$0x94D0]  }
0x185: {  	v27 =	vadd.f32 v31, v23;
	v28 =	vadd.f32 v32, v24;
	v20 =	vld [tilespmem:s13+$0x9440]  }
0x186: {  	v23 =	vadd.f32 v21, v25;
	v24 =	vadd.f32 v22, v26;
	v21 =	vld [tilespmem:s13+$0x9450]  }
0x187: {  	s14 =	sadd.s32 $0xA00, s14;
	v25 =	vadd.f32 v29, v27;
	v26 =	vadd.f32 v30, v28;
	v22 =	vld [tilespmem:s13+$0x9460]  }
0x188: {  	v11 =	vadd.f32 v11, v23;
	v15 =	vadd.f32 v15, v24  }
0x189: {  	v23 =	vld [tilespmem:s13+$0x9470];
	v10 =	vadd.f32 v10, v25;
	v12 =	vadd.f32 v12, v26  }
0x18a: {  	v24 =	vld [tilespmem:s13+$0x94E0];
	v4 =	vadd.f32 v4, v11;
	v5 =	vadd.f32 v5, v15  }
0x18b: {  	v11 =	vld [tilespmem:s13+$0x94F0];
	v8 =	vadd.f32 v20, v8;
	v6 =	vadd.f32 v6, v10  }
0x18c: {  	v10 =	vld [tilespmem:s13+$0x9560];
	v7 =	vadd.f32 v7, v12;
	v12 =	vadd.f32 v21, v16  }
0x18d: {  	v15 =	vld [tilespmem:s13+$0x9570];
	v13 =	vadd.f32 v22, v13;
	v8 =	vadd.f32 v18, v8  }
0x18e: {  	v16 =	vld [tilespmem:s13+$0x95E0];
	v9 =	vadd.f32 v23, v9;
	v12 =	vadd.f32 v19, v12  }
0x18f: {  	v18 =	vld [tilespmem:s13+$0x95F0];
	v13 =	vadd.f32 v24, v13;
	v8 =	vadd.f32 v14, v8  }
0x190: {  	v19 =	vld [tilespmem:s13+$0x9660];
	v9 =	vadd.f32 v11, v9;
	v11 =	vadd.f32 v17, v12  }
0x191: {  	v12 =	vld [tilespmem:s13+$0x9670];
	[tilespmem:s11+$0x12180] =	vst v4;
	v10 =	vadd.f32 v10, v13;
	v3 =	vadd.f32 v3, v8  }
0x192: {  	[tilespmem:s11+$0x12190] =	vst v5;
	v4 =	vadd.f32 v15, v9;
	v2 =	vadd.f32 v2, v11  }
0x193: {  	[tilespmem:s11+$0x121A0] =	vst v6;
	v5 =	vadd.f32 v16, v10;
	v0 =	vadd.f32 v0, v3  }
0x194: {  	[tilespmem:s11+$0x121B0] =	vst v7;
	v3 =	vadd.f32 v18, v4;
	v1 =	vadd.f32 v1, v2  }
0x195: {  	v2 =	vadd.f32 v19, v5;
	[tilespmem:s11+$0x121C0] =	vst v0  }
0x196: {  	v0 =	vadd.f32 v12, v3;
	[tilespmem:s11+$0x121D0] =	vst v1  }
0x197: {  	[tilespmem:s11+$0x121E0] =	vst v2  }
0x198: {  	s14 =	simm.s32 @!p0 $0x32;
	s15 =	simm.s32 @!p0 $0x9400;
	s13 =	sadd.s32 @!p0 $0x580, s12;
	[tilespmem:s11+$0x121F0] =	vst v0  }
0x199: {  	[tilespmem:s15], [sflag:$0x4] =	stream.indirect.gather @!p0 [hbm4b:s1+s14], $0x80, s13, s14, $0xb8;
	[tilespmem:$0x16000] =	vst v63  }
0x19a: {  	_ =	swait.ge [sflag:s29], $0x1900  }
0x19b: {  	[sflag:s29] =	ssyncset.done $0x0  }
0x19c: {  	s13 =	simm.s32 $0x0;
	[sflag:s29] =	ssyncadd.s32 $0xFFFFE700  }
0x19d: {  	v4 =	vld [tilespmem:s13+$0xB200]  }
0x19e: {  	v5 =	vld [tilespmem:s13+$0xB210]  }
0x19f: {  	v6 =	vld [tilespmem:s13+$0xB220]  }
0x1a0: {  	v7 =	vld [tilespmem:s13+$0xB230]  }
0x1a1: {  	v0 =	vld [tilespmem:s13+$0xB240]  }
0x1a2: {  	v1 =	vld [tilespmem:s13+$0xB250]  }
0x1a3: {  	v11 =	vld [tilespmem:s13+$0xB180]  }
0x1a4: {  	v15 =	vld [tilespmem:s13+$0xB190]  }
0x1a5: {  	v10 =	vld [tilespmem:s13+$0xB1A0]  }
0x1a6: {  	v12 =	vld [tilespmem:s13+$0xB1B0]  }
0x1a7: {  	v3 =	vld [tilespmem:s13+$0xB1C0]  }
0x1a8: {  	v2 =	vld [tilespmem:s13+$0xB1D0]  }
0x1a9: {  	v9 =	vld [tilespmem:s13+$0xB100]  }
0x1aa: {  	v13 =	vld [tilespmem:s13+$0xB110]  }
0x1ab: {  	v16 =	vld [tilespmem:s13+$0xB120]  }
0x1ac: {  	v19 =	vld [tilespmem:s13+$0xB080]  }
0x1ad: {  	v20 =	vld [tilespmem:s13+$0xB090]  }
0x1ae: {  	v17 =	vld [tilespmem:s13+$0xB000]  }
0x1af: {  	v18 =	vld [tilespmem:s13+$0xB010]  }
0x1b0: {  	v21 =	vld [tilespmem:s13+$0xB020]  }
0x1b1: {  	v22 =	vld [tilespmem:s13+$0xB030]  }
0x1b2: {  	v23 =	vld [tilespmem:s13+$0xB0A0]  }
0x1b3: {  	v24 =	vld [tilespmem:s13+$0xB0B0]  }
0x1b4: {  	v8 =	vimm.f32 $0.0e+00;
	v26 =	vld [tilespmem:s13+$0xB130]  }
0x1b5: {  	v14 =	vld [tilespmem:s13+$0xB140];
	v25 =	vadd.f32 v17, v8;
	v27 =	vadd.f32 v18, v8  }
0x1b6: {  	v17 =	vld [tilespmem:s13+$0xB150];
	v21 =	vadd.f32 v21, v8;
	v22 =	vadd.f32 v22, v8  }
0x1b7: {  	v18 =	vld [tilespmem:s13+$0xB0C0];
	v25 =	vadd.f32 v19, v25;
	v27 =	vadd.f32 v20, v27  }
0x1b8: {  	v19 =	vld [tilespmem:s13+$0xB0D0];
	v28 =	vadd.f32 v23, v21;
	v22 =	vadd.f32 v24, v22  }
0x1b9: {  	v20 =	vld [tilespmem:s13+$0xB040];
	v23 =	vadd.f32 v9, v25;
	v24 =	vadd.f32 v13, v27  }
0x1ba: {  	v21 =	vld [tilespmem:s13+$0xB050];
	v25 =	vadd.f32 v16, v28;
	v26 =	vadd.f32 v26, v22  }
0x1bb: {  	s14 =	simm.s32 $0xA00;
	v22 =	vld [tilespmem:s13+$0xB060];
	v16 =	vimm.f32 $0.0e+00;
	v13 =	vimm.f32 $0.0e+00;
	v9 =	vimm.f32 $0.0e+00  }
.LBB2_11:
0x1bc: {  	p1 =	sne.s32 s14, $0x5A00;
	v11 =	vadd.f32 v11, v23;
	v15 =	vadd.f32 v15, v24;
	v23 =	vld [tilespmem:s13+$0xB070]  }
0x1bd: {  	v10 =	vadd.f32 v10, v25;
	v12 =	vadd.f32 v12, v26;
	v24 =	vld [tilespmem:s13+$0xB0E0]  }
0x1be: {  	v25 =	vadd.f32 v4, v11;
	v26 =	vadd.f32 v5, v15;
	v4 =	vld [tilespmem:s13+$0xB0F0]  }
0x1bf: {  	v27 =	vadd.f32 v6, v10;
	v28 =	vadd.f32 v7, v12;
	v5 =	vld [tilespmem:s13+$0xB160]  }
0x1c0: {  	v6 =	vadd.f32 v20, v8;
	v7 =	vadd.f32 v21, v16;
	v8 =	vld [tilespmem:s13+$0xB170]  }
0x1c1: {  	v10 =	vadd.f32 v22, v13;
	v11 =	vld [tilespmem:s13+$0xB1E0];
	v9 =	vadd.f32 v23, v9  }
0x1c2: {  	v6 =	vadd.f32 v18, v6;
	v7 =	vadd.f32 v19, v7;
	v12 =	vld [tilespmem:s13+$0xB1F0]  }
0x1c3: {  	v10 =	vadd.f32 v24, v10;
	v13 =	vld [tilespmem:s13+$0xB260];
	v9 =	vadd.f32 v4, v9  }
0x1c4: {  	v6 =	vadd.f32 v14, v6;
	v7 =	vadd.f32 v17, v7;
	v14 =	vld [tilespmem:s13+$0xB270];
	s13 =	sshra.s32 s14, $0x2  }
0x1c5: {  	v10 =	vadd.f32 v5, v10;
	v4 =	vld [tilespmem:s13+$0xB200];
	v8 =	vadd.f32 v8, v9  }
0x1c6: {  	v3 =	vadd.f32 v3, v6;
	v2 =	vadd.f32 v2, v7;
	v5 =	vld [tilespmem:s13+$0xB210]  }
0x1c7: {  	v9 =	vadd.f32 v11, v10;
	v6 =	vld [tilespmem:s13+$0xB220];
	v10 =	vadd.f32 v12, v8  }
0x1c8: {  	v8 =	vadd.f32 v0, v3;
	v16 =	vadd.f32 v1, v2;
	v7 =	vld [tilespmem:s13+$0xB230]  }
0x1c9: {  	v13 =	vadd.f32 v13, v9;
	v0 =	vld [tilespmem:s13+$0xB240];
	v9 =	vadd.f32 v14, v10  }
0x1ca: {  	v1 =	vld [tilespmem:s13+$0xB250]  }
0x1cb: {  	v11 =	vld [tilespmem:s13+$0xB180]  }
0x1cc: {  	v15 =	vld [tilespmem:s13+$0xB190]  }
0x1cd: {  	v10 =	vld [tilespmem:s13+$0xB1A0]  }
0x1ce: {  	v12 =	vld [tilespmem:s13+$0xB1B0]  }
0x1cf: {  	v3 =	vld [tilespmem:s13+$0xB1C0]  }
0x1d0: {  	v2 =	vld [tilespmem:s13+$0xB1D0]  }
0x1d1: {  	v21 =	vld [tilespmem:s13+$0xB100]  }
0x1d2: {  	v22 =	vld [tilespmem:s13+$0xB110]  }
0x1d3: {  	v29 =	vld [tilespmem:s13+$0xB120]  }
0x1d4: {  	v30 =	vld [tilespmem:s13+$0xB130]  }
0x1d5: {  	v19 =	vld [tilespmem:s13+$0xB080]  }
0x1d6: {  	v20 =	vld [tilespmem:s13+$0xB090]  }
0x1d7: {  	v17 =	vld [tilespmem:s13+$0xB000]  }
0x1d8: {  	v18 =	vld [tilespmem:s13+$0xB010]  }
0x1d9: {  	v23 =	vld [tilespmem:s13+$0xB020]  }
0x1da: {  	v24 =	vld [tilespmem:s13+$0xB030]  }
0x1db: {  	v31 =	vld [tilespmem:s13+$0xB0A0]  }
0x1dc: {  	v32 =	vld [tilespmem:s13+$0xB0B0]  }
0x1dd: {  	v14 =	vld [tilespmem:s13+$0xB140]  }
0x1de: {  	v25 =	vadd.f32 v17, v25;
	v26 =	vadd.f32 v18, v26;
	v17 =	vld [tilespmem:s13+$0xB150]  }
.Ltmp6:
0x1df: {  	v23 =	vadd.f32 v23, v27;
	v24 =	vadd.f32 v24, v28;
	v18 =	vld [tilespmem:s13+$0xB0C0];
	(pc) =	sbr.rel @p1 .LBB2_11-.Ltmp6, $4  }
0x1e0: {  	v25 =	vadd.f32 v19, v25;
	v26 =	vadd.f32 v20, v26;
	v19 =	vld [tilespmem:s13+$0xB0D0]  }
0x1e1: {  	v27 =	vadd.f32 v31, v23;
	v28 =	vadd.f32 v32, v24;
	v20 =	vld [tilespmem:s13+$0xB040]  }
0x1e2: {  	v23 =	vadd.f32 v21, v25;
	v24 =	vadd.f32 v22, v26;
	v21 =	vld [tilespmem:s13+$0xB050]  }
0x1e3: {  	s14 =	sadd.s32 $0xA00, s14;
	v25 =	vadd.f32 v29, v27;
	v26 =	vadd.f32 v30, v28;
	v22 =	vld [tilespmem:s13+$0xB060]  }
0x1e4: {  	v11 =	vadd.f32 v11, v23;
	v15 =	vadd.f32 v15, v24  }
0x1e5: {  	v23 =	vld [tilespmem:s13+$0xB070];
	v10 =	vadd.f32 v10, v25;
	v12 =	vadd.f32 v12, v26  }
0x1e6: {  	v24 =	vld [tilespmem:s13+$0xB0E0];
	v4 =	vadd.f32 v4, v11;
	v5 =	vadd.f32 v5, v15  }
0x1e7: {  	v11 =	vld [tilespmem:s13+$0xB0F0];
	v8 =	vadd.f32 v20, v8;
	v6 =	vadd.f32 v6, v10  }
0x1e8: {  	v10 =	vld [tilespmem:s13+$0xB160];
	v7 =	vadd.f32 v7, v12;
	v12 =	vadd.f32 v21, v16  }
0x1e9: {  	v15 =	vld [tilespmem:s13+$0xB170];
	v13 =	vadd.f32 v22, v13;
	v8 =	vadd.f32 v18, v8  }
0x1ea: {  	v16 =	vld [tilespmem:s13+$0xB1E0];
	v9 =	vadd.f32 v23, v9;
	v12 =	vadd.f32 v19, v12  }
0x1eb: {  	v18 =	vld [tilespmem:s13+$0xB1F0];
	v13 =	vadd.f32 v24, v13;
	v8 =	vadd.f32 v14, v8  }
0x1ec: {  	v19 =	vld [tilespmem:s13+$0xB260];
	v9 =	vadd.f32 v11, v9;
	v11 =	vadd.f32 v17, v12  }
0x1ed: {  	v12 =	vld [tilespmem:s13+$0xB270];
	[tilespmem:s11+$0x12200] =	vst v4;
	v10 =	vadd.f32 v10, v13;
	v3 =	vadd.f32 v3, v8  }
0x1ee: {  	[tilespmem:s11+$0x12210] =	vst v5;
	v4 =	vadd.f32 v15, v9;
	v2 =	vadd.f32 v2, v11  }
0x1ef: {  	[tilespmem:s11+$0x12220] =	vst v6;
	v5 =	vadd.f32 v16, v10;
	v0 =	vadd.f32 v0, v3  }
0x1f0: {  	[tilespmem:s11+$0x12230] =	vst v7;
	v3 =	vadd.f32 v18, v4;
	v1 =	vadd.f32 v1, v2  }
0x1f1: {  	v2 =	vadd.f32 v19, v5;
	[tilespmem:s11+$0x12240] =	vst v0  }
0x1f2: {  	v0 =	vadd.f32 v12, v3;
	[tilespmem:s11+$0x12250] =	vst v1  }
0x1f3: {  	[tilespmem:s11+$0x12260] =	vst v2  }
0x1f4: {  	s14 =	simm.s32 @!p0 $0x32;
	s15 =	simm.s32 @!p0 $0xB000;
	s13 =	sadd.s32 @!p0 $0x600, s12;
	[tilespmem:s11+$0x12270] =	vst v0  }
0x1f5: {  	[tilespmem:s15], [sflag:$0x5] =	stream.indirect.gather @!p0 [hbm4b:s1+s14], $0x80, s13, s14, $0xb8;
	[tilespmem:$0x16000] =	vst v63  }
0x1f6: {  	_ =	swait.ge [sflag:s30], $0x1900  }
0x1f7: {  	[sflag:s30] =	ssyncset.done $0x0  }
0x1f8: {  	s13 =	simm.s32 $0x0;
	[sflag:s30] =	ssyncadd.s32 $0xFFFFE700  }
0x1f9: {  	v4 =	vld [tilespmem:s13+$0xCE00]  }
0x1fa: {  	v5 =	vld [tilespmem:s13+$0xCE10]  }
0x1fb: {  	v6 =	vld [tilespmem:s13+$0xCE20]  }
0x1fc: {  	v7 =	vld [tilespmem:s13+$0xCE30]  }
0x1fd: {  	v0 =	vld [tilespmem:s13+$0xCE40]  }
0x1fe: {  	v1 =	vld [tilespmem:s13+$0xCE50]  }
0x1ff: {  	v11 =	vld [tilespmem:s13+$0xCD80]  }
0x200: {  	v15 =	vld [tilespmem:s13+$0xCD90]  }
0x201: {  	v10 =	vld [tilespmem:s13+$0xCDA0]  }
0x202: {  	v12 =	vld [tilespmem:s13+$0xCDB0]  }
0x203: {  	v3 =	vld [tilespmem:s13+$0xCDC0]  }
0x204: {  	v2 =	vld [tilespmem:s13+$0xCDD0]  }
0x205: {  	v9 =	vld [tilespmem:s13+$0xCD00]  }
0x206: {  	v13 =	vld [tilespmem:s13+$0xCD10]  }
0x207: {  	v16 =	vld [tilespmem:s13+$0xCD20]  }
0x208: {  	v19 =	vld [tilespmem:s13+$0xCC80]  }
0x209: {  	v20 =	vld [tilespmem:s13+$0xCC90]  }
0x20a: {  	v17 =	vld [tilespmem:s13+$0xCC00]  }
0x20b: {  	v18 =	vld [tilespmem:s13+$0xCC10]  }
0x20c: {  	v21 =	vld [tilespmem:s13+$0xCC20]  }
0x20d: {  	v22 =	vld [tilespmem:s13+$0xCC30]  }
0x20e: {  	v23 =	vld [tilespmem:s13+$0xCCA0]  }
0x20f: {  	v24 =	vld [tilespmem:s13+$0xCCB0]  }
0x210: {  	v8 =	vimm.f32 $0.0e+00;
	v26 =	vld [tilespmem:s13+$0xCD30]  }
0x211: {  	v14 =	vld [tilespmem:s13+$0xCD40];
	v25 =	vadd.f32 v17, v8;
	v27 =	vadd.f32 v18, v8  }
0x212: {  	v17 =	vld [tilespmem:s13+$0xCD50];
	v21 =	vadd.f32 v21, v8;
	v22 =	vadd.f32 v22, v8  }
0x213: {  	v18 =	vld [tilespmem:s13+$0xCCC0];
	v25 =	vadd.f32 v19, v25;
	v27 =	vadd.f32 v20, v27  }
0x214: {  	v19 =	vld [tilespmem:s13+$0xCCD0];
	v28 =	vadd.f32 v23, v21;
	v22 =	vadd.f32 v24, v22  }
0x215: {  	v20 =	vld [tilespmem:s13+$0xCC40];
	v23 =	vadd.f32 v9, v25;
	v24 =	vadd.f32 v13, v27  }
0x216: {  	v21 =	vld [tilespmem:s13+$0xCC50];
	v25 =	vadd.f32 v16, v28;
	v26 =	vadd.f32 v26, v22  }
0x217: {  	s14 =	simm.s32 $0xA00;
	v22 =	vld [tilespmem:s13+$0xCC60];
	v16 =	vimm.f32 $0.0e+00;
	v13 =	vimm.f32 $0.0e+00;
	v9 =	vimm.f32 $0.0e+00  }
.LBB2_13:
0x218: {  	p1 =	sne.s32 s14, $0x5A00;
	v11 =	vadd.f32 v11, v23;
	v15 =	vadd.f32 v15, v24;
	v23 =	vld [tilespmem:s13+$0xCC70]  }
0x219: {  	v10 =	vadd.f32 v10, v25;
	v12 =	vadd.f32 v12, v26;
	v24 =	vld [tilespmem:s13+$0xCCE0]  }
0x21a: {  	v25 =	vadd.f32 v4, v11;
	v26 =	vadd.f32 v5, v15;
	v4 =	vld [tilespmem:s13+$0xCCF0]  }
0x21b: {  	v27 =	vadd.f32 v6, v10;
	v28 =	vadd.f32 v7, v12;
	v5 =	vld [tilespmem:s13+$0xCD60]  }
0x21c: {  	v6 =	vadd.f32 v20, v8;
	v7 =	vadd.f32 v21, v16;
	v8 =	vld [tilespmem:s13+$0xCD70]  }
0x21d: {  	v10 =	vadd.f32 v22, v13;
	v11 =	vld [tilespmem:s13+$0xCDE0];
	v9 =	vadd.f32 v23, v9  }
0x21e: {  	v6 =	vadd.f32 v18, v6;
	v7 =	vadd.f32 v19, v7;
	v12 =	vld [tilespmem:s13+$0xCDF0]  }
0x21f: {  	v10 =	vadd.f32 v24, v10;
	v13 =	vld [tilespmem:s13+$0xCE60];
	v9 =	vadd.f32 v4, v9  }
0x220: {  	v6 =	vadd.f32 v14, v6;
	v7 =	vadd.f32 v17, v7;
	v14 =	vld [tilespmem:s13+$0xCE70];
	s13 =	sshra.s32 s14, $0x2  }
0x221: {  	v10 =	vadd.f32 v5, v10;
	v4 =	vld [tilespmem:s13+$0xCE00];
	v8 =	vadd.f32 v8, v9  }
0x222: {  	v3 =	vadd.f32 v3, v6;
	v2 =	vadd.f32 v2, v7;
	v5 =	vld [tilespmem:s13+$0xCE10]  }
0x223: {  	v9 =	vadd.f32 v11, v10;
	v6 =	vld [tilespmem:s13+$0xCE20];
	v10 =	vadd.f32 v12, v8  }
0x224: {  	v8 =	vadd.f32 v0, v3;
	v16 =	vadd.f32 v1, v2;
	v7 =	vld [tilespmem:s13+$0xCE30]  }
0x225: {  	v13 =	vadd.f32 v13, v9;
	v0 =	vld [tilespmem:s13+$0xCE40];
	v9 =	vadd.f32 v14, v10  }
0x226: {  	v1 =	vld [tilespmem:s13+$0xCE50]  }
0x227: {  	v11 =	vld [tilespmem:s13+$0xCD80]  }
0x228: {  	v15 =	vld [tilespmem:s13+$0xCD90]  }
0x229: {  	v10 =	vld [tilespmem:s13+$0xCDA0]  }
0x22a: {  	v12 =	vld [tilespmem:s13+$0xCDB0]  }
0x22b: {  	v3 =	vld [tilespmem:s13+$0xCDC0]  }
0x22c: {  	v2 =	vld [tilespmem:s13+$0xCDD0]  }
0x22d: {  	v21 =	vld [tilespmem:s13+$0xCD00]  }
0x22e: {  	v22 =	vld [tilespmem:s13+$0xCD10]  }
0x22f: {  	v29 =	vld [tilespmem:s13+$0xCD20]  }
0x230: {  	v30 =	vld [tilespmem:s13+$0xCD30]  }
0x231: {  	v19 =	vld [tilespmem:s13+$0xCC80]  }
0x232: {  	v20 =	vld [tilespmem:s13+$0xCC90]  }
0x233: {  	v17 =	vld [tilespmem:s13+$0xCC00]  }
0x234: {  	v18 =	vld [tilespmem:s13+$0xCC10]  }
0x235: {  	v23 =	vld [tilespmem:s13+$0xCC20]  }
0x236: {  	v24 =	vld [tilespmem:s13+$0xCC30]  }
0x237: {  	v31 =	vld [tilespmem:s13+$0xCCA0]  }
0x238: {  	v32 =	vld [tilespmem:s13+$0xCCB0]  }
0x239: {  	v14 =	vld [tilespmem:s13+$0xCD40]  }
0x23a: {  	v25 =	vadd.f32 v17, v25;
	v26 =	vadd.f32 v18, v26;
	v17 =	vld [tilespmem:s13+$0xCD50]  }
.Ltmp7:
0x23b: {  	v23 =	vadd.f32 v23, v27;
	v24 =	vadd.f32 v24, v28;
	v18 =	vld [tilespmem:s13+$0xCCC0];
	(pc) =	sbr.rel @p1 .LBB2_13-.Ltmp7, $4  }
0x23c: {  	v25 =	vadd.f32 v19, v25;
	v26 =	vadd.f32 v20, v26;
	v19 =	vld [tilespmem:s13+$0xCCD0]  }
0x23d: {  	v27 =	vadd.f32 v31, v23;
	v28 =	vadd.f32 v32, v24;
	v20 =	vld [tilespmem:s13+$0xCC40]  }
0x23e: {  	v23 =	vadd.f32 v21, v25;
	v24 =	vadd.f32 v22, v26;
	v21 =	vld [tilespmem:s13+$0xCC50]  }
0x23f: {  	s14 =	sadd.s32 $0xA00, s14;
	v25 =	vadd.f32 v29, v27;
	v26 =	vadd.f32 v30, v28;
	v22 =	vld [tilespmem:s13+$0xCC60]  }
0x240: {  	v11 =	vadd.f32 v11, v23;
	v15 =	vadd.f32 v15, v24  }
0x241: {  	v23 =	vld [tilespmem:s13+$0xCC70];
	v10 =	vadd.f32 v10, v25;
	v12 =	vadd.f32 v12, v26  }
0x242: {  	v24 =	vld [tilespmem:s13+$0xCCE0];
	v4 =	vadd.f32 v4, v11;
	v5 =	vadd.f32 v5, v15  }
0x243: {  	v11 =	vld [tilespmem:s13+$0xCCF0];
	v8 =	vadd.f32 v20, v8;
	v6 =	vadd.f32 v6, v10  }
0x244: {  	v10 =	vld [tilespmem:s13+$0xCD60];
	v7 =	vadd.f32 v7, v12;
	v12 =	vadd.f32 v21, v16  }
0x245: {  	v15 =	vld [tilespmem:s13+$0xCD70];
	v13 =	vadd.f32 v22, v13;
	v8 =	vadd.f32 v18, v8  }
0x246: {  	v16 =	vld [tilespmem:s13+$0xCDE0];
	v9 =	vadd.f32 v23, v9;
	v12 =	vadd.f32 v19, v12  }
0x247: {  	v18 =	vld [tilespmem:s13+$0xCDF0];
	v13 =	vadd.f32 v24, v13;
	v8 =	vadd.f32 v14, v8  }
0x248: {  	v19 =	vld [tilespmem:s13+$0xCE60];
	v9 =	vadd.f32 v11, v9;
	v11 =	vadd.f32 v17, v12  }
0x249: {  	v12 =	vld [tilespmem:s13+$0xCE70];
	[tilespmem:s11+$0x12280] =	vst v4;
	v10 =	vadd.f32 v10, v13;
	v3 =	vadd.f32 v3, v8  }
0x24a: {  	[tilespmem:s11+$0x12290] =	vst v5;
	v4 =	vadd.f32 v15, v9;
	v2 =	vadd.f32 v2, v11  }
0x24b: {  	[tilespmem:s11+$0x122A0] =	vst v6;
	v5 =	vadd.f32 v16, v10;
	v0 =	vadd.f32 v0, v3  }
0x24c: {  	[tilespmem:s11+$0x122B0] =	vst v7;
	v3 =	vadd.f32 v18, v4;
	v1 =	vadd.f32 v1, v2  }
0x24d: {  	v2 =	vadd.f32 v19, v5;
	[tilespmem:s11+$0x122C0] =	vst v0  }
0x24e: {  	v0 =	vadd.f32 v12, v3;
	[tilespmem:s11+$0x122D0] =	vst v1  }
0x24f: {  	[tilespmem:s11+$0x122E0] =	vst v2  }
0x250: {  	s14 =	simm.s32 @!p0 $0x32;
	s15 =	simm.s32 @!p0 $0xCC00;
	s13 =	sadd.s32 @!p0 $0x680, s12;
	[tilespmem:s11+$0x122F0] =	vst v0  }
0x251: {  	[tilespmem:s15], [sflag:$0x6] =	stream.indirect.gather @!p0 [hbm4b:s1+s14], $0x80, s13, s14, $0xb8;
	[tilespmem:$0x16000] =	vst v63  }
0x252: {  	_ =	swait.ge [sflag:s31], $0x1900  }
0x253: {  	[sflag:s31] =	ssyncset.done $0x0  }
0x254: {  	s13 =	simm.s32 $0x0;
	[sflag:s31] =	ssyncadd.s32 $0xFFFFE700  }
0x255: {  	v4 =	vld [tilespmem:s13+$0xEA00]  }
0x256: {  	v5 =	vld [tilespmem:s13+$0xEA10]  }
0x257: {  	v6 =	vld [tilespmem:s13+$0xEA20]  }
0x258: {  	v7 =	vld [tilespmem:s13+$0xEA30]  }
0x259: {  	v0 =	vld [tilespmem:s13+$0xEA40]  }
0x25a: {  	v1 =	vld [tilespmem:s13+$0xEA50]  }
0x25b: {  	v11 =	vld [tilespmem:s13+$0xE980]  }
0x25c: {  	v15 =	vld [tilespmem:s13+$0xE990]  }
0x25d: {  	v10 =	vld [tilespmem:s13+$0xE9A0]  }
0x25e: {  	v12 =	vld [tilespmem:s13+$0xE9B0]  }
0x25f: {  	v3 =	vld [tilespmem:s13+$0xE9C0]  }
0x260: {  	v2 =	vld [tilespmem:s13+$0xE9D0]  }
0x261: {  	v9 =	vld [tilespmem:s13+$0xE900]  }
0x262: {  	v13 =	vld [tilespmem:s13+$0xE910]  }
0x263: {  	v16 =	vld [tilespmem:s13+$0xE920]  }
0x264: {  	v19 =	vld [tilespmem:s13+$0xE880]  }
0x265: {  	v20 =	vld [tilespmem:s13+$0xE890]  }
0x266: {  	v17 =	vld [tilespmem:s13+$0xE800]  }
0x267: {  	v18 =	vld [tilespmem:s13+$0xE810]  }
0x268: {  	v21 =	vld [tilespmem:s13+$0xE820]  }
0x269: {  	v22 =	vld [tilespmem:s13+$0xE830]  }
0x26a: {  	v23 =	vld [tilespmem:s13+$0xE8A0]  }
0x26b: {  	v24 =	vld [tilespmem:s13+$0xE8B0]  }
0x26c: {  	v8 =	vimm.f32 $0.0e+00;
	v26 =	vld [tilespmem:s13+$0xE930]  }
0x26d: {  	v14 =	vld [tilespmem:s13+$0xE940];
	v25 =	vadd.f32 v17, v8;
	v27 =	vadd.f32 v18, v8  }
0x26e: {  	v17 =	vld [tilespmem:s13+$0xE950];
	v21 =	vadd.f32 v21, v8;
	v22 =	vadd.f32 v22, v8  }
0x26f: {  	v18 =	vld [tilespmem:s13+$0xE8C0];
	v25 =	vadd.f32 v19, v25;
	v27 =	vadd.f32 v20, v27  }
0x270: {  	v19 =	vld [tilespmem:s13+$0xE8D0];
	v28 =	vadd.f32 v23, v21;
	v22 =	vadd.f32 v24, v22  }
0x271: {  	v20 =	vld [tilespmem:s13+$0xE840];
	v23 =	vadd.f32 v9, v25;
	v24 =	vadd.f32 v13, v27  }
0x272: {  	v21 =	vld [tilespmem:s13+$0xE850];
	v25 =	vadd.f32 v16, v28;
	v26 =	vadd.f32 v26, v22  }
0x273: {  	s14 =	simm.s32 $0xA00;
	v22 =	vld [tilespmem:s13+$0xE860];
	v16 =	vimm.f32 $0.0e+00;
	v13 =	vimm.f32 $0.0e+00;
	v9 =	vimm.f32 $0.0e+00  }
.LBB2_15:
0x274: {  	p1 =	sne.s32 s14, $0x5A00;
	v11 =	vadd.f32 v11, v23;
	v15 =	vadd.f32 v15, v24;
	v23 =	vld [tilespmem:s13+$0xE870]  }
0x275: {  	v10 =	vadd.f32 v10, v25;
	v12 =	vadd.f32 v12, v26;
	v24 =	vld [tilespmem:s13+$0xE8E0]  }
0x276: {  	v25 =	vadd.f32 v4, v11;
	v26 =	vadd.f32 v5, v15;
	v4 =	vld [tilespmem:s13+$0xE8F0]  }
0x277: {  	v27 =	vadd.f32 v6, v10;
	v28 =	vadd.f32 v7, v12;
	v5 =	vld [tilespmem:s13+$0xE960]  }
0x278: {  	v6 =	vadd.f32 v20, v8;
	v7 =	vadd.f32 v21, v16;
	v8 =	vld [tilespmem:s13+$0xE970]  }
0x279: {  	v10 =	vadd.f32 v22, v13;
	v11 =	vld [tilespmem:s13+$0xE9E0];
	v9 =	vadd.f32 v23, v9  }
0x27a: {  	v6 =	vadd.f32 v18, v6;
	v7 =	vadd.f32 v19, v7;
	v12 =	vld [tilespmem:s13+$0xE9F0]  }
0x27b: {  	v10 =	vadd.f32 v24, v10;
	v13 =	vld [tilespmem:s13+$0xEA60];
	v9 =	vadd.f32 v4, v9  }
0x27c: {  	v6 =	vadd.f32 v14, v6;
	v7 =	vadd.f32 v17, v7;
	v14 =	vld [tilespmem:s13+$0xEA70];
	s13 =	sshra.s32 s14, $0x2  }
0x27d: {  	v10 =	vadd.f32 v5, v10;
	v4 =	vld [tilespmem:s13+$0xEA00];
	v8 =	vadd.f32 v8, v9  }
0x27e: {  	v3 =	vadd.f32 v3, v6;
	v2 =	vadd.f32 v2, v7;
	v5 =	vld [tilespmem:s13+$0xEA10]  }
0x27f: {  	v9 =	vadd.f32 v11, v10;
	v6 =	vld [tilespmem:s13+$0xEA20];
	v10 =	vadd.f32 v12, v8  }
0x280: {  	v8 =	vadd.f32 v0, v3;
	v16 =	vadd.f32 v1, v2;
	v7 =	vld [tilespmem:s13+$0xEA30]  }
0x281: {  	v13 =	vadd.f32 v13, v9;
	v0 =	vld [tilespmem:s13+$0xEA40];
	v9 =	vadd.f32 v14, v10  }
0x282: {  	v1 =	vld [tilespmem:s13+$0xEA50]  }
0x283: {  	v11 =	vld [tilespmem:s13+$0xE980]  }
0x284: {  	v15 =	vld [tilespmem:s13+$0xE990]  }
0x285: {  	v10 =	vld [tilespmem:s13+$0xE9A0]  }
0x286: {  	v12 =	vld [tilespmem:s13+$0xE9B0]  }
0x287: {  	v3 =	vld [tilespmem:s13+$0xE9C0]  }
0x288: {  	v2 =	vld [tilespmem:s13+$0xE9D0]  }
0x289: {  	v21 =	vld [tilespmem:s13+$0xE900]  }
0x28a: {  	v22 =	vld [tilespmem:s13+$0xE910]  }
0x28b: {  	v29 =	vld [tilespmem:s13+$0xE920]  }
0x28c: {  	v30 =	vld [tilespmem:s13+$0xE930]  }
0x28d: {  	v19 =	vld [tilespmem:s13+$0xE880]  }
0x28e: {  	v20 =	vld [tilespmem:s13+$0xE890]  }
0x28f: {  	v17 =	vld [tilespmem:s13+$0xE800]  }
0x290: {  	v18 =	vld [tilespmem:s13+$0xE810]  }
0x291: {  	v23 =	vld [tilespmem:s13+$0xE820]  }
0x292: {  	v24 =	vld [tilespmem:s13+$0xE830]  }
0x293: {  	v31 =	vld [tilespmem:s13+$0xE8A0]  }
0x294: {  	v32 =	vld [tilespmem:s13+$0xE8B0]  }
0x295: {  	v14 =	vld [tilespmem:s13+$0xE940]  }
0x296: {  	v25 =	vadd.f32 v17, v25;
	v26 =	vadd.f32 v18, v26;
	v17 =	vld [tilespmem:s13+$0xE950]  }
.Ltmp8:
0x297: {  	v23 =	vadd.f32 v23, v27;
	v24 =	vadd.f32 v24, v28;
	v18 =	vld [tilespmem:s13+$0xE8C0];
	(pc) =	sbr.rel @p1 .LBB2_15-.Ltmp8, $4  }
0x298: {  	v25 =	vadd.f32 v19, v25;
	v26 =	vadd.f32 v20, v26;
	v19 =	vld [tilespmem:s13+$0xE8D0]  }
0x299: {  	v27 =	vadd.f32 v31, v23;
	v28 =	vadd.f32 v32, v24;
	v20 =	vld [tilespmem:s13+$0xE840]  }
0x29a: {  	v23 =	vadd.f32 v21, v25;
	v24 =	vadd.f32 v22, v26;
	v21 =	vld [tilespmem:s13+$0xE850]  }
0x29b: {  	s14 =	sadd.s32 $0xA00, s14;
	v25 =	vadd.f32 v29, v27;
	v26 =	vadd.f32 v30, v28;
	v22 =	vld [tilespmem:s13+$0xE860]  }
0x29c: {  	v11 =	vadd.f32 v11, v23;
	v15 =	vadd.f32 v15, v24  }
0x29d: {  	v23 =	vld [tilespmem:s13+$0xE870];
	v10 =	vadd.f32 v10, v25;
	v12 =	vadd.f32 v12, v26  }
0x29e: {  	v24 =	vld [tilespmem:s13+$0xE8E0];
	v4 =	vadd.f32 v4, v11;
	v5 =	vadd.f32 v5, v15  }
0x29f: {  	v11 =	vld [tilespmem:s13+$0xE8F0];
	v8 =	vadd.f32 v20, v8;
	v6 =	vadd.f32 v6, v10  }
0x2a0: {  	v10 =	vld [tilespmem:s13+$0xE960];
	v7 =	vadd.f32 v7, v12;
	v12 =	vadd.f32 v21, v16  }
0x2a1: {  	v15 =	vld [tilespmem:s13+$0xE970];
	v13 =	vadd.f32 v22, v13;
	v8 =	vadd.f32 v18, v8  }
0x2a2: {  	v16 =	vld [tilespmem:s13+$0xE9E0];
	v9 =	vadd.f32 v23, v9;
	v12 =	vadd.f32 v19, v12  }
0x2a3: {  	v18 =	vld [tilespmem:s13+$0xE9F0];
	v13 =	vadd.f32 v24, v13;
	v8 =	vadd.f32 v14, v8  }
0x2a4: {  	v19 =	vld [tilespmem:s13+$0xEA60];
	v9 =	vadd.f32 v11, v9;
	v11 =	vadd.f32 v17, v12  }
0x2a5: {  	v12 =	vld [tilespmem:s13+$0xEA70];
	[tilespmem:s11+$0x12300] =	vst v4;
	v10 =	vadd.f32 v10, v13;
	v3 =	vadd.f32 v3, v8  }
0x2a6: {  	[tilespmem:s11+$0x12310] =	vst v5;
	v4 =	vadd.f32 v15, v9;
	v2 =	vadd.f32 v2, v11  }
0x2a7: {  	[tilespmem:s11+$0x12320] =	vst v6;
	v5 =	vadd.f32 v16, v10;
	v0 =	vadd.f32 v0, v3  }
0x2a8: {  	[tilespmem:s11+$0x12330] =	vst v7;
	v3 =	vadd.f32 v18, v4;
	v1 =	vadd.f32 v1, v2  }
0x2a9: {  	v2 =	vadd.f32 v19, v5;
	[tilespmem:s11+$0x12340] =	vst v0  }
0x2aa: {  	v0 =	vadd.f32 v12, v3;
	[tilespmem:s11+$0x12350] =	vst v1  }
0x2ab: {  	[tilespmem:s11+$0x12360] =	vst v2  }
0x2ac: {  	s12 =	sadd.s32 @!p0 $0x700, s12;
	s14 =	simm.s32 @!p0 $0xE800;
	s13 =	simm.s32 @!p0 $0x32;
	[tilespmem:s11+$0x12370] =	vst v0  }
0x2ad: {  	[tilespmem:s14], [sflag:$0x7] =	stream.indirect.gather @!p0 [hbm4b:s1+s13], $0x80, s12, s13, $0xb8;
	[tilespmem:$0x16000] =	vst v63  }
0x2ae: {  	_ =	swait.ge [sflag:s0], $0x1900  }
0x2af: {  	[sflag:s0] =	ssyncset.done $0x0  }
0x2b0: {  	s12 =	simm.s32 $0x0;
	[sflag:s0] =	ssyncadd.s32 $0xFFFFE700  }
0x2b1: {  	v4 =	vld [tilespmem:s12+$0x10600]  }
0x2b2: {  	v5 =	vld [tilespmem:s12+$0x10610]  }
0x2b3: {  	v6 =	vld [tilespmem:s12+$0x10620]  }
0x2b4: {  	v7 =	vld [tilespmem:s12+$0x10630]  }
0x2b5: {  	v0 =	vld [tilespmem:s12+$0x10640]  }
0x2b6: {  	v1 =	vld [tilespmem:s12+$0x10650]  }
0x2b7: {  	v11 =	vld [tilespmem:s12+$0x10580]  }
0x2b8: {  	v15 =	vld [tilespmem:s12+$0x10590]  }
0x2b9: {  	v10 =	vld [tilespmem:s12+$0x105A0]  }
0x2ba: {  	v12 =	vld [tilespmem:s12+$0x105B0]  }
0x2bb: {  	v3 =	vld [tilespmem:s12+$0x105C0]  }
0x2bc: {  	v2 =	vld [tilespmem:s12+$0x105D0]  }
0x2bd: {  	v9 =	vld [tilespmem:s12+$0x10500]  }
0x2be: {  	v13 =	vld [tilespmem:s12+$0x10510]  }
0x2bf: {  	v16 =	vld [tilespmem:s12+$0x10520]  }
0x2c0: {  	v19 =	vld [tilespmem:s12+$0x10480]  }
0x2c1: {  	v20 =	vld [tilespmem:s12+$0x10490]  }
0x2c2: {  	v17 =	vld [tilespmem:s12+$0x10400]  }
0x2c3: {  	v18 =	vld [tilespmem:s12+$0x10410]  }
0x2c4: {  	v21 =	vld [tilespmem:s12+$0x10420]  }
0x2c5: {  	v22 =	vld [tilespmem:s12+$0x10430]  }
0x2c6: {  	v23 =	vld [tilespmem:s12+$0x104A0]  }
0x2c7: {  	v24 =	vld [tilespmem:s12+$0x104B0]  }
0x2c8: {  	v8 =	vimm.f32 $0.0e+00;
	v26 =	vld [tilespmem:s12+$0x10530]  }
0x2c9: {  	v14 =	vld [tilespmem:s12+$0x10540];
	v25 =	vadd.f32 v17, v8;
	v27 =	vadd.f32 v18, v8  }
0x2ca: {  	v17 =	vld [tilespmem:s12+$0x10550];
	v21 =	vadd.f32 v21, v8;
	v22 =	vadd.f32 v22, v8  }
0x2cb: {  	v18 =	vld [tilespmem:s12+$0x104C0];
	v25 =	vadd.f32 v19, v25;
	v27 =	vadd.f32 v20, v27  }
0x2cc: {  	v19 =	vld [tilespmem:s12+$0x104D0];
	v28 =	vadd.f32 v23, v21;
	v22 =	vadd.f32 v24, v22  }
0x2cd: {  	v20 =	vld [tilespmem:s12+$0x10440];
	v23 =	vadd.f32 v9, v25;
	v24 =	vadd.f32 v13, v27  }
0x2ce: {  	v21 =	vld [tilespmem:s12+$0x10450];
	v25 =	vadd.f32 v16, v28;
	v26 =	vadd.f32 v26, v22  }
0x2cf: {  	s13 =	simm.s32 $0xA00;
	v22 =	vld [tilespmem:s12+$0x10460];
	v16 =	vimm.f32 $0.0e+00;
	v13 =	vimm.f32 $0.0e+00;
	v9 =	vimm.f32 $0.0e+00  }
.LBB2_17:
0x2d0: {  	p1 =	sne.s32 s13, $0x5A00;
	v11 =	vadd.f32 v11, v23;
	v15 =	vadd.f32 v15, v24;
	v23 =	vld [tilespmem:s12+$0x10470]  }
0x2d1: {  	v10 =	vadd.f32 v10, v25;
	v12 =	vadd.f32 v12, v26;
	v24 =	vld [tilespmem:s12+$0x104E0]  }
0x2d2: {  	v25 =	vadd.f32 v4, v11;
	v26 =	vadd.f32 v5, v15;
	v4 =	vld [tilespmem:s12+$0x104F0]  }
0x2d3: {  	v27 =	vadd.f32 v6, v10;
	v28 =	vadd.f32 v7, v12;
	v5 =	vld [tilespmem:s12+$0x10560]  }
0x2d4: {  	v6 =	vadd.f32 v20, v8;
	v7 =	vadd.f32 v21, v16;
	v8 =	vld [tilespmem:s12+$0x10570]  }
0x2d5: {  	v10 =	vadd.f32 v22, v13;
	v11 =	vld [tilespmem:s12+$0x105E0];
	v9 =	vadd.f32 v23, v9  }
0x2d6: {  	v6 =	vadd.f32 v18, v6;
	v7 =	vadd.f32 v19, v7;
	v12 =	vld [tilespmem:s12+$0x105F0]  }
0x2d7: {  	v10 =	vadd.f32 v24, v10;
	v13 =	vld [tilespmem:s12+$0x10660];
	v9 =	vadd.f32 v4, v9  }
0x2d8: {  	v6 =	vadd.f32 v14, v6;
	v7 =	vadd.f32 v17, v7;
	v14 =	vld [tilespmem:s12+$0x10670];
	s12 =	sshra.s32 s13, $0x2  }
0x2d9: {  	v10 =	vadd.f32 v5, v10;
	v4 =	vld [tilespmem:s12+$0x10600];
	v8 =	vadd.f32 v8, v9  }
0x2da: {  	v3 =	vadd.f32 v3, v6;
	v2 =	vadd.f32 v2, v7;
	v5 =	vld [tilespmem:s12+$0x10610]  }
0x2db: {  	v9 =	vadd.f32 v11, v10;
	v6 =	vld [tilespmem:s12+$0x10620];
	v10 =	vadd.f32 v12, v8  }
0x2dc: {  	v8 =	vadd.f32 v0, v3;
	v16 =	vadd.f32 v1, v2;
	v7 =	vld [tilespmem:s12+$0x10630]  }
0x2dd: {  	v13 =	vadd.f32 v13, v9;
	v0 =	vld [tilespmem:s12+$0x10640];
	v9 =	vadd.f32 v14, v10  }
0x2de: {  	v1 =	vld [tilespmem:s12+$0x10650]  }
0x2df: {  	v11 =	vld [tilespmem:s12+$0x10580]  }
0x2e0: {  	v15 =	vld [tilespmem:s12+$0x10590]  }
0x2e1: {  	v10 =	vld [tilespmem:s12+$0x105A0]  }
0x2e2: {  	v12 =	vld [tilespmem:s12+$0x105B0]  }
0x2e3: {  	v3 =	vld [tilespmem:s12+$0x105C0]  }
0x2e4: {  	v2 =	vld [tilespmem:s12+$0x105D0]  }
0x2e5: {  	v21 =	vld [tilespmem:s12+$0x10500]  }
0x2e6: {  	v22 =	vld [tilespmem:s12+$0x10510]  }
0x2e7: {  	v29 =	vld [tilespmem:s12+$0x10520]  }
0x2e8: {  	v30 =	vld [tilespmem:s12+$0x10530]  }
0x2e9: {  	v19 =	vld [tilespmem:s12+$0x10480]  }
0x2ea: {  	v20 =	vld [tilespmem:s12+$0x10490]  }
0x2eb: {  	v17 =	vld [tilespmem:s12+$0x10400]  }
0x2ec: {  	v18 =	vld [tilespmem:s12+$0x10410]  }
0x2ed: {  	v23 =	vld [tilespmem:s12+$0x10420]  }
0x2ee: {  	v24 =	vld [tilespmem:s12+$0x10430]  }
0x2ef: {  	v31 =	vld [tilespmem:s12+$0x104A0]  }
0x2f0: {  	v32 =	vld [tilespmem:s12+$0x104B0]  }
0x2f1: {  	v14 =	vld [tilespmem:s12+$0x10540]  }
0x2f2: {  	v25 =	vadd.f32 v17, v25;
	v26 =	vadd.f32 v18, v26;
	v17 =	vld [tilespmem:s12+$0x10550]  }
.Ltmp9:
0x2f3: {  	v23 =	vadd.f32 v23, v27;
	v24 =	vadd.f32 v24, v28;
	v18 =	vld [tilespmem:s12+$0x104C0];
	(pc) =	sbr.rel @p1 .LBB2_17-.Ltmp9, $4  }
0x2f4: {  	v25 =	vadd.f32 v19, v25;
	v26 =	vadd.f32 v20, v26;
	v19 =	vld [tilespmem:s12+$0x104D0]  }
0x2f5: {  	v27 =	vadd.f32 v31, v23;
	v28 =	vadd.f32 v32, v24;
	v20 =	vld [tilespmem:s12+$0x10440]  }
0x2f6: {  	v23 =	vadd.f32 v21, v25;
	v24 =	vadd.f32 v22, v26;
	v21 =	vld [tilespmem:s12+$0x10450]  }
0x2f7: {  	s13 =	sadd.s32 $0xA00, s13;
	v25 =	vadd.f32 v29, v27;
	v26 =	vadd.f32 v30, v28;
	v22 =	vld [tilespmem:s12+$0x10460]  }
0x2f8: {  	v11 =	vadd.f32 v11, v23;
	v15 =	vadd.f32 v15, v24  }
0x2f9: {  	v48 =	vld [tilespmem:s12+$0x10470];
	v10 =	vadd.f32 v10, v25;
	v12 =	vadd.f32 v12, v26  }
0x2fa: {  	v49 =	vld [tilespmem:s12+$0x104E0];
	v4 =	vadd.f32 v4, v11;
	v5 =	vadd.f32 v5, v15  }
0x2fb: {  	v50 =	vld [tilespmem:s12+$0x104F0];
	v8 =	vadd.f32 v20, v8;
	v6 =	vadd.f32 v6, v10  }
0x2fc: {  	v51 =	vld [tilespmem:s12+$0x10560];
	v7 =	vadd.f32 v7, v12;
	v52 =	vadd.f32 v21, v16  }
0x2fd: {  	v53 =	vld [tilespmem:s12+$0x10570];
	v13 =	vadd.f32 v22, v13;
	v8 =	vadd.f32 v18, v8  }
0x2fe: {  	v54 =	vld [tilespmem:s12+$0x105E0];
	v9 =	vadd.f32 v48, v9;
	v12 =	vadd.f32 v19, v52  }
0x2ff: {  	v55 =	vld [tilespmem:s12+$0x105F0];
	v13 =	vadd.f32 v49, v13;
	v8 =	vadd.f32 v14, v8  }
0x300: {  	v56 =	vld [tilespmem:s12+$0x10660];
	v9 =	vadd.f32 v50, v9;
	v57 =	vadd.f32 v17, v12  }
0x301: {  	v58 =	vld [tilespmem:s12+$0x10670];
	[tilespmem:s11+$0x12380] =	vst v4;
	v10 =	vadd.f32 v51, v13;
	v3 =	vadd.f32 v3, v8  }
0x302: {  	[tilespmem:s11+$0x12390] =	vst v5;
	v59 =	vadd.f32 v53, v9;
	v2 =	vadd.f32 v2, v57  }
0x303: {  	[tilespmem:s11+$0x123A0] =	vst v6;
	v60 =	vadd.f32 v54, v10;
	v0 =	vadd.f32 v0, v3  }
.Ltmp10:
0x304: {  	[tilespmem:s11+$0x123B0] =	vst v7;
	v61 =	vadd.f32 v55, v59;
	v1 =	vadd.f32 v1, v2;
	(pc) =	sbr.rel @p0 .LBB2_20-.Ltmp10, $4  }
0x305: {  	v62 =	vadd.f32 v56, v60;
	[tilespmem:s11+$0x123C0] =	vst v0  }
0x306: {  	v63 =	vadd.f32 v58, v61;
	[tilespmem:s11+$0x123D0] =	vst v1  }
0x307: {  	[tilespmem:s11+$0x123E0] =	vst v62  }
0x308: {  	[tilespmem:s11+$0x123F0] =	vst v63  }
.Ltmp11:
0x309: {  	(pc) =	sbr.rel .LBB2_2-.Ltmp11, $3  }
0x30a: {  	_ =	sdelay $0x1  }
0x30b: {  	s11 =	sadd.s32 $0x780, s11;
	s10 =	sadd.s32 $0x1, s10  }
0x30c: {  	[tilespmem:s23], [sflag:$0x8] =	stream.indirect.gather [hbm4b:s1+s8], $0x80, s11, s8, $0xb8;
	[tilespmem:$0x16000] =	vst v63  }
.LBB2_21:
0x30d: {  	_ =	sfence.sel $0x180000  }
0x30e: {  	[bflag:$0x0] =	sbarrier.arrive $0xFFFF  }
0x30f: {  	_ =	strace $0x90000047  }
0x310: {  	s0 =	stileid.u32;
	[bflag:$0x2] =	sbarrier.arrive $0xFFFF  }
0x311: {  	p0 =	sne.s32 s0, $0x0;
	s0 =	rddreg [dreg:$0x3]  }
0x312: {  	s0 =	sadd.s32 @!p0 $0x100000, s0  }
0x313: {  	[sflag:s0] =	ssyncadd.tile.s32 @!p0 $0x1;
	_ =	shalt  }
.Lfunc_end2:
_tile_overlayer_lowered:
.L_overlay_start_2:
0x314: {  	(tag) =	ssettag $0x2  }
0x315: {  	s0 =	rddreg [dreg:$0x0];
	s2 =	stileid.u32  }
0x316: {  	s1 =	rddreg [dreg:$0x1];
	p0 =	sne.s32 s2, $0x0  }
0x317: {  	s3 =	rddreg [dreg:$0x2];
	[bflag:$0x3] =	sbarrier.arrive $0xFFFF;
	s2 =	simm.s32 @!p0 $0x1C09  }
0x318: {  	[timem:s3], [sflag:s2] =	dma.local @!p0 [hbm:s0], s1  }
0x319: {  	s0 =	simm.s32 @!p0 $0x9  }
0x31a: {  	_ =	swait.ge @!p0 [sflag:s0], s1  }
0x31b: {  	s1 =	ssub.s32 @!p0 $0x0, s1;
	[sflag:s0] =	ssyncset.done @!p0 $0x0  }
0x31c: {  	[sflag:s0] =	ssyncadd.s32 @!p0 s1  }
0x31d: {  	[bflag:$0x3] =	sbarrier.arrive $0xFFFF  }
0x31e: {  	_ =	shalt  }

</sc_bundles>
